<compile_context>
chip_gen: v7x
topology: tpu7x:2x2x1
jax: 0.10.2.dev20260603
libtpu: 0.0.44.dev20260713+nightly
codegen_flags: <defaults>
</compile_context>

<pallas_src>
import functools

import jax
import jax.numpy as jnp
from jax import lax
from jax.experimental import pallas as pl
from jax.experimental.pallas import tpu as pltpu
from jax.experimental.pallas import tpu_sc as plsc

NUM_EMB = 1000000
DIM = 32
ND = 13
NSF = 26
B = 4096
NROW = NSF + ND

NC = 2
NS = 16
NW = NC * NS
BPW = B // NW
G = 128
NG_SP = BPW * NSF // G
NG_DE = BPW * ND // G

TCH = 32000


def _dense_tc(x, w, bias):
    def body(x_ref, w_ref, b_ref, o_ref):
        o_ref[...] = (
            lax.dot_general(
                x_ref[...], w_ref[...],
                dimension_numbers=(((1,), (1,)), ((), ())),
                preferred_element_type=jnp.float32,
            )
            + b_ref[...]
        )

    return pl.pallas_call(
        body,
        out_shape=jax.ShapeDtypeStruct((B, ND * DIM), jnp.float32),
    )(x, w, bias.reshape(1, ND * DIM))


def _transpose_tc(tt2):
    NFULL = NUM_EMB // TCH
    TAIL = NUM_EMB - TCH * NFULL

    def body(x_hbm, o_hbm, xv, ov, xt, ot, isems, osems, tsem):
        def fire_in(c):
            pltpu.make_async_copy(
                x_hbm.at[:, pl.ds(c * TCH, TCH)],
                xv.at[c % 2],
                isems.at[c % 2],
            ).start()

        fire_in(0)
        fire_in(1)
        pltpu.make_async_copy(
            x_hbm.at[:, pl.ds(NFULL * TCH, TAIL)], xt, tsem
        ).start()
        for c in range(NFULL):
            kb = c % 2
            pltpu.make_async_copy(
                x_hbm.at[:, pl.ds(c * TCH, TCH)], xv.at[kb], isems.at[kb]
            ).wait()
            q = TCH // 4
            y = jnp.concatenate(
                [xv[kb][:, j * q:(j + 1) * q] for j in range(4)], axis=0
            ).T
            if c >= 2:
                pltpu.make_async_copy(
                    ov.at[kb],
                    o_hbm.at[pl.ds((c - 2) * (TCH // 4), TCH // 4)],
                    osems.at[kb],
                ).wait()
            ov[kb] = y
            pltpu.make_async_copy(
                ov.at[kb],
                o_hbm.at[pl.ds(c * (TCH // 4), TCH // 4)],
                osems.at[kb],
            ).start()
            if c + 2 < NFULL:
                fire_in(c + 2)
        pltpu.make_async_copy(
            x_hbm.at[:, pl.ds(NFULL * TCH, TAIL)], xt, tsem
        ).wait()
        qt = TAIL // 4
        ot[...] = jnp.concatenate(
            [xt[:, j * qt:(j + 1) * qt] for j in range(4)], axis=0
        ).T
        pltpu.make_async_copy(
            ot,
            o_hbm.at[pl.ds(NFULL * (TCH // 4), TAIL // 4)],
            tsem,
        ).start()
        for c in (NFULL - 2, NFULL - 1):
            kb = c % 2
            pltpu.make_async_copy(
                ov.at[kb],
                o_hbm.at[pl.ds(c * (TCH // 4), TCH // 4)],
                osems.at[kb],
            ).wait()
        pltpu.make_async_copy(
            ot,
            o_hbm.at[pl.ds(NFULL * (TCH // 4), TAIL // 4)],
            tsem,
        ).wait()

    return pl.pallas_call(
        body,
        in_specs=[pl.BlockSpec(memory_space=pltpu.HBM)],
        out_specs=pl.BlockSpec(memory_space=pltpu.HBM),
        out_shape=jax.ShapeDtypeStruct(
            (NUM_EMB * DIM // (4 * DIM), 4 * DIM), jnp.float32
        ),
        scratch_shapes=[
            pltpu.VMEM((2, DIM, TCH), jnp.float32),
            pltpu.VMEM((2, TCH // 4, 4 * DIM), jnp.float32),
            pltpu.VMEM((DIM, TAIL), jnp.float32),
            pltpu.VMEM((TAIL // 4, 4 * DIM), jnp.float32),
            pltpu.SemaphoreType.DMA((2,)),
            pltpu.SemaphoreType.DMA((2,)),
            pltpu.SemaphoreType.DMA,
        ],
    )(tt2)


def _sc_assemble(table, idx, dst_sp, dense_rows, dst_de):
    mesh = plsc.VectorSubcoreMesh(core_axis_name="c", subcore_axis_name="s")

    @functools.partial(
        pl.kernel,
        out_type=jax.ShapeDtypeStruct((B * NROW, DIM), jnp.float32),
        mesh=mesh,
        scratch_types=[
            pltpu.VMEM((NG_SP, G), jnp.int32),
            pltpu.VMEM((NG_SP, G), jnp.int32),
            pltpu.VMEM((NG_DE, G), jnp.int32),
            pltpu.VMEM((NG_SP * G, DIM), jnp.float32),
            pltpu.SemaphoreType.DMA,
            pltpu.SemaphoreType.DMA,
        ],
        compiler_params=pltpu.CompilerParams(use_tc_tiling_on_sc=False),
    )
    def k(table_hbm, idx_hbm, dst_sp_hbm, dense_hbm, dst_de_hbm, out_hbm,
          idx_v, dsp_v, dde_v, rows_v, gsem, ssem):
        wid = lax.axis_index("s") * NC + lax.axis_index("c")
        pltpu.sync_copy(idx_hbm.at[wid], idx_v)
        pltpu.sync_copy(dst_sp_hbm.at[wid], dsp_v)
        pltpu.sync_copy(dst_de_hbm.at[wid], dde_v)

        def fire_gather(g, _):
            pltpu.async_copy(
                table_hbm.at[idx_v.at[g]],
                rows_v.at[pl.ds(g * G, G)],
                gsem,
            )
            return _

        lax.fori_loop(0, NG_SP, fire_gather, None)

        def drain_gather(g, _):
            pltpu.make_async_copy(
                table_hbm.at[idx_v.at[g]],
                rows_v.at[pl.ds(g * G, G)],
                gsem,
            ).wait()
            return _

        lax.fori_loop(0, NG_SP, drain_gather, None)

        def fire_scatter(g, _):
            pltpu.async_copy(
                rows_v.at[pl.ds(g * G, G)],
                out_hbm.at[dsp_v.at[g]],
                ssem,
            )
            return _

        lax.fori_loop(0, NG_SP, fire_scatter, None)

        def drain_scatter(g, _):
            pltpu.make_async_copy(
                rows_v.at[pl.ds(g * G, G)],
                out_hbm.at[dsp_v.at[g]],
                ssem,
            ).wait()
            return _

        lax.fori_loop(0, NG_SP, drain_scatter, None)

        nde = NG_DE * G
        pltpu.sync_copy(
            dense_hbm.at[pl.ds(wid * nde, nde)], rows_v.at[pl.ds(0, nde)]
        )

        def fire_dense(g, _):
            pltpu.async_copy(
                rows_v.at[pl.ds(g * G, G)],
                out_hbm.at[dde_v.at[g]],
                ssem,
            )
            return _

        lax.fori_loop(0, NG_DE, fire_dense, None)

        def drain_dense(g, _):
            pltpu.make_async_copy(
                rows_v.at[pl.ds(g * G, G)],
                out_hbm.at[dde_v.at[g]],
                ssem,
            ).wait()
            return _

        lax.fori_loop(0, NG_DE, drain_dense, None)

    return k(table, idx, dst_sp, dense_rows, dst_de)


def kernel(sparse_inputs, dense_inputs, emb_table, W, b):
    table = _transpose_tc(emb_table.T).reshape(NUM_EMB, DIM)
    dense_rows = _dense_tc(dense_inputs, W, b).reshape(B * ND, DIM)

    r = sparse_inputs.astype(jnp.int32)
    c = r // TCH
    l = r - c * TCH
    q = jnp.where(c < NUM_EMB // TCH, TCH // 4, (NUM_EMB % TCH) // 4)
    ridx = c * TCH + 4 * (l % q) + l // q
    idx = ridx.reshape(NW, NG_SP, G)

    i = jnp.arange(B * NSF, dtype=jnp.int32)
    dst_sp = (i + ND * (i // NSF)).reshape(NW, NG_SP, G)
    j = jnp.arange(B * ND, dtype=jnp.int32)
    dst_de = (NSF + (j // ND) * NROW + j % ND).reshape(NW, NG_DE, G)

    out_flat = _sc_assemble(table, idx, dst_sp, dense_rows, dst_de)
    return out_flat.reshape(B, NROW, DIM)

# --- scband reference (transcript-rebuilt; emitter-appended) ---
"""Pipeline reference for scband-embedding-23167053595556 (READ-ONLY COPY).

The authoritative reference and input builder live on the scoring server;
editing this copy changes nothing except your own understanding.
"""

import jax, jax.numpy as jnp
import numpy as np

NUM_EMB = 1000000
DIM_EMB = 32
NUM_DENSE = 13
BATCH = 4096
N_SPARSE = 26


def setup_inputs(seed: int = 0) -> dict:
    key = jax.random.key(seed)
    k1, k2, k3, k4, k5 = jax.random.split(key, 5)
    sparse_inputs = jax.random.randint(k1, (BATCH, N_SPARSE), 0, NUM_EMB, dtype=jnp.int64) if jax.config.jax_enable_x64 else jax.random.randint(k1, (BATCH, N_SPARSE), 0, NUM_EMB, dtype=jnp.int32)
    dense_inputs = jax.random.normal(k2, (BATCH, NUM_DENSE), dtype=jnp.float32)
    # learned parameters
    emb_table = jax.random.normal(k3, (NUM_EMB, DIM_EMB), dtype=jnp.float32)
    # torch nn.Linear(num_dense, num_dense*dim_emb): weight [out, in], bias [out]
    W = jax.random.normal(k4, (NUM_DENSE * DIM_EMB, NUM_DENSE), dtype=jnp.float32) * 0.05
    b = jax.random.normal(k5, (NUM_DENSE * DIM_EMB,), dtype=jnp.float32) * 0.05
    return {
        "sparse_inputs": sparse_inputs,
        "dense_inputs": dense_inputs,
        "emb_table": emb_table,
        "W": W,
        "b": b,
    }


def reference(sparse_inputs, dense_inputs, emb_table, W, b):
    # sparse embedding lookup (gather)
    sparse_outputs = jnp.take(emb_table, sparse_inputs, axis=0)  # [B, 26, 32]
    # dense embedding via linear projection
    dense_outputs = (dense_inputs @ W.T + b).reshape(-1, NUM_DENSE, DIM_EMB)  # [B, 13, 32]
    return jnp.concatenate([sparse_outputs, dense_outputs], axis=1)  # [B, 39, 32]

if __name__ == "__main__":
    import jax
    _d = setup_inputs()
    print(jax.jit(kernel)(*tuple(_d.values())))

</pallas_src>

<mosaic_0001>
#map = affine_map<(d0, d1) -> (0, 0)>
#map1 = affine_map<(d0, d1) -> (0, 0, 0)>
module attributes {stable_mosaic.version = 14 : i64} {
  func.func @k(%arg0: i32, %arg1: i32, %arg2: memref<1000000x32xf32, #tpu.memory_space<hbm>>, %arg3: memref<32x26x128xi32, #tpu.memory_space<hbm>>, %arg4: memref<32x26x128xi32, #tpu.memory_space<hbm>>, %arg5: memref<53248x32xf32, #tpu.memory_space<hbm>>, %arg6: memref<32x13x128xi32, #tpu.memory_space<hbm>>, %arg7: memref<159744x32xf32, #tpu.memory_space<hbm>>, %arg8: memref<26x128xi32, #tpu.memory_space<vmem>>, %arg9: memref<26x128xi32, #tpu.memory_space<vmem>>, %arg10: memref<13x128xi32, #tpu.memory_space<vmem>>, %arg11: memref<3328x32xf32, #tpu.memory_space<vmem>>, %arg12: memref<!tpu.dma_semaphore, #tpu.memory_space<semaphore_mem>>, %arg13: memref<!tpu.dma_semaphore, #tpu.memory_space<semaphore_mem>>) attributes {dimension_semantics = [#tpu.dimension_semantics<core_parallel>, #tpu.dimension_semantics<subcore_parallel>], iteration_bounds = array<i64: 2, 16>, scalar_prefetch = 0 : i64, scratch_operands = 6 : i64, tpu.core_type = #tpu.core_type<sc_vector_subcore>, window_params = [{transform_indices = #map}, {transform_indices = #map1}, {transform_indices = #map1}, {transform_indices = #map}, {transform_indices = #map1}, {transform_indices = #map}]} {
    %mul3A = arith.constant 2 : i32
    %mul3A_0 = arith.muli %arg1, %mul3A : i32
    %add3A = arith.addi %mul3A_0, %arg0 : i32
    "tpu.region"() ({
      %run_scoped3A = tpu.sem_alloc : memref<!tpu.dma_semaphore, #tpu.memory_space<semaphore_mem>>
      %dma_start3A = arith.constant 0 : i32
      %dma_start3A_32 = arith.constant 0 : i32
      %dma_start3A_33 = tpu.memref_slice %arg3[%add3A, %dma_start3A, %dma_start3A_32] : memref<32x26x128xi32, #tpu.memory_space<hbm>> -> memref<1x26x128xi32, #tpu.memory_space<hbm>>
      %dma_start3A_34 = tpu.memref_squeeze %dma_start3A_33 : memref<1x26x128xi32, #tpu.memory_space<hbm>> -> memref<26x128xi32, #tpu.memory_space<hbm>>
      %dma_start3A_35 = arith.constant 0 : i32
      %dma_start3A_36 = arith.constant 0 : i32
      %dma_start3A_37 = tpu.memref_slice %arg3[%add3A, %dma_start3A_35, %dma_start3A_36] : memref<32x26x128xi32, #tpu.memory_space<hbm>> -> memref<1x26x128xi32, #tpu.memory_space<hbm>>
      %dma_start3A_38 = tpu.memref_squeeze %dma_start3A_37 : memref<1x26x128xi32, #tpu.memory_space<hbm>> -> memref<26x128xi32, #tpu.memory_space<hbm>>
      tpu.enqueue_dma source(%dma_start3A_38 : memref<26x128xi32, #tpu.memory_space<hbm>>) target(%arg8 : memref<26x128xi32, #tpu.memory_space<vmem>>) target_semaphore(%run_scoped3A : memref<!tpu.dma_semaphore, #tpu.memory_space<semaphore_mem>>)
      %dma_wait3A = arith.constant 0 : i32
      %dma_wait3A_39 = arith.constant 0 : i32
      %dma_wait3A_40 = tpu.memref_slice %arg3[%add3A, %dma_wait3A, %dma_wait3A_39] : memref<32x26x128xi32, #tpu.memory_space<hbm>> -> memref<1x26x128xi32, #tpu.memory_space<hbm>>
      %dma_wait3A_41 = tpu.memref_squeeze %dma_wait3A_40 : memref<1x26x128xi32, #tpu.memory_space<hbm>> -> memref<26x128xi32, #tpu.memory_space<hbm>>
      %dma_wait3A_42 = arith.constant 0 : i32
      %dma_wait3A_43 = arith.constant 0 : i32
      %dma_wait3A_44 = tpu.memref_slice %arg3[%add3A, %dma_wait3A_42, %dma_wait3A_43] : memref<32x26x128xi32, #tpu.memory_space<hbm>> -> memref<1x26x128xi32, #tpu.memory_space<hbm>>
      %dma_wait3A_45 = tpu.memref_squeeze %dma_wait3A_44 : memref<1x26x128xi32, #tpu.memory_space<hbm>> -> memref<26x128xi32, #tpu.memory_space<hbm>>
      tpu.wait_dma2 semaphore(%run_scoped3A : memref<!tpu.dma_semaphore, #tpu.memory_space<semaphore_mem>>) src(%dma_wait3A_45 : memref<26x128xi32, #tpu.memory_space<hbm>>) dst(%arg8 : memref<26x128xi32, #tpu.memory_space<vmem>>)
      tpu.yield
    }) : () -> ()
    "tpu.region"() ({
      %run_scoped3A = tpu.sem_alloc : memref<!tpu.dma_semaphore, #tpu.memory_space<semaphore_mem>>
      %dma_start3A = arith.constant 0 : i32
      %dma_start3A_32 = arith.constant 0 : i32
      %dma_start3A_33 = tpu.memref_slice %arg4[%add3A, %dma_start3A, %dma_start3A_32] : memref<32x26x128xi32, #tpu.memory_space<hbm>> -> memref<1x26x128xi32, #tpu.memory_space<hbm>>
      %dma_start3A_34 = tpu.memref_squeeze %dma_start3A_33 : memref<1x26x128xi32, #tpu.memory_space<hbm>> -> memref<26x128xi32, #tpu.memory_space<hbm>>
      %dma_start3A_35 = arith.constant 0 : i32
      %dma_start3A_36 = arith.constant 0 : i32
      %dma_start3A_37 = tpu.memref_slice %arg4[%add3A, %dma_start3A_35, %dma_start3A_36] : memref<32x26x128xi32, #tpu.memory_space<hbm>> -> memref<1x26x128xi32, #tpu.memory_space<hbm>>
      %dma_start3A_38 = tpu.memref_squeeze %dma_start3A_37 : memref<1x26x128xi32, #tpu.memory_space<hbm>> -> memref<26x128xi32, #tpu.memory_space<hbm>>
      tpu.enqueue_dma source(%dma_start3A_38 : memref<26x128xi32, #tpu.memory_space<hbm>>) target(%arg9 : memref<26x128xi32, #tpu.memory_space<vmem>>) target_semaphore(%run_scoped3A : memref<!tpu.dma_semaphore, #tpu.memory_space<semaphore_mem>>)
      %dma_wait3A = arith.constant 0 : i32
      %dma_wait3A_39 = arith.constant 0 : i32
      %dma_wait3A_40 = tpu.memref_slice %arg4[%add3A, %dma_wait3A, %dma_wait3A_39] : memref<32x26x128xi32, #tpu.memory_space<hbm>> -> memref<1x26x128xi32, #tpu.memory_space<hbm>>
      %dma_wait3A_41 = tpu.memref_squeeze %dma_wait3A_40 : memref<1x26x128xi32, #tpu.memory_space<hbm>> -> memref<26x128xi32, #tpu.memory_space<hbm>>
      %dma_wait3A_42 = arith.constant 0 : i32
      %dma_wait3A_43 = arith.constant 0 : i32
      %dma_wait3A_44 = tpu.memref_slice %arg4[%add3A, %dma_wait3A_42, %dma_wait3A_43] : memref<32x26x128xi32, #tpu.memory_space<hbm>> -> memref<1x26x128xi32, #tpu.memory_space<hbm>>
      %dma_wait3A_45 = tpu.memref_squeeze %dma_wait3A_44 : memref<1x26x128xi32, #tpu.memory_space<hbm>> -> memref<26x128xi32, #tpu.memory_space<hbm>>
      tpu.wait_dma2 semaphore(%run_scoped3A : memref<!tpu.dma_semaphore, #tpu.memory_space<semaphore_mem>>) src(%dma_wait3A_45 : memref<26x128xi32, #tpu.memory_space<hbm>>) dst(%arg9 : memref<26x128xi32, #tpu.memory_space<vmem>>)
      tpu.yield
    }) : () -> ()
    "tpu.region"() ({
      %run_scoped3A = tpu.sem_alloc : memref<!tpu.dma_semaphore, #tpu.memory_space<semaphore_mem>>
      %dma_start3A = arith.constant 0 : i32
      %dma_start3A_32 = arith.constant 0 : i32
      %dma_start3A_33 = tpu.memref_slice %arg6[%add3A, %dma_start3A, %dma_start3A_32] : memref<32x13x128xi32, #tpu.memory_space<hbm>> -> memref<1x13x128xi32, #tpu.memory_space<hbm>>
      %dma_start3A_34 = tpu.memref_squeeze %dma_start3A_33 : memref<1x13x128xi32, #tpu.memory_space<hbm>> -> memref<13x128xi32, #tpu.memory_space<hbm>>
      %dma_start3A_35 = arith.constant 0 : i32
      %dma_start3A_36 = arith.constant 0 : i32
      %dma_start3A_37 = tpu.memref_slice %arg6[%add3A, %dma_start3A_35, %dma_start3A_36] : memref<32x13x128xi32, #tpu.memory_space<hbm>> -> memref<1x13x128xi32, #tpu.memory_space<hbm>>
      %dma_start3A_38 = tpu.memref_squeeze %dma_start3A_37 : memref<1x13x128xi32, #tpu.memory_space<hbm>> -> memref<13x128xi32, #tpu.memory_space<hbm>>
      tpu.enqueue_dma source(%dma_start3A_38 : memref<13x128xi32, #tpu.memory_space<hbm>>) target(%arg10 : memref<13x128xi32, #tpu.memory_space<vmem>>) target_semaphore(%run_scoped3A : memref<!tpu.dma_semaphore, #tpu.memory_space<semaphore_mem>>)
      %dma_wait3A = arith.constant 0 : i32
      %dma_wait3A_39 = arith.constant 0 : i32
      %dma_wait3A_40 = tpu.memref_slice %arg6[%add3A, %dma_wait3A, %dma_wait3A_39] : memref<32x13x128xi32, #tpu.memory_space<hbm>> -> memref<1x13x128xi32, #tpu.memory_space<hbm>>
      %dma_wait3A_41 = tpu.memref_squeeze %dma_wait3A_40 : memref<1x13x128xi32, #tpu.memory_space<hbm>> -> memref<13x128xi32, #tpu.memory_space<hbm>>
      %dma_wait3A_42 = arith.constant 0 : i32
      %dma_wait3A_43 = arith.constant 0 : i32
      %dma_wait3A_44 = tpu.memref_slice %arg6[%add3A, %dma_wait3A_42, %dma_wait3A_43] : memref<32x13x128xi32, #tpu.memory_space<hbm>> -> memref<1x13x128xi32, #tpu.memory_space<hbm>>
      %dma_wait3A_45 = tpu.memref_squeeze %dma_wait3A_44 : memref<1x13x128xi32, #tpu.memory_space<hbm>> -> memref<13x128xi32, #tpu.memory_space<hbm>>
      tpu.wait_dma2 semaphore(%run_scoped3A : memref<!tpu.dma_semaphore, #tpu.memory_space<semaphore_mem>>) src(%dma_wait3A_45 : memref<13x128xi32, #tpu.memory_space<hbm>>) dst(%arg10 : memref<13x128xi32, #tpu.memory_space<vmem>>)
      tpu.yield
    }) : () -> ()
    %scan3A = arith.constant 0 : i32
    %scan3A_1 = arith.constant 26 : i32
    %scan3A_2 = arith.addi %scan3A, %scan3A_1 : i32
    %scan3A_3 = arith.constant 1 : i32
    scf.for %scan3A_32 = %scan3A to %scan3A_2 step %scan3A_3  : i32 {
      %mul3A_33 = arith.constant 128 : i32
      %mul3A_34 = arith.muli %scan3A_32, %mul3A_33 : i32
      %dma_start3A = arith.constant 0 : i32
      %dma_start3A_35 = tpu.memref_slice %arg11[%mul3A_34, %dma_start3A] : memref<3328x32xf32, #tpu.memory_space<vmem>> -> memref<128x32xf32, #tpu.memory_space<vmem>>
      %dma_start3A_36 = arith.constant 0 : i32
      %dma_start3A_37 = tpu.memref_slice %arg8[%scan3A_32, %dma_start3A_36] : memref<26x128xi32, #tpu.memory_space<vmem>> -> memref<1x128xi32, #tpu.memory_space<vmem>>
      %dma_start3A_38 = tpu.memref_squeeze %dma_start3A_37 : memref<1x128xi32, #tpu.memory_space<vmem>> -> memref<128xi32, #tpu.memory_space<vmem>>
      %dma_start3A_39 = arith.constant 0 : i32
      %dma_start3A_40 = arith.constant 0 : i32
      %dma_start3A_41 = tpu.memref_slice %arg2[%dma_start3A_39, %dma_start3A_40] : memref<1000000x32xf32, #tpu.memory_space<hbm>> -> memref<1000000x32xf32, #tpu.memory_space<hbm>>
      tpu.enqueue_indirect_dma source(%dma_start3A_41 : memref<1000000x32xf32, #tpu.memory_space<hbm>>) target(%dma_start3A_35 : memref<128x32xf32, #tpu.memory_space<vmem>>) offsets(%dma_start3A_38 : memref<128xi32, #tpu.memory_space<vmem>>) semaphore(%arg12 : memref<!tpu.dma_semaphore, #tpu.memory_space<semaphore_mem>>)
    }
    %scan3A_4 = arith.constant 26 : i32
    %scan3A_5 = arith.constant 0 : i32
    %scan3A_6 = arith.constant 26 : i32
    %scan3A_7 = arith.addi %scan3A_5, %scan3A_6 : i32
    %scan3A_8 = arith.constant 1 : i32
    scf.for %scan3A_32 = %scan3A_5 to %scan3A_7 step %scan3A_8  : i32 {
      %mul3A_33 = arith.constant 128 : i32
      %mul3A_34 = arith.muli %scan3A_32, %mul3A_33 : i32
      %dma_wait3A = arith.constant 0 : i32
      %dma_wait3A_35 = tpu.memref_slice %arg11[%mul3A_34, %dma_wait3A] : memref<3328x32xf32, #tpu.memory_space<vmem>> -> memref<128x32xf32, #tpu.memory_space<vmem>>
      %dma_wait3A_36 = arith.constant 0 : i32
      %dma_wait3A_37 = tpu.memref_slice %arg8[%scan3A_32, %dma_wait3A_36] : memref<26x128xi32, #tpu.memory_space<vmem>> -> memref<1x128xi32, #tpu.memory_space<vmem>>
      %dma_wait3A_38 = tpu.memref_squeeze %dma_wait3A_37 : memref<1x128xi32, #tpu.memory_space<vmem>> -> memref<128xi32, #tpu.memory_space<vmem>>
      %dma_wait3A_39 = arith.constant 0 : i32
      %dma_wait3A_40 = arith.constant 0 : i32
      %dma_wait3A_41 = tpu.memref_slice %arg2[%dma_wait3A_39, %dma_wait3A_40] : memref<1000000x32xf32, #tpu.memory_space<hbm>> -> memref<1000000x32xf32, #tpu.memory_space<hbm>>
      tpu.wait_indirect_dma semaphore(%arg12 : memref<!tpu.dma_semaphore, #tpu.memory_space<semaphore_mem>>) src(%dma_wait3A_41 : memref<1000000x32xf32, #tpu.memory_space<hbm>>) dst(%dma_wait3A_35 : memref<128x32xf32, #tpu.memory_space<vmem>>)
    }
    %scan3A_9 = arith.constant 26 : i32
    %scan3A_10 = arith.constant 0 : i32
    %scan3A_11 = arith.constant 26 : i32
    %scan3A_12 = arith.addi %scan3A_10, %scan3A_11 : i32
    %scan3A_13 = arith.constant 1 : i32
    scf.for %scan3A_32 = %scan3A_10 to %scan3A_12 step %scan3A_13  : i32 {
      %mul3A_33 = arith.constant 128 : i32
      %mul3A_34 = arith.muli %scan3A_32, %mul3A_33 : i32
      %dma_start3A = arith.constant 0 : i32
      %dma_start3A_35 = tpu.memref_slice %arg11[%mul3A_34, %dma_start3A] : memref<3328x32xf32, #tpu.memory_space<vmem>> -> memref<128x32xf32, #tpu.memory_space<vmem>>
      %dma_start3A_36 = arith.constant 0 : i32
      %dma_start3A_37 = tpu.memref_slice %arg9[%scan3A_32, %dma_start3A_36] : memref<26x128xi32, #tpu.memory_space<vmem>> -> memref<1x128xi32, #tpu.memory_space<vmem>>
      %dma_start3A_38 = tpu.memref_squeeze %dma_start3A_37 : memref<1x128xi32, #tpu.memory_space<vmem>> -> memref<128xi32, #tpu.memory_space<vmem>>
      %dma_start3A_39 = arith.constant 0 : i32
      %dma_start3A_40 = arith.constant 0 : i32
      %dma_start3A_41 = tpu.memref_slice %arg7[%dma_start3A_39, %dma_start3A_40] : memref<159744x32xf32, #tpu.memory_space<hbm>> -> memref<159744x32xf32, #tpu.memory_space<hbm>>
      tpu.enqueue_indirect_dma source(%dma_start3A_35 : memref<128x32xf32, #tpu.memory_space<vmem>>) target(%dma_start3A_41 : memref<159744x32xf32, #tpu.memory_space<hbm>>) offsets(%dma_start3A_38 : memref<128xi32, #tpu.memory_space<vmem>>) semaphore(%arg13 : memref<!tpu.dma_semaphore, #tpu.memory_space<semaphore_mem>>)
    }
    %scan3A_14 = arith.constant 26 : i32
    %scan3A_15 = arith.constant 0 : i32
    %scan3A_16 = arith.constant 26 : i32
    %scan3A_17 = arith.addi %scan3A_15, %scan3A_16 : i32
    %scan3A_18 = arith.constant 1 : i32
    scf.for %scan3A_32 = %scan3A_15 to %scan3A_17 step %scan3A_18  : i32 {
      %mul3A_33 = arith.constant 128 : i32
      %mul3A_34 = arith.muli %scan3A_32, %mul3A_33 : i32
      %dma_wait3A = arith.constant 0 : i32
      %dma_wait3A_35 = tpu.memref_slice %arg11[%mul3A_34, %dma_wait3A] : memref<3328x32xf32, #tpu.memory_space<vmem>> -> memref<128x32xf32, #tpu.memory_space<vmem>>
      %dma_wait3A_36 = arith.constant 0 : i32
      %dma_wait3A_37 = tpu.memref_slice %arg9[%scan3A_32, %dma_wait3A_36] : memref<26x128xi32, #tpu.memory_space<vmem>> -> memref<1x128xi32, #tpu.memory_space<vmem>>
      %dma_wait3A_38 = tpu.memref_squeeze %dma_wait3A_37 : memref<1x128xi32, #tpu.memory_space<vmem>> -> memref<128xi32, #tpu.memory_space<vmem>>
      %dma_wait3A_39 = arith.constant 0 : i32
      %dma_wait3A_40 = arith.constant 0 : i32
      %dma_wait3A_41 = tpu.memref_slice %arg7[%dma_wait3A_39, %dma_wait3A_40] : memref<159744x32xf32, #tpu.memory_space<hbm>> -> memref<159744x32xf32, #tpu.memory_space<hbm>>
      tpu.wait_indirect_dma semaphore(%arg13 : memref<!tpu.dma_semaphore, #tpu.memory_space<semaphore_mem>>) src(%dma_wait3A_35 : memref<128x32xf32, #tpu.memory_space<vmem>>) dst(%dma_wait3A_41 : memref<159744x32xf32, #tpu.memory_space<hbm>>)
    }
    %scan3A_19 = arith.constant 26 : i32
    %mul3A_20 = arith.constant 1664 : i32
    %mul3A_21 = arith.muli %add3A, %mul3A_20 : i32
    "tpu.region"() ({
      %run_scoped3A = tpu.sem_alloc : memref<!tpu.dma_semaphore, #tpu.memory_space<semaphore_mem>>
      %dma_start3A = arith.constant 0 : i32
      %dma_start3A_32 = arith.constant 0 : i32
      %dma_start3A_33 = tpu.memref_slice %arg11[%dma_start3A, %dma_start3A_32] : memref<3328x32xf32, #tpu.memory_space<vmem>> -> memref<1664x32xf32, #tpu.memory_space<vmem>>
      %dma_start3A_34 = arith.constant 0 : i32
      %dma_start3A_35 = tpu.memref_slice %arg5[%mul3A_21, %dma_start3A_34] : memref<53248x32xf32, #tpu.memory_space<hbm>> -> memref<1664x32xf32, #tpu.memory_space<hbm>>
      %dma_start3A_36 = arith.constant 0 : i32
      %dma_start3A_37 = arith.constant 0 : i32
      %dma_start3A_38 = tpu.memref_slice %arg11[%dma_start3A_36, %dma_start3A_37] : memref<3328x32xf32, #tpu.memory_space<vmem>> -> memref<1664x32xf32, #tpu.memory_space<vmem>>
      %dma_start3A_39 = arith.constant 0 : i32
      %dma_start3A_40 = tpu.memref_slice %arg5[%mul3A_21, %dma_start3A_39] : memref<53248x32xf32, #tpu.memory_space<hbm>> -> memref<1664x32xf32, #tpu.memory_space<hbm>>
      tpu.enqueue_dma source(%dma_start3A_40 : memref<1664x32xf32, #tpu.memory_space<hbm>>) target(%dma_start3A_38 : memref<1664x32xf32, #tpu.memory_space<vmem>>) target_semaphore(%run_scoped3A : memref<!tpu.dma_semaphore, #tpu.memory_space<semaphore_mem>>)
      %dma_wait3A = arith.constant 0 : i32
      %dma_wait3A_41 = arith.constant 0 : i32
      %dma_wait3A_42 = tpu.memref_slice %arg11[%dma_wait3A, %dma_wait3A_41] : memref<3328x32xf32, #tpu.memory_space<vmem>> -> memref<1664x32xf32, #tpu.memory_space<vmem>>
      %dma_wait3A_43 = arith.constant 0 : i32
      %dma_wait3A_44 = tpu.memref_slice %arg5[%mul3A_21, %dma_wait3A_43] : memref<53248x32xf32, #tpu.memory_space<hbm>> -> memref<1664x32xf32, #tpu.memory_space<hbm>>
      %dma_wait3A_45 = arith.constant 0 : i32
      %dma_wait3A_46 = arith.constant 0 : i32
      %dma_wait3A_47 = tpu.memref_slice %arg11[%dma_wait3A_45, %dma_wait3A_46] : memref<3328x32xf32, #tpu.memory_space<vmem>> -> memref<1664x32xf32, #tpu.memory_space<vmem>>
      %dma_wait3A_48 = arith.constant 0 : i32
      %dma_wait3A_49 = tpu.memref_slice %arg5[%mul3A_21, %dma_wait3A_48] : memref<53248x32xf32, #tpu.memory_space<hbm>> -> memref<1664x32xf32, #tpu.memory_space<hbm>>
      tpu.wait_dma2 semaphore(%run_scoped3A : memref<!tpu.dma_semaphore, #tpu.memory_space<semaphore_mem>>) src(%dma_wait3A_49 : memref<1664x32xf32, #tpu.memory_space<hbm>>) dst(%dma_wait3A_47 : memref<1664x32xf32, #tpu.memory_space<vmem>>)
      tpu.yield
    }) : () -> ()
    %scan3A_22 = arith.constant 0 : i32
    %scan3A_23 = arith.constant 13 : i32
    %scan3A_24 = arith.addi %scan3A_22, %scan3A_23 : i32
    %scan3A_25 = arith.constant 1 : i32
    scf.for %scan3A_32 = %scan3A_22 to %scan3A_24 step %scan3A_25  : i32 {
      %mul3A_33 = arith.constant 128 : i32
      %mul3A_34 = arith.muli %scan3A_32, %mul3A_33 : i32
      %dma_start3A = arith.constant 0 : i32
      %dma_start3A_35 = tpu.memref_slice %arg11[%mul3A_34, %dma_start3A] : memref<3328x32xf32, #tpu.memory_space<vmem>> -> memref<128x32xf32, #tpu.memory_space<vmem>>
      %dma_start3A_36 = arith.constant 0 : i32
      %dma_start3A_37 = tpu.memref_slice %arg10[%scan3A_32, %dma_start3A_36] : memref<13x128xi32, #tpu.memory_space<vmem>> -> memref<1x128xi32, #tpu.memory_space<vmem>>
      %dma_start3A_38 = tpu.memref_squeeze %dma_start3A_37 : memref<1x128xi32, #tpu.memory_space<vmem>> -> memref<128xi32, #tpu.memory_space<vmem>>
      %dma_start3A_39 = arith.constant 0 : i32
      %dma_start3A_40 = arith.constant 0 : i32
      %dma_start3A_41 = tpu.memref_slice %arg7[%dma_start3A_39, %dma_start3A_40] : memref<159744x32xf32, #tpu.memory_space<hbm>> -> memref<159744x32xf32, #tpu.memory_space<hbm>>
      tpu.enqueue_indirect_dma source(%dma_start3A_35 : memref<128x32xf32, #tpu.memory_space<vmem>>) target(%dma_start3A_41 : memref<159744x32xf32, #tpu.memory_space<hbm>>) offsets(%dma_start3A_38 : memref<128xi32, #tpu.memory_space<vmem>>) semaphore(%arg13 : memref<!tpu.dma_semaphore, #tpu.memory_space<semaphore_mem>>)
    }
    %scan3A_26 = arith.constant 13 : i32
    %scan3A_27 = arith.constant 0 : i32
    %scan3A_28 = arith.constant 13 : i32
    %scan3A_29 = arith.addi %scan3A_27, %scan3A_28 : i32
    %scan3A_30 = arith.constant 1 : i32
    scf.for %scan3A_32 = %scan3A_27 to %scan3A_29 step %scan3A_30  : i32 {
      %mul3A_33 = arith.constant 128 : i32
      %mul3A_34 = arith.muli %scan3A_32, %mul3A_33 : i32
      %dma_wait3A = arith.constant 0 : i32
      %dma_wait3A_35 = tpu.memref_slice %arg11[%mul3A_34, %dma_wait3A] : memref<3328x32xf32, #tpu.memory_space<vmem>> -> memref<128x32xf32, #tpu.memory_space<vmem>>
      %dma_wait3A_36 = arith.constant 0 : i32
      %dma_wait3A_37 = tpu.memref_slice %arg10[%scan3A_32, %dma_wait3A_36] : memref<13x128xi32, #tpu.memory_space<vmem>> -> memref<1x128xi32, #tpu.memory_space<vmem>>
      %dma_wait3A_38 = tpu.memref_squeeze %dma_wait3A_37 : memref<1x128xi32, #tpu.memory_space<vmem>> -> memref<128xi32, #tpu.memory_space<vmem>>
      %dma_wait3A_39 = arith.constant 0 : i32
      %dma_wait3A_40 = arith.constant 0 : i32
      %dma_wait3A_41 = tpu.memref_slice %arg7[%dma_wait3A_39, %dma_wait3A_40] : memref<159744x32xf32, #tpu.memory_space<hbm>> -> memref<159744x32xf32, #tpu.memory_space<hbm>>
      tpu.wait_indirect_dma semaphore(%arg13 : memref<!tpu.dma_semaphore, #tpu.memory_space<semaphore_mem>>) src(%dma_wait3A_35 : memref<128x32xf32, #tpu.memory_space<vmem>>) dst(%dma_wait3A_41 : memref<159744x32xf32, #tpu.memory_space<hbm>>)
    }
    %scan3A_31 = arith.constant 13 : i32
    return
  }
}

module attributes {stable_mosaic.version = 14 : i64} {
  func.func @body(%arg0: memref<4096x13xf32, #tpu.memory_space<vmem>>, %arg1: memref<416x13xf32, #tpu.memory_space<vmem>>, %arg2: memref<1x416xf32, #tpu.memory_space<vmem>>, %arg3: memref<4096x416xf32, #tpu.memory_space<vmem>>) attributes {dimension_semantics = [], scalar_prefetch = 0 : i64, scratch_operands = 0 : i64, tpu.core_type = #tpu.core_type<tc>} {
    %get3A = arith.constant 0 : index
    %get3A_0 = arith.constant 0 : index
    %get3A_1 = vector.load %arg0[%get3A, %get3A_0] : memref<4096x13xf32, #tpu.memory_space<vmem>>, vector<4096x13xf32>
    %get3A_2 = arith.constant 0 : index
    %get3A_3 = arith.constant 0 : index
    %get3A_4 = vector.load %arg1[%get3A_2, %get3A_3] : memref<416x13xf32, #tpu.memory_space<vmem>>, vector<416x13xf32>
    %dot_general3A = arith.constant dense<0.000000e+00> : vector<4096x416xf32>
    %dot_general3A_5 = tpu.matmul %get3A_1, %get3A_4, %dot_general3A {dimension_numbers = #tpu.dot_dimension_numbers<[1], [1], [0], [0], [0, 0, 1, 0], [], []>, transpose_lhs_hint = false} : vector<4096x13xf32>, vector<416x13xf32>, vector<4096x416xf32> -> vector<4096x416xf32>
    %get3A_6 = arith.constant 0 : index
    %get3A_7 = arith.constant 0 : index
    %get3A_8 = vector.load %arg2[%get3A_6, %get3A_7] : memref<1x416xf32, #tpu.memory_space<vmem>>, vector<1x416xf32>
    %add3A = vector.broadcast %get3A_8 : vector<1x416xf32> to vector<4096x416xf32>
    %add3A_9 = arith.addf %dot_general3A_5, %add3A : vector<4096x416xf32>
    %swap3A = arith.constant 0 : index
    %swap3A_10 = arith.constant 0 : index
    %swap3A_11 = vector.load %arg3[%swap3A, %swap3A_10] : memref<4096x416xf32, #tpu.memory_space<vmem>>, vector<4096x416xf32>
    tpu.vector_store %arg3[%swap3A, %swap3A_10], %add3A_9 {strides = array<i32>} : memref<4096x416xf32, #tpu.memory_space<vmem>>, vector<4096x416xf32>,
    return
  }
}

module attributes {stable_mosaic.version = 14 : i64} {
  func.func @body(%arg0: memref<32x1000000xf32, #tpu.memory_space<hbm>>, %arg1: memref<250000x128xf32, #tpu.memory_space<hbm>>, %arg2: memref<2x32x32000xf32, #tpu.memory_space<vmem>>, %arg3: memref<2x8000x128xf32, #tpu.memory_space<vmem>>, %arg4: memref<32x8000xf32, #tpu.memory_space<vmem>>, %arg5: memref<2000x128xf32, #tpu.memory_space<vmem>>, %arg6: memref<2x!tpu.dma_semaphore, #tpu.memory_space<semaphore_mem>>, %arg7: memref<2x!tpu.dma_semaphore, #tpu.memory_space<semaphore_mem>>, %arg8: memref<!tpu.dma_semaphore, #tpu.memory_space<semaphore_mem>>) attributes {dimension_semantics = [], scalar_prefetch = 0 : i64, scratch_operands = 7 : i64, tpu.core_type = #tpu.core_type<tc>} {
    %dma_start3A = arith.constant 0 : i32
    %dma_start3A_0 = arith.constant 0 : i32
    %dma_start3A_1 = tpu.memref_slice %arg6[%dma_start3A_0] : memref<2x!tpu.dma_semaphore, #tpu.memory_space<semaphore_mem>> -> memref<1x!tpu.dma_semaphore, #tpu.memory_space<semaphore_mem>>
    %dma_start3A_2 = tpu.memref_squeeze %dma_start3A_1 : memref<1x!tpu.dma_semaphore, #tpu.memory_space<semaphore_mem>> -> memref<!tpu.dma_semaphore, #tpu.memory_space<semaphore_mem>>
    %dma_start3A_3 = arith.constant 0 : i32
    %dma_start3A_4 = arith.constant 0 : i32
    %dma_start3A_5 = tpu.memref_slice %arg2[%dma_start3A, %dma_start3A_3, %dma_start3A_4] : memref<2x32x32000xf32, #tpu.memory_space<vmem>> -> memref<1x32x32000xf32, #tpu.memory_space<vmem>>
    %dma_start3A_6 = tpu.memref_squeeze %dma_start3A_5 : memref<1x32x32000xf32, #tpu.memory_space<vmem>> -> memref<32x32000xf32, #tpu.memory_space<vmem>>
    %dma_start3A_7 = arith.constant 0 : i32
    %dma_start3A_8 = arith.constant 0 : i32
    %dma_start3A_9 = tpu.memref_slice %arg0[%dma_start3A_7, %dma_start3A_8] : memref<32x1000000xf32, #tpu.memory_space<hbm>> -> memref<32x32000xf32, #tpu.memory_space<hbm>>
    tpu.enqueue_dma source(%dma_start3A_9 : memref<32x32000xf32, #tpu.memory_space<hbm>>) target(%dma_start3A_6 : memref<32x32000xf32, #tpu.memory_space<vmem>>) target_semaphore(%dma_start3A_2 : memref<!tpu.dma_semaphore, #tpu.memory_space<semaphore_mem>>)
    %dma_start3A_10 = arith.constant 1 : i32
    %dma_start3A_11 = arith.constant 1 : i32
    %dma_start3A_12 = tpu.memref_slice %arg6[%dma_start3A_11] : memref<2x!tpu.dma_semaphore, #tpu.memory_space<semaphore_mem>> -> memref<1x!tpu.dma_semaphore, #tpu.memory_space<semaphore_mem>>
    %dma_start3A_13 = tpu.memref_squeeze %dma_start3A_12 : memref<1x!tpu.dma_semaphore, #tpu.memory_space<semaphore_mem>> -> memref<!tpu.dma_semaphore, #tpu.memory_space<semaphore_mem>>
    %dma_start3A_14 = arith.constant 0 : i32
    %dma_start3A_15 = arith.constant 0 : i32
    %dma_start3A_16 = tpu.memref_slice %arg2[%dma_start3A_10, %dma_start3A_14, %dma_start3A_15] : memref<2x32x32000xf32, #tpu.memory_space<vmem>> -> memref<1x32x32000xf32, #tpu.memory_space<vmem>>
    %dma_start3A_17 = tpu.memref_squeeze %dma_start3A_16 : memref<1x32x32000xf32, #tpu.memory_space<vmem>> -> memref<32x32000xf32, #tpu.memory_space<vmem>>
    %dma_start3A_18 = arith.constant 0 : i32
    %dma_start3A_19 = arith.constant 32000 : i32
    %dma_start3A_20 = tpu.memref_slice %arg0[%dma_start3A_18, %dma_start3A_19] : memref<32x1000000xf32, #tpu.memory_space<hbm>> -> memref<32x32000xf32, #tpu.memory_space<hbm>>
    tpu.enqueue_dma source(%dma_start3A_20 : memref<32x32000xf32, #tpu.memory_space<hbm>>) target(%dma_start3A_17 : memref<32x32000xf32, #tpu.memory_space<vmem>>) target_semaphore(%dma_start3A_13 : memref<!tpu.dma_semaphore, #tpu.memory_space<semaphore_mem>>)
    %dma_start3A_21 = arith.constant 0 : i32
    %dma_start3A_22 = arith.constant 992000 : i32
    %dma_start3A_23 = tpu.memref_slice %arg0[%dma_start3A_21, %dma_start3A_22] : memref<32x1000000xf32, #tpu.memory_space<hbm>> -> memref<32x8000xf32, #tpu.memory_space<hbm>>
    tpu.enqueue_dma source(%dma_start3A_23 : memref<32x8000xf32, #tpu.memory_space<hbm>>) target(%arg4 : memref<32x8000xf32, #tpu.memory_space<vmem>>) target_semaphore(%arg8 : memref<!tpu.dma_semaphore, #tpu.memory_space<semaphore_mem>>)
    %dma_wait3A = arith.constant 0 : i32
    %dma_wait3A_24 = arith.constant 0 : i32
    %dma_wait3A_25 = tpu.memref_slice %arg6[%dma_wait3A_24] : memref<2x!tpu.dma_semaphore, #tpu.memory_space<semaphore_mem>> -> memref<1x!tpu.dma_semaphore, #tpu.memory_space<semaphore_mem>>
    %dma_wait3A_26 = tpu.memref_squeeze %dma_wait3A_25 : memref<1x!tpu.dma_semaphore, #tpu.memory_space<semaphore_mem>> -> memref<!tpu.dma_semaphore, #tpu.memory_space<semaphore_mem>>
    %dma_wait3A_27 = arith.constant 0 : i32
    %dma_wait3A_28 = arith.constant 0 : i32
    %dma_wait3A_29 = tpu.memref_slice %arg2[%dma_wait3A, %dma_wait3A_27, %dma_wait3A_28] : memref<2x32x32000xf32, #tpu.memory_space<vmem>> -> memref<1x32x32000xf32, #tpu.memory_space<vmem>>
    %dma_wait3A_30 = tpu.memref_squeeze %dma_wait3A_29 : memref<1x32x32000xf32, #tpu.memory_space<vmem>> -> memref<32x32000xf32, #tpu.memory_space<vmem>>
    %dma_wait3A_31 = arith.constant 0 : i32
    %dma_wait3A_32 = arith.constant 0 : i32
    %dma_wait3A_33 = tpu.memref_slice %arg0[%dma_wait3A_31, %dma_wait3A_32] : memref<32x1000000xf32, #tpu.memory_space<hbm>> -> memref<32x32000xf32, #tpu.memory_space<hbm>>
    tpu.wait_dma2 semaphore(%dma_wait3A_26 : memref<!tpu.dma_semaphore, #tpu.memory_space<semaphore_mem>>) src(%dma_wait3A_33 : memref<32x32000xf32, #tpu.memory_space<hbm>>) dst(%dma_wait3A_30 : memref<32x32000xf32, #tpu.memory_space<vmem>>)
    %get3A = arith.constant 0 : index
    %get3A_34 = arith.constant 0 : index
    %get3A_35 = arith.constant 0 : index
    %get3A_36 = vector.load %arg2[%get3A, %get3A_34, %get3A_35] : memref<2x32x32000xf32, #tpu.memory_space<vmem>>, vector<1x32x32000xf32>
    %get3A_37 = vector.shape_cast %get3A_36 : vector<1x32x32000xf32> to vector<32x32000xf32>
    %slice3A = vector.extract_strided_slice %get3A_37 {offsets = [0, 0], sizes = [32, 8000], strides = [1, 1]} : vector<32x32000xf32> to vector<32x8000xf32>
    %get3A_38 = arith.constant 0 : index
    %get3A_39 = arith.constant 0 : index
    %get3A_40 = arith.constant 0 : index
    %get3A_41 = vector.load %arg2[%get3A_38, %get3A_39, %get3A_40] : memref<2x32x32000xf32, #tpu.memory_space<vmem>>, vector<1x32x32000xf32>
    %get3A_42 = vector.shape_cast %get3A_41 : vector<1x32x32000xf32> to vector<32x32000xf32>
    %slice3A_43 = vector.extract_strided_slice %get3A_42 {offsets = [0, 8000], sizes = [32, 8000], strides = [1, 1]} : vector<32x32000xf32> to vector<32x8000xf32>
    %get3A_44 = arith.constant 0 : index
    %get3A_45 = arith.constant 0 : index
    %get3A_46 = arith.constant 0 : index
    %get3A_47 = vector.load %arg2[%get3A_44, %get3A_45, %get3A_46] : memref<2x32x32000xf32, #tpu.memory_space<vmem>>, vector<1x32x32000xf32>
    %get3A_48 = vector.shape_cast %get3A_47 : vector<1x32x32000xf32> to vector<32x32000xf32>
    %slice3A_49 = vector.extract_strided_slice %get3A_48 {offsets = [0, 16000], sizes = [32, 8000], strides = [1, 1]} : vector<32x32000xf32> to vector<32x8000xf32>
    %get3A_50 = arith.constant 0 : index
    %get3A_51 = arith.constant 0 : index
    %get3A_52 = arith.constant 0 : index
    %get3A_53 = vector.load %arg2[%get3A_50, %get3A_51, %get3A_52] : memref<2x32x32000xf32, #tpu.memory_space<vmem>>, vector<1x32x32000xf32>
    %get3A_54 = vector.shape_cast %get3A_53 : vector<1x32x32000xf32> to vector<32x32000xf32>
    %slice3A_55 = vector.extract_strided_slice %get3A_54 {offsets = [0, 24000], sizes = [32, 8000], strides = [1, 1]} : vector<32x32000xf32> to vector<32x8000xf32>
    %concatenate3A = tpu.concatenate %slice3A, %slice3A_43, %slice3A_49, %slice3A_55 in 0 : vector<32x8000xf32>, vector<32x8000xf32>, vector<32x8000xf32>, vector<32x8000xf32> -> vector<128x8000xf32>
    %transpose3A = tpu.transpose %concatenate3A, [1, 0] : vector<128x8000xf32> -> vector<8000x128xf32>
    %swap3A = arith.constant 0 : index
    %swap3A_56 = arith.constant 0 : index
    %swap3A_57 = arith.constant 0 : index
    %swap3A_58 = vector.load %arg3[%swap3A, %swap3A_56, %swap3A_57] : memref<2x8000x128xf32, #tpu.memory_space<vmem>>, vector<1x8000x128xf32>
    %swap3A_59 = vector.shape_cast %swap3A_58 : vector<1x8000x128xf32> to vector<8000x128xf32>
    %swap3A_60 = vector.shape_cast %transpose3A : vector<8000x128xf32> to vector<1x8000x128xf32>
    tpu.vector_store %arg3[%swap3A, %swap3A_56, %swap3A_57], %swap3A_60 {strides = array<i32>} : memref<2x8000x128xf32, #tpu.memory_space<vmem>>, vector<1x8000x128xf32>,
    %dma_start3A_61 = arith.constant 0 : i32
    %dma_start3A_62 = arith.constant 0 : i32
    %dma_start3A_63 = tpu.memref_slice %arg7[%dma_start3A_62] : memref<2x!tpu.dma_semaphore, #tpu.memory_space<semaphore_mem>> -> memref<1x!tpu.dma_semaphore, #tpu.memory_space<semaphore_mem>>
    %dma_start3A_64 = tpu.memref_squeeze %dma_start3A_63 : memref<1x!tpu.dma_semaphore, #tpu.memory_space<semaphore_mem>> -> memref<!tpu.dma_semaphore, #tpu.memory_space<semaphore_mem>>
    %dma_start3A_65 = arith.constant 0 : i32
    %dma_start3A_66 = arith.constant 0 : i32
    %dma_start3A_67 = tpu.memref_slice %arg1[%dma_start3A_65, %dma_start3A_66] : memref<250000x128xf32, #tpu.memory_space<hbm>> -> memref<8000x128xf32, #tpu.memory_space<hbm>>
    %dma_start3A_68 = arith.constant 0 : i32
    %dma_start3A_69 = arith.constant 0 : i32
    %dma_start3A_70 = tpu.memref_slice %arg3[%dma_start3A_61, %dma_start3A_68, %dma_start3A_69] : memref<2x8000x128xf32, #tpu.memory_space<vmem>> -> memref<1x8000x128xf32, #tpu.memory_space<vmem>>
    %dma_start3A_71 = tpu.memref_squeeze %dma_start3A_70 : memref<1x8000x128xf32, #tpu.memory_space<vmem>> -> memref<8000x128xf32, #tpu.memory_space<vmem>>
    tpu.enqueue_dma source(%dma_start3A_71 : memref<8000x128xf32, #tpu.memory_space<vmem>>) target(%dma_start3A_67 : memref<8000x128xf32, #tpu.memory_space<hbm>>) target_semaphore(%dma_start3A_64 : memref<!tpu.dma_semaphore, #tpu.memory_space<semaphore_mem>>)
    %dma_start3A_72 = arith.constant 0 : i32
    %dma_start3A_73 = arith.constant 0 : i32
    %dma_start3A_74 = tpu.memref_slice %arg6[%dma_start3A_73] : memref<2x!tpu.dma_semaphore, #tpu.memory_space<semaphore_mem>> -> memref<1x!tpu.dma_semaphore, #tpu.memory_space<semaphore_mem>>
    %dma_start3A_75 = tpu.memref_squeeze %dma_start3A_74 : memref<1x!tpu.dma_semaphore, #tpu.memory_space<semaphore_mem>> -> memref<!tpu.dma_semaphore, #tpu.memory_space<semaphore_mem>>
    %dma_start3A_76 = arith.constant 0 : i32
    %dma_start3A_77 = arith.constant 0 : i32
    %dma_start3A_78 = tpu.memref_slice %arg2[%dma_start3A_72, %dma_start3A_76, %dma_start3A_77] : memref<2x32x32000xf32, #tpu.memory_space<vmem>> -> memref<1x32x32000xf32, #tpu.memory_space<vmem>>
    %dma_start3A_79 = tpu.memref_squeeze %dma_start3A_78 : memref<1x32x32000xf32, #tpu.memory_space<vmem>> -> memref<32x32000xf32, #tpu.memory_space<vmem>>
    %dma_start3A_80 = arith.constant 0 : i32
    %dma_start3A_81 = arith.constant 64000 : i32
    %dma_start3A_82 = tpu.memref_slice %arg0[%dma_start3A_80, %dma_start3A_81] : memref<32x1000000xf32, #tpu.memory_space<hbm>> -> memref<32x32000xf32, #tpu.memory_space<hbm>>
    tpu.enqueue_dma source(%dma_start3A_82 : memref<32x32000xf32, #tpu.memory_space<hbm>>) target(%dma_start3A_79 : memref<32x32000xf32, #tpu.memory_space<vmem>>) target_semaphore(%dma_start3A_75 : memref<!tpu.dma_semaphore, #tpu.memory_space<semaphore_mem>>)
    %dma_wait3A_83 = arith.constant 1 : i32
    %dma_wait3A_84 = arith.constant 1 : i32
    %dma_wait3A_85 = tpu.memref_slice %arg6[%dma_wait3A_84] : memref<2x!tpu.dma_semaphore, #tpu.memory_space<semaphore_mem>> -> memref<1x!tpu.dma_semaphore, #tpu.memory_space<semaphore_mem>>
    %dma_wait3A_86 = tpu.memref_squeeze %dma_wait3A_85 : memref<1x!tpu.dma_semaphore, #tpu.memory_space<semaphore_mem>> -> memref<!tpu.dma_semaphore, #tpu.memory_space<semaphore_mem>>
    %dma_wait3A_87 = arith.constant 0 : i32
    %dma_wait3A_88 = arith.constant 0 : i32
    %dma_wait3A_89 = tpu.memref_slice %arg2[%dma_wait3A_83, %dma_wait3A_87, %dma_wait3A_88] : memref<2x32x32000xf32, #tpu.memory_space<vmem>> -> memref<1x32x32000xf32, #tpu.memory_space<vmem>>
    %dma_wait3A_90 = tpu.memref_squeeze %dma_wait3A_89 : memref<1x32x32000xf32, #tpu.memory_space<vmem>> -> memref<32x32000xf32, #tpu.memory_space<vmem>>
    %dma_wait3A_91 = arith.constant 0 : i32
    %dma_wait3A_92 = arith.constant 32000 : i32
    %dma_wait3A_93 = tpu.memref_slice %arg0[%dma_wait3A_91, %dma_wait3A_92] : memref<32x1000000xf32, #tpu.memory_space<hbm>> -> memref<32x32000xf32, #tpu.memory_space<hbm>>
    tpu.wait_dma2 semaphore(%dma_wait3A_86 : memref<!tpu.dma_semaphore, #tpu.memory_space<semaphore_mem>>) src(%dma_wait3A_93 : memref<32x32000xf32, #tpu.memory_space<hbm>>) dst(%dma_wait3A_90 : memref<32x32000xf32, #tpu.memory_space<vmem>>)
    %get3A_94 = arith.constant 1 : index
    %get3A_95 = arith.constant 0 : index
    %get3A_96 = arith.constant 0 : index
    %get3A_97 = vector.load %arg2[%get3A_94, %get3A_95, %get3A_96] : memref<2x32x32000xf32, #tpu.memory_space<vmem>>, vector<1x32x32000xf32>
    %get3A_98 = vector.shape_cast %get3A_97 : vector<1x32x32000xf32> to vector<32x32000xf32>
    %slice3A_99 = vector.extract_strided_slice %get3A_98 {offsets = [0, 0], sizes = [32, 8000], strides = [1, 1]} : vector<32x32000xf32> to vector<32x8000xf32>
    %get3A_100 = arith.constant 1 : index
    %get3A_101 = arith.constant 0 : index
    %get3A_102 = arith.constant 0 : index
    %get3A_103 = vector.load %arg2[%get3A_100, %get3A_101, %get3A_102] : memref<2x32x32000xf32, #tpu.memory_space<vmem>>, vector<1x32x32000xf32>
    %get3A_104 = vector.shape_cast %get3A_103 : vector<1x32x32000xf32> to vector<32x32000xf32>
    %slice3A_105 = vector.extract_strided_slice %get3A_104 {offsets = [0, 8000], sizes = [32, 8000], strides = [1, 1]} : vector<32x32000xf32> to vector<32x8000xf32>
    %get3A_106 = arith.constant 1 : index
    %get3A_107 = arith.constant 0 : index
    %get3A_108 = arith.constant 0 : index
    %get3A_109 = vector.load %arg2[%get3A_106, %get3A_107, %get3A_108] : memref<2x32x32000xf32, #tpu.memory_space<vmem>>, vector<1x32x32000xf32>
    %get3A_110 = vector.shape_cast %get3A_109 : vector<1x32x32000xf32> to vector<32x32000xf32>
    %slice3A_111 = vector.extract_strided_slice %get3A_110 {offsets = [0, 16000], sizes = [32, 8000], strides = [1, 1]} : vector<32x32000xf32> to vector<32x8000xf32>
    %get3A_112 = arith.constant 1 : index
    %get3A_113 = arith.constant 0 : index
    %get3A_114 = arith.constant 0 : index
    %get3A_115 = vector.load %arg2[%get3A_112, %get3A_113, %get3A_114] : memref<2x32x32000xf32, #tpu.memory_space<vmem>>, vector<1x32x32000xf32>
    %get3A_116 = vector.shape_cast %get3A_115 : vector<1x32x32000xf32> to vector<32x32000xf32>
    %slice3A_117 = vector.extract_strided_slice %get3A_116 {offsets = [0, 24000], sizes = [32, 8000], strides = [1, 1]} : vector<32x32000xf32> to vector<32x8000xf32>
    %concatenate3A_118 = tpu.concatenate %slice3A_99, %slice3A_105, %slice3A_111, %slice3A_117 in 0 : vector<32x8000xf32>, vector<32x8000xf32>, vector<32x8000xf32>, vector<32x8000xf32> -> vector<128x8000xf32>
    %transpose3A_119 = tpu.transpose %concatenate3A_118, [1, 0] : vector<128x8000xf32> -> vector<8000x128xf32>
    %swap3A_120 = arith.constant 1 : index
    %swap3A_121 = arith.constant 0 : index
    %swap3A_122 = arith.constant 0 : index
    %swap3A_123 = vector.load %arg3[%swap3A_120, %swap3A_121, %swap3A_122] : memref<2x8000x128xf32, #tpu.memory_space<vmem>>, vector<1x8000x128xf32>
    %swap3A_124 = vector.shape_cast %swap3A_123 : vector<1x8000x128xf32> to vector<8000x128xf32>
    %swap3A_125 = vector.shape_cast %transpose3A_119 : vector<8000x128xf32> to vector<1x8000x128xf32>
    tpu.vector_store %arg3[%swap3A_120, %swap3A_121, %swap3A_122], %swap3A_125 {strides = array<i32>} : memref<2x8000x128xf32, #tpu.memory_space<vmem>>, vector<1x8000x128xf32>,
    %dma_start3A_126 = arith.constant 1 : i32
    %dma_start3A_127 = arith.constant 1 : i32
    %dma_start3A_128 = tpu.memref_slice %arg7[%dma_start3A_127] : memref<2x!tpu.dma_semaphore, #tpu.memory_space<semaphore_mem>> -> memref<1x!tpu.dma_semaphore, #tpu.memory_space<semaphore_mem>>
    %dma_start3A_129 = tpu.memref_squeeze %dma_start3A_128 : memref<1x!tpu.dma_semaphore, #tpu.memory_space<semaphore_mem>> -> memref<!tpu.dma_semaphore, #tpu.memory_space<semaphore_mem>>
    %dma_start3A_130 = arith.constant 8000 : i32
    %dma_start3A_131 = arith.constant 0 : i32
    %dma_start3A_132 = tpu.memref_slice %arg1[%dma_start3A_130, %dma_start3A_131] : memref<250000x128xf32, #tpu.memory_space<hbm>> -> memref<8000x128xf32, #tpu.memory_space<hbm>>
    %dma_start3A_133 = arith.constant 0 : i32
    %dma_start3A_134 = arith.constant 0 : i32
    %dma_start3A_135 = tpu.memref_slice %arg3[%dma_start3A_126, %dma_start3A_133, %dma_start3A_134] : memref<2x8000x128xf32, #tpu.memory_space<vmem>> -> memref<1x8000x128xf32, #tpu.memory_space<vmem>>
    %dma_start3A_136 = tpu.memref_squeeze %dma_start3A_135 : memref<1x8000x128xf32, #tpu.memory_space<vmem>> -> memref<8000x128xf32, #tpu.memory_space<vmem>>
    tpu.enqueue_dma source(%dma_start3A_136 : memref<8000x128xf32, #tpu.memory_space<vmem>>) target(%dma_start3A_132 : memref<8000x128xf32, #tpu.memory_space<hbm>>) target_semaphore(%dma_start3A_129 : memref<!tpu.dma_semaphore, #tpu.memory_space<semaphore_mem>>)
    %dma_start3A_137 = arith.constant 1 : i32
    %dma_start3A_138 = arith.constant 1 : i32
    %dma_start3A_139 = tpu.memref_slice %arg6[%dma_start3A_138] : memref<2x!tpu.dma_semaphore, #tpu.memory_space<semaphore_mem>> -> memref<1x!tpu.dma_semaphore, #tpu.memory_space<semaphore_mem>>
    %dma_start3A_140 = tpu.memref_squeeze %dma_start3A_139 : memref<1x!tpu.dma_semaphore, #tpu.memory_space<semaphore_mem>> -> memref<!tpu.dma_semaphore, #tpu.memory_space<semaphore_mem>>
    %dma_start3A_141 = arith.constant 0 : i32
    %dma_start3A_142 = arith.constant 0 : i32
    %dma_start3A_143 = tpu.memref_slice %arg2[%dma_start3A_137, %dma_start3A_141, %dma_start3A_142] : memref<2x32x32000xf32, #tpu.memory_space<vmem>> -> memref<1x32x32000xf32, #tpu.memory_space<vmem>>
    %dma_start3A_144 = tpu.memref_squeeze %dma_start3A_143 : memref<1x32x32000xf32, #tpu.memory_space<vmem>> -> memref<32x32000xf32, #tpu.memory_space<vmem>>
    %dma_start3A_145 = arith.constant 0 : i32
    %dma_start3A_146 = arith.constant 96000 : i32
    %dma_start3A_147 = tpu.memref_slice %arg0[%dma_start3A_145, %dma_start3A_146] : memref<32x1000000xf32, #tpu.memory_space<hbm>> -> memref<32x32000xf32, #tpu.memory_space<hbm>>
    tpu.enqueue_dma source(%dma_start3A_147 : memref<32x32000xf32, #tpu.memory_space<hbm>>) target(%dma_start3A_144 : memref<32x32000xf32, #tpu.memory_space<vmem>>) target_semaphore(%dma_start3A_140 : memref<!tpu.dma_semaphore, #tpu.memory_space<semaphore_mem>>)
    %dma_wait3A_148 = arith.constant 0 : i32
    %dma_wait3A_149 = arith.constant 0 : i32
    %dma_wait3A_150 = tpu.memref_slice %arg6[%dma_wait3A_149] : memref<2x!tpu.dma_semaphore, #tpu.memory_space<semaphore_mem>> -> memref<1x!tpu.dma_semaphore, #tpu.memory_space<semaphore_mem>>
    %dma_wait3A_151 = tpu.memref_squeeze %dma_wait3A_150 : memref<1x!tpu.dma_semaphore, #tpu.memory_space<semaphore_mem>> -> memref<!tpu.dma_semaphore, #tpu.memory_space<semaphore_mem>>
    %dma_wait3A_152 = arith.constant 0 : i32
    %dma_wait3A_153 = arith.constant 0 : i32
    %dma_wait3A_154 = tpu.memref_slice %arg2[%dma_wait3A_148, %dma_wait3A_152, %dma_wait3A_153] : memref<2x32x32000xf32, #tpu.memory_space<vmem>> -> memref<1x32x32000xf32, #tpu.memory_space<vmem>>
    %dma_wait3A_155 = tpu.memref_squeeze %dma_wait3A_154 : memref<1x32x32000xf32, #tpu.memory_space<vmem>> -> memref<32x32000xf32, #tpu.memory_space<vmem>>
    %dma_wait3A_156 = arith.constant 0 : i32
    %dma_wait3A_157 = arith.constant 64000 : i32
    %dma_wait3A_158 = tpu.memref_slice %arg0[%dma_wait3A_156, %dma_wait3A_157] : memref<32x1000000xf32, #tpu.memory_space<hbm>> -> memref<32x32000xf32, #tpu.memory_space<hbm>>
    tpu.wait_dma2 semaphore(%dma_wait3A_151 : memref<!tpu.dma_semaphore, #tpu.memory_space<semaphore_mem>>) src(%dma_wait3A_158 : memref<32x32000xf32, #tpu.memory_space<hbm>>) dst(%dma_wait3A_155 : memref<32x32000xf32, #tpu.memory_space<vmem>>)
    %get3A_159 = arith.constant 0 : index
    %get3A_160 = arith.constant 0 : index
    %get3A_161 = arith.constant 0 : index
    %get3A_162 = vector.load %arg2[%get3A_159, %get3A_160, %get3A_161] : memref<2x32x32000xf32, #tpu.memory_space<vmem>>, vector<1x32x32000xf32>
    %get3A_163 = vector.shape_cast %get3A_162 : vector<1x32x32000xf32> to vector<32x32000xf32>
    %slice3A_164 = vector.extract_strided_slice %get3A_163 {offsets = [0, 0], sizes = [32, 8000], strides = [1, 1]} : vector<32x32000xf32> to vector<32x8000xf32>
    %get3A_165 = arith.constant 0 : index
    %get3A_166 = arith.constant 0 : index
    %get3A_167 = arith.constant 0 : index
    %get3A_168 = vector.load %arg2[%get3A_165, %get3A_166, %get3A_167] : memref<2x32x32000xf32, #tpu.memory_space<vmem>>, vector<1x32x32000xf32>
    %get3A_169 = vector.shape_cast %get3A_168 : vector<1x32x32000xf32> to vector<32x32000xf32>
    %slice3A_170 = vector.extract_strided_slice %get3A_169 {offsets = [0, 8000], sizes = [32, 8000], strides = [1, 1]} : vector<32x32000xf32> to vector<32x8000xf32>
    %get3A_171 = arith.constant 0 : index
    %get3A_172 = arith.constant 0 : index
    %get3A_173 = arith.constant 0 : index
    %get3A_174 = vector.load %arg2[%get3A_171, %get3A_172, %get3A_173] : memref<2x32x32000xf32, #tpu.memory_space<vmem>>, vector<1x32x32000xf32>
    %get3A_175 = vector.shape_cast %get3A_174 : vector<1x32x32000xf32> to vector<32x32000xf32>
    %slice3A_176 = vector.extract_strided_slice %get3A_175 {offsets = [0, 16000], sizes = [32, 8000], strides = [1, 1]} : vector<32x32000xf32> to vector<32x8000xf32>
    %get3A_177 = arith.constant 0 : index
    %get3A_178 = arith.constant 0 : index
    %get3A_179 = arith.constant 0 : index
    %get3A_180 = vector.load %arg2[%get3A_177, %get3A_178, %get3A_179] : memref<2x32x32000xf32, #tpu.memory_space<vmem>>, vector<1x32x32000xf32>
    %get3A_181 = vector.shape_cast %get3A_180 : vector<1x32x32000xf32> to vector<32x32000xf32>
    %slice3A_182 = vector.extract_strided_slice %get3A_181 {offsets = [0, 24000], sizes = [32, 8000], strides = [1, 1]} : vector<32x32000xf32> to vector<32x8000xf32>
    %concatenate3A_183 = tpu.concatenate %slice3A_164, %slice3A_170, %slice3A_176, %slice3A_182 in 0 : vector<32x8000xf32>, vector<32x8000xf32>, vector<32x8000xf32>, vector<32x8000xf32> -> vector<128x8000xf32>
    %transpose3A_184 = tpu.transpose %concatenate3A_183, [1, 0] : vector<128x8000xf32> -> vector<8000x128xf32>
    %dma_wait3A_185 = arith.constant 0 : i32
    %dma_wait3A_186 = arith.constant 0 : i32
    %dma_wait3A_187 = tpu.memref_slice %arg7[%dma_wait3A_186] : memref<2x!tpu.dma_semaphore, #tpu.memory_space<semaphore_mem>> -> memref<1x!tpu.dma_semaphore, #tpu.memory_space<semaphore_mem>>
    %dma_wait3A_188 = tpu.memref_squeeze %dma_wait3A_187 : memref<1x!tpu.dma_semaphore, #tpu.memory_space<semaphore_mem>> -> memref<!tpu.dma_semaphore, #tpu.memory_space<semaphore_mem>>
    %dma_wait3A_189 = arith.constant 0 : i32
    %dma_wait3A_190 = arith.constant 0 : i32
    %dma_wait3A_191 = tpu.memref_slice %arg1[%dma_wait3A_189, %dma_wait3A_190] : memref<250000x128xf32, #tpu.memory_space<hbm>> -> memref<8000x128xf32, #tpu.memory_space<hbm>>
    %dma_wait3A_192 = arith.constant 0 : i32
    %dma_wait3A_193 = arith.constant 0 : i32
    %dma_wait3A_194 = tpu.memref_slice %arg3[%dma_wait3A_185, %dma_wait3A_192, %dma_wait3A_193] : memref<2x8000x128xf32, #tpu.memory_space<vmem>> -> memref<1x8000x128xf32, #tpu.memory_space<vmem>>
    %dma_wait3A_195 = tpu.memref_squeeze %dma_wait3A_194 : memref<1x8000x128xf32, #tpu.memory_space<vmem>> -> memref<8000x128xf32, #tpu.memory_space<vmem>>
    tpu.wait_dma2 semaphore(%dma_wait3A_188 : memref<!tpu.dma_semaphore, #tpu.memory_space<semaphore_mem>>) src(%dma_wait3A_195 : memref<8000x128xf32, #tpu.memory_space<vmem>>) dst(%dma_wait3A_191 : memref<8000x128xf32, #tpu.memory_space<hbm>>)
    %swap3A_196 = arith.constant 0 : index
    %swap3A_197 = arith.constant 0 : index
    %swap3A_198 = arith.constant 0 : index
    %swap3A_199 = vector.load %arg3[%swap3A_196, %swap3A_197, %swap3A_198] : memref<2x8000x128xf32, #tpu.memory_space<vmem>>, vector<1x8000x128xf32>
    %swap3A_200 = vector.shape_cast %swap3A_199 : vector<1x8000x128xf32> to vector<8000x128xf32>
    %swap3A_201 = vector.shape_cast %transpose3A_184 : vector<8000x128xf32> to vector<1x8000x128xf32>
    tpu.vector_store %arg3[%swap3A_196, %swap3A_197, %swap3A_198], %swap3A_201 {strides = array<i32>} : memref<2x8000x128xf32, #tpu.memory_space<vmem>>, vector<1x8000x128xf32>,
    %dma_start3A_202 = arith.constant 0 : i32
    %dma_start3A_203 = arith.constant 0 : i32
    %dma_start3A_204 = tpu.memref_slice %arg7[%dma_start3A_203] : memref<2x!tpu.dma_semaphore, #tpu.memory_space<semaphore_mem>> -> memref<1x!tpu.dma_semaphore, #tpu.memory_space<semaphore_mem>>
    %dma_start3A_205 = tpu.memref_squeeze %dma_start3A_204 : memref<1x!tpu.dma_semaphore, #tpu.memory_space<semaphore_mem>> -> memref<!tpu.dma_semaphore, #tpu.memory_space<semaphore_mem>>
    %dma_start3A_206 = arith.constant 16000 : i32
    %dma_start3A_207 = arith.constant 0 : i32
    %dma_start3A_208 = tpu.memref_slice %arg1[%dma_start3A_206, %dma_start3A_207] : memref<250000x128xf32, #tpu.memory_space<hbm>> -> memref<8000x128xf32, #tpu.memory_space<hbm>>
    %dma_start3A_209 = arith.constant 0 : i32
    %dma_start3A_210 = arith.constant 0 : i32
    %dma_start3A_211 = tpu.memref_slice %arg3[%dma_start3A_202, %dma_start3A_209, %dma_start3A_210] : memref<2x8000x128xf32, #tpu.memory_space<vmem>> -> memref<1x8000x128xf32, #tpu.memory_space<vmem>>
    %dma_start3A_212 = tpu.memref_squeeze %dma_start3A_211 : memref<1x8000x128xf32, #tpu.memory_space<vmem>> -> memref<8000x128xf32, #tpu.memory_space<vmem>>
    tpu.enqueue_dma source(%dma_start3A_212 : memref<8000x128xf32, #tpu.memory_space<vmem>>) target(%dma_start3A_208 : memref<8000x128xf32, #tpu.memory_space<hbm>>) target_semaphore(%dma_start3A_205 : memref<!tpu.dma_semaphore, #tpu.memory_space<semaphore_mem>>)
    %dma_start3A_213 = arith.constant 0 : i32
    %dma_start3A_214 = arith.constant 0 : i32
    %dma_start3A_215 = tpu.memref_slice %arg6[%dma_start3A_214] : memref<2x!tpu.dma_semaphore, #tpu.memory_space<semaphore_mem>> -> memref<1x!tpu.dma_semaphore, #tpu.memory_space<semaphore_mem>>
    %dma_start3A_216 = tpu.memref_squeeze %dma_start3A_215 : memref<1x!tpu.dma_semaphore, #tpu.memory_space<semaphore_mem>> -> memref<!tpu.dma_semaphore, #tpu.memory_space<semaphore_mem>>
    %dma_start3A_217 = arith.constant 0 : i32
    %dma_start3A_218 = arith.constant 0 : i32
    %dma_start3A_219 = tpu.memref_slice %arg2[%dma_start3A_213, %dma_start3A_217, %dma_start3A_218] : memref<2x32x32000xf32, #tpu.memory_space<vmem>> -> memref<1x32x32000xf32, #tpu.memory_space<vmem>>
    %dma_start3A_220 = tpu.memref_squeeze %dma_start3A_219 : memref<1x32x32000xf32, #tpu.memory_space<vmem>> -> memref<32x32000xf32, #tpu.memory_space<vmem>>
    %dma_start3A_221 = arith.constant 0 : i32
    %dma_start3A_222 = arith.constant 128000 : i32
    %dma_start3A_223 = tpu.memref_slice %arg0[%dma_start3A_221, %dma_start3A_222] : memref<32x1000000xf32, #tpu.memory_space<hbm>> -> memref<32x32000xf32, #tpu.memory_space<hbm>>
    tpu.enqueue_dma source(%dma_start3A_223 : memref<32x32000xf32, #tpu.memory_space<hbm>>) target(%dma_start3A_220 : memref<32x32000xf32, #tpu.memory_space<vmem>>) target_semaphore(%dma_start3A_216 : memref<!tpu.dma_semaphore, #tpu.memory_space<semaphore_mem>>)
    %dma_wait3A_224 = arith.constant 1 : i32
    %dma_wait3A_225 = arith.constant 1 : i32
    %dma_wait3A_226 = tpu.memref_slice %arg6[%dma_wait3A_225] : memref<2x!tpu.dma_semaphore, #tpu.memory_space<semaphore_mem>> -> memref<1x!tpu.dma_semaphore, #tpu.memory_space<semaphore_mem>>
    %dma_wait3A_227 = tpu.memref_squeeze %dma_wait3A_226 : memref<1x!tpu.dma_semaphore, #tpu.memory_space<semaphore_mem>> -> memref<!tpu.dma_semaphore, #tpu.memory_space<semaphore_mem>>
    %dma_wait3A_228 = arith.constant 0 : i32
    %dma_wait3A_229 = arith.constant 0 : i32
    %dma_wait3A_230 = tpu.memref_slice %arg2[%dma_wait3A_224, %dma_wait3A_228, %dma_wait3A_229] : memref<2x32x32000xf32, #tpu.memory_space<vmem>> -> memref<1x32x32000xf32, #tpu.memory_space<vmem>>
    %dma_wait3A_231 = tpu.memref_squeeze %dma_wait3A_230 : memref<1x32x32000xf32, #tpu.memory_space<vmem>> -> memref<32x32000xf32, #tpu.memory_space<vmem>>
    %dma_wait3A_232 = arith.constant 0 : i32
    %dma_wait3A_233 = arith.constant 96000 : i32
    %dma_wait3A_234 = tpu.memref_slice %arg0[%dma_wait3A_232, %dma_wait3A_233] : memref<32x1000000xf32, #tpu.memory_space<hbm>> -> memref<32x32000xf32, #tpu.memory_space<hbm>>
    tpu.wait_dma2 semaphore(%dma_wait3A_227 : memref<!tpu.dma_semaphore, #tpu.memory_space<semaphore_mem>>) src(%dma_wait3A_234 : memref<32x32000xf32, #tpu.memory_space<hbm>>) dst(%dma_wait3A_231 : memref<32x32000xf32, #tpu.memory_space<vmem>>)
    %get3A_235 = arith.constant 1 : index
    %get3A_236 = arith.constant 0 : index
    %get3A_237 = arith.constant 0 : index
    %get3A_238 = vector.load %arg2[%get3A_235, %get3A_236, %get3A_237] : memref<2x32x32000xf32, #tpu.memory_space<vmem>>, vector<1x32x32000xf32>
    %get3A_239 = vector.shape_cast %get3A_238 : vector<1x32x32000xf32> to vector<32x32000xf32>
    %slice3A_240 = vector.extract_strided_slice %get3A_239 {offsets = [0, 0], sizes = [32, 8000], strides = [1, 1]} : vector<32x32000xf32> to vector<32x8000xf32>
    %get3A_241 = arith.constant 1 : index
    %get3A_242 = arith.constant 0 : index
    %get3A_243 = arith.constant 0 : index
    %get3A_244 = vector.load %arg2[%get3A_241, %get3A_242, %get3A_243] : memref<2x32x32000xf32, #tpu.memory_space<vmem>>, vector<1x32x32000xf32>
    %get3A_245 = vector.shape_cast %get3A_244 : vector<1x32x32000xf32> to vector<32x32000xf32>
    %slice3A_246 = vector.extract_strided_slice %get3A_245 {offsets = [0, 8000], sizes = [32, 8000], strides = [1, 1]} : vector<32x32000xf32> to vector<32x8000xf32>
    %get3A_247 = arith.constant 1 : index
    %get3A_248 = arith.constant 0 : index
    %get3A_249 = arith.constant 0 : index
    %get3A_250 = vector.load %arg2[%get3A_247, %get3A_248, %get3A_249] : memref<2x32x32000xf32, #tpu.memory_space<vmem>>, vector<1x32x32000xf32>
    %get3A_251 = vector.shape_cast %get3A_250 : vector<1x32x32000xf32> to vector<32x32000xf32>
    %slice3A_252 = vector.extract_strided_slice %get3A_251 {offsets = [0, 16000], sizes = [32, 8000], strides = [1, 1]} : vector<32x32000xf32> to vector<32x8000xf32>
    %get3A_253 = arith.constant 1 : index
    %get3A_254 = arith.constant 0 : index
    %get3A_255 = arith.constant 0 : index
    %get3A_256 = vector.load %arg2[%get3A_253, %get3A_254, %get3A_255] : memref<2x32x32000xf32, #tpu.memory_space<vmem>>, vector<1x32x32000xf32>
    %get3A_257 = vector.shape_cast %get3A_256 : vector<1x32x32000xf32> to vector<32x32000xf32>
    %slice3A_258 = vector.extract_strided_slice %get3A_257 {offsets = [0, 24000], sizes = [32, 8000], strides = [1, 1]} : vector<32x32000xf32> to vector<32x8000xf32>
    %concatenate3A_259 = tpu.concatenate %slice3A_240, %slice3A_246, %slice3A_252, %slice3A_258 in 0 : vector<32x8000xf32>, vector<32x8000xf32>, vector<32x8000xf32>, vector<32x8000xf32> -> vector<128x8000xf32>
    %transpose3A_260 = tpu.transpose %concatenate3A_259, [1, 0] : vector<128x8000xf32> -> vector<8000x128xf32>
    %dma_wait3A_261 = arith.constant 1 : i32
    %dma_wait3A_262 = arith.constant 1 : i32
    %dma_wait3A_263 = tpu.memref_slice %arg7[%dma_wait3A_262] : memref<2x!tpu.dma_semaphore, #tpu.memory_space<semaphore_mem>> -> memref<1x!tpu.dma_semaphore, #tpu.memory_space<semaphore_mem>>
    %dma_wait3A_264 = tpu.memref_squeeze %dma_wait3A_263 : memref<1x!tpu.dma_semaphore, #tpu.memory_space<semaphore_mem>> -> memref<!tpu.dma_semaphore, #tpu.memory_space<semaphore_mem>>
    %dma_wait3A_265 = arith.constant 8000 : i32
    %dma_wait3A_266 = arith.constant 0 : i32
    %dma_wait3A_267 = tpu.memref_slice %arg1[%dma_wait3A_265, %dma_wait3A_266] : memref<250000x128xf32, #tpu.memory_space<hbm>> -> memref<8000x128xf32, #tpu.memory_space<hbm>>
    %dma_wait3A_268 = arith.constant 0 : i32
    %dma_wait3A_269 = arith.constant 0 : i32
    %dma_wait3A_270 = tpu.memref_slice %arg3[%dma_wait3A_261, %dma_wait3A_268, %dma_wait3A_269] : memref<2x8000x128xf32, #tpu.memory_space<vmem>> -> memref<1x8000x128xf32, #tpu.memory_space<vmem>>
    %dma_wait3A_271 = tpu.memref_squeeze %dma_wait3A_270 : memref<1x8000x128xf32, #tpu.memory_space<vmem>> -> memref<8000x128xf32, #tpu.memory_space<vmem>>
    tpu.wait_dma2 semaphore(%dma_wait3A_264 : memref<!tpu.dma_semaphore, #tpu.memory_space<semaphore_mem>>) src(%dma_wait3A_271 : memref<8000x128xf32, #tpu.memory_space<vmem>>) dst(%dma_wait3A_267 : memref<8000x128xf32, #tpu.memory_space<hbm>>)
    %swap3A_272 = arith.constant 1 : index
    %swap3A_273 = arith.constant 0 : index
    %swap3A_274 = arith.constant 0 : index
    %swap3A_275 = vector.load %arg3[%swap3A_272, %swap3A_273, %swap3A_274] : memref<2x8000x128xf32, #tpu.memory_space<vmem>>, vector<1x8000x128xf32>
    %swap3A_276 = vector.shape_cast %swap3A_275 : vector<1x8000x128xf32> to vector<8000x128xf32>
    %swap3A_277 = vector.shape_cast %transpose3A_260 : vector<8000x128xf32> to vector<1x8000x128xf32>
    tpu.vector_store %arg3[%swap3A_272, %swap3A_273, %swap3A_274], %swap3A_277 {strides = array<i32>} : memref<2x8000x128xf32, #tpu.memory_space<vmem>>, vector<1x8000x128xf32>,
    %dma_start3A_278 = arith.constant 1 : i32
    %dma_start3A_279 = arith.constant 1 : i32
    %dma_start3A_280 = tpu.memref_slice %arg7[%dma_start3A_279] : memref<2x!tpu.dma_semaphore, #tpu.memory_space<semaphore_mem>> -> memref<1x!tpu.dma_semaphore, #tpu.memory_space<semaphore_mem>>
    %dma_start3A_281 = tpu.memref_squeeze %dma_start3A_280 : memref<1x!tpu.dma_semaphore, #tpu.memory_space<semaphore_mem>> -> memref<!tpu.dma_semaphore, #tpu.memory_space<semaphore_mem>>
    %dma_start3A_282 = arith.constant 24000 : i32
    %dma_start3A_283 = arith.constant 0 : i32
    %dma_start3A_284 = tpu.memref_slice %arg1[%dma_start3A_282, %dma_start3A_283] : memref<250000x128xf32, #tpu.memory_space<hbm>> -> memref<8000x128xf32, #tpu.memory_space<hbm>>
    %dma_start3A_285 = arith.constant 0 : i32
    %dma_start3A_286 = arith.constant 0 : i32
    %dma_start3A_287 = tpu.memref_slice %arg3[%dma_start3A_278, %dma_start3A_285, %dma_start3A_286] : memref<2x8000x128xf32, #tpu.memory_space<vmem>> -> memref<1x8000x128xf32, #tpu.memory_space<vmem>>
    %dma_start3A_288 = tpu.memref_squeeze %dma_start3A_287 : memref<1x8000x128xf32, #tpu.memory_space<vmem>> -> memref<8000x128xf32, #tpu.memory_space<vmem>>
    tpu.enqueue_dma source(%dma_start3A_288 : memref<8000x128xf32, #tpu.memory_space<vmem>>) target(%dma_start3A_284 : memref<8000x128xf32, #tpu.memory_space<hbm>>) target_semaphore(%dma_start3A_281 : memref<!tpu.dma_semaphore, #tpu.memory_space<semaphore_mem>>)
    %dma_start3A_289 = arith.constant 1 : i32
    %dma_start3A_290 = arith.constant 1 : i32
    %dma_start3A_291 = tpu.memref_slice %arg6[%dma_start3A_290] : memref<2x!tpu.dma_semaphore, #tpu.memory_space<semaphore_mem>> -> memref<1x!tpu.dma_semaphore, #tpu.memory_space<semaphore_mem>>
    %dma_start3A_292 = tpu.memref_squeeze %dma_start3A_291 : memref<1x!tpu.dma_semaphore, #tpu.memory_space<semaphore_mem>> -> memref<!tpu.dma_semaphore, #tpu.memory_space<semaphore_mem>>
    %dma_start3A_293 = arith.constant 0 : i32
    %dma_start3A_294 = arith.constant 0 : i32
    %dma_start3A_295 = tpu.memref_slice %arg2[%dma_start3A_289, %dma_start3A_293, %dma_start3A_294] : memref<2x32x32000xf32, #tpu.memory_space<vmem>> -> memref<1x32x32000xf32, #tpu.memory_space<vmem>>
    %dma_start3A_296 = tpu.memref_squeeze %dma_start3A_295 : memref<1x32x32000xf32, #tpu.memory_space<vmem>> -> memref<32x32000xf32, #tpu.memory_space<vmem>>
    %dma_start3A_297 = arith.constant 0 : i32
    %dma_start3A_298 = arith.constant 160000 : i32
    %dma_start3A_299 = tpu.memref_slice %arg0[%dma_start3A_297, %dma_start3A_298] : memref<32x1000000xf32, #tpu.memory_space<hbm>> -> memref<32x32000xf32, #tpu.memory_space<hbm>>
    tpu.enqueue_dma source(%dma_start3A_299 : memref<32x32000xf32, #tpu.memory_space<hbm>>) target(%dma_start3A_296 : memref<32x32000xf32, #tpu.memory_space<vmem>>) target_semaphore(%dma_start3A_292 : memref<!tpu.dma_semaphore, #tpu.memory_space<semaphore_mem>>)
    %dma_wait3A_300 = arith.constant 0 : i32
    %dma_wait3A_301 = arith.constant 0 : i32
    %dma_wait3A_302 = tpu.memref_slice %arg6[%dma_wait3A_301] : memref<2x!tpu.dma_semaphore, #tpu.memory_space<semaphore_mem>> -> memref<1x!tpu.dma_semaphore, #tpu.memory_space<semaphore_mem>>
    %dma_wait3A_303 = tpu.memref_squeeze %dma_wait3A_302 : memref<1x!tpu.dma_semaphore, #tpu.memory_space<semaphore_mem>> -> memref<!tpu.dma_semaphore, #tpu.memory_space<semaphore_mem>>
    %dma_wait3A_304 = arith.constant 0 : i32
    %dma_wait3A_305 = arith.constant 0 : i32
    %dma_wait3A_306 = tpu.memref_slice %arg2[%dma_wait3A_300, %dma_wait3A_304, %dma_wait3A_305] : memref<2x32x32000xf32, #tpu.memory_space<vmem>> -> memref<1x32x32000xf32, #tpu.memory_space<vmem>>
    %dma_wait3A_307 = tpu.memref_squeeze %dma_wait3A_306 : memref<1x32x32000xf32, #tpu.memory_space<vmem>> -> memref<32x32000xf32, #tpu.memory_space<vmem>>
    %dma_wait3A_308 = arith.constant 0 : i32
    %dma_wait3A_309 = arith.constant 128000 : i32
    %dma_wait3A_310 = tpu.memref_slice %arg0[%dma_wait3A_308, %dma_wait3A_309] : memref<32x1000000xf32, #tpu.memory_space<hbm>> -> memref<32x32000xf32, #tpu.memory_space<hbm>>
    tpu.wait_dma2 semaphore(%dma_wait3A_303 : memref<!tpu.dma_semaphore, #tpu.memory_space<semaphore_mem>>) src(%dma_wait3A_310 : memref<32x32000xf32, #tpu.memory_space<hbm>>) dst(%dma_wait3A_307 : memref<32x32000xf32, #tpu.memory_space<vmem>>)
    %get3A_311 = arith.constant 0 : index
    %get3A_312 = arith.constant 0 : index
    %get3A_313 = arith.constant 0 : index
    %get3A_314 = vector.load %arg2[%get3A_311, %get3A_312, %get3A_313] : memref<2x32x32000xf32, #tpu.memory_space<vmem>>, vector<1x32x32000xf32>
    %get3A_315 = vector.shape_cast %get3A_314 : vector<1x32x32000xf32> to vector<32x32000xf32>
    %slice3A_316 = vector.extract_strided_slice %get3A_315 {offsets = [0, 0], sizes = [32, 8000], strides = [1, 1]} : vector<32x32000xf32> to vector<32x8000xf32>
    %get3A_317 = arith.constant 0 : index
    %get3A_318 = arith.constant 0 : index
    %get3A_319 = arith.constant 0 : index
    %get3A_320 = vector.load %arg2[%get3A_317, %get3A_318, %get3A_319] : memref<2x32x32000xf32, #tpu.memory_space<vmem>>, vector<1x32x32000xf32>
    %get3A_321 = vector.shape_cast %get3A_320 : vector<1x32x32000xf32> to vector<32x32000xf32>
    %slice3A_322 = vector.extract_strided_slice %get3A_321 {offsets = [0, 8000], sizes = [32, 8000], strides = [1, 1]} : vector<32x32000xf32> to vector<32x8000xf32>
    %get3A_323 = arith.constant 0 : index
    %get3A_324 = arith.constant 0 : index
    %get3A_325 = arith.constant 0 : index
    %get3A_326 = vector.load %arg2[%get3A_323, %get3A_324, %get3A_325] : memref<2x32x32000xf32, #tpu.memory_space<vmem>>, vector<1x32x32000xf32>
    %get3A_327 = vector.shape_cast %get3A_326 : vector<1x32x32000xf32> to vector<32x32000xf32>
    %slice3A_328 = vector.extract_strided_slice %get3A_327 {offsets = [0, 16000], sizes = [32, 8000], strides = [1, 1]} : vector<32x32000xf32> to vector<32x8000xf32>
    %get3A_329 = arith.constant 0 : index
    %get3A_330 = arith.constant 0 : index
    %get3A_331 = arith.constant 0 : index
    %get3A_332 = vector.load %arg2[%get3A_329, %get3A_330, %get3A_331] : memref<2x32x32000xf32, #tpu.memory_space<vmem>>, vector<1x32x32000xf32>
    %get3A_333 = vector.shape_cast %get3A_332 : vector<1x32x32000xf32> to vector<32x32000xf32>
    %slice3A_334 = vector.extract_strided_slice %get3A_333 {offsets = [0, 24000], sizes = [32, 8000], strides = [1, 1]} : vector<32x32000xf32> to vector<32x8000xf32>
    %concatenate3A_335 = tpu.concatenate %slice3A_316, %slice3A_322, %slice3A_328, %slice3A_334 in 0 : vector<32x8000xf32>, vector<32x8000xf32>, vector<32x8000xf32>, vector<32x8000xf32> -> vector<128x8000xf32>
    %transpose3A_336 = tpu.transpose %concatenate3A_335, [1, 0] : vector<128x8000xf32> -> vector<8000x128xf32>
    %dma_wait3A_337 = arith.constant 0 : i32
    %dma_wait3A_338 = arith.constant 0 : i32
    %dma_wait3A_339 = tpu.memref_slice %arg7[%dma_wait3A_338] : memref<2x!tpu.dma_semaphore, #tpu.memory_space<semaphore_mem>> -> memref<1x!tpu.dma_semaphore, #tpu.memory_space<semaphore_mem>>
    %dma_wait3A_340 = tpu.memref_squeeze %dma_wait3A_339 : memref<1x!tpu.dma_semaphore, #tpu.memory_space<semaphore_mem>> -> memref<!tpu.dma_semaphore, #tpu.memory_space<semaphore_mem>>
    %dma_wait3A_341 = arith.constant 16000 : i32
    %dma_wait3A_342 = arith.constant 0 : i32
    %dma_wait3A_343 = tpu.memref_slice %arg1[%dma_wait3A_341, %dma_wait3A_342] : memref<250000x128xf32, #tpu.memory_space<hbm>> -> memref<8000x128xf32, #tpu.memory_space<hbm>>
    %dma_wait3A_344 = arith.constant 0 : i32
    %dma_wait3A_345 = arith.constant 0 : i32
    %dma_wait3A_346 = tpu.memref_slice %arg3[%dma_wait3A_337, %dma_wait3A_344, %dma_wait3A_345] : memref<2x8000x128xf32, #tpu.memory_space<vmem>> -> memref<1x8000x128xf32, #tpu.memory_space<vmem>>
    %dma_wait3A_347 = tpu.memref_squeeze %dma_wait3A_346 : memref<1x8000x128xf32, #tpu.memory_space<vmem>> -> memref<8000x128xf32, #tpu.memory_space<vmem>>
    tpu.wait_dma2 semaphore(%dma_wait3A_340 : memref<!tpu.dma_semaphore, #tpu.memory_space<semaphore_mem>>) src(%dma_wait3A_347 : memref<8000x128xf32, #tpu.memory_space<vmem>>) dst(%dma_wait3A_343 : memref<8000x128xf32, #tpu.memory_space<hbm>>)
    %swap3A_348 = arith.constant 0 : index
    %swap3A_349 = arith.constant 0 : index
    %swap3A_350 = arith.constant 0 : index
    %swap3A_351 = vector.load %arg3[%swap3A_348, %swap3A_349, %swap3A_350] : memref<2x8000x128xf32, #tpu.memory_space<vmem>>, vector<1x8000x128xf32>
    %swap3A_352 = vector.shape_cast %swap3A_351 : vector<1x8000x128xf32> to vector<8000x128xf32>
    %swap3A_353 = vector.shape_cast %transpose3A_336 : vector<8000x128xf32> to vector<1x8000x128xf32>
    tpu.vector_store %arg3[%swap3A_348, %swap3A_349, %swap3A_350], %swap3A_353 {strides = array<i32>} : memref<2x8000x128xf32, #tpu.memory_space<vmem>>, vector<1x8000x128xf32>,
    %dma_start3A_354 = arith.constant 0 : i32
    %dma_start3A_355 = arith.constant 0 : i32
    %dma_start3A_356 = tpu.memref_slice %arg7[%dma_start3A_355] : memref<2x!tpu.dma_semaphore, #tpu.memory_space<semaphore_mem>> -> memref<1x!tpu.dma_semaphore, #tpu.memory_space<semaphore_mem>>
    %dma_start3A_357 = tpu.memref_squeeze %dma_start3A_356 : memref<1x!tpu.dma_semaphore, #tpu.memory_space<semaphore_mem>> -> memref<!tpu.dma_semaphore, #tpu.memory_space<semaphore_mem>>
    %dma_start3A_358 = arith.constant 32000 : i32
    %dma_start3A_359 = arith.constant 0 : i32
    %dma_start3A_360 = tpu.memref_slice %arg1[%dma_start3A_358, %dma_start3A_359] : memref<250000x128xf32, #tpu.memory_space<hbm>> -> memref<8000x128xf32, #tpu.memory_space<hbm>>
    %dma_start3A_361 = arith.constant 0 : i32
    %dma_start3A_362 = arith.constant 0 : i32
    %dma_start3A_363 = tpu.memref_slice %arg3[%dma_start3A_354, %dma_start3A_361, %dma_start3A_362] : memref<2x8000x128xf32, #tpu.memory_space<vmem>> -> memref<1x8000x128xf32, #tpu.memory_space<vmem>>
    %dma_start3A_364 = tpu.memref_squeeze %dma_start3A_363 : memref<1x8000x128xf32, #tpu.memory_space<vmem>> -> memref<8000x128xf32, #tpu.memory_space<vmem>>
    tpu.enqueue_dma source(%dma_start3A_364 : memref<8000x128xf32, #tpu.memory_space<vmem>>) target(%dma_start3A_360 : memref<8000x128xf32, #tpu.memory_space<hbm>>) target_semaphore(%dma_start3A_357 : memref<!tpu.dma_semaphore, #tpu.memory_space<semaphore_mem>>)
    %dma_start3A_365 = arith.constant 0 : i32
    %dma_start3A_366 = arith.constant 0 : i32
    %dma_start3A_367 = tpu.memref_slice %arg6[%dma_start3A_366] : memref<2x!tpu.dma_semaphore, #tpu.memory_space<semaphore_mem>> -> memref<1x!tpu.dma_semaphore, #tpu.memory_space<semaphore_mem>>
    %dma_start3A_368 = tpu.memref_squeeze %dma_start3A_367 : memref<1x!tpu.dma_semaphore, #tpu.memory_space<semaphore_mem>> -> memref<!tpu.dma_semaphore, #tpu.memory_space<semaphore_mem>>
    %dma_start3A_369 = arith.constant 0 : i32
    %dma_start3A_370 = arith.constant 0 : i32
    %dma_start3A_371 = tpu.memref_slice %arg2[%dma_start3A_365, %dma_start3A_369, %dma_start3A_370] : memref<2x32x32000xf32, #tpu.memory_space<vmem>> -> memref<1x32x32000xf32, #tpu.memory_space<vmem>>
    %dma_start3A_372 = tpu.memref_squeeze %dma_start3A_371 : memref<1x32x32000xf32, #tpu.memory_space<vmem>> -> memref<32x32000xf32, #tpu.memory_space<vmem>>
    %dma_start3A_373 = arith.constant 0 : i32
    %dma_start3A_374 = arith.constant 192000 : i32
    %dma_start3A_375 = tpu.memref_slice %arg0[%dma_start3A_373, %dma_start3A_374] : memref<32x1000000xf32, #tpu.memory_space<hbm>> -> memref<32x32000xf32, #tpu.memory_space<hbm>>
    tpu.enqueue_dma source(%dma_start3A_375 : memref<32x32000xf32, #tpu.memory_space<hbm>>) target(%dma_start3A_372 : memref<32x32000xf32, #tpu.memory_space<vmem>>) target_semaphore(%dma_start3A_368 : memref<!tpu.dma_semaphore, #tpu.memory_space<semaphore_mem>>)
    %dma_wait3A_376 = arith.constant 1 : i32
    %dma_wait3A_377 = arith.constant 1 : i32
    %dma_wait3A_378 = tpu.memref_slice %arg6[%dma_wait3A_377] : memref<2x!tpu.dma_semaphore, #tpu.memory_space<semaphore_mem>> -> memref<1x!tpu.dma_semaphore, #tpu.memory_space<semaphore_mem>>
    %dma_wait3A_379 = tpu.memref_squeeze %dma_wait3A_378 : memref<1x!tpu.dma_semaphore, #tpu.memory_space<semaphore_mem>> -> memref<!tpu.dma_semaphore, #tpu.memory_space<semaphore_mem>>
    %dma_wait3A_380 = arith.constant 0 : i32
    %dma_wait3A_381 = arith.constant 0 : i32
    %dma_wait3A_382 = tpu.memref_slice %arg2[%dma_wait3A_376, %dma_wait3A_380, %dma_wait3A_381] : memref<2x32x32000xf32, #tpu.memory_space<vmem>> -> memref<1x32x32000xf32, #tpu.memory_space<vmem>>
    %dma_wait3A_383 = tpu.memref_squeeze %dma_wait3A_382 : memref<1x32x32000xf32, #tpu.memory_space<vmem>> -> memref<32x32000xf32, #tpu.memory_space<vmem>>
    %dma_wait3A_384 = arith.constant 0 : i32
    %dma_wait3A_385 = arith.constant 160000 : i32
    %dma_wait3A_386 = tpu.memref_slice %arg0[%dma_wait3A_384, %dma_wait3A_385] : memref<32x1000000xf32, #tpu.memory_space<hbm>> -> memref<32x32000xf32, #tpu.memory_space<hbm>>
    tpu.wait_dma2 semaphore(%dma_wait3A_379 : memref<!tpu.dma_semaphore, #tpu.memory_space<semaphore_mem>>) src(%dma_wait3A_386 : memref<32x32000xf32, #tpu.memory_space<hbm>>) dst(%dma_wait3A_383 : memref<32x32000xf32, #tpu.memory_space<vmem>>)
    %get3A_387 = arith.constant 1 : index
    %get3A_388 = arith.constant 0 : index
    %get3A_389 = arith.constant 0 : index
    %get3A_390 = vector.load %arg2[%get3A_387, %get3A_388, %get3A_389] : memref<2x32x32000xf32, #tpu.memory_space<vmem>>, vector<1x32x32000xf32>
    %get3A_391 = vector.shape_cast %get3A_390 : vector<1x32x32000xf32> to vector<32x32000xf32>
    %slice3A_392 = vector.extract_strided_slice %get3A_391 {offsets = [0, 0], sizes = [32, 8000], strides = [1, 1]} : vector<32x32000xf32> to vector<32x8000xf32>
    %get3A_393 = arith.constant 1 : index
    %get3A_394 = arith.constant 0 : index
    %get3A_395 = arith.constant 0 : index
    %get3A_396 = vector.load %arg2[%get3A_393, %get3A_394, %get3A_395] : memref<2x32x32000xf32, #tpu.memory_space<vmem>>, vector<1x32x32000xf32>
    %get3A_397 = vector.shape_cast %get3A_396 : vector<1x32x32000xf32> to vector<32x32000xf32>
    %slice3A_398 = vector.extract_strided_slice %get3A_397 {offsets = [0, 8000], sizes = [32, 8000], strides = [1, 1]} : vector<32x32000xf32> to vector<32x8000xf32>
    %get3A_399 = arith.constant 1 : index
    %get3A_400 = arith.constant 0 : index
    %get3A_401 = arith.constant 0 : index
    %get3A_402 = vector.load %arg2[%get3A_399, %get3A_400, %get3A_401] : memref<2x32x32000xf32, #tpu.memory_space<vmem>>, vector<1x32x32000xf32>
    %get3A_403 = vector.shape_cast %get3A_402 : vector<1x32x32000xf32> to vector<32x32000xf32>
    %slice3A_404 = vector.extract_strided_slice %get3A_403 {offsets = [0, 16000], sizes = [32, 8000], strides = [1, 1]} : vector<32x32000xf32> to vector<32x8000xf32>
    %get3A_405 = arith.constant 1 : index
    %get3A_406 = arith.constant 0 : index
    %get3A_407 = arith.constant 0 : index
    %get3A_408 = vector.load %arg2[%get3A_405, %get3A_406, %get3A_407] : memref<2x32x32000xf32, #tpu.memory_space<vmem>>, vector<1x32x32000xf32>
    %get3A_409 = vector.shape_cast %get3A_408 : vector<1x32x32000xf32> to vector<32x32000xf32>
    %slice3A_410 = vector.extract_strided_slice %get3A_409 {offsets = [0, 24000], sizes = [32, 8000], strides = [1, 1]} : vector<32x32000xf32> to vector<32x8000xf32>
    %concatenate3A_411 = tpu.concatenate %slice3A_392, %slice3A_398, %slice3A_404, %slice3A_410 in 0 : vector<32x8000xf32>, vector<32x8000xf32>, vector<32x8000xf32>, vector<32x8000xf32> -> vector<128x8000xf32>
    %transpose3A_412 = tpu.transpose %concatenate3A_411, [1, 0] : vector<128x8000xf32> -> vector<8000x128xf32>
    %dma_wait3A_413 = arith.constant 1 : i32
    %dma_wait3A_414 = arith.constant 1 : i32
    %dma_wait3A_415 = tpu.memref_slice %arg7[%dma_wait3A_414] : memref<2x!tpu.dma_semaphore, #tpu.memory_space<semaphore_mem>> -> memref<1x!tpu.dma_semaphore, #tpu.memory_space<semaphore_mem>>
    %dma_wait3A_416 = tpu.memref_squeeze %dma_wait3A_415 : memref<1x!tpu.dma_semaphore, #tpu.memory_space<semaphore_mem>> -> memref<!tpu.dma_semaphore, #tpu.memory_space<semaphore_mem>>
    %dma_wait3A_417 = arith.constant 24000 : i32
    %dma_wait3A_418 = arith.constant 0 : i32
    %dma_wait3A_419 = tpu.memref_slice %arg1[%dma_wait3A_417, %dma_wait3A_418] : memref<250000x128xf32, #tpu.memory_space<hbm>> -> memref<8000x128xf32, #tpu.memory_space<hbm>>
    %dma_wait3A_420 = arith.constant 0 : i32
    %dma_wait3A_421 = arith.constant 0 : i32
    %dma_wait3A_422 = tpu.memref_slice %arg3[%dma_wait3A_413, %dma_wait3A_420, %dma_wait3A_421] : memref<2x8000x128xf32, #tpu.memory_space<vmem>> -> memref<1x8000x128xf32, #tpu.memory_space<vmem>>
    %dma_wait3A_423 = tpu.memref_squeeze %dma_wait3A_422 : memref<1x8000x128xf32, #tpu.memory_space<vmem>> -> memref<8000x128xf32, #tpu.memory_space<vmem>>
    tpu.wait_dma2 semaphore(%dma_wait3A_416 : memref<!tpu.dma_semaphore, #tpu.memory_space<semaphore_mem>>) src(%dma_wait3A_423 : memref<8000x128xf32, #tpu.memory_space<vmem>>) dst(%dma_wait3A_419 : memref<8000x128xf32, #tpu.memory_space<hbm>>)
    %swap3A_424 = arith.constant 1 : index
    %swap3A_425 = arith.constant 0 : index
    %swap3A_426 = arith.constant 0 : index
    %swap3A_427 = vector.load %arg3[%swap3A_424, %swap3A_425, %swap3A_426] : memref<2x8000x128xf32, #tpu.memory_space<vmem>>, vector<1x8000x128xf32>
    %swap3A_428 = vector.shape_cast %swap3A_427 : vector<1x8000x128xf32> to vector<8000x128xf32>
    %swap3A_429 = vector.shape_cast %transpose3A_412 : vector<8000x128xf32> to vector<1x8000x128xf32>
    tpu.vector_store %arg3[%swap3A_424, %swap3A_425, %swap3A_426], %swap3A_429 {strides = array<i32>} : memref<2x8000x128xf32, #tpu.memory_space<vmem>>, vector<1x8000x128xf32>,
    %dma_start3A_430 = arith.constant 1 : i32
    %dma_start3A_431 = arith.constant 1 : i32
    %dma_start3A_432 = tpu.memref_slice %arg7[%dma_start3A_431] : memref<2x!tpu.dma_semaphore, #tpu.memory_space<semaphore_mem>> -> memref<1x!tpu.dma_semaphore, #tpu.memory_space<semaphore_mem>>
    %dma_start3A_433 = tpu.memref_squeeze %dma_start3A_432 : memref<1x!tpu.dma_semaphore, #tpu.memory_space<semaphore_mem>> -> memref<!tpu.dma_semaphore, #tpu.memory_space<semaphore_mem>>
    %dma_start3A_434 = arith.constant 40000 : i32
    %dma_start3A_435 = arith.constant 0 : i32
    %dma_start3A_436 = tpu.memref_slice %arg1[%dma_start3A_434, %dma_start3A_435] : memref<250000x128xf32, #tpu.memory_space<hbm>> -> memref<8000x128xf32, #tpu.memory_space<hbm>>
    %dma_start3A_437 = arith.constant 0 : i32
    %dma_start3A_438 = arith.constant 0 : i32
    %dma_start3A_439 = tpu.memref_slice %arg3[%dma_start3A_430, %dma_start3A_437, %dma_start3A_438] : memref<2x8000x128xf32, #tpu.memory_space<vmem>> -> memref<1x8000x128xf32, #tpu.memory_space<vmem>>
    %dma_start3A_440 = tpu.memref_squeeze %dma_start3A_439 : memref<1x8000x128xf32, #tpu.memory_space<vmem>> -> memref<8000x128xf32, #tpu.memory_space<vmem>>
    tpu.enqueue_dma source(%dma_start3A_440 : memref<8000x128xf32, #tpu.memory_space<vmem>>) target(%dma_start3A_436 : memref<8000x128xf32, #tpu.memory_space<hbm>>) target_semaphore(%dma_start3A_433 : memref<!tpu.dma_semaphore, #tpu.memory_space<semaphore_mem>>)
    %dma_start3A_441 = arith.constant 1 : i32
    %dma_start3A_442 = arith.constant 1 : i32
    %dma_start3A_443 = tpu.memref_slice %arg6[%dma_start3A_442] : memref<2x!tpu.dma_semaphore, #tpu.memory_space<semaphore_mem>> -> memref<1x!tpu.dma_semaphore, #tpu.memory_space<semaphore_mem>>
    %dma_start3A_444 = tpu.memref_squeeze %dma_start3A_443 : memref<1x!tpu.dma_semaphore, #tpu.memory_space<semaphore_mem>> -> memref<!tpu.dma_semaphore, #tpu.memory_space<semaphore_mem>>
    %dma_start3A_445 = arith.constant 0 : i32
    %dma_start3A_446 = arith.constant 0 : i32
    %dma_start3A_447 = tpu.memref_slice %arg2[%dma_start3A_441, %dma_start3A_445, %dma_start3A_446] : memref<2x32x32000xf32, #tpu.memory_space<vmem>> -> memref<1x32x32000xf32, #tpu.memory_space<vmem>>
    %dma_start3A_448 = tpu.memref_squeeze %dma_start3A_447 : memref<1x32x32000xf32, #tpu.memory_space<vmem>> -> memref<32x32000xf32, #tpu.memory_space<vmem>>
    %dma_start3A_449 = arith.constant 0 : i32
    %dma_start3A_450 = arith.constant 224000 : i32
    %dma_start3A_451 = tpu.memref_slice %arg0[%dma_start3A_449, %dma_start3A_450] : memref<32x1000000xf32, #tpu.memory_space<hbm>> -> memref<32x32000xf32, #tpu.memory_space<hbm>>
    tpu.enqueue_dma source(%dma_start3A_451 : memref<32x32000xf32, #tpu.memory_space<hbm>>) target(%dma_start3A_448 : memref<32x32000xf32, #tpu.memory_space<vmem>>) target_semaphore(%dma_start3A_444 : memref<!tpu.dma_semaphore, #tpu.memory_space<semaphore_mem>>)
    %dma_wait3A_452 = arith.constant 0 : i32
    %dma_wait3A_453 = arith.constant 0 : i32
    %dma_wait3A_454 = tpu.memref_slice %arg6[%dma_wait3A_453] : memref<2x!tpu.dma_semaphore, #tpu.memory_space<semaphore_mem>> -> memref<1x!tpu.dma_semaphore, #tpu.memory_space<semaphore_mem>>
    %dma_wait3A_455 = tpu.memref_squeeze %dma_wait3A_454 : memref<1x!tpu.dma_semaphore, #tpu.memory_space<semaphore_mem>> -> memref<!tpu.dma_semaphore, #tpu.memory_space<semaphore_mem>>
    %dma_wait3A_456 = arith.constant 0 : i32
    %dma_wait3A_457 = arith.constant 0 : i32
    %dma_wait3A_458 = tpu.memref_slice %arg2[%dma_wait3A_452, %dma_wait3A_456, %dma_wait3A_457] : memref<2x32x32000xf32, #tpu.memory_space<vmem>> -> memref<1x32x32000xf32, #tpu.memory_space<vmem>>
    %dma_wait3A_459 = tpu.memref_squeeze %dma_wait3A_458 : memref<1x32x32000xf32, #tpu.memory_space<vmem>> -> memref<32x32000xf32, #tpu.memory_space<vmem>>
    %dma_wait3A_460 = arith.constant 0 : i32
    %dma_wait3A_461 = arith.constant 192000 : i32
    %dma_wait3A_462 = tpu.memref_slice %arg0[%dma_wait3A_460, %dma_wait3A_461] : memref<32x1000000xf32, #tpu.memory_space<hbm>> -> memref<32x32000xf32, #tpu.memory_space<hbm>>
    tpu.wait_dma2 semaphore(%dma_wait3A_455 : memref<!tpu.dma_semaphore, #tpu.memory_space<semaphore_mem>>) src(%dma_wait3A_462 : memref<32x32000xf32, #tpu.memory_space<hbm>>) dst(%dma_wait3A_459 : memref<32x32000xf32, #tpu.memory_space<vmem>>)
    %get3A_463 = arith.constant 0 : index
    %get3A_464 = arith.constant 0 : index
    %get3A_465 = arith.constant 0 : index
    %get3A_466 = vector.load %arg2[%get3A_463, %get3A_464, %get3A_465] : memref<2x32x32000xf32, #tpu.memory_space<vmem>>, vector<1x32x32000xf32>
    %get3A_467 = vector.shape_cast %get3A_466 : vector<1x32x32000xf32> to vector<32x32000xf32>
    %slice3A_468 = vector.extract_strided_slice %get3A_467 {offsets = [0, 0], sizes = [32, 8000], strides = [1, 1]} : vector<32x32000xf32> to vector<32x8000xf32>
    %get3A_469 = arith.constant 0 : index
    %get3A_470 = arith.constant 0 : index
    %get3A_471 = arith.constant 0 : index
    %get3A_472 = vector.load %arg2[%get3A_469, %get3A_470, %get3A_471] : memref<2x32x32000xf32, #tpu.memory_space<vmem>>, vector<1x32x32000xf32>
    %get3A_473 = vector.shape_cast %get3A_472 : vector<1x32x32000xf32> to vector<32x32000xf32>
    %slice3A_474 = vector.extract_strided_slice %get3A_473 {offsets = [0, 8000], sizes = [32, 8000], strides = [1, 1]} : vector<32x32000xf32> to vector<32x8000xf32>
    %get3A_475 = arith.constant 0 : index
    %get3A_476 = arith.constant 0 : index
    %get3A_477 = arith.constant 0 : index
    %get3A_478 = vector.load %arg2[%get3A_475, %get3A_476, %get3A_477] : memref<2x32x32000xf32, #tpu.memory_space<vmem>>, vector<1x32x32000xf32>
    %get3A_479 = vector.shape_cast %get3A_478 : vector<1x32x32000xf32> to vector<32x32000xf32>
    %slice3A_480 = vector.extract_strided_slice %get3A_479 {offsets = [0, 16000], sizes = [32, 8000], strides = [1, 1]} : vector<32x32000xf32> to vector<32x8000xf32>
    %get3A_481 = arith.constant 0 : index
    %get3A_482 = arith.constant 0 : index
    %get3A_483 = arith.constant 0 : index
    %get3A_484 = vector.load %arg2[%get3A_481, %get3A_482, %get3A_483] : memref<2x32x32000xf32, #tpu.memory_space<vmem>>, vector<1x32x32000xf32>
    %get3A_485 = vector.shape_cast %get3A_484 : vector<1x32x32000xf32> to vector<32x32000xf32>
    %slice3A_486 = vector.extract_strided_slice %get3A_485 {offsets = [0, 24000], sizes = [32, 8000], strides = [1, 1]} : vector<32x32000xf32> to vector<32x8000xf32>
    %concatenate3A_487 = tpu.concatenate %slice3A_468, %slice3A_474, %slice3A_480, %slice3A_486 in 0 : vector<32x8000xf32>, vector<32x8000xf32>, vector<32x8000xf32>, vector<32x8000xf32> -> vector<128x8000xf32>
    %transpose3A_488 = tpu.transpose %concatenate3A_487, [1, 0] : vector<128x8000xf32> -> vector<8000x128xf32>
    %dma_wait3A_489 = arith.constant 0 : i32
    %dma_wait3A_490 = arith.constant 0 : i32
    %dma_wait3A_491 = tpu.memref_slice %arg7[%dma_wait3A_490] : memref<2x!tpu.dma_semaphore, #tpu.memory_space<semaphore_mem>> -> memref<1x!tpu.dma_semaphore, #tpu.memory_space<semaphore_mem>>
    %dma_wait3A_492 = tpu.memref_squeeze %dma_wait3A_491 : memref<1x!tpu.dma_semaphore, #tpu.memory_space<semaphore_mem>> -> memref<!tpu.dma_semaphore, #tpu.memory_space<semaphore_mem>>
    %dma_wait3A_493 = arith.constant 32000 : i32
    %dma_wait3A_494 = arith.constant 0 : i32
    %dma_wait3A_495 = tpu.memref_slice %arg1[%dma_wait3A_493, %dma_wait3A_494] : memref<250000x128xf32, #tpu.memory_space<hbm>> -> memref<8000x128xf32, #tpu.memory_space<hbm>>
    %dma_wait3A_496 = arith.constant 0 : i32
    %dma_wait3A_497 = arith.constant 0 : i32
    %dma_wait3A_498 = tpu.memref_slice %arg3[%dma_wait3A_489, %dma_wait3A_496, %dma_wait3A_497] : memref<2x8000x128xf32, #tpu.memory_space<vmem>> -> memref<1x8000x128xf32, #tpu.memory_space<vmem>>
    %dma_wait3A_499 = tpu.memref_squeeze %dma_wait3A_498 : memref<1x8000x128xf32, #tpu.memory_space<vmem>> -> memref<8000x128xf32, #tpu.memory_space<vmem>>
    tpu.wait_dma2 semaphore(%dma_wait3A_492 : memref<!tpu.dma_semaphore, #tpu.memory_space<semaphore_mem>>) src(%dma_wait3A_499 : memref<8000x128xf32, #tpu.memory_space<vmem>>) dst(%dma_wait3A_495 : memref<8000x128xf32, #tpu.memory_space<hbm>>)
    %swap3A_500 = arith.constant 0 : index
    %swap3A_501 = arith.constant 0 : index
    %swap3A_502 = arith.constant 0 : index
    %swap3A_503 = vector.load %arg3[%swap3A_500, %swap3A_501, %swap3A_502] : memref<2x8000x128xf32, #tpu.memory_space<vmem>>, vector<1x8000x128xf32>
    %swap3A_504 = vector.shape_cast %swap3A_503 : vector<1x8000x128xf32> to vector<8000x128xf32>
    %swap3A_505 = vector.shape_cast %transpose3A_488 : vector<8000x128xf32> to vector<1x8000x128xf32>
    tpu.vector_store %arg3[%swap3A_500, %swap3A_501, %swap3A_502], %swap3A_505 {strides = array<i32>} : memref<2x8000x128xf32, #tpu.memory_space<vmem>>, vector<1x8000x128xf32>,
    %dma_start3A_506 = arith.constant 0 : i32
    %dma_start3A_507 = arith.constant 0 : i32
    %dma_start3A_508 = tpu.memref_slice %arg7[%dma_start3A_507] : memref<2x!tpu.dma_semaphore, #tpu.memory_space<semaphore_mem>> -> memref<1x!tpu.dma_semaphore, #tpu.memory_space<semaphore_mem>>
    %dma_start3A_509 = tpu.memref_squeeze %dma_start3A_508 : memref<1x!tpu.dma_semaphore, #tpu.memory_space<semaphore_mem>> -> memref<!tpu.dma_semaphore, #tpu.memory_space<semaphore_mem>>
    %dma_start3A_510 = arith.constant 48000 : i32
    %dma_start3A_511 = arith.constant 0 : i32
    %dma_start3A_512 = tpu.memref_slice %arg1[%dma_start3A_510, %dma_start3A_511] : memref<250000x128xf32, #tpu.memory_space<hbm>> -> memref<8000x128xf32, #tpu.memory_space<hbm>>
    %dma_start3A_513 = arith.constant 0 : i32
    %dma_start3A_514 = arith.constant 0 : i32
    %dma_start3A_515 = tpu.memref_slice %arg3[%dma_start3A_506, %dma_start3A_513, %dma_start3A_514] : memref<2x8000x128xf32, #tpu.memory_space<vmem>> -> memref<1x8000x128xf32, #tpu.memory_space<vmem>>
    %dma_start3A_516 = tpu.memref_squeeze %dma_start3A_515 : memref<1x8000x128xf32, #tpu.memory_space<vmem>> -> memref<8000x128xf32, #tpu.memory_space<vmem>>
    tpu.enqueue_dma source(%dma_start3A_516 : memref<8000x128xf32, #tpu.memory_space<vmem>>) target(%dma_start3A_512 : memref<8000x128xf32, #tpu.memory_space<hbm>>) target_semaphore(%dma_start3A_509 : memref<!tpu.dma_semaphore, #tpu.memory_space<semaphore_mem>>)
    %dma_start3A_517 = arith.constant 0 : i32
    %dma_start3A_518 = arith.constant 0 : i32
    %dma_start3A_519 = tpu.memref_slice %arg6[%dma_start3A_518] : memref<2x!tpu.dma_semaphore, #tpu.memory_space<semaphore_mem>> -> memref<1x!tpu.dma_semaphore, #tpu.memory_space<semaphore_mem>>
    %dma_start3A_520 = tpu.memref_squeeze %dma_start3A_519 : memref<1x!tpu.dma_semaphore, #tpu.memory_space<semaphore_mem>> -> memref<!tpu.dma_semaphore, #tpu.memory_space<semaphore_mem>>
    %dma_start3A_521 = arith.constant 0 : i32
    %dma_start3A_522 = arith.constant 0 : i32
    %dma_start3A_523 = tpu.memref_slice %arg2[%dma_start3A_517, %dma_start3A_521, %dma_start3A_522] : memref<2x32x32000xf32, #tpu.memory_space<vmem>> -> memref<1x32x32000xf32, #tpu.memory_space<vmem>>
    %dma_start3A_524 = tpu.memref_squeeze %dma_start3A_523 : memref<1x32x32000xf32, #tpu.memory_space<vmem>> -> memref<32x32000xf32, #tpu.memory_space<vmem>>
    %dma_start3A_525 = arith.constant 0 : i32
    %dma_start3A_526 = arith.constant 256000 : i32
    %dma_start3A_527 = tpu.memref_slice %arg0[%dma_start3A_525, %dma_start3A_526] : memref<32x1000000xf32, #tpu.memory_space<hbm>> -> memref<32x32000xf32, #tpu.memory_space<hbm>>
    tpu.enqueue_dma source(%dma_start3A_527 : memref<32x32000xf32, #tpu.memory_space<hbm>>) target(%dma_start3A_524 : memref<32x32000xf32, #tpu.memory_space<vmem>>) target_semaphore(%dma_start3A_520 : memref<!tpu.dma_semaphore, #tpu.memory_space<semaphore_mem>>)
    %dma_wait3A_528 = arith.constant 1 : i32
    %dma_wait3A_529 = arith.constant 1 : i32
    %dma_wait3A_530 = tpu.memref_slice %arg6[%dma_wait3A_529] : memref<2x!tpu.dma_semaphore, #tpu.memory_space<semaphore_mem>> -> memref<1x!tpu.dma_semaphore, #tpu.memory_space<semaphore_mem>>
    %dma_wait3A_531 = tpu.memref_squeeze %dma_wait3A_530 : memref<1x!tpu.dma_semaphore, #tpu.memory_space<semaphore_mem>> -> memref<!tpu.dma_semaphore, #tpu.memory_space<semaphore_mem>>
    %dma_wait3A_532 = arith.constant 0 : i32
    %dma_wait3A_533 = arith.constant 0 : i32
    %dma_wait3A_534 = tpu.memref_slice %arg2[%dma_wait3A_528, %dma_wait3A_532, %dma_wait3A_533] : memref<2x32x32000xf32, #tpu.memory_space<vmem>> -> memref<1x32x32000xf32, #tpu.memory_space<vmem>>
    %dma_wait3A_535 = tpu.memref_squeeze %dma_wait3A_534 : memref<1x32x32000xf32, #tpu.memory_space<vmem>> -> memref<32x32000xf32, #tpu.memory_space<vmem>>
    %dma_wait3A_536 = arith.constant 0 : i32
    %dma_wait3A_537 = arith.constant 224000 : i32
    %dma_wait3A_538 = tpu.memref_slice %arg0[%dma_wait3A_536, %dma_wait3A_537] : memref<32x1000000xf32, #tpu.memory_space<hbm>> -> memref<32x32000xf32, #tpu.memory_space<hbm>>
    tpu.wait_dma2 semaphore(%dma_wait3A_531 : memref<!tpu.dma_semaphore, #tpu.memory_space<semaphore_mem>>) src(%dma_wait3A_538 : memref<32x32000xf32, #tpu.memory_space<hbm>>) dst(%dma_wait3A_535 : memref<32x32000xf32, #tpu.memory_space<vmem>>)
    %get3A_539 = arith.constant 1 : index
    %get3A_540 = arith.constant 0 : index
    %get3A_541 = arith.constant 0 : index
    %get3A_542 = vector.load %arg2[%get3A_539, %get3A_540, %get3A_541] : memref<2x32x32000xf32, #tpu.memory_space<vmem>>, vector<1x32x32000xf32>
    %get3A_543 = vector.shape_cast %get3A_542 : vector<1x32x32000xf32> to vector<32x32000xf32>
    %slice3A_544 = vector.extract_strided_slice %get3A_543 {offsets = [0, 0], sizes = [32, 8000], strides = [1, 1]} : vector<32x32000xf32> to vector<32x8000xf32>
    %get3A_545 = arith.constant 1 : index
    %get3A_546 = arith.constant 0 : index
    %get3A_547 = arith.constant 0 : index
    %get3A_548 = vector.load %arg2[%get3A_545, %get3A_546, %get3A_547] : memref<2x32x32000xf32, #tpu.memory_space<vmem>>, vector<1x32x32000xf32>
    %get3A_549 = vector.shape_cast %get3A_548 : vector<1x32x32000xf32> to vector<32x32000xf32>
    %slice3A_550 = vector.extract_strided_slice %get3A_549 {offsets = [0, 8000], sizes = [32, 8000], strides = [1, 1]} : vector<32x32000xf32> to vector<32x8000xf32>
    %get3A_551 = arith.constant 1 : index
    %get3A_552 = arith.constant 0 : index
    %get3A_553 = arith.constant 0 : index
    %get3A_554 = vector.load %arg2[%get3A_551, %get3A_552, %get3A_553] : memref<2x32x32000xf32, #tpu.memory_space<vmem>>, vector<1x32x32000xf32>
    %get3A_555 = vector.shape_cast %get3A_554 : vector<1x32x32000xf32> to vector<32x32000xf32>
    %slice3A_556 = vector.extract_strided_slice %get3A_555 {offsets = [0, 16000], sizes = [32, 8000], strides = [1, 1]} : vector<32x32000xf32> to vector<32x8000xf32>
    %get3A_557 = arith.constant 1 : index
    %get3A_558 = arith.constant 0 : index
    %get3A_559 = arith.constant 0 : index
    %get3A_560 = vector.load %arg2[%get3A_557, %get3A_558, %get3A_559] : memref<2x32x32000xf32, #tpu.memory_space<vmem>>, vector<1x32x32000xf32>
    %get3A_561 = vector.shape_cast %get3A_560 : vector<1x32x32000xf32> to vector<32x32000xf32>
    %slice3A_562 = vector.extract_strided_slice %get3A_561 {offsets = [0, 24000], sizes = [32, 8000], strides = [1, 1]} : vector<32x32000xf32> to vector<32x8000xf32>
    %concatenate3A_563 = tpu.concatenate %slice3A_544, %slice3A_550, %slice3A_556, %slice3A_562 in 0 : vector<32x8000xf32>, vector<32x8000xf32>, vector<32x8000xf32>, vector<32x8000xf32> -> vector<128x8000xf32>
    %transpose3A_564 = tpu.transpose %concatenate3A_563, [1, 0] : vector<128x8000xf32> -> vector<8000x128xf32>
    %dma_wait3A_565 = arith.constant 1 : i32
    %dma_wait3A_566 = arith.constant 1 : i32
    %dma_wait3A_567 = tpu.memref_slice %arg7[%dma_wait3A_566] : memref<2x!tpu.dma_semaphore, #tpu.memory_space<semaphore_mem>> -> memref<1x!tpu.dma_semaphore, #tpu.memory_space<semaphore_mem>>
    %dma_wait3A_568 = tpu.memref_squeeze %dma_wait3A_567 : memref<1x!tpu.dma_semaphore, #tpu.memory_space<semaphore_mem>> -> memref<!tpu.dma_semaphore, #tpu.memory_space<semaphore_mem>>
    %dma_wait3A_569 = arith.constant 40000 : i32
    %dma_wait3A_570 = arith.constant 0 : i32
    %dma_wait3A_571 = tpu.memref_slice %arg1[%dma_wait3A_569, %dma_wait3A_570] : memref<250000x128xf32, #tpu.memory_space<hbm>> -> memref<8000x128xf32, #tpu.memory_space<hbm>>
    %dma_wait3A_572 = arith.constant 0 : i32
    %dma_wait3A_573 = arith.constant 0 : i32
    %dma_wait3A_574 = tpu.memref_slice %arg3[%dma_wait3A_565, %dma_wait3A_572, %dma_wait3A_573] : memref<2x8000x128xf32, #tpu.memory_space<vmem>> -> memref<1x8000x128xf32, #tpu.memory_space<vmem>>
    %dma_wait3A_575 = tpu.memref_squeeze %dma_wait3A_574 : memref<1x8000x128xf32, #tpu.memory_space<vmem>> -> memref<8000x128xf32, #tpu.memory_space<vmem>>
    tpu.wait_dma2 semaphore(%dma_wait3A_568 : memref<!tpu.dma_semaphore, #tpu.memory_space<semaphore_mem>>) src(%dma_wait3A_575 : memref<8000x128xf32, #tpu.memory_space<vmem>>) dst(%dma_wait3A_571 : memref<8000x128xf32, #tpu.memory_space<hbm>>)
    %swap3A_576 = arith.constant 1 : index
    %swap3A_577 = arith.constant 0 : index
    %swap3A_578 = arith.constant 0 : index
    %swap3A_579 = vector.load %arg3[%swap3A_576, %swap3A_577, %swap3A_578] : memref<2x8000x128xf32, #tpu.memory_space<vmem>>, vector<1x8000x128xf32>
    %swap3A_580 = vector.shape_cast %swap3A_579 : vector<1x8000x128xf32> to vector<8000x128xf32>
    %swap3A_581 = vector.shape_cast %transpose3A_564 : vector<8000x128xf32> to vector<1x8000x128xf32>
    tpu.vector_store %arg3[%swap3A_576, %swap3A_577, %swap3A_578], %swap3A_581 {strides = array<i32>} : memref<2x8000x128xf32, #tpu.memory_space<vmem>>, vector<1x8000x128xf32>,
    %dma_start3A_582 = arith.constant 1 : i32
    %dma_start3A_583 = arith.constant 1 : i32
    %dma_start3A_584 = tpu.memref_slice %arg7[%dma_start3A_583] : memref<2x!tpu.dma_semaphore, #tpu.memory_space<semaphore_mem>> -> memref<1x!tpu.dma_semaphore, #tpu.memory_space<semaphore_mem>>
    %dma_start3A_585 = tpu.memref_squeeze %dma_start3A_584 : memref<1x!tpu.dma_semaphore, #tpu.memory_space<semaphore_mem>> -> memref<!tpu.dma_semaphore, #tpu.memory_space<semaphore_mem>>
    %dma_start3A_586 = arith.constant 56000 : i32
    %dma_start3A_587 = arith.constant 0 : i32
    %dma_start3A_588 = tpu.memref_slice %arg1[%dma_start3A_586, %dma_start3A_587] : memref<250000x128xf32, #tpu.memory_space<hbm>> -> memref<8000x128xf32, #tpu.memory_space<hbm>>
    %dma_start3A_589 = arith.constant 0 : i32
    %dma_start3A_590 = arith.constant 0 : i32
    %dma_start3A_591 = tpu.memref_slice %arg3[%dma_start3A_582, %dma_start3A_589, %dma_start3A_590] : memref<2x8000x128xf32, #tpu.memory_space<vmem>> -> memref<1x8000x128xf32, #tpu.memory_space<vmem>>
    %dma_start3A_592 = tpu.memref_squeeze %dma_start3A_591 : memref<1x8000x128xf32, #tpu.memory_space<vmem>> -> memref<8000x128xf32, #tpu.memory_space<vmem>>
    tpu.enqueue_dma source(%dma_start3A_592 : memref<8000x128xf32, #tpu.memory_space<vmem>>) target(%dma_start3A_588 : memref<8000x128xf32, #tpu.memory_space<hbm>>) target_semaphore(%dma_start3A_585 : memref<!tpu.dma_semaphore, #tpu.memory_space<semaphore_mem>>)
    %dma_start3A_593 = arith.constant 1 : i32
    %dma_start3A_594 = arith.constant 1 : i32
    %dma_start3A_595 = tpu.memref_slice %arg6[%dma_start3A_594] : memref<2x!tpu.dma_semaphore, #tpu.memory_space<semaphore_mem>> -> memref<1x!tpu.dma_semaphore, #tpu.memory_space<semaphore_mem>>
    %dma_start3A_596 = tpu.memref_squeeze %dma_start3A_595 : memref<1x!tpu.dma_semaphore, #tpu.memory_space<semaphore_mem>> -> memref<!tpu.dma_semaphore, #tpu.memory_space<semaphore_mem>>
    %dma_start3A_597 = arith.constant 0 : i32
    %dma_start3A_598 = arith.constant 0 : i32
    %dma_start3A_599 = tpu.memref_slice %arg2[%dma_start3A_593, %dma_start3A_597, %dma_start3A_598] : memref<2x32x32000xf32, #tpu.memory_space<vmem>> -> memref<1x32x32000xf32, #tpu.memory_space<vmem>>
    %dma_start3A_600 = tpu.memref_squeeze %dma_start3A_599 : memref<1x32x32000xf32, #tpu.memory_space<vmem>> -> memref<32x32000xf32, #tpu.memory_space<vmem>>
    %dma_start3A_601 = arith.constant 0 : i32
    %dma_start3A_602 = arith.constant 288000 : i32
    %dma_start3A_603 = tpu.memref_slice %arg0[%dma_start3A_601, %dma_start3A_602] : memref<32x1000000xf32, #tpu.memory_space<hbm>> -> memref<32x32000xf32, #tpu.memory_space<hbm>>
    tpu.enqueue_dma source(%dma_start3A_603 : memref<32x32000xf32, #tpu.memory_space<hbm>>) target(%dma_start3A_600 : memref<32x32000xf32, #tpu.memory_space<vmem>>) target_semaphore(%dma_start3A_596 : memref<!tpu.dma_semaphore, #tpu.memory_space<semaphore_mem>>)
    %dma_wait3A_604 = arith.constant 0 : i32
    %dma_wait3A_605 = arith.constant 0 : i32
    %dma_wait3A_606 = tpu.memref_slice %arg6[%dma_wait3A_605] : memref<2x!tpu.dma_semaphore, #tpu.memory_space<semaphore_mem>> -> memref<1x!tpu.dma_semaphore, #tpu.memory_space<semaphore_mem>>
    %dma_wait3A_607 = tpu.memref_squeeze %dma_wait3A_606 : memref<1x!tpu.dma_semaphore, #tpu.memory_space<semaphore_mem>> -> memref<!tpu.dma_semaphore, #tpu.memory_space<semaphore_mem>>
    %dma_wait3A_608 = arith.constant 0 : i32
    %dma_wait3A_609 = arith.constant 0 : i32
    %dma_wait3A_610 = tpu.memref_slice %arg2[%dma_wait3A_604, %dma_wait3A_608, %dma_wait3A_609] : memref<2x32x32000xf32, #tpu.memory_space<vmem>> -> memref<1x32x32000xf32, #tpu.memory_space<vmem>>
    %dma_wait3A_611 = tpu.memref_squeeze %dma_wait3A_610 : memref<1x32x32000xf32, #tpu.memory_space<vmem>> -> memref<32x32000xf32, #tpu.memory_space<vmem>>
    %dma_wait3A_612 = arith.constant 0 : i32
    %dma_wait3A_613 = arith.constant 256000 : i32
    %dma_wait3A_614 = tpu.memref_slice %arg0[%dma_wait3A_612, %dma_wait3A_613] : memref<32x1000000xf32, #tpu.memory_space<hbm>> -> memref<32x32000xf32, #tpu.memory_space<hbm>>
    tpu.wait_dma2 semaphore(%dma_wait3A_607 : memref<!tpu.dma_semaphore, #tpu.memory_space<semaphore_mem>>) src(%dma_wait3A_614 : memref<32x32000xf32, #tpu.memory_space<hbm>>) dst(%dma_wait3A_611 : memref<32x32000xf32, #tpu.memory_space<vmem>>)
    %get3A_615 = arith.constant 0 : index
    %get3A_616 = arith.constant 0 : index
    %get3A_617 = arith.constant 0 : index
    %get3A_618 = vector.load %arg2[%get3A_615, %get3A_616, %get3A_617] : memref<2x32x32000xf32, #tpu.memory_space<vmem>>, vector<1x32x32000xf32>
    %get3A_619 = vector.shape_cast %get3A_618 : vector<1x32x32000xf32> to vector<32x32000xf32>
    %slice3A_620 = vector.extract_strided_slice %get3A_619 {offsets = [0, 0], sizes = [32, 8000], strides = [1, 1]} : vector<32x32000xf32> to vector<32x8000xf32>
    %get3A_621 = arith.constant 0 : index
    %get3A_622 = arith.constant 0 : index
    %get3A_623 = arith.constant 0 : index
    %get3A_624 = vector.load %arg2[%get3A_621, %get3A_622, %get3A_623] : memref<2x32x32000xf32, #tpu.memory_space<vmem>>, vector<1x32x32000xf32>
    %get3A_625 = vector.shape_cast %get3A_624 : vector<1x32x32000xf32> to vector<32x32000xf32>
    %slice3A_626 = vector.extract_strided_slice %get3A_625 {offsets = [0, 8000], sizes = [32, 8000], strides = [1, 1]} : vector<32x32000xf32> to vector<32x8000xf32>
    %get3A_627 = arith.constant 0 : index
    %get3A_628 = arith.constant 0 : index
    %get3A_629 = arith.constant 0 : index
    %get3A_630 = vector.load %arg2[%get3A_627, %get3A_628, %get3A_629] : memref<2x32x32000xf32, #tpu.memory_space<vmem>>, vector<1x32x32000xf32>
    %get3A_631 = vector.shape_cast %get3A_630 : vector<1x32x32000xf32> to vector<32x32000xf32>
    %slice3A_632 = vector.extract_strided_slice %get3A_631 {offsets = [0, 16000], sizes = [32, 8000], strides = [1, 1]} : vector<32x32000xf32> to vector<32x8000xf32>
    %get3A_633 = arith.constant 0 : index
    %get3A_634 = arith.constant 0 : index
    %get3A_635 = arith.constant 0 : index
    %get3A_636 = vector.load %arg2[%get3A_633, %get3A_634, %get3A_635] : memref<2x32x32000xf32, #tpu.memory_space<vmem>>, vector<1x32x32000xf32>
    %get3A_637 = vector.shape_cast %get3A_636 : vector<1x32x32000xf32> to vector<32x32000xf32>
    %slice3A_638 = vector.extract_strided_slice %get3A_637 {offsets = [0, 24000], sizes = [32, 8000], strides = [1, 1]} : vector<32x32000xf32> to vector<32x8000xf32>
    %concatenate3A_639 = tpu.concatenate %slice3A_620, %slice3A_626, %slice3A_632, %slice3A_638 in 0 : vector<32x8000xf32>, vector<32x8000xf32>, vector<32x8000xf32>, vector<32x8000xf32> -> vector<128x8000xf32>
    %transpose3A_640 = tpu.transpose %concatenate3A_639, [1, 0] : vector<128x8000xf32> -> vector<8000x128xf32>
    %dma_wait3A_641 = arith.constant 0 : i32
    %dma_wait3A_642 = arith.constant 0 : i32
    %dma_wait3A_643 = tpu.memref_slice %arg7[%dma_wait3A_642] : memref<2x!tpu.dma_semaphore, #tpu.memory_space<semaphore_mem>> -> memref<1x!tpu.dma_semaphore, #tpu.memory_space<semaphore_mem>>
    %dma_wait3A_644 = tpu.memref_squeeze %dma_wait3A_643 : memref<1x!tpu.dma_semaphore, #tpu.memory_space<semaphore_mem>> -> memref<!tpu.dma_semaphore, #tpu.memory_space<semaphore_mem>>
    %dma_wait3A_645 = arith.constant 48000 : i32
    %dma_wait3A_646 = arith.constant 0 : i32
    %dma_wait3A_647 = tpu.memref_slice %arg1[%dma_wait3A_645, %dma_wait3A_646] : memref<250000x128xf32, #tpu.memory_space<hbm>> -> memref<8000x128xf32, #tpu.memory_space<hbm>>
    %dma_wait3A_648 = arith.constant 0 : i32
    %dma_wait3A_649 = arith.constant 0 : i32
    %dma_wait3A_650 = tpu.memref_slice %arg3[%dma_wait3A_641, %dma_wait3A_648, %dma_wait3A_649] : memref<2x8000x128xf32, #tpu.memory_space<vmem>> -> memref<1x8000x128xf32, #tpu.memory_space<vmem>>
    %dma_wait3A_651 = tpu.memref_squeeze %dma_wait3A_650 : memref<1x8000x128xf32, #tpu.memory_space<vmem>> -> memref<8000x128xf32, #tpu.memory_space<vmem>>
    tpu.wait_dma2 semaphore(%dma_wait3A_644 : memref<!tpu.dma_semaphore, #tpu.memory_space<semaphore_mem>>) src(%dma_wait3A_651 : memref<8000x128xf32, #tpu.memory_space<vmem>>) dst(%dma_wait3A_647 : memref<8000x128xf32, #tpu.memory_space<hbm>>)
    %swap3A_652 = arith.constant 0 : index
    %swap3A_653 = arith.constant 0 : index
    %swap3A_654 = arith.constant 0 : index
    %swap3A_655 = vector.load %arg3[%swap3A_652, %swap3A_653, %swap3A_654] : memref<2x8000x128xf32, #tpu.memory_space<vmem>>, vector<1x8000x128xf32>
    %swap3A_656 = vector.shape_cast %swap3A_655 : vector<1x8000x128xf32> to vector<8000x128xf32>
    %swap3A_657 = vector.shape_cast %transpose3A_640 : vector<8000x128xf32> to vector<1x8000x128xf32>
    tpu.vector_store %arg3[%swap3A_652, %swap3A_653, %swap3A_654], %swap3A_657 {strides = array<i32>} : memref<2x8000x128xf32, #tpu.memory_space<vmem>>, vector<1x8000x128xf32>,
    %dma_start3A_658 = arith.constant 0 : i32
    %dma_start3A_659 = arith.constant 0 : i32
    %dma_start3A_660 = tpu.memref_slice %arg7[%dma_start3A_659] : memref<2x!tpu.dma_semaphore, #tpu.memory_space<semaphore_mem>> -> memref<1x!tpu.dma_semaphore, #tpu.memory_space<semaphore_mem>>
    %dma_start3A_661 = tpu.memref_squeeze %dma_start3A_660 : memref<1x!tpu.dma_semaphore, #tpu.memory_space<semaphore_mem>> -> memref<!tpu.dma_semaphore, #tpu.memory_space<semaphore_mem>>
    %dma_start3A_662 = arith.constant 64000 : i32
    %dma_start3A_663 = arith.constant 0 : i32
    %dma_start3A_664 = tpu.memref_slice %arg1[%dma_start3A_662, %dma_start3A_663] : memref<250000x128xf32, #tpu.memory_space<hbm>> -> memref<8000x128xf32, #tpu.memory_space<hbm>>
    %dma_start3A_665 = arith.constant 0 : i32
    %dma_start3A_666 = arith.constant 0 : i32
    %dma_start3A_667 = tpu.memref_slice %arg3[%dma_start3A_658, %dma_start3A_665, %dma_start3A_666] : memref<2x8000x128xf32, #tpu.memory_space<vmem>> -> memref<1x8000x128xf32, #tpu.memory_space<vmem>>
    %dma_start3A_668 = tpu.memref_squeeze %dma_start3A_667 : memref<1x8000x128xf32, #tpu.memory_space<vmem>> -> memref<8000x128xf32, #tpu.memory_space<vmem>>
    tpu.enqueue_dma source(%dma_start3A_668 : memref<8000x128xf32, #tpu.memory_space<vmem>>) target(%dma_start3A_664 : memref<8000x128xf32, #tpu.memory_space<hbm>>) target_semaphore(%dma_start3A_661 : memref<!tpu.dma_semaphore, #tpu.memory_space<semaphore_mem>>)
    %dma_start3A_669 = arith.constant 0 : i32
    %dma_start3A_670 = arith.constant 0 : i32
    %dma_start3A_671 = tpu.memref_slice %arg6[%dma_start3A_670] : memref<2x!tpu.dma_semaphore, #tpu.memory_space<semaphore_mem>> -> memref<1x!tpu.dma_semaphore, #tpu.memory_space<semaphore_mem>>
    %dma_start3A_672 = tpu.memref_squeeze %dma_start3A_671 : memref<1x!tpu.dma_semaphore, #tpu.memory_space<semaphore_mem>> -> memref<!tpu.dma_semaphore, #tpu.memory_space<semaphore_mem>>
    %dma_start3A_673 = arith.constant 0 : i32
    %dma_start3A_674 = arith.constant 0 : i32
    %dma_start3A_675 = tpu.memref_slice %arg2[%dma_start3A_669, %dma_start3A_673, %dma_start3A_674] : memref<2x32x32000xf32, #tpu.memory_space<vmem>> -> memref<1x32x32000xf32, #tpu.memory_space<vmem>>
    %dma_start3A_676 = tpu.memref_squeeze %dma_start3A_675 : memref<1x32x32000xf32, #tpu.memory_space<vmem>> -> memref<32x32000xf32, #tpu.memory_space<vmem>>
    %dma_start3A_677 = arith.constant 0 : i32
    %dma_start3A_678 = arith.constant 320000 : i32
    %dma_start3A_679 = tpu.memref_slice %arg0[%dma_start3A_677, %dma_start3A_678] : memref<32x1000000xf32, #tpu.memory_space<hbm>> -> memref<32x32000xf32, #tpu.memory_space<hbm>>
    tpu.enqueue_dma source(%dma_start3A_679 : memref<32x32000xf32, #tpu.memory_space<hbm>>) target(%dma_start3A_676 : memref<32x32000xf32, #tpu.memory_space<vmem>>) target_semaphore(%dma_start3A_672 : memref<!tpu.dma_semaphore, #tpu.memory_space<semaphore_mem>>)
    %dma_wait3A_680 = arith.constant 1 : i32
    %dma_wait3A_681 = arith.constant 1 : i32
    %dma_wait3A_682 = tpu.memref_slice %arg6[%dma_wait3A_681] : memref<2x!tpu.dma_semaphore, #tpu.memory_space<semaphore_mem>> -> memref<1x!tpu.dma_semaphore, #tpu.memory_space<semaphore_mem>>
    %dma_wait3A_683 = tpu.memref_squeeze %dma_wait3A_682 : memref<1x!tpu.dma_semaphore, #tpu.memory_space<semaphore_mem>> -> memref<!tpu.dma_semaphore, #tpu.memory_space<semaphore_mem>>
    %dma_wait3A_684 = arith.constant 0 : i32
    %dma_wait3A_685 = arith.constant 0 : i32
    %dma_wait3A_686 = tpu.memref_slice %arg2[%dma_wait3A_680, %dma_wait3A_684, %dma_wait3A_685] : memref<2x32x32000xf32, #tpu.memory_space<vmem>> -> memref<1x32x32000xf32, #tpu.memory_space<vmem>>
    %dma_wait3A_687 = tpu.memref_squeeze %dma_wait3A_686 : memref<1x32x32000xf32, #tpu.memory_space<vmem>> -> memref<32x32000xf32, #tpu.memory_space<vmem>>
    %dma_wait3A_688 = arith.constant 0 : i32
    %dma_wait3A_689 = arith.constant 288000 : i32
    %dma_wait3A_690 = tpu.memref_slice %arg0[%dma_wait3A_688, %dma_wait3A_689] : memref<32x1000000xf32, #tpu.memory_space<hbm>> -> memref<32x32000xf32, #tpu.memory_space<hbm>>
    tpu.wait_dma2 semaphore(%dma_wait3A_683 : memref<!tpu.dma_semaphore, #tpu.memory_space<semaphore_mem>>) src(%dma_wait3A_690 : memref<32x32000xf32, #tpu.memory_space<hbm>>) dst(%dma_wait3A_687 : memref<32x32000xf32, #tpu.memory_space<vmem>>)
    %get3A_691 = arith.constant 1 : index
    %get3A_692 = arith.constant 0 : index
    %get3A_693 = arith.constant 0 : index
    %get3A_694 = vector.load %arg2[%get3A_691, %get3A_692, %get3A_693] : memref<2x32x32000xf32, #tpu.memory_space<vmem>>, vector<1x32x32000xf32>
    %get3A_695 = vector.shape_cast %get3A_694 : vector<1x32x32000xf32> to vector<32x32000xf32>
    %slice3A_696 = vector.extract_strided_slice %get3A_695 {offsets = [0, 0], sizes = [32, 8000], strides = [1, 1]} : vector<32x32000xf32> to vector<32x8000xf32>
    %get3A_697 = arith.constant 1 : index
    %get3A_698 = arith.constant 0 : index
    %get3A_699 = arith.constant 0 : index
    %get3A_700 = vector.load %arg2[%get3A_697, %get3A_698, %get3A_699] : memref<2x32x32000xf32, #tpu.memory_space<vmem>>, vector<1x32x32000xf32>
    %get3A_701 = vector.shape_cast %get3A_700 : vector<1x32x32000xf32> to vector<32x32000xf32>
    %slice3A_702 = vector.extract_strided_slice %get3A_701 {offsets = [0, 8000], sizes = [32, 8000], strides = [1, 1]} : vector<32x32000xf32> to vector<32x8000xf32>
    %get3A_703 = arith.constant 1 : index
    %get3A_704 = arith.constant 0 : index
    %get3A_705 = arith.constant 0 : index
    %get3A_706 = vector.load %arg2[%get3A_703, %get3A_704, %get3A_705] : memref<2x32x32000xf32, #tpu.memory_space<vmem>>, vector<1x32x32000xf32>
    %get3A_707 = vector.shape_cast %get3A_706 : vector<1x32x32000xf32> to vector<32x32000xf32>
    %slice3A_708 = vector.extract_strided_slice %get3A_707 {offsets = [0, 16000], sizes = [32, 8000], strides = [1, 1]} : vector<32x32000xf32> to vector<32x8000xf32>
    %get3A_709 = arith.constant 1 : index
    %get3A_710 = arith.constant 0 : index
    %get3A_711 = arith.constant 0 : index
    %get3A_712 = vector.load %arg2[%get3A_709, %get3A_710, %get3A_711] : memref<2x32x32000xf32, #tpu.memory_space<vmem>>, vector<1x32x32000xf32>
    %get3A_713 = vector.shape_cast %get3A_712 : vector<1x32x32000xf32> to vector<32x32000xf32>
    %slice3A_714 = vector.extract_strided_slice %get3A_713 {offsets = [0, 24000], sizes = [32, 8000], strides = [1, 1]} : vector<32x32000xf32> to vector<32x8000xf32>
    %concatenate3A_715 = tpu.concatenate %slice3A_696, %slice3A_702, %slice3A_708, %slice3A_714 in 0 : vector<32x8000xf32>, vector<32x8000xf32>, vector<32x8000xf32>, vector<32x8000xf32> -> vector<128x8000xf32>
    %transpose3A_716 = tpu.transpose %concatenate3A_715, [1, 0] : vector<128x8000xf32> -> vector<8000x128xf32>
    %dma_wait3A_717 = arith.constant 1 : i32
    %dma_wait3A_718 = arith.constant 1 : i32
    %dma_wait3A_719 = tpu.memref_slice %arg7[%dma_wait3A_718] : memref<2x!tpu.dma_semaphore, #tpu.memory_space<semaphore_mem>> -> memref<1x!tpu.dma_semaphore, #tpu.memory_space<semaphore_mem>>
    %dma_wait3A_720 = tpu.memref_squeeze %dma_wait3A_719 : memref<1x!tpu.dma_semaphore, #tpu.memory_space<semaphore_mem>> -> memref<!tpu.dma_semaphore, #tpu.memory_space<semaphore_mem>>
    %dma_wait3A_721 = arith.constant 56000 : i32
    %dma_wait3A_722 = arith.constant 0 : i32
    %dma_wait3A_723 = tpu.memref_slice %arg1[%dma_wait3A_721, %dma_wait3A_722] : memref<250000x128xf32, #tpu.memory_space<hbm>> -> memref<8000x128xf32, #tpu.memory_space<hbm>>
    %dma_wait3A_724 = arith.constant 0 : i32
    %dma_wait3A_725 = arith.constant 0 : i32
    %dma_wait3A_726 = tpu.memref_slice %arg3[%dma_wait3A_717, %dma_wait3A_724, %dma_wait3A_725] : memref<2x8000x128xf32, #tpu.memory_space<vmem>> -> memref<1x8000x128xf32, #tpu.memory_space<vmem>>
    %dma_wait3A_727 = tpu.memref_squeeze %dma_wait3A_726 : memref<1x8000x128xf32, #tpu.memory_space<vmem>> -> memref<8000x128xf32, #tpu.memory_space<vmem>>
    tpu.wait_dma2 semaphore(%dma_wait3A_720 : memref<!tpu.dma_semaphore, #tpu.memory_space<semaphore_mem>>) src(%dma_wait3A_727 : memref<8000x128xf32, #tpu.memory_space<vmem>>) dst(%dma_wait3A_723 : memref<8000x128xf32, #tpu.memory_space<hbm>>)
    %swap3A_728 = arith.constant 1 : index
    %swap3A_729 = arith.constant 0 : index
    %swap3A_730 = arith.constant 0 : index
    %swap3A_731 = vector.load %arg3[%swap3A_728, %swap3A_729, %swap3A_730] : memref<2x8000x128xf32, #tpu.memory_space<vmem>>, vector<1x8000x128xf32>
    %swap3A_732 = vector.shape_cast %swap3A_731 : vector<1x8000x128xf32> to vector<8000x128xf32>
    %swap3A_733 = vector.shape_cast %transpose3A_716 : vector<8000x128xf32> to vector<1x8000x128xf32>
    tpu.vector_store %arg3[%swap3A_728, %swap3A_729, %swap3A_730], %swap3A_733 {strides = array<i32>} : memref<2x8000x128xf32, #tpu.memory_space<vmem>>, vector<1x8000x128xf32>,
    %dma_start3A_734 = arith.constant 1 : i32
    %dma_start3A_735 = arith.constant 1 : i32
    %dma_start3A_736 = tpu.memref_slice %arg7[%dma_start3A_735] : memref<2x!tpu.dma_semaphore, #tpu.memory_space<semaphore_mem>> -> memref<1x!tpu.dma_semaphore, #tpu.memory_space<semaphore_mem>>
    %dma_start3A_737 = tpu.memref_squeeze %dma_start3A_736 : memref<1x!tpu.dma_semaphore, #tpu.memory_space<semaphore_mem>> -> memref<!tpu.dma_semaphore, #tpu.memory_space<semaphore_mem>>
    %dma_start3A_738 = arith.constant 72000 : i32
    %dma_start3A_739 = arith.constant 0 : i32
    %dma_start3A_740 = tpu.memref_slice %arg1[%dma_start3A_738, %dma_start3A_739] : memref<250000x128xf32, #tpu.memory_space<hbm>> -> memref<8000x128xf32, #tpu.memory_space<hbm>>
    %dma_start3A_741 = arith.constant 0 : i32
    %dma_start3A_742 = arith.constant 0 : i32
    %dma_start3A_743 = tpu.memref_slice %arg3[%dma_start3A_734, %dma_start3A_741, %dma_start3A_742] : memref<2x8000x128xf32, #tpu.memory_space<vmem>> -> memref<1x8000x128xf32, #tpu.memory_space<vmem>>
    %dma_start3A_744 = tpu.memref_squeeze %dma_start3A_743 : memref<1x8000x128xf32, #tpu.memory_space<vmem>> -> memref<8000x128xf32, #tpu.memory_space<vmem>>
    tpu.enqueue_dma source(%dma_start3A_744 : memref<8000x128xf32, #tpu.memory_space<vmem>>) target(%dma_start3A_740 : memref<8000x128xf32, #tpu.memory_space<hbm>>) target_semaphore(%dma_start3A_737 : memref<!tpu.dma_semaphore, #tpu.memory_space<semaphore_mem>>)
    %dma_start3A_745 = arith.constant 1 : i32
    %dma_start3A_746 = arith.constant 1 : i32
    %dma_start3A_747 = tpu.memref_slice %arg6[%dma_start3A_746] : memref<2x!tpu.dma_semaphore, #tpu.memory_space<semaphore_mem>> -> memref<1x!tpu.dma_semaphore, #tpu.memory_space<semaphore_mem>>
    %dma_start3A_748 = tpu.memref_squeeze %dma_start3A_747 : memref<1x!tpu.dma_semaphore, #tpu.memory_space<semaphore_mem>> -> memref<!tpu.dma_semaphore, #tpu.memory_space<semaphore_mem>>
    %dma_start3A_749 = arith.constant 0 : i32
    %dma_start3A_750 = arith.constant 0 : i32
    %dma_start3A_751 = tpu.memref_slice %arg2[%dma_start3A_745, %dma_start3A_749, %dma_start3A_750] : memref<2x32x32000xf32, #tpu.memory_space<vmem>> -> memref<1x32x32000xf32, #tpu.memory_space<vmem>>
    %dma_start3A_752 = tpu.memref_squeeze %dma_start3A_751 : memref<1x32x32000xf32, #tpu.memory_space<vmem>> -> memref<32x32000xf32, #tpu.memory_space<vmem>>
    %dma_start3A_753 = arith.constant 0 : i32
    %dma_start3A_754 = arith.constant 352000 : i32
    %dma_start3A_755 = tpu.memref_slice %arg0[%dma_start3A_753, %dma_start3A_754] : memref<32x1000000xf32, #tpu.memory_space<hbm>> -> memref<32x32000xf32, #tpu.memory_space<hbm>>
    tpu.enqueue_dma source(%dma_start3A_755 : memref<32x32000xf32, #tpu.memory_space<hbm>>) target(%dma_start3A_752 : memref<32x32000xf32, #tpu.memory_space<vmem>>) target_semaphore(%dma_start3A_748 : memref<!tpu.dma_semaphore, #tpu.memory_space<semaphore_mem>>)
    %dma_wait3A_756 = arith.constant 0 : i32
    %dma_wait3A_757 = arith.constant 0 : i32
    %dma_wait3A_758 = tpu.memref_slice %arg6[%dma_wait3A_757] : memref<2x!tpu.dma_semaphore, #tpu.memory_space<semaphore_mem>> -> memref<1x!tpu.dma_semaphore, #tpu.memory_space<semaphore_mem>>
    %dma_wait3A_759 = tpu.memref_squeeze %dma_wait3A_758 : memref<1x!tpu.dma_semaphore, #tpu.memory_space<semaphore_mem>> -> memref<!tpu.dma_semaphore, #tpu.memory_space<semaphore_mem>>
    %dma_wait3A_760 = arith.constant 0 : i32
    %dma_wait3A_761 = arith.constant 0 : i32
    %dma_wait3A_762 = tpu.memref_slice %arg2[%dma_wait3A_756, %dma_wait3A_760, %dma_wait3A_761] : memref<2x32x32000xf32, #tpu.memory_space<vmem>> -> memref<1x32x32000xf32, #tpu.memory_space<vmem>>
    %dma_wait3A_763 = tpu.memref_squeeze %dma_wait3A_762 : memref<1x32x32000xf32, #tpu.memory_space<vmem>> -> memref<32x32000xf32, #tpu.memory_space<vmem>>
    %dma_wait3A_764 = arith.constant 0 : i32
    %dma_wait3A_765 = arith.constant 320000 : i32
    %dma_wait3A_766 = tpu.memref_slice %arg0[%dma_wait3A_764, %dma_wait3A_765] : memref<32x1000000xf32, #tpu.memory_space<hbm>> -> memref<32x32000xf32, #tpu.memory_space<hbm>>
    tpu.wait_dma2 semaphore(%dma_wait3A_759 : memref<!tpu.dma_semaphore, #tpu.memory_space<semaphore_mem>>) src(%dma_wait3A_766 : memref<32x32000xf32, #tpu.memory_space<hbm>>) dst(%dma_wait3A_763 : memref<32x32000xf32, #tpu.memory_space<vmem>>)
    %get3A_767 = arith.constant 0 : index
    %get3A_768 = arith.constant 0 : index
    %get3A_769 = arith.constant 0 : index
    %get3A_770 = vector.load %arg2[%get3A_767, %get3A_768, %get3A_769] : memref<2x32x32000xf32, #tpu.memory_space<vmem>>, vector<1x32x32000xf32>
    %get3A_771 = vector.shape_cast %get3A_770 : vector<1x32x32000xf32> to vector<32x32000xf32>
    %slice3A_772 = vector.extract_strided_slice %get3A_771 {offsets = [0, 0], sizes = [32, 8000], strides = [1, 1]} : vector<32x32000xf32> to vector<32x8000xf32>
    %get3A_773 = arith.constant 0 : index
    %get3A_774 = arith.constant 0 : index
    %get3A_775 = arith.constant 0 : index
    %get3A_776 = vector.load %arg2[%get3A_773, %get3A_774, %get3A_775] : memref<2x32x32000xf32, #tpu.memory_space<vmem>>, vector<1x32x32000xf32>
    %get3A_777 = vector.shape_cast %get3A_776 : vector<1x32x32000xf32> to vector<32x32000xf32>
    %slice3A_778 = vector.extract_strided_slice %get3A_777 {offsets = [0, 8000], sizes = [32, 8000], strides = [1, 1]} : vector<32x32000xf32> to vector<32x8000xf32>
    %get3A_779 = arith.constant 0 : index
    %get3A_780 = arith.constant 0 : index
    %get3A_781 = arith.constant 0 : index
    %get3A_782 = vector.load %arg2[%get3A_779, %get3A_780, %get3A_781] : memref<2x32x32000xf32, #tpu.memory_space<vmem>>, vector<1x32x32000xf32>
    %get3A_783 = vector.shape_cast %get3A_782 : vector<1x32x32000xf32> to vector<32x32000xf32>
    %slice3A_784 = vector.extract_strided_slice %get3A_783 {offsets = [0, 16000], sizes = [32, 8000], strides = [1, 1]} : vector<32x32000xf32> to vector<32x8000xf32>
    %get3A_785 = arith.constant 0 : index
    %get3A_786 = arith.constant 0 : index
    %get3A_787 = arith.constant 0 : index
    %get3A_788 = vector.load %arg2[%get3A_785, %get3A_786, %get3A_787] : memref<2x32x32000xf32, #tpu.memory_space<vmem>>, vector<1x32x32000xf32>
    %get3A_789 = vector.shape_cast %get3A_788 : vector<1x32x32000xf32> to vector<32x32000xf32>
    %slice3A_790 = vector.extract_strided_slice %get3A_789 {offsets = [0, 24000], sizes = [32, 8000], strides = [1, 1]} : vector<32x32000xf32> to vector<32x8000xf32>
    %concatenate3A_791 = tpu.concatenate %slice3A_772, %slice3A_778, %slice3A_784, %slice3A_790 in 0 : vector<32x8000xf32>, vector<32x8000xf32>, vector<32x8000xf32>, vector<32x8000xf32> -> vector<128x8000xf32>
    %transpose3A_792 = tpu.transpose %concatenate3A_791, [1, 0] : vector<128x8000xf32> -> vector<8000x128xf32>
    %dma_wait3A_793 = arith.constant 0 : i32
    %dma_wait3A_794 = arith.constant 0 : i32
    %dma_wait3A_795 = tpu.memref_slice %arg7[%dma_wait3A_794] : memref<2x!tpu.dma_semaphore, #tpu.memory_space<semaphore_mem>> -> memref<1x!tpu.dma_semaphore, #tpu.memory_space<semaphore_mem>>
    %dma_wait3A_796 = tpu.memref_squeeze %dma_wait3A_795 : memref<1x!tpu.dma_semaphore, #tpu.memory_space<semaphore_mem>> -> memref<!tpu.dma_semaphore, #tpu.memory_space<semaphore_mem>>
    %dma_wait3A_797 = arith.constant 64000 : i32
    %dma_wait3A_798 = arith.constant 0 : i32
    %dma_wait3A_799 = tpu.memref_slice %arg1[%dma_wait3A_797, %dma_wait3A_798] : memref<250000x128xf32, #tpu.memory_space<hbm>> -> memref<8000x128xf32, #tpu.memory_space<hbm>>
    %dma_wait3A_800 = arith.constant 0 : i32
    %dma_wait3A_801 = arith.constant 0 : i32
    %dma_wait3A_802 = tpu.memref_slice %arg3[%dma_wait3A_793, %dma_wait3A_800, %dma_wait3A_801] : memref<2x8000x128xf32, #tpu.memory_space<vmem>> -> memref<1x8000x128xf32, #tpu.memory_space<vmem>>
    %dma_wait3A_803 = tpu.memref_squeeze %dma_wait3A_802 : memref<1x8000x128xf32, #tpu.memory_space<vmem>> -> memref<8000x128xf32, #tpu.memory_space<vmem>>
    tpu.wait_dma2 semaphore(%dma_wait3A_796 : memref<!tpu.dma_semaphore, #tpu.memory_space<semaphore_mem>>) src(%dma_wait3A_803 : memref<8000x128xf32, #tpu.memory_space<vmem>>) dst(%dma_wait3A_799 : memref<8000x128xf32, #tpu.memory_space<hbm>>)
    %swap3A_804 = arith.constant 0 : index
    %swap3A_805 = arith.constant 0 : index
    %swap3A_806 = arith.constant 0 : index
    %swap3A_807 = vector.load %arg3[%swap3A_804, %swap3A_805, %swap3A_806] : memref<2x8000x128xf32, #tpu.memory_space<vmem>>, vector<1x8000x128xf32>
    %swap3A_808 = vector.shape_cast %swap3A_807 : vector<1x8000x128xf32> to vector<8000x128xf32>
    %swap3A_809 = vector.shape_cast %transpose3A_792 : vector<8000x128xf32> to vector<1x8000x128xf32>
    tpu.vector_store %arg3[%swap3A_804, %swap3A_805, %swap3A_806], %swap3A_809 {strides = array<i32>} : memref<2x8000x128xf32, #tpu.memory_space<vmem>>, vector<1x8000x128xf32>,
    %dma_start3A_810 = arith.constant 0 : i32
    %dma_start3A_811 = arith.constant 0 : i32
    %dma_start3A_812 = tpu.memref_slice %arg7[%dma_start3A_811] : memref<2x!tpu.dma_semaphore, #tpu.memory_space<semaphore_mem>> -> memref<1x!tpu.dma_semaphore, #tpu.memory_space<semaphore_mem>>
    %dma_start3A_813 = tpu.memref_squeeze %dma_start3A_812 : memref<1x!tpu.dma_semaphore, #tpu.memory_space<semaphore_mem>> -> memref<!tpu.dma_semaphore, #tpu.memory_space<semaphore_mem>>
    %dma_start3A_814 = arith.constant 80000 : i32
    %dma_start3A_815 = arith.constant 0 : i32
    %dma_start3A_816 = tpu.memref_slice %arg1[%dma_start3A_814, %dma_start3A_815] : memref<250000x128xf32, #tpu.memory_space<hbm>> -> memref<8000x128xf32, #tpu.memory_space<hbm>>
    %dma_start3A_817 = arith.constant 0 : i32
    %dma_start3A_818 = arith.constant 0 : i32
    %dma_start3A_819 = tpu.memref_slice %arg3[%dma_start3A_810, %dma_start3A_817, %dma_start3A_818] : memref<2x8000x128xf32, #tpu.memory_space<vmem>> -> memref<1x8000x128xf32, #tpu.memory_space<vmem>>
    %dma_start3A_820 = tpu.memref_squeeze %dma_start3A_819 : memref<1x8000x128xf32, #tpu.memory_space<vmem>> -> memref<8000x128xf32, #tpu.memory_space<vmem>>
    tpu.enqueue_dma source(%dma_start3A_820 : memref<8000x128xf32, #tpu.memory_space<vmem>>) target(%dma_start3A_816 : memref<8000x128xf32, #tpu.memory_space<hbm>>) target_semaphore(%dma_start3A_813 : memref<!tpu.dma_semaphore, #tpu.memory_space<semaphore_mem>>)
    %dma_start3A_821 = arith.constant 0 : i32
    %dma_start3A_822 = arith.constant 0 : i32
    %dma_start3A_823 = tpu.memref_slice %arg6[%dma_start3A_822] : memref<2x!tpu.dma_semaphore, #tpu.memory_space<semaphore_mem>> -> memref<1x!tpu.dma_semaphore, #tpu.memory_space<semaphore_mem>>
    %dma_start3A_824 = tpu.memref_squeeze %dma_start3A_823 : memref<1x!tpu.dma_semaphore, #tpu.memory_space<semaphore_mem>> -> memref<!tpu.dma_semaphore, #tpu.memory_space<semaphore_mem>>
    %dma_start3A_825 = arith.constant 0 : i32
    %dma_start3A_826 = arith.constant 0 : i32
    %dma_start3A_827 = tpu.memref_slice %arg2[%dma_start3A_821, %dma_start3A_825, %dma_start3A_826] : memref<2x32x32000xf32, #tpu.memory_space<vmem>> -> memref<1x32x32000xf32, #tpu.memory_space<vmem>>
    %dma_start3A_828 = tpu.memref_squeeze %dma_start3A_827 : memref<1x32x32000xf32, #tpu.memory_space<vmem>> -> memref<32x32000xf32, #tpu.memory_space<vmem>>
    %dma_start3A_829 = arith.constant 0 : i32
    %dma_start3A_830 = arith.constant 384000 : i32
    %dma_start3A_831 = tpu.memref_slice %arg0[%dma_start3A_829, %dma_start3A_830] : memref<32x1000000xf32, #tpu.memory_space<hbm>> -> memref<32x32000xf32, #tpu.memory_space<hbm>>
    tpu.enqueue_dma source(%dma_start3A_831 : memref<32x32000xf32, #tpu.memory_space<hbm>>) target(%dma_start3A_828 : memref<32x32000xf32, #tpu.memory_space<vmem>>) target_semaphore(%dma_start3A_824 : memref<!tpu.dma_semaphore, #tpu.memory_space<semaphore_mem>>)
    %dma_wait3A_832 = arith.constant 1 : i32
    %dma_wait3A_833 = arith.constant 1 : i32
    %dma_wait3A_834 = tpu.memref_slice %arg6[%dma_wait3A_833] : memref<2x!tpu.dma_semaphore, #tpu.memory_space<semaphore_mem>> -> memref<1x!tpu.dma_semaphore, #tpu.memory_space<semaphore_mem>>
    %dma_wait3A_835 = tpu.memref_squeeze %dma_wait3A_834 : memref<1x!tpu.dma_semaphore, #tpu.memory_space<semaphore_mem>> -> memref<!tpu.dma_semaphore, #tpu.memory_space<semaphore_mem>>
    %dma_wait3A_836 = arith.constant 0 : i32
    %dma_wait3A_837 = arith.constant 0 : i32
    %dma_wait3A_838 = tpu.memref_slice %arg2[%dma_wait3A_832, %dma_wait3A_836, %dma_wait3A_837] : memref<2x32x32000xf32, #tpu.memory_space<vmem>> -> memref<1x32x32000xf32, #tpu.memory_space<vmem>>
    %dma_wait3A_839 = tpu.memref_squeeze %dma_wait3A_838 : memref<1x32x32000xf32, #tpu.memory_space<vmem>> -> memref<32x32000xf32, #tpu.memory_space<vmem>>
    %dma_wait3A_840 = arith.constant 0 : i32
    %dma_wait3A_841 = arith.constant 352000 : i32
    %dma_wait3A_842 = tpu.memref_slice %arg0[%dma_wait3A_840, %dma_wait3A_841] : memref<32x1000000xf32, #tpu.memory_space<hbm>> -> memref<32x32000xf32, #tpu.memory_space<hbm>>
    tpu.wait_dma2 semaphore(%dma_wait3A_835 : memref<!tpu.dma_semaphore, #tpu.memory_space<semaphore_mem>>) src(%dma_wait3A_842 : memref<32x32000xf32, #tpu.memory_space<hbm>>) dst(%dma_wait3A_839 : memref<32x32000xf32, #tpu.memory_space<vmem>>)
    %get3A_843 = arith.constant 1 : index
    %get3A_844 = arith.constant 0 : index
    %get3A_845 = arith.constant 0 : index
    %get3A_846 = vector.load %arg2[%get3A_843, %get3A_844, %get3A_845] : memref<2x32x32000xf32, #tpu.memory_space<vmem>>, vector<1x32x32000xf32>
    %get3A_847 = vector.shape_cast %get3A_846 : vector<1x32x32000xf32> to vector<32x32000xf32>
    %slice3A_848 = vector.extract_strided_slice %get3A_847 {offsets = [0, 0], sizes = [32, 8000], strides = [1, 1]} : vector<32x32000xf32> to vector<32x8000xf32>
    %get3A_849 = arith.constant 1 : index
    %get3A_850 = arith.constant 0 : index
    %get3A_851 = arith.constant 0 : index
    %get3A_852 = vector.load %arg2[%get3A_849, %get3A_850, %get3A_851] : memref<2x32x32000xf32, #tpu.memory_space<vmem>>, vector<1x32x32000xf32>
    %get3A_853 = vector.shape_cast %get3A_852 : vector<1x32x32000xf32> to vector<32x32000xf32>
    %slice3A_854 = vector.extract_strided_slice %get3A_853 {offsets = [0, 8000], sizes = [32, 8000], strides = [1, 1]} : vector<32x32000xf32> to vector<32x8000xf32>
    %get3A_855 = arith.constant 1 : index
    %get3A_856 = arith.constant 0 : index
    %get3A_857 = arith.constant 0 : index
    %get3A_858 = vector.load %arg2[%get3A_855, %get3A_856, %get3A_857] : memref<2x32x32000xf32, #tpu.memory_space<vmem>>, vector<1x32x32000xf32>
    %get3A_859 = vector.shape_cast %get3A_858 : vector<1x32x32000xf32> to vector<32x32000xf32>
    %slice3A_860 = vector.extract_strided_slice %get3A_859 {offsets = [0, 16000], sizes = [32, 8000], strides = [1, 1]} : vector<32x32000xf32> to vector<32x8000xf32>
    %get3A_861 = arith.constant 1 : index
    %get3A_862 = arith.constant 0 : index
    %get3A_863 = arith.constant 0 : index
    %get3A_864 = vector.load %arg2[%get3A_861, %get3A_862, %get3A_863] : memref<2x32x32000xf32, #tpu.memory_space<vmem>>, vector<1x32x32000xf32>
    %get3A_865 = vector.shape_cast %get3A_864 : vector<1x32x32000xf32> to vector<32x32000xf32>
    %slice3A_866 = vector.extract_strided_slice %get3A_865 {offsets = [0, 24000], sizes = [32, 8000], strides = [1, 1]} : vector<32x32000xf32> to vector<32x8000xf32>
    %concatenate3A_867 = tpu.concatenate %slice3A_848, %slice3A_854, %slice3A_860, %slice3A_866 in 0 : vector<32x8000xf32>, vector<32x8000xf32>, vector<32x8000xf32>, vector<32x8000xf32> -> vector<128x8000xf32>
    %transpose3A_868 = tpu.transpose %concatenate3A_867, [1, 0] : vector<128x8000xf32> -> vector<8000x128xf32>
    %dma_wait3A_869 = arith.constant 1 : i32
    %dma_wait3A_870 = arith.constant 1 : i32
    %dma_wait3A_871 = tpu.memref_slice %arg7[%dma_wait3A_870] : memref<2x!tpu.dma_semaphore, #tpu.memory_space<semaphore_mem>> -> memref<1x!tpu.dma_semaphore, #tpu.memory_space<semaphore_mem>>
    %dma_wait3A_872 = tpu.memref_squeeze %dma_wait3A_871 : memref<1x!tpu.dma_semaphore, #tpu.memory_space<semaphore_mem>> -> memref<!tpu.dma_semaphore, #tpu.memory_space<semaphore_mem>>
    %dma_wait3A_873 = arith.constant 72000 : i32
    %dma_wait3A_874 = arith.constant 0 : i32
    %dma_wait3A_875 = tpu.memref_slice %arg1[%dma_wait3A_873, %dma_wait3A_874] : memref<250000x128xf32, #tpu.memory_space<hbm>> -> memref<8000x128xf32, #tpu.memory_space<hbm>>
    %dma_wait3A_876 = arith.constant 0 : i32
    %dma_wait3A_877 = arith.constant 0 : i32
    %dma_wait3A_878 = tpu.memref_slice %arg3[%dma_wait3A_869, %dma_wait3A_876, %dma_wait3A_877] : memref<2x8000x128xf32, #tpu.memory_space<vmem>> -> memref<1x8000x128xf32, #tpu.memory_space<vmem>>
    %dma_wait3A_879 = tpu.memref_squeeze %dma_wait3A_878 : memref<1x8000x128xf32, #tpu.memory_space<vmem>> -> memref<8000x128xf32, #tpu.memory_space<vmem>>
    tpu.wait_dma2 semaphore(%dma_wait3A_872 : memref<!tpu.dma_semaphore, #tpu.memory_space<semaphore_mem>>) src(%dma_wait3A_879 : memref<8000x128xf32, #tpu.memory_space<vmem>>) dst(%dma_wait3A_875 : memref<8000x128xf32, #tpu.memory_space<hbm>>)
    %swap3A_880 = arith.constant 1 : index
    %swap3A_881 = arith.constant 0 : index
    %swap3A_882 = arith.constant 0 : index
    %swap3A_883 = vector.load %arg3[%swap3A_880, %swap3A_881, %swap3A_882] : memref<2x8000x128xf32, #tpu.memory_space<vmem>>, vector<1x8000x128xf32>
    %swap3A_884 = vector.shape_cast %swap3A_883 : vector<1x8000x128xf32> to vector<8000x128xf32>
    %swap3A_885 = vector.shape_cast %transpose3A_868 : vector<8000x128xf32> to vector<1x8000x128xf32>
    tpu.vector_store %arg3[%swap3A_880, %swap3A_881, %swap3A_882], %swap3A_885 {strides = array<i32>} : memref<2x8000x128xf32, #tpu.memory_space<vmem>>, vector<1x8000x128xf32>,
    %dma_start3A_886 = arith.constant 1 : i32
    %dma_start3A_887 = arith.constant 1 : i32
    %dma_start3A_888 = tpu.memref_slice %arg7[%dma_start3A_887] : memref<2x!tpu.dma_semaphore, #tpu.memory_space<semaphore_mem>> -> memref<1x!tpu.dma_semaphore, #tpu.memory_space<semaphore_mem>>
    %dma_start3A_889 = tpu.memref_squeeze %dma_start3A_888 : memref<1x!tpu.dma_semaphore, #tpu.memory_space<semaphore_mem>> -> memref<!tpu.dma_semaphore, #tpu.memory_space<semaphore_mem>>
    %dma_start3A_890 = arith.constant 88000 : i32
    %dma_start3A_891 = arith.constant 0 : i32
    %dma_start3A_892 = tpu.memref_slice %arg1[%dma_start3A_890, %dma_start3A_891] : memref<250000x128xf32, #tpu.memory_space<hbm>> -> memref<8000x128xf32, #tpu.memory_space<hbm>>
    %dma_start3A_893 = arith.constant 0 : i32
    %dma_start3A_894 = arith.constant 0 : i32
    %dma_start3A_895 = tpu.memref_slice %arg3[%dma_start3A_886, %dma_start3A_893, %dma_start3A_894] : memref<2x8000x128xf32, #tpu.memory_space<vmem>> -> memref<1x8000x128xf32, #tpu.memory_space<vmem>>
    %dma_start3A_896 = tpu.memref_squeeze %dma_start3A_895 : memref<1x8000x128xf32, #tpu.memory_space<vmem>> -> memref<8000x128xf32, #tpu.memory_space<vmem>>
    tpu.enqueue_dma source(%dma_start3A_896 : memref<8000x128xf32, #tpu.memory_space<vmem>>) target(%dma_start3A_892 : memref<8000x128xf32, #tpu.memory_space<hbm>>) target_semaphore(%dma_start3A_889 : memref<!tpu.dma_semaphore, #tpu.memory_space<semaphore_mem>>)
    %dma_start3A_897 = arith.constant 1 : i32
    %dma_start3A_898 = arith.constant 1 : i32
    %dma_start3A_899 = tpu.memref_slice %arg6[%dma_start3A_898] : memref<2x!tpu.dma_semaphore, #tpu.memory_space<semaphore_mem>> -> memref<1x!tpu.dma_semaphore, #tpu.memory_space<semaphore_mem>>
    %dma_start3A_900 = tpu.memref_squeeze %dma_start3A_899 : memref<1x!tpu.dma_semaphore, #tpu.memory_space<semaphore_mem>> -> memref<!tpu.dma_semaphore, #tpu.memory_space<semaphore_mem>>
    %dma_start3A_901 = arith.constant 0 : i32
    %dma_start3A_902 = arith.constant 0 : i32
    %dma_start3A_903 = tpu.memref_slice %arg2[%dma_start3A_897, %dma_start3A_901, %dma_start3A_902] : memref<2x32x32000xf32, #tpu.memory_space<vmem>> -> memref<1x32x32000xf32, #tpu.memory_space<vmem>>
    %dma_start3A_904 = tpu.memref_squeeze %dma_start3A_903 : memref<1x32x32000xf32, #tpu.memory_space<vmem>> -> memref<32x32000xf32, #tpu.memory_space<vmem>>
    %dma_start3A_905 = arith.constant 0 : i32
    %dma_start3A_906 = arith.constant 416000 : i32
    %dma_start3A_907 = tpu.memref_slice %arg0[%dma_start3A_905, %dma_start3A_906] : memref<32x1000000xf32, #tpu.memory_space<hbm>> -> memref<32x32000xf32, #tpu.memory_space<hbm>>
    tpu.enqueue_dma source(%dma_start3A_907 : memref<32x32000xf32, #tpu.memory_space<hbm>>) target(%dma_start3A_904 : memref<32x32000xf32, #tpu.memory_space<vmem>>) target_semaphore(%dma_start3A_900 : memref<!tpu.dma_semaphore, #tpu.memory_space<semaphore_mem>>)
    %dma_wait3A_908 = arith.constant 0 : i32
    %dma_wait3A_909 = arith.constant 0 : i32
    %dma_wait3A_910 = tpu.memref_slice %arg6[%dma_wait3A_909] : memref<2x!tpu.dma_semaphore, #tpu.memory_space<semaphore_mem>> -> memref<1x!tpu.dma_semaphore, #tpu.memory_space<semaphore_mem>>
    %dma_wait3A_911 = tpu.memref_squeeze %dma_wait3A_910 : memref<1x!tpu.dma_semaphore, #tpu.memory_space<semaphore_mem>> -> memref<!tpu.dma_semaphore, #tpu.memory_space<semaphore_mem>>
    %dma_wait3A_912 = arith.constant 0 : i32
    %dma_wait3A_913 = arith.constant 0 : i32
    %dma_wait3A_914 = tpu.memref_slice %arg2[%dma_wait3A_908, %dma_wait3A_912, %dma_wait3A_913] : memref<2x32x32000xf32, #tpu.memory_space<vmem>> -> memref<1x32x32000xf32, #tpu.memory_space<vmem>>
    %dma_wait3A_915 = tpu.memref_squeeze %dma_wait3A_914 : memref<1x32x32000xf32, #tpu.memory_space<vmem>> -> memref<32x32000xf32, #tpu.memory_space<vmem>>
    %dma_wait3A_916 = arith.constant 0 : i32
    %dma_wait3A_917 = arith.constant 384000 : i32
    %dma_wait3A_918 = tpu.memref_slice %arg0[%dma_wait3A_916, %dma_wait3A_917] : memref<32x1000000xf32, #tpu.memory_space<hbm>> -> memref<32x32000xf32, #tpu.memory_space<hbm>>
    tpu.wait_dma2 semaphore(%dma_wait3A_911 : memref<!tpu.dma_semaphore, #tpu.memory_space<semaphore_mem>>) src(%dma_wait3A_918 : memref<32x32000xf32, #tpu.memory_space<hbm>>) dst(%dma_wait3A_915 : memref<32x32000xf32, #tpu.memory_space<vmem>>)
    %get3A_919 = arith.constant 0 : index
    %get3A_920 = arith.constant 0 : index
    %get3A_921 = arith.constant 0 : index
    %get3A_922 = vector.load %arg2[%get3A_919, %get3A_920, %get3A_921] : memref<2x32x32000xf32, #tpu.memory_space<vmem>>, vector<1x32x32000xf32>
    %get3A_923 = vector.shape_cast %get3A_922 : vector<1x32x32000xf32> to vector<32x32000xf32>
    %slice3A_924 = vector.extract_strided_slice %get3A_923 {offsets = [0, 0], sizes = [32, 8000], strides = [1, 1]} : vector<32x32000xf32> to vector<32x8000xf32>
    %get3A_925 = arith.constant 0 : index
    %get3A_926 = arith.constant 0 : index
    %get3A_927 = arith.constant 0 : index
    %get3A_928 = vector.load %arg2[%get3A_925, %get3A_926, %get3A_927] : memref<2x32x32000xf32, #tpu.memory_space<vmem>>, vector<1x32x32000xf32>
    %get3A_929 = vector.shape_cast %get3A_928 : vector<1x32x32000xf32> to vector<32x32000xf32>
    %slice3A_930 = vector.extract_strided_slice %get3A_929 {offsets = [0, 8000], sizes = [32, 8000], strides = [1, 1]} : vector<32x32000xf32> to vector<32x8000xf32>
    %get3A_931 = arith.constant 0 : index
    %get3A_932 = arith.constant 0 : index
    %get3A_933 = arith.constant 0 : index
    %get3A_934 = vector.load %arg2[%get3A_931, %get3A_932, %get3A_933] : memref<2x32x32000xf32, #tpu.memory_space<vmem>>, vector<1x32x32000xf32>
    %get3A_935 = vector.shape_cast %get3A_934 : vector<1x32x32000xf32> to vector<32x32000xf32>
    %slice3A_936 = vector.extract_strided_slice %get3A_935 {offsets = [0, 16000], sizes = [32, 8000], strides = [1, 1]} : vector<32x32000xf32> to vector<32x8000xf32>
    %get3A_937 = arith.constant 0 : index
    %get3A_938 = arith.constant 0 : index
    %get3A_939 = arith.constant 0 : index
    %get3A_940 = vector.load %arg2[%get3A_937, %get3A_938, %get3A_939] : memref<2x32x32000xf32, #tpu.memory_space<vmem>>, vector<1x32x32000xf32>
    %get3A_941 = vector.shape_cast %get3A_940 : vector<1x32x32000xf32> to vector<32x32000xf32>
    %slice3A_942 = vector.extract_strided_slice %get3A_941 {offsets = [0, 24000], sizes = [32, 8000], strides = [1, 1]} : vector<32x32000xf32> to vector<32x8000xf32>
    %concatenate3A_943 = tpu.concatenate %slice3A_924, %slice3A_930, %slice3A_936, %slice3A_942 in 0 : vector<32x8000xf32>, vector<32x8000xf32>, vector<32x8000xf32>, vector<32x8000xf32> -> vector<128x8000xf32>
    %transpose3A_944 = tpu.transpose %concatenate3A_943, [1, 0] : vector<128x8000xf32> -> vector<8000x128xf32>
    %dma_wait3A_945 = arith.constant 0 : i32
    %dma_wait3A_946 = arith.constant 0 : i32
    %dma_wait3A_947 = tpu.memref_slice %arg7[%dma_wait3A_946] : memref<2x!tpu.dma_semaphore, #tpu.memory_space<semaphore_mem>> -> memref<1x!tpu.dma_semaphore, #tpu.memory_space<semaphore_mem>>
    %dma_wait3A_948 = tpu.memref_squeeze %dma_wait3A_947 : memref<1x!tpu.dma_semaphore, #tpu.memory_space<semaphore_mem>> -> memref<!tpu.dma_semaphore, #tpu.memory_space<semaphore_mem>>
    %dma_wait3A_949 = arith.constant 80000 : i32
    %dma_wait3A_950 = arith.constant 0 : i32
    %dma_wait3A_951 = tpu.memref_slice %arg1[%dma_wait3A_949, %dma_wait3A_950] : memref<250000x128xf32, #tpu.memory_space<hbm>> -> memref<8000x128xf32, #tpu.memory_space<hbm>>
    %dma_wait3A_952 = arith.constant 0 : i32
    %dma_wait3A_953 = arith.constant 0 : i32
    %dma_wait3A_954 = tpu.memref_slice %arg3[%dma_wait3A_945, %dma_wait3A_952, %dma_wait3A_953] : memref<2x8000x128xf32, #tpu.memory_space<vmem>> -> memref<1x8000x128xf32, #tpu.memory_space<vmem>>
    %dma_wait3A_955 = tpu.memref_squeeze %dma_wait3A_954 : memref<1x8000x128xf32, #tpu.memory_space<vmem>> -> memref<8000x128xf32, #tpu.memory_space<vmem>>
    tpu.wait_dma2 semaphore(%dma_wait3A_948 : memref<!tpu.dma_semaphore, #tpu.memory_space<semaphore_mem>>) src(%dma_wait3A_955 : memref<8000x128xf32, #tpu.memory_space<vmem>>) dst(%dma_wait3A_951 : memref<8000x128xf32, #tpu.memory_space<hbm>>)
    %swap3A_956 = arith.constant 0 : index
    %swap3A_957 = arith.constant 0 : index
    %swap3A_958 = arith.constant 0 : index
    %swap3A_959 = vector.load %arg3[%swap3A_956, %swap3A_957, %swap3A_958] : memref<2x8000x128xf32, #tpu.memory_space<vmem>>, vector<1x8000x128xf32>
    %swap3A_960 = vector.shape_cast %swap3A_959 : vector<1x8000x128xf32> to vector<8000x128xf32>
    %swap3A_961 = vector.shape_cast %transpose3A_944 : vector<8000x128xf32> to vector<1x8000x128xf32>
    tpu.vector_store %arg3[%swap3A_956, %swap3A_957, %swap3A_958], %swap3A_961 {strides = array<i32>} : memref<2x8000x128xf32, #tpu.memory_space<vmem>>, vector<1x8000x128xf32>,
    %dma_start3A_962 = arith.constant 0 : i32
    %dma_start3A_963 = arith.constant 0 : i32
    %dma_start3A_964 = tpu.memref_slice %arg7[%dma_start3A_963] : memref<2x!tpu.dma_semaphore, #tpu.memory_space<semaphore_mem>> -> memref<1x!tpu.dma_semaphore, #tpu.memory_space<semaphore_mem>>
    %dma_start3A_965 = tpu.memref_squeeze %dma_start3A_964 : memref<1x!tpu.dma_semaphore, #tpu.memory_space<semaphore_mem>> -> memref<!tpu.dma_semaphore, #tpu.memory_space<semaphore_mem>>
    %dma_start3A_966 = arith.constant 96000 : i32
    %dma_start3A_967 = arith.constant 0 : i32
    %dma_start3A_968 = tpu.memref_slice %arg1[%dma_start3A_966, %dma_start3A_967] : memref<250000x128xf32, #tpu.memory_space<hbm>> -> memref<8000x128xf32, #tpu.memory_space<hbm>>
    %dma_start3A_969 = arith.constant 0 : i32
    %dma_start3A_970 = arith.constant 0 : i32
    %dma_start3A_971 = tpu.memref_slice %arg3[%dma_start3A_962, %dma_start3A_969, %dma_start3A_970] : memref<2x8000x128xf32, #tpu.memory_space<vmem>> -> memref<1x8000x128xf32, #tpu.memory_space<vmem>>
    %dma_start3A_972 = tpu.memref_squeeze %dma_start3A_971 : memref<1x8000x128xf32, #tpu.memory_space<vmem>> -> memref<8000x128xf32, #tpu.memory_space<vmem>>
    tpu.enqueue_dma source(%dma_start3A_972 : memref<8000x128xf32, #tpu.memory_space<vmem>>) target(%dma_start3A_968 : memref<8000x128xf32, #tpu.memory_space<hbm>>) target_semaphore(%dma_start3A_965 : memref<!tpu.dma_semaphore, #tpu.memory_space<semaphore_mem>>)
    %dma_start3A_973 = arith.constant 0 : i32
    %dma_start3A_974 = arith.constant 0 : i32
    %dma_start3A_975 = tpu.memref_slice %arg6[%dma_start3A_974] : memref<2x!tpu.dma_semaphore, #tpu.memory_space<semaphore_mem>> -> memref<1x!tpu.dma_semaphore, #tpu.memory_space<semaphore_mem>>
    %dma_start3A_976 = tpu.memref_squeeze %dma_start3A_975 : memref<1x!tpu.dma_semaphore, #tpu.memory_space<semaphore_mem>> -> memref<!tpu.dma_semaphore, #tpu.memory_space<semaphore_mem>>
    %dma_start3A_977 = arith.constant 0 : i32
    %dma_start3A_978 = arith.constant 0 : i32
    %dma_start3A_979 = tpu.memref_slice %arg2[%dma_start3A_973, %dma_start3A_977, %dma_start3A_978] : memref<2x32x32000xf32, #tpu.memory_space<vmem>> -> memref<1x32x32000xf32, #tpu.memory_space<vmem>>
    %dma_start3A_980 = tpu.memref_squeeze %dma_start3A_979 : memref<1x32x32000xf32, #tpu.memory_space<vmem>> -> memref<32x32000xf32, #tpu.memory_space<vmem>>
    %dma_start3A_981 = arith.constant 0 : i32
    %dma_start3A_982 = arith.constant 448000 : i32
    %dma_start3A_983 = tpu.memref_slice %arg0[%dma_start3A_981, %dma_start3A_982] : memref<32x1000000xf32, #tpu.memory_space<hbm>> -> memref<32x32000xf32, #tpu.memory_space<hbm>>
    tpu.enqueue_dma source(%dma_start3A_983 : memref<32x32000xf32, #tpu.memory_space<hbm>>) target(%dma_start3A_980 : memref<32x32000xf32, #tpu.memory_space<vmem>>) target_semaphore(%dma_start3A_976 : memref<!tpu.dma_semaphore, #tpu.memory_space<semaphore_mem>>)
    %dma_wait3A_984 = arith.constant 1 : i32
    %dma_wait3A_985 = arith.constant 1 : i32
    %dma_wait3A_986 = tpu.memref_slice %arg6[%dma_wait3A_985] : memref<2x!tpu.dma_semaphore, #tpu.memory_space<semaphore_mem>> -> memref<1x!tpu.dma_semaphore, #tpu.memory_space<semaphore_mem>>
    %dma_wait3A_987 = tpu.memref_squeeze %dma_wait3A_986 : memref<1x!tpu.dma_semaphore, #tpu.memory_space<semaphore_mem>> -> memref<!tpu.dma_semaphore, #tpu.memory_space<semaphore_mem>>
    %dma_wait3A_988 = arith.constant 0 : i32
    %dma_wait3A_989 = arith.constant 0 : i32
    %dma_wait3A_990 = tpu.memref_slice %arg2[%dma_wait3A_984, %dma_wait3A_988, %dma_wait3A_989] : memref<2x32x32000xf32, #tpu.memory_space<vmem>> -> memref<1x32x32000xf32, #tpu.memory_space<vmem>>
    %dma_wait3A_991 = tpu.memref_squeeze %dma_wait3A_990 : memref<1x32x32000xf32, #tpu.memory_space<vmem>> -> memref<32x32000xf32, #tpu.memory_space<vmem>>
    %dma_wait3A_992 = arith.constant 0 : i32
    %dma_wait3A_993 = arith.constant 416000 : i32
    %dma_wait3A_994 = tpu.memref_slice %arg0[%dma_wait3A_992, %dma_wait3A_993] : memref<32x1000000xf32, #tpu.memory_space<hbm>> -> memref<32x32000xf32, #tpu.memory_space<hbm>>
    tpu.wait_dma2 semaphore(%dma_wait3A_987 : memref<!tpu.dma_semaphore, #tpu.memory_space<semaphore_mem>>) src(%dma_wait3A_994 : memref<32x32000xf32, #tpu.memory_space<hbm>>) dst(%dma_wait3A_991 : memref<32x32000xf32, #tpu.memory_space<vmem>>)
    %get3A_995 = arith.constant 1 : index
    %get3A_996 = arith.constant 0 : index
    %get3A_997 = arith.constant 0 : index
    %get3A_998 = vector.load %arg2[%get3A_995, %get3A_996, %get3A_997] : memref<2x32x32000xf32, #tpu.memory_space<vmem>>, vector<1x32x32000xf32>
    %get3A_999 = vector.shape_cast %get3A_998 : vector<1x32x32000xf32> to vector<32x32000xf32>
    %slice3A_1000 = vector.extract_strided_slice %get3A_999 {offsets = [0, 0], sizes = [32, 8000], strides = [1, 1]} : vector<32x32000xf32> to vector<32x8000xf32>
    %get3A_1001 = arith.constant 1 : index
    %get3A_1002 = arith.constant 0 : index
    %get3A_1003 = arith.constant 0 : index
    %get3A_1004 = vector.load %arg2[%get3A_1001, %get3A_1002, %get3A_1003] : memref<2x32x32000xf32, #tpu.memory_space<vmem>>, vector<1x32x32000xf32>
    %get3A_1005 = vector.shape_cast %get3A_1004 : vector<1x32x32000xf32> to vector<32x32000xf32>
    %slice3A_1006 = vector.extract_strided_slice %get3A_1005 {offsets = [0, 8000], sizes = [32, 8000], strides = [1, 1]} : vector<32x32000xf32> to vector<32x8000xf32>
    %get3A_1007 = arith.constant 1 : index
    %get3A_1008 = arith.constant 0 : index
    %get3A_1009 = arith.constant 0 : index
    %get3A_1010 = vector.load %arg2[%get3A_1007, %get3A_1008, %get3A_1009] : memref<2x32x32000xf32, #tpu.memory_space<vmem>>, vector<1x32x32000xf32>
    %get3A_1011 = vector.shape_cast %get3A_1010 : vector<1x32x32000xf32> to vector<32x32000xf32>
    %slice3A_1012 = vector.extract_strided_slice %get3A_1011 {offsets = [0, 16000], sizes = [32, 8000], strides = [1, 1]} : vector<32x32000xf32> to vector<32x8000xf32>
    %get3A_1013 = arith.constant 1 : index
    %get3A_1014 = arith.constant 0 : index
    %get3A_1015 = arith.constant 0 : index
    %get3A_1016 = vector.load %arg2[%get3A_1013, %get3A_1014, %get3A_1015] : memref<2x32x32000xf32, #tpu.memory_space<vmem>>, vector<1x32x32000xf32>
    %get3A_1017 = vector.shape_cast %get3A_1016 : vector<1x32x32000xf32> to vector<32x32000xf32>
    %slice3A_1018 = vector.extract_strided_slice %get3A_1017 {offsets = [0, 24000], sizes = [32, 8000], strides = [1, 1]} : vector<32x32000xf32> to vector<32x8000xf32>
    %concatenate3A_1019 = tpu.concatenate %slice3A_1000, %slice3A_1006, %slice3A_1012, %slice3A_1018 in 0 : vector<32x8000xf32>, vector<32x8000xf32>, vector<32x8000xf32>, vector<32x8000xf32> -> vector<128x8000xf32>
    %transpose3A_1020 = tpu.transpose %concatenate3A_1019, [1, 0] : vector<128x8000xf32> -> vector<8000x128xf32>
    %dma_wait3A_1021 = arith.constant 1 : i32
    %dma_wait3A_1022 = arith.constant 1 : i32
    %dma_wait3A_1023 = tpu.memref_slice %arg7[%dma_wait3A_1022] : memref<2x!tpu.dma_semaphore, #tpu.memory_space<semaphore_mem>> -> memref<1x!tpu.dma_semaphore, #tpu.memory_space<semaphore_mem>>
    %dma_wait3A_1024 = tpu.memref_squeeze %dma_wait3A_1023 : memref<1x!tpu.dma_semaphore, #tpu.memory_space<semaphore_mem>> -> memref<!tpu.dma_semaphore, #tpu.memory_space<semaphore_mem>>
    %dma_wait3A_1025 = arith.constant 88000 : i32
    %dma_wait3A_1026 = arith.constant 0 : i32
    %dma_wait3A_1027 = tpu.memref_slice %arg1[%dma_wait3A_1025, %dma_wait3A_1026] : memref<250000x128xf32, #tpu.memory_space<hbm>> -> memref<8000x128xf32, #tpu.memory_space<hbm>>
    %dma_wait3A_1028 = arith.constant 0 : i32
    %dma_wait3A_1029 = arith.constant 0 : i32
    %dma_wait3A_1030 = tpu.memref_slice %arg3[%dma_wait3A_1021, %dma_wait3A_1028, %dma_wait3A_1029] : memref<2x8000x128xf32, #tpu.memory_space<vmem>> -> memref<1x8000x128xf32, #tpu.memory_space<vmem>>
    %dma_wait3A_1031 = tpu.memref_squeeze %dma_wait3A_1030 : memref<1x8000x128xf32, #tpu.memory_space<vmem>> -> memref<8000x128xf32, #tpu.memory_space<vmem>>
    tpu.wait_dma2 semaphore(%dma_wait3A_1024 : memref<!tpu.dma_semaphore, #tpu.memory_space<semaphore_mem>>) src(%dma_wait3A_1031 : memref<8000x128xf32, #tpu.memory_space<vmem>>) dst(%dma_wait3A_1027 : memref<8000x128xf32, #tpu.memory_space<hbm>>)
    %swap3A_1032 = arith.constant 1 : index
    %swap3A_1033 = arith.constant 0 : index
    %swap3A_1034 = arith.constant 0 : index
    %swap3A_1035 = vector.load %arg3[%swap3A_1032, %swap3A_1033, %swap3A_1034] : memref<2x8000x128xf32, #tpu.memory_space<vmem>>, vector<1x8000x128xf32>
    %swap3A_1036 = vector.shape_cast %swap3A_1035 : vector<1x8000x128xf32> to vector<8000x128xf32>
    %swap3A_1037 = vector.shape_cast %transpose3A_1020 : vector<8000x128xf32> to vector<1x8000x128xf32>
    tpu.vector_store %arg3[%swap3A_1032, %swap3A_1033, %swap3A_1034], %swap3A_1037 {strides = array<i32>} : memref<2x8000x128xf32, #tpu.memory_space<vmem>>, vector<1x8000x128xf32>,
    %dma_start3A_1038 = arith.constant 1 : i32
    %dma_start3A_1039 = arith.constant 1 : i32
    %dma_start3A_1040 = tpu.memref_slice %arg7[%dma_start3A_1039] : memref<2x!tpu.dma_semaphore, #tpu.memory_space<semaphore_mem>> -> memref<1x!tpu.dma_semaphore, #tpu.memory_space<semaphore_mem>>
    %dma_start3A_1041 = tpu.memref_squeeze %dma_start3A_1040 : memref<1x!tpu.dma_semaphore, #tpu.memory_space<semaphore_mem>> -> memref<!tpu.dma_semaphore, #tpu.memory_space<semaphore_mem>>
    %dma_start3A_1042 = arith.constant 104000 : i32
    %dma_start3A_1043 = arith.constant 0 : i32
    %dma_start3A_1044 = tpu.memref_slice %arg1[%dma_start3A_1042, %dma_start3A_1043] : memref<250000x128xf32, #tpu.memory_space<hbm>> -> memref<8000x128xf32, #tpu.memory_space<hbm>>
    %dma_start3A_1045 = arith.constant 0 : i32
    %dma_start3A_1046 = arith.constant 0 : i32
    %dma_start3A_1047 = tpu.memref_slice %arg3[%dma_start3A_1038, %dma_start3A_1045, %dma_start3A_1046] : memref<2x8000x128xf32, #tpu.memory_space<vmem>> -> memref<1x8000x128xf32, #tpu.memory_space<vmem>>
    %dma_start3A_1048 = tpu.memref_squeeze %dma_start3A_1047 : memref<1x8000x128xf32, #tpu.memory_space<vmem>> -> memref<8000x128xf32, #tpu.memory_space<vmem>>
    tpu.enqueue_dma source(%dma_start3A_1048 : memref<8000x128xf32, #tpu.memory_space<vmem>>) target(%dma_start3A_1044 : memref<8000x128xf32, #tpu.memory_space<hbm>>) target_semaphore(%dma_start3A_1041 : memref<!tpu.dma_semaphore, #tpu.memory_space<semaphore_mem>>)
    %dma_start3A_1049 = arith.constant 1 : i32
    %dma_start3A_1050 = arith.constant 1 : i32
    %dma_start3A_1051 = tpu.memref_slice %arg6[%dma_start3A_1050] : memref<2x!tpu.dma_semaphore, #tpu.memory_space<semaphore_mem>> -> memref<1x!tpu.dma_semaphore, #tpu.memory_space<semaphore_mem>>
    %dma_start3A_1052 = tpu.memref_squeeze %dma_start3A_1051 : memref<1x!tpu.dma_semaphore, #tpu.memory_space<semaphore_mem>> -> memref<!tpu.dma_semaphore, #tpu.memory_space<semaphore_mem>>
    %dma_start3A_1053 = arith.constant 0 : i32
    %dma_start3A_1054 = arith.constant 0 : i32
    %dma_start3A_1055 = tpu.memref_slice %arg2[%dma_start3A_1049, %dma_start3A_1053, %dma_start3A_1054] : memref<2x32x32000xf32, #tpu.memory_space<vmem>> -> memref<1x32x32000xf32, #tpu.memory_space<vmem>>
    %dma_start3A_1056 = tpu.memref_squeeze %dma_start3A_1055 : memref<1x32x32000xf32, #tpu.memory_space<vmem>> -> memref<32x32000xf32, #tpu.memory_space<vmem>>
    %dma_start3A_1057 = arith.constant 0 : i32
    %dma_start3A_1058 = arith.constant 480000 : i32
    %dma_start3A_1059 = tpu.memref_slice %arg0[%dma_start3A_1057, %dma_start3A_1058] : memref<32x1000000xf32, #tpu.memory_space<hbm>> -> memref<32x32000xf32, #tpu.memory_space<hbm>>
    tpu.enqueue_dma source(%dma_start3A_1059 : memref<32x32000xf32, #tpu.memory_space<hbm>>) target(%dma_start3A_1056 : memref<32x32000xf32, #tpu.memory_space<vmem>>) target_semaphore(%dma_start3A_1052 : memref<!tpu.dma_semaphore, #tpu.memory_space<semaphore_mem>>)
    %dma_wait3A_1060 = arith.constant 0 : i32
    %dma_wait3A_1061 = arith.constant 0 : i32
    %dma_wait3A_1062 = tpu.memref_slice %arg6[%dma_wait3A_1061] : memref<2x!tpu.dma_semaphore, #tpu.memory_space<semaphore_mem>> -> memref<1x!tpu.dma_semaphore, #tpu.memory_space<semaphore_mem>>
    %dma_wait3A_1063 = tpu.memref_squeeze %dma_wait3A_1062 : memref<1x!tpu.dma_semaphore, #tpu.memory_space<semaphore_mem>> -> memref<!tpu.dma_semaphore, #tpu.memory_space<semaphore_mem>>
    %dma_wait3A_1064 = arith.constant 0 : i32
    %dma_wait3A_1065 = arith.constant 0 : i32
    %dma_wait3A_1066 = tpu.memref_slice %arg2[%dma_wait3A_1060, %dma_wait3A_1064, %dma_wait3A_1065] : memref<2x32x32000xf32, #tpu.memory_space<vmem>> -> memref<1x32x32000xf32, #tpu.memory_space<vmem>>
    %dma_wait3A_1067 = tpu.memref_squeeze %dma_wait3A_1066 : memref<1x32x32000xf32, #tpu.memory_space<vmem>> -> memref<32x32000xf32, #tpu.memory_space<vmem>>
    %dma_wait3A_1068 = arith.constant 0 : i32
    %dma_wait3A_1069 = arith.constant 448000 : i32
    %dma_wait3A_1070 = tpu.memref_slice %arg0[%dma_wait3A_1068, %dma_wait3A_1069] : memref<32x1000000xf32, #tpu.memory_space<hbm>> -> memref<32x32000xf32, #tpu.memory_space<hbm>>
    tpu.wait_dma2 semaphore(%dma_wait3A_1063 : memref<!tpu.dma_semaphore, #tpu.memory_space<semaphore_mem>>) src(%dma_wait3A_1070 : memref<32x32000xf32, #tpu.memory_space<hbm>>) dst(%dma_wait3A_1067 : memref<32x32000xf32, #tpu.memory_space<vmem>>)
    %get3A_1071 = arith.constant 0 : index
    %get3A_1072 = arith.constant 0 : index
    %get3A_1073 = arith.constant 0 : index
    %get3A_1074 = vector.load %arg2[%get3A_1071, %get3A_1072, %get3A_1073] : memref<2x32x32000xf32, #tpu.memory_space<vmem>>, vector<1x32x32000xf32>
    %get3A_1075 = vector.shape_cast %get3A_1074 : vector<1x32x32000xf32> to vector<32x32000xf32>
    %slice3A_1076 = vector.extract_strided_slice %get3A_1075 {offsets = [0, 0], sizes = [32, 8000], strides = [1, 1]} : vector<32x32000xf32> to vector<32x8000xf32>
    %get3A_1077 = arith.constant 0 : index
    %get3A_1078 = arith.constant 0 : index
    %get3A_1079 = arith.constant 0 : index
    %get3A_1080 = vector.load %arg2[%get3A_1077, %get3A_1078, %get3A_1079] : memref<2x32x32000xf32, #tpu.memory_space<vmem>>, vector<1x32x32000xf32>
    %get3A_1081 = vector.shape_cast %get3A_1080 : vector<1x32x32000xf32> to vector<32x32000xf32>
    %slice3A_1082 = vector.extract_strided_slice %get3A_1081 {offsets = [0, 8000], sizes = [32, 8000], strides = [1, 1]} : vector<32x32000xf32> to vector<32x8000xf32>
    %get3A_1083 = arith.constant 0 : index
    %get3A_1084 = arith.constant 0 : index
    %get3A_1085 = arith.constant 0 : index
    %get3A_1086 = vector.load %arg2[%get3A_1083, %get3A_1084, %get3A_1085] : memref<2x32x32000xf32, #tpu.memory_space<vmem>>, vector<1x32x32000xf32>
    %get3A_1087 = vector.shape_cast %get3A_1086 : vector<1x32x32000xf32> to vector<32x32000xf32>
    %slice3A_1088 = vector.extract_strided_slice %get3A_1087 {offsets = [0, 16000], sizes = [32, 8000], strides = [1, 1]} : vector<32x32000xf32> to vector<32x8000xf32>
    %get3A_1089 = arith.constant 0 : index
    %get3A_1090 = arith.constant 0 : index
    %get3A_1091 = arith.constant 0 : index
    %get3A_1092 = vector.load %arg2[%get3A_1089, %get3A_1090, %get3A_1091] : memref<2x32x32000xf32, #tpu.memory_space<vmem>>, vector<1x32x32000xf32>
    %get3A_1093 = vector.shape_cast %get3A_1092 : vector<1x32x32000xf32> to vector<32x32000xf32>
    %slice3A_1094 = vector.extract_strided_slice %get3A_1093 {offsets = [0, 24000], sizes = [32, 8000], strides = [1, 1]} : vector<32x32000xf32> to vector<32x8000xf32>
    %concatenate3A_1095 = tpu.concatenate %slice3A_1076, %slice3A_1082, %slice3A_1088, %slice3A_1094 in 0 : vector<32x8000xf32>, vector<32x8000xf32>, vector<32x8000xf32>, vector<32x8000xf32> -> vector<128x8000xf32>
    %transpose3A_1096 = tpu.transpose %concatenate3A_1095, [1, 0] : vector<128x8000xf32> -> vector<8000x128xf32>
    %dma_wait3A_1097 = arith.constant 0 : i32
    %dma_wait3A_1098 = arith.constant 0 : i32
    %dma_wait3A_1099 = tpu.memref_slice %arg7[%dma_wait3A_1098] : memref<2x!tpu.dma_semaphore, #tpu.memory_space<semaphore_mem>> -> memref<1x!tpu.dma_semaphore, #tpu.memory_space<semaphore_mem>>
    %dma_wait3A_1100 = tpu.memref_squeeze %dma_wait3A_1099 : memref<1x!tpu.dma_semaphore, #tpu.memory_space<semaphore_mem>> -> memref<!tpu.dma_semaphore, #tpu.memory_space<semaphore_mem>>
    %dma_wait3A_1101 = arith.constant 96000 : i32
    %dma_wait3A_1102 = arith.constant 0 : i32
    %dma_wait3A_1103 = tpu.memref_slice %arg1[%dma_wait3A_1101, %dma_wait3A_1102] : memref<250000x128xf32, #tpu.memory_space<hbm>> -> memref<8000x128xf32, #tpu.memory_space<hbm>>
    %dma_wait3A_1104 = arith.constant 0 : i32
    %dma_wait3A_1105 = arith.constant 0 : i32
    %dma_wait3A_1106 = tpu.memref_slice %arg3[%dma_wait3A_1097, %dma_wait3A_1104, %dma_wait3A_1105] : memref<2x8000x128xf32, #tpu.memory_space<vmem>> -> memref<1x8000x128xf32, #tpu.memory_space<vmem>>
    %dma_wait3A_1107 = tpu.memref_squeeze %dma_wait3A_1106 : memref<1x8000x128xf32, #tpu.memory_space<vmem>> -> memref<8000x128xf32, #tpu.memory_space<vmem>>
    tpu.wait_dma2 semaphore(%dma_wait3A_1100 : memref<!tpu.dma_semaphore, #tpu.memory_space<semaphore_mem>>) src(%dma_wait3A_1107 : memref<8000x128xf32, #tpu.memory_space<vmem>>) dst(%dma_wait3A_1103 : memref<8000x128xf32, #tpu.memory_space<hbm>>)
    %swap3A_1108 = arith.constant 0 : index
    %swap3A_1109 = arith.constant 0 : index
    %swap3A_1110 = arith.constant 0 : index
    %swap3A_1111 = vector.load %arg3[%swap3A_1108, %swap3A_1109, %swap3A_1110] : memref<2x8000x128xf32, #tpu.memory_space<vmem>>, vector<1x8000x128xf32>
    %swap3A_1112 = vector.shape_cast %swap3A_1111 : vector<1x8000x128xf32> to vector<8000x128xf32>
    %swap3A_1113 = vector.shape_cast %transpose3A_1096 : vector<8000x128xf32> to vector<1x8000x128xf32>
    tpu.vector_store %arg3[%swap3A_1108, %swap3A_1109, %swap3A_1110], %swap3A_1113 {strides = array<i32>} : memref<2x8000x128xf32, #tpu.memory_space<vmem>>, vector<1x8000x128xf32>,
    %dma_start3A_1114 = arith.constant 0 : i32
    %dma_start3A_1115 = arith.constant 0 : i32
    %dma_start3A_1116 = tpu.memref_slice %arg7[%dma_start3A_1115] : memref<2x!tpu.dma_semaphore, #tpu.memory_space<semaphore_mem>> -> memref<1x!tpu.dma_semaphore, #tpu.memory_space<semaphore_mem>>
    %dma_start3A_1117 = tpu.memref_squeeze %dma_start3A_1116 : memref<1x!tpu.dma_semaphore, #tpu.memory_space<semaphore_mem>> -> memref<!tpu.dma_semaphore, #tpu.memory_space<semaphore_mem>>
    %dma_start3A_1118 = arith.constant 112000 : i32
    %dma_start3A_1119 = arith.constant 0 : i32
    %dma_start3A_1120 = tpu.memref_slice %arg1[%dma_start3A_1118, %dma_start3A_1119] : memref<250000x128xf32, #tpu.memory_space<hbm>> -> memref<8000x128xf32, #tpu.memory_space<hbm>>
    %dma_start3A_1121 = arith.constant 0 : i32
    %dma_start3A_1122 = arith.constant 0 : i32
    %dma_start3A_1123 = tpu.memref_slice %arg3[%dma_start3A_1114, %dma_start3A_1121, %dma_start3A_1122] : memref<2x8000x128xf32, #tpu.memory_space<vmem>> -> memref<1x8000x128xf32, #tpu.memory_space<vmem>>
    %dma_start3A_1124 = tpu.memref_squeeze %dma_start3A_1123 : memref<1x8000x128xf32, #tpu.memory_space<vmem>> -> memref<8000x128xf32, #tpu.memory_space<vmem>>
    tpu.enqueue_dma source(%dma_start3A_1124 : memref<8000x128xf32, #tpu.memory_space<vmem>>) target(%dma_start3A_1120 : memref<8000x128xf32, #tpu.memory_space<hbm>>) target_semaphore(%dma_start3A_1117 : memref<!tpu.dma_semaphore, #tpu.memory_space<semaphore_mem>>)
    %dma_start3A_1125 = arith.constant 0 : i32
    %dma_start3A_1126 = arith.constant 0 : i32
    %dma_start3A_1127 = tpu.memref_slice %arg6[%dma_start3A_1126] : memref<2x!tpu.dma_semaphore, #tpu.memory_space<semaphore_mem>> -> memref<1x!tpu.dma_semaphore, #tpu.memory_space<semaphore_mem>>
    %dma_start3A_1128 = tpu.memref_squeeze %dma_start3A_1127 : memref<1x!tpu.dma_semaphore, #tpu.memory_space<semaphore_mem>> -> memref<!tpu.dma_semaphore, #tpu.memory_space<semaphore_mem>>
    %dma_start3A_1129 = arith.constant 0 : i32
    %dma_start3A_1130 = arith.constant 0 : i32
    %dma_start3A_1131 = tpu.memref_slice %arg2[%dma_start3A_1125, %dma_start3A_1129, %dma_start3A_1130] : memref<2x32x32000xf32, #tpu.memory_space<vmem>> -> memref<1x32x32000xf32, #tpu.memory_space<vmem>>
    %dma_start3A_1132 = tpu.memref_squeeze %dma_start3A_1131 : memref<1x32x32000xf32, #tpu.memory_space<vmem>> -> memref<32x32000xf32, #tpu.memory_space<vmem>>
    %dma_start3A_1133 = arith.constant 0 : i32
    %dma_start3A_1134 = arith.constant 512000 : i32
    %dma_start3A_1135 = tpu.memref_slice %arg0[%dma_start3A_1133, %dma_start3A_1134] : memref<32x1000000xf32, #tpu.memory_space<hbm>> -> memref<32x32000xf32, #tpu.memory_space<hbm>>
    tpu.enqueue_dma source(%dma_start3A_1135 : memref<32x32000xf32, #tpu.memory_space<hbm>>) target(%dma_start3A_1132 : memref<32x32000xf32, #tpu.memory_space<vmem>>) target_semaphore(%dma_start3A_1128 : memref<!tpu.dma_semaphore, #tpu.memory_space<semaphore_mem>>)
    %dma_wait3A_1136 = arith.constant 1 : i32
    %dma_wait3A_1137 = arith.constant 1 : i32
    %dma_wait3A_1138 = tpu.memref_slice %arg6[%dma_wait3A_1137] : memref<2x!tpu.dma_semaphore, #tpu.memory_space<semaphore_mem>> -> memref<1x!tpu.dma_semaphore, #tpu.memory_space<semaphore_mem>>
    %dma_wait3A_1139 = tpu.memref_squeeze %dma_wait3A_1138 : memref<1x!tpu.dma_semaphore, #tpu.memory_space<semaphore_mem>> -> memref<!tpu.dma_semaphore, #tpu.memory_space<semaphore_mem>>
    %dma_wait3A_1140 = arith.constant 0 : i32
    %dma_wait3A_1141 = arith.constant 0 : i32
    %dma_wait3A_1142 = tpu.memref_slice %arg2[%dma_wait3A_1136, %dma_wait3A_1140, %dma_wait3A_1141] : memref<2x32x32000xf32, #tpu.memory_space<vmem>> -> memref<1x32x32000xf32, #tpu.memory_space<vmem>>
    %dma_wait3A_1143 = tpu.memref_squeeze %dma_wait3A_1142 : memref<1x32x32000xf32, #tpu.memory_space<vmem>> -> memref<32x32000xf32, #tpu.memory_space<vmem>>
    %dma_wait3A_1144 = arith.constant 0 : i32
    %dma_wait3A_1145 = arith.constant 480000 : i32
    %dma_wait3A_1146 = tpu.memref_slice %arg0[%dma_wait3A_1144, %dma_wait3A_1145] : memref<32x1000000xf32, #tpu.memory_space<hbm>> -> memref<32x32000xf32, #tpu.memory_space<hbm>>
    tpu.wait_dma2 semaphore(%dma_wait3A_1139 : memref<!tpu.dma_semaphore, #tpu.memory_space<semaphore_mem>>) src(%dma_wait3A_1146 : memref<32x32000xf32, #tpu.memory_space<hbm>>) dst(%dma_wait3A_1143 : memref<32x32000xf32, #tpu.memory_space<vmem>>)
    %get3A_1147 = arith.constant 1 : index
    %get3A_1148 = arith.constant 0 : index
    %get3A_1149 = arith.constant 0 : index
    %get3A_1150 = vector.load %arg2[%get3A_1147, %get3A_1148, %get3A_1149] : memref<2x32x32000xf32, #tpu.memory_space<vmem>>, vector<1x32x32000xf32>
    %get3A_1151 = vector.shape_cast %get3A_1150 : vector<1x32x32000xf32> to vector<32x32000xf32>
    %slice3A_1152 = vector.extract_strided_slice %get3A_1151 {offsets = [0, 0], sizes = [32, 8000], strides = [1, 1]} : vector<32x32000xf32> to vector<32x8000xf32>
    %get3A_1153 = arith.constant 1 : index
    %get3A_1154 = arith.constant 0 : index
    %get3A_1155 = arith.constant 0 : index
    %get3A_1156 = vector.load %arg2[%get3A_1153, %get3A_1154, %get3A_1155] : memref<2x32x32000xf32, #tpu.memory_space<vmem>>, vector<1x32x32000xf32>
    %get3A_1157 = vector.shape_cast %get3A_1156 : vector<1x32x32000xf32> to vector<32x32000xf32>
    %slice3A_1158 = vector.extract_strided_slice %get3A_1157 {offsets = [0, 8000], sizes = [32, 8000], strides = [1, 1]} : vector<32x32000xf32> to vector<32x8000xf32>
    %get3A_1159 = arith.constant 1 : index
    %get3A_1160 = arith.constant 0 : index
    %get3A_1161 = arith.constant 0 : index
    %get3A_1162 = vector.load %arg2[%get3A_1159, %get3A_1160, %get3A_1161] : memref<2x32x32000xf32, #tpu.memory_space<vmem>>, vector<1x32x32000xf32>
    %get3A_1163 = vector.shape_cast %get3A_1162 : vector<1x32x32000xf32> to vector<32x32000xf32>
    %slice3A_1164 = vector.extract_strided_slice %get3A_1163 {offsets = [0, 16000], sizes = [32, 8000], strides = [1, 1]} : vector<32x32000xf32> to vector<32x8000xf32>
    %get3A_1165 = arith.constant 1 : index
    %get3A_1166 = arith.constant 0 : index
    %get3A_1167 = arith.constant 0 : index
    %get3A_1168 = vector.load %arg2[%get3A_1165, %get3A_1166, %get3A_1167] : memref<2x32x32000xf32, #tpu.memory_space<vmem>>, vector<1x32x32000xf32>
    %get3A_1169 = vector.shape_cast %get3A_1168 : vector<1x32x32000xf32> to vector<32x32000xf32>
    %slice3A_1170 = vector.extract_strided_slice %get3A_1169 {offsets = [0, 24000], sizes = [32, 8000], strides = [1, 1]} : vector<32x32000xf32> to vector<32x8000xf32>
    %concatenate3A_1171 = tpu.concatenate %slice3A_1152, %slice3A_1158, %slice3A_1164, %slice3A_1170 in 0 : vector<32x8000xf32>, vector<32x8000xf32>, vector<32x8000xf32>, vector<32x8000xf32> -> vector<128x8000xf32>
    %transpose3A_1172 = tpu.transpose %concatenate3A_1171, [1, 0] : vector<128x8000xf32> -> vector<8000x128xf32>
    %dma_wait3A_1173 = arith.constant 1 : i32
    %dma_wait3A_1174 = arith.constant 1 : i32
    %dma_wait3A_1175 = tpu.memref_slice %arg7[%dma_wait3A_1174] : memref<2x!tpu.dma_semaphore, #tpu.memory_space<semaphore_mem>> -> memref<1x!tpu.dma_semaphore, #tpu.memory_space<semaphore_mem>>
    %dma_wait3A_1176 = tpu.memref_squeeze %dma_wait3A_1175 : memref<1x!tpu.dma_semaphore, #tpu.memory_space<semaphore_mem>> -> memref<!tpu.dma_semaphore, #tpu.memory_space<semaphore_mem>>
    %dma_wait3A_1177 = arith.constant 104000 : i32
    %dma_wait3A_1178 = arith.constant 0 : i32
    %dma_wait3A_1179 = tpu.memref_slice %arg1[%dma_wait3A_1177, %dma_wait3A_1178] : memref<250000x128xf32, #tpu.memory_space<hbm>> -> memref<8000x128xf32, #tpu.memory_space<hbm>>
    %dma_wait3A_1180 = arith.constant 0 : i32
    %dma_wait3A_1181 = arith.constant 0 : i32
    %dma_wait3A_1182 = tpu.memref_slice %arg3[%dma_wait3A_1173, %dma_wait3A_1180, %dma_wait3A_1181] : memref<2x8000x128xf32, #tpu.memory_space<vmem>> -> memref<1x8000x128xf32, #tpu.memory_space<vmem>>
    %dma_wait3A_1183 = tpu.memref_squeeze %dma_wait3A_1182 : memref<1x8000x128xf32, #tpu.memory_space<vmem>> -> memref<8000x128xf32, #tpu.memory_space<vmem>>
    tpu.wait_dma2 semaphore(%dma_wait3A_1176 : memref<!tpu.dma_semaphore, #tpu.memory_space<semaphore_mem>>) src(%dma_wait3A_1183 : memref<8000x128xf32, #tpu.memory_space<vmem>>) dst(%dma_wait3A_1179 : memref<8000x128xf32, #tpu.memory_space<hbm>>)
    %swap3A_1184 = arith.constant 1 : index
    %swap3A_1185 = arith.constant 0 : index
    %swap3A_1186 = arith.constant 0 : index
    %swap3A_1187 = vector.load %arg3[%swap3A_1184, %swap3A_1185, %swap3A_1186] : memref<2x8000x128xf32, #tpu.memory_space<vmem>>, vector<1x8000x128xf32>
    %swap3A_1188 = vector.shape_cast %swap3A_1187 : vector<1x8000x128xf32> to vector<8000x128xf32>
    %swap3A_1189 = vector.shape_cast %transpose3A_1172 : vector<8000x128xf32> to vector<1x8000x128xf32>
    tpu.vector_store %arg3[%swap3A_1184, %swap3A_1185, %swap3A_1186], %swap3A_1189 {strides = array<i32>} : memref<2x8000x128xf32, #tpu.memory_space<vmem>>, vector<1x8000x128xf32>,
    %dma_start3A_1190 = arith.constant 1 : i32
    %dma_start3A_1191 = arith.constant 1 : i32
    %dma_start3A_1192 = tpu.memref_slice %arg7[%dma_start3A_1191] : memref<2x!tpu.dma_semaphore, #tpu.memory_space<semaphore_mem>> -> memref<1x!tpu.dma_semaphore, #tpu.memory_space<semaphore_mem>>
    %dma_start3A_1193 = tpu.memref_squeeze %dma_start3A_1192 : memref<1x!tpu.dma_semaphore, #tpu.memory_space<semaphore_mem>> -> memref<!tpu.dma_semaphore, #tpu.memory_space<semaphore_mem>>
    %dma_start3A_1194 = arith.constant 120000 : i32
    %dma_start3A_1195 = arith.constant 0 : i32
    %dma_start3A_1196 = tpu.memref_slice %arg1[%dma_start3A_1194, %dma_start3A_1195] : memref<250000x128xf32, #tpu.memory_space<hbm>> -> memref<8000x128xf32, #tpu.memory_space<hbm>>
    %dma_start3A_1197 = arith.constant 0 : i32
    %dma_start3A_1198 = arith.constant 0 : i32
    %dma_start3A_1199 = tpu.memref_slice %arg3[%dma_start3A_1190, %dma_start3A_1197, %dma_start3A_1198] : memref<2x8000x128xf32, #tpu.memory_space<vmem>> -> memref<1x8000x128xf32, #tpu.memory_space<vmem>>
    %dma_start3A_1200 = tpu.memref_squeeze %dma_start3A_1199 : memref<1x8000x128xf32, #tpu.memory_space<vmem>> -> memref<8000x128xf32, #tpu.memory_space<vmem>>
    tpu.enqueue_dma source(%dma_start3A_1200 : memref<8000x128xf32, #tpu.memory_space<vmem>>) target(%dma_start3A_1196 : memref<8000x128xf32, #tpu.memory_space<hbm>>) target_semaphore(%dma_start3A_1193 : memref<!tpu.dma_semaphore, #tpu.memory_space<semaphore_mem>>)
    %dma_start3A_1201 = arith.constant 1 : i32
    %dma_start3A_1202 = arith.constant 1 : i32
    %dma_start3A_1203 = tpu.memref_slice %arg6[%dma_start3A_1202] : memref<2x!tpu.dma_semaphore, #tpu.memory_space<semaphore_mem>> -> memref<1x!tpu.dma_semaphore, #tpu.memory_space<semaphore_mem>>
    %dma_start3A_1204 = tpu.memref_squeeze %dma_start3A_1203 : memref<1x!tpu.dma_semaphore, #tpu.memory_space<semaphore_mem>> -> memref<!tpu.dma_semaphore, #tpu.memory_space<semaphore_mem>>
    %dma_start3A_1205 = arith.constant 0 : i32
    %dma_start3A_1206 = arith.constant 0 : i32
    %dma_start3A_1207 = tpu.memref_slice %arg2[%dma_start3A_1201, %dma_start3A_1205, %dma_start3A_1206] : memref<2x32x32000xf32, #tpu.memory_space<vmem>> -> memref<1x32x32000xf32, #tpu.memory_space<vmem>>
    %dma_start3A_1208 = tpu.memref_squeeze %dma_start3A_1207 : memref<1x32x32000xf32, #tpu.memory_space<vmem>> -> memref<32x32000xf32, #tpu.memory_space<vmem>>
    %dma_start3A_1209 = arith.constant 0 : i32
    %dma_start3A_1210 = arith.constant 544000 : i32
    %dma_start3A_1211 = tpu.memref_slice %arg0[%dma_start3A_1209, %dma_start3A_1210] : memref<32x1000000xf32, #tpu.memory_space<hbm>> -> memref<32x32000xf32, #tpu.memory_space<hbm>>
    tpu.enqueue_dma source(%dma_start3A_1211 : memref<32x32000xf32, #tpu.memory_space<hbm>>) target(%dma_start3A_1208 : memref<32x32000xf32, #tpu.memory_space<vmem>>) target_semaphore(%dma_start3A_1204 : memref<!tpu.dma_semaphore, #tpu.memory_space<semaphore_mem>>)
    %dma_wait3A_1212 = arith.constant 0 : i32
    %dma_wait3A_1213 = arith.constant 0 : i32
    %dma_wait3A_1214 = tpu.memref_slice %arg6[%dma_wait3A_1213] : memref<2x!tpu.dma_semaphore, #tpu.memory_space<semaphore_mem>> -> memref<1x!tpu.dma_semaphore, #tpu.memory_space<semaphore_mem>>
    %dma_wait3A_1215 = tpu.memref_squeeze %dma_wait3A_1214 : memref<1x!tpu.dma_semaphore, #tpu.memory_space<semaphore_mem>> -> memref<!tpu.dma_semaphore, #tpu.memory_space<semaphore_mem>>
    %dma_wait3A_1216 = arith.constant 0 : i32
    %dma_wait3A_1217 = arith.constant 0 : i32
    %dma_wait3A_1218 = tpu.memref_slice %arg2[%dma_wait3A_1212, %dma_wait3A_1216, %dma_wait3A_1217] : memref<2x32x32000xf32, #tpu.memory_space<vmem>> -> memref<1x32x32000xf32, #tpu.memory_space<vmem>>
    %dma_wait3A_1219 = tpu.memref_squeeze %dma_wait3A_1218 : memref<1x32x32000xf32, #tpu.memory_space<vmem>> -> memref<32x32000xf32, #tpu.memory_space<vmem>>
    %dma_wait3A_1220 = arith.constant 0 : i32
    %dma_wait3A_1221 = arith.constant 512000 : i32
    %dma_wait3A_1222 = tpu.memref_slice %arg0[%dma_wait3A_1220, %dma_wait3A_1221] : memref<32x1000000xf32, #tpu.memory_space<hbm>> -> memref<32x32000xf32, #tpu.memory_space<hbm>>
    tpu.wait_dma2 semaphore(%dma_wait3A_1215 : memref<!tpu.dma_semaphore, #tpu.memory_space<semaphore_mem>>) src(%dma_wait3A_1222 : memref<32x32000xf32, #tpu.memory_space<hbm>>) dst(%dma_wait3A_1219 : memref<32x32000xf32, #tpu.memory_space<vmem>>)
    %get3A_1223 = arith.constant 0 : index
    %get3A_1224 = arith.constant 0 : index
    %get3A_1225 = arith.constant 0 : index
    %get3A_1226 = vector.load %arg2[%get3A_1223, %get3A_1224, %get3A_1225] : memref<2x32x32000xf32, #tpu.memory_space<vmem>>, vector<1x32x32000xf32>
    %get3A_1227 = vector.shape_cast %get3A_1226 : vector<1x32x32000xf32> to vector<32x32000xf32>
    %slice3A_1228 = vector.extract_strided_slice %get3A_1227 {offsets = [0, 0], sizes = [32, 8000], strides = [1, 1]} : vector<32x32000xf32> to vector<32x8000xf32>
    %get3A_1229 = arith.constant 0 : index
    %get3A_1230 = arith.constant 0 : index
    %get3A_1231 = arith.constant 0 : index
    %get3A_1232 = vector.load %arg2[%get3A_1229, %get3A_1230, %get3A_1231] : memref<2x32x32000xf32, #tpu.memory_space<vmem>>, vector<1x32x32000xf32>
    %get3A_1233 = vector.shape_cast %get3A_1232 : vector<1x32x32000xf32> to vector<32x32000xf32>
    %slice3A_1234 = vector.extract_strided_slice %get3A_1233 {offsets = [0, 8000], sizes = [32, 8000], strides = [1, 1]} : vector<32x32000xf32> to vector<32x8000xf32>
    %get3A_1235 = arith.constant 0 : index
    %get3A_1236 = arith.constant 0 : index
    %get3A_1237 = arith.constant 0 : index
    %get3A_1238 = vector.load %arg2[%get3A_1235, %get3A_1236, %get3A_1237] : memref<2x32x32000xf32, #tpu.memory_space<vmem>>, vector<1x32x32000xf32>
    %get3A_1239 = vector.shape_cast %get3A_1238 : vector<1x32x32000xf32> to vector<32x32000xf32>
    %slice3A_1240 = vector.extract_strided_slice %get3A_1239 {offsets = [0, 16000], sizes = [32, 8000], strides = [1, 1]} : vector<32x32000xf32> to vector<32x8000xf32>
    %get3A_1241 = arith.constant 0 : index
    %get3A_1242 = arith.constant 0 : index
    %get3A_1243 = arith.constant 0 : index
    %get3A_1244 = vector.load %arg2[%get3A_1241, %get3A_1242, %get3A_1243] : memref<2x32x32000xf32, #tpu.memory_space<vmem>>, vector<1x32x32000xf32>
    %get3A_1245 = vector.shape_cast %get3A_1244 : vector<1x32x32000xf32> to vector<32x32000xf32>
    %slice3A_1246 = vector.extract_strided_slice %get3A_1245 {offsets = [0, 24000], sizes = [32, 8000], strides = [1, 1]} : vector<32x32000xf32> to vector<32x8000xf32>
    %concatenate3A_1247 = tpu.concatenate %slice3A_1228, %slice3A_1234, %slice3A_1240, %slice3A_1246 in 0 : vector<32x8000xf32>, vector<32x8000xf32>, vector<32x8000xf32>, vector<32x8000xf32> -> vector<128x8000xf32>
    %transpose3A_1248 = tpu.transpose %concatenate3A_1247, [1, 0] : vector<128x8000xf32> -> vector<8000x128xf32>
    %dma_wait3A_1249 = arith.constant 0 : i32
    %dma_wait3A_1250 = arith.constant 0 : i32
    %dma_wait3A_1251 = tpu.memref_slice %arg7[%dma_wait3A_1250] : memref<2x!tpu.dma_semaphore, #tpu.memory_space<semaphore_mem>> -> memref<1x!tpu.dma_semaphore, #tpu.memory_space<semaphore_mem>>
    %dma_wait3A_1252 = tpu.memref_squeeze %dma_wait3A_1251 : memref<1x!tpu.dma_semaphore, #tpu.memory_space<semaphore_mem>> -> memref<!tpu.dma_semaphore, #tpu.memory_space<semaphore_mem>>
    %dma_wait3A_1253 = arith.constant 112000 : i32
    %dma_wait3A_1254 = arith.constant 0 : i32
    %dma_wait3A_1255 = tpu.memref_slice %arg1[%dma_wait3A_1253, %dma_wait3A_1254] : memref<250000x128xf32, #tpu.memory_space<hbm>> -> memref<8000x128xf32, #tpu.memory_space<hbm>>
    %dma_wait3A_1256 = arith.constant 0 : i32
    %dma_wait3A_1257 = arith.constant 0 : i32
    %dma_wait3A_1258 = tpu.memref_slice %arg3[%dma_wait3A_1249, %dma_wait3A_1256, %dma_wait3A_1257] : memref<2x8000x128xf32, #tpu.memory_space<vmem>> -> memref<1x8000x128xf32, #tpu.memory_space<vmem>>
    %dma_wait3A_1259 = tpu.memref_squeeze %dma_wait3A_1258 : memref<1x8000x128xf32, #tpu.memory_space<vmem>> -> memref<8000x128xf32, #tpu.memory_space<vmem>>
    tpu.wait_dma2 semaphore(%dma_wait3A_1252 : memref<!tpu.dma_semaphore, #tpu.memory_space<semaphore_mem>>) src(%dma_wait3A_1259 : memref<8000x128xf32, #tpu.memory_space<vmem>>) dst(%dma_wait3A_1255 : memref<8000x128xf32, #tpu.memory_space<hbm>>)
    %swap3A_1260 = arith.constant 0 : index
    %swap3A_1261 = arith.constant 0 : index
    %swap3A_1262 = arith.constant 0 : index
    %swap3A_1263 = vector.load %arg3[%swap3A_1260, %swap3A_1261, %swap3A_1262] : memref<2x8000x128xf32, #tpu.memory_space<vmem>>, vector<1x8000x128xf32>
    %swap3A_1264 = vector.shape_cast %swap3A_1263 : vector<1x8000x128xf32> to vector<8000x128xf32>
    %swap3A_1265 = vector.shape_cast %transpose3A_1248 : vector<8000x128xf32> to vector<1x8000x128xf32>
    tpu.vector_store %arg3[%swap3A_1260, %swap3A_1261, %swap3A_1262], %swap3A_1265 {strides = array<i32>} : memref<2x8000x128xf32, #tpu.memory_space<vmem>>, vector<1x8000x128xf32>,
    %dma_start3A_1266 = arith.constant 0 : i32
    %dma_start3A_1267 = arith.constant 0 : i32
    %dma_start3A_1268 = tpu.memref_slice %arg7[%dma_start3A_1267] : memref<2x!tpu.dma_semaphore, #tpu.memory_space<semaphore_mem>> -> memref<1x!tpu.dma_semaphore, #tpu.memory_space<semaphore_mem>>
    %dma_start3A_1269 = tpu.memref_squeeze %dma_start3A_1268 : memref<1x!tpu.dma_semaphore, #tpu.memory_space<semaphore_mem>> -> memref<!tpu.dma_semaphore, #tpu.memory_space<semaphore_mem>>
    %dma_start3A_1270 = arith.constant 128000 : i32
    %dma_start3A_1271 = arith.constant 0 : i32
    %dma_start3A_1272 = tpu.memref_slice %arg1[%dma_start3A_1270, %dma_start3A_1271] : memref<250000x128xf32, #tpu.memory_space<hbm>> -> memref<8000x128xf32, #tpu.memory_space<hbm>>
    %dma_start3A_1273 = arith.constant 0 : i32
    %dma_start3A_1274 = arith.constant 0 : i32
    %dma_start3A_1275 = tpu.memref_slice %arg3[%dma_start3A_1266, %dma_start3A_1273, %dma_start3A_1274] : memref<2x8000x128xf32, #tpu.memory_space<vmem>> -> memref<1x8000x128xf32, #tpu.memory_space<vmem>>
    %dma_start3A_1276 = tpu.memref_squeeze %dma_start3A_1275 : memref<1x8000x128xf32, #tpu.memory_space<vmem>> -> memref<8000x128xf32, #tpu.memory_space<vmem>>
    tpu.enqueue_dma source(%dma_start3A_1276 : memref<8000x128xf32, #tpu.memory_space<vmem>>) target(%dma_start3A_1272 : memref<8000x128xf32, #tpu.memory_space<hbm>>) target_semaphore(%dma_start3A_1269 : memref<!tpu.dma_semaphore, #tpu.memory_space<semaphore_mem>>)
    %dma_start3A_1277 = arith.constant 0 : i32
    %dma_start3A_1278 = arith.constant 0 : i32
    %dma_start3A_1279 = tpu.memref_slice %arg6[%dma_start3A_1278] : memref<2x!tpu.dma_semaphore, #tpu.memory_space<semaphore_mem>> -> memref<1x!tpu.dma_semaphore, #tpu.memory_space<semaphore_mem>>
    %dma_start3A_1280 = tpu.memref_squeeze %dma_start3A_1279 : memref<1x!tpu.dma_semaphore, #tpu.memory_space<semaphore_mem>> -> memref<!tpu.dma_semaphore, #tpu.memory_space<semaphore_mem>>
    %dma_start3A_1281 = arith.constant 0 : i32
    %dma_start3A_1282 = arith.constant 0 : i32
    %dma_start3A_1283 = tpu.memref_slice %arg2[%dma_start3A_1277, %dma_start3A_1281, %dma_start3A_1282] : memref<2x32x32000xf32, #tpu.memory_space<vmem>> -> memref<1x32x32000xf32, #tpu.memory_space<vmem>>
    %dma_start3A_1284 = tpu.memref_squeeze %dma_start3A_1283 : memref<1x32x32000xf32, #tpu.memory_space<vmem>> -> memref<32x32000xf32, #tpu.memory_space<vmem>>
    %dma_start3A_1285 = arith.constant 0 : i32
    %dma_start3A_1286 = arith.constant 576000 : i32
    %dma_start3A_1287 = tpu.memref_slice %arg0[%dma_start3A_1285, %dma_start3A_1286] : memref<32x1000000xf32, #tpu.memory_space<hbm>> -> memref<32x32000xf32, #tpu.memory_space<hbm>>
    tpu.enqueue_dma source(%dma_start3A_1287 : memref<32x32000xf32, #tpu.memory_space<hbm>>) target(%dma_start3A_1284 : memref<32x32000xf32, #tpu.memory_space<vmem>>) target_semaphore(%dma_start3A_1280 : memref<!tpu.dma_semaphore, #tpu.memory_space<semaphore_mem>>)
    %dma_wait3A_1288 = arith.constant 1 : i32
    %dma_wait3A_1289 = arith.constant 1 : i32
    %dma_wait3A_1290 = tpu.memref_slice %arg6[%dma_wait3A_1289] : memref<2x!tpu.dma_semaphore, #tpu.memory_space<semaphore_mem>> -> memref<1x!tpu.dma_semaphore, #tpu.memory_space<semaphore_mem>>
    %dma_wait3A_1291 = tpu.memref_squeeze %dma_wait3A_1290 : memref<1x!tpu.dma_semaphore, #tpu.memory_space<semaphore_mem>> -> memref<!tpu.dma_semaphore, #tpu.memory_space<semaphore_mem>>
    %dma_wait3A_1292 = arith.constant 0 : i32
    %dma_wait3A_1293 = arith.constant 0 : i32
    %dma_wait3A_1294 = tpu.memref_slice %arg2[%dma_wait3A_1288, %dma_wait3A_1292, %dma_wait3A_1293] : memref<2x32x32000xf32, #tpu.memory_space<vmem>> -> memref<1x32x32000xf32, #tpu.memory_space<vmem>>
    %dma_wait3A_1295 = tpu.memref_squeeze %dma_wait3A_1294 : memref<1x32x32000xf32, #tpu.memory_space<vmem>> -> memref<32x32000xf32, #tpu.memory_space<vmem>>
    %dma_wait3A_1296 = arith.constant 0 : i32
    %dma_wait3A_1297 = arith.constant 544000 : i32
    %dma_wait3A_1298 = tpu.memref_slice %arg0[%dma_wait3A_1296, %dma_wait3A_1297] : memref<32x1000000xf32, #tpu.memory_space<hbm>> -> memref<32x32000xf32, #tpu.memory_space<hbm>>
    tpu.wait_dma2 semaphore(%dma_wait3A_1291 : memref<!tpu.dma_semaphore, #tpu.memory_space<semaphore_mem>>) src(%dma_wait3A_1298 : memref<32x32000xf32, #tpu.memory_space<hbm>>) dst(%dma_wait3A_1295 : memref<32x32000xf32, #tpu.memory_space<vmem>>)
    %get3A_1299 = arith.constant 1 : index
    %get3A_1300 = arith.constant 0 : index
    %get3A_1301 = arith.constant 0 : index
    %get3A_1302 = vector.load %arg2[%get3A_1299, %get3A_1300, %get3A_1301] : memref<2x32x32000xf32, #tpu.memory_space<vmem>>, vector<1x32x32000xf32>
    %get3A_1303 = vector.shape_cast %get3A_1302 : vector<1x32x32000xf32> to vector<32x32000xf32>
    %slice3A_1304 = vector.extract_strided_slice %get3A_1303 {offsets = [0, 0], sizes = [32, 8000], strides = [1, 1]} : vector<32x32000xf32> to vector<32x8000xf32>
    %get3A_1305 = arith.constant 1 : index
    %get3A_1306 = arith.constant 0 : index
    %get3A_1307 = arith.constant 0 : index
    %get3A_1308 = vector.load %arg2[%get3A_1305, %get3A_1306, %get3A_1307] : memref<2x32x32000xf32, #tpu.memory_space<vmem>>, vector<1x32x32000xf32>
    %get3A_1309 = vector.shape_cast %get3A_1308 : vector<1x32x32000xf32> to vector<32x32000xf32>
    %slice3A_1310 = vector.extract_strided_slice %get3A_1309 {offsets = [0, 8000], sizes = [32, 8000], strides = [1, 1]} : vector<32x32000xf32> to vector<32x8000xf32>
    %get3A_1311 = arith.constant 1 : index
    %get3A_1312 = arith.constant 0 : index
    %get3A_1313 = arith.constant 0 : index
    %get3A_1314 = vector.load %arg2[%get3A_1311, %get3A_1312, %get3A_1313] : memref<2x32x32000xf32, #tpu.memory_space<vmem>>, vector<1x32x32000xf32>
    %get3A_1315 = vector.shape_cast %get3A_1314 : vector<1x32x32000xf32> to vector<32x32000xf32>
    %slice3A_1316 = vector.extract_strided_slice %get3A_1315 {offsets = [0, 16000], sizes = [32, 8000], strides = [1, 1]} : vector<32x32000xf32> to vector<32x8000xf32>
    %get3A_1317 = arith.constant 1 : index
    %get3A_1318 = arith.constant 0 : index
    %get3A_1319 = arith.constant 0 : index
    %get3A_1320 = vector.load %arg2[%get3A_1317, %get3A_1318, %get3A_1319] : memref<2x32x32000xf32, #tpu.memory_space<vmem>>, vector<1x32x32000xf32>
    %get3A_1321 = vector.shape_cast %get3A_1320 : vector<1x32x32000xf32> to vector<32x32000xf32>
    %slice3A_1322 = vector.extract_strided_slice %get3A_1321 {offsets = [0, 24000], sizes = [32, 8000], strides = [1, 1]} : vector<32x32000xf32> to vector<32x8000xf32>
    %concatenate3A_1323 = tpu.concatenate %slice3A_1304, %slice3A_1310, %slice3A_1316, %slice3A_1322 in 0 : vector<32x8000xf32>, vector<32x8000xf32>, vector<32x8000xf32>, vector<32x8000xf32> -> vector<128x8000xf32>
    %transpose3A_1324 = tpu.transpose %concatenate3A_1323, [1, 0] : vector<128x8000xf32> -> vector<8000x128xf32>
    %dma_wait3A_1325 = arith.constant 1 : i32
    %dma_wait3A_1326 = arith.constant 1 : i32
    %dma_wait3A_1327 = tpu.memref_slice %arg7[%dma_wait3A_1326] : memref<2x!tpu.dma_semaphore, #tpu.memory_space<semaphore_mem>> -> memref<1x!tpu.dma_semaphore, #tpu.memory_space<semaphore_mem>>
    %dma_wait3A_1328 = tpu.memref_squeeze %dma_wait3A_1327 : memref<1x!tpu.dma_semaphore, #tpu.memory_space<semaphore_mem>> -> memref<!tpu.dma_semaphore, #tpu.memory_space<semaphore_mem>>
    %dma_wait3A_1329 = arith.constant 120000 : i32
    %dma_wait3A_1330 = arith.constant 0 : i32
    %dma_wait3A_1331 = tpu.memref_slice %arg1[%dma_wait3A_1329, %dma_wait3A_1330] : memref<250000x128xf32, #tpu.memory_space<hbm>> -> memref<8000x128xf32, #tpu.memory_space<hbm>>
    %dma_wait3A_1332 = arith.constant 0 : i32
    %dma_wait3A_1333 = arith.constant 0 : i32
    %dma_wait3A_1334 = tpu.memref_slice %arg3[%dma_wait3A_1325, %dma_wait3A_1332, %dma_wait3A_1333] : memref<2x8000x128xf32, #tpu.memory_space<vmem>> -> memref<1x8000x128xf32, #tpu.memory_space<vmem>>
    %dma_wait3A_1335 = tpu.memref_squeeze %dma_wait3A_1334 : memref<1x8000x128xf32, #tpu.memory_space<vmem>> -> memref<8000x128xf32, #tpu.memory_space<vmem>>
    tpu.wait_dma2 semaphore(%dma_wait3A_1328 : memref<!tpu.dma_semaphore, #tpu.memory_space<semaphore_mem>>) src(%dma_wait3A_1335 : memref<8000x128xf32, #tpu.memory_space<vmem>>) dst(%dma_wait3A_1331 : memref<8000x128xf32, #tpu.memory_space<hbm>>)
    %swap3A_1336 = arith.constant 1 : index
    %swap3A_1337 = arith.constant 0 : index
    %swap3A_1338 = arith.constant 0 : index
    %swap3A_1339 = vector.load %arg3[%swap3A_1336, %swap3A_1337, %swap3A_1338] : memref<2x8000x128xf32, #tpu.memory_space<vmem>>, vector<1x8000x128xf32>
    %swap3A_1340 = vector.shape_cast %swap3A_1339 : vector<1x8000x128xf32> to vector<8000x128xf32>
    %swap3A_1341 = vector.shape_cast %transpose3A_1324 : vector<8000x128xf32> to vector<1x8000x128xf32>
    tpu.vector_store %arg3[%swap3A_1336, %swap3A_1337, %swap3A_1338], %swap3A_1341 {strides = array<i32>} : memref<2x8000x128xf32, #tpu.memory_space<vmem>>, vector<1x8000x128xf32>,
    %dma_start3A_1342 = arith.constant 1 : i32
    %dma_start3A_1343 = arith.constant 1 : i32
    %dma_start3A_1344 = tpu.memref_slice %arg7[%dma_start3A_1343] : memref<2x!tpu.dma_semaphore, #tpu.memory_space<semaphore_mem>> -> memref<1x!tpu.dma_semaphore, #tpu.memory_space<semaphore_mem>>
    %dma_start3A_1345 = tpu.memref_squeeze %dma_start3A_1344 : memref<1x!tpu.dma_semaphore, #tpu.memory_space<semaphore_mem>> -> memref<!tpu.dma_semaphore, #tpu.memory_space<semaphore_mem>>
    %dma_start3A_1346 = arith.constant 136000 : i32
    %dma_start3A_1347 = arith.constant 0 : i32
    %dma_start3A_1348 = tpu.memref_slice %arg1[%dma_start3A_1346, %dma_start3A_1347] : memref<250000x128xf32, #tpu.memory_space<hbm>> -> memref<8000x128xf32, #tpu.memory_space<hbm>>
    %dma_start3A_1349 = arith.constant 0 : i32
    %dma_start3A_1350 = arith.constant 0 : i32
    %dma_start3A_1351 = tpu.memref_slice %arg3[%dma_start3A_1342, %dma_start3A_1349, %dma_start3A_1350] : memref<2x8000x128xf32, #tpu.memory_space<vmem>> -> memref<1x8000x128xf32, #tpu.memory_space<vmem>>
    %dma_start3A_1352 = tpu.memref_squeeze %dma_start3A_1351 : memref<1x8000x128xf32, #tpu.memory_space<vmem>> -> memref<8000x128xf32, #tpu.memory_space<vmem>>
    tpu.enqueue_dma source(%dma_start3A_1352 : memref<8000x128xf32, #tpu.memory_space<vmem>>) target(%dma_start3A_1348 : memref<8000x128xf32, #tpu.memory_space<hbm>>) target_semaphore(%dma_start3A_1345 : memref<!tpu.dma_semaphore, #tpu.memory_space<semaphore_mem>>)
    %dma_start3A_1353 = arith.constant 1 : i32
    %dma_start3A_1354 = arith.constant 1 : i32
    %dma_start3A_1355 = tpu.memref_slice %arg6[%dma_start3A_1354] : memref<2x!tpu.dma_semaphore, #tpu.memory_space<semaphore_mem>> -> memref<1x!tpu.dma_semaphore, #tpu.memory_space<semaphore_mem>>
    %dma_start3A_1356 = tpu.memref_squeeze %dma_start3A_1355 : memref<1x!tpu.dma_semaphore, #tpu.memory_space<semaphore_mem>> -> memref<!tpu.dma_semaphore, #tpu.memory_space<semaphore_mem>>
    %dma_start3A_1357 = arith.constant 0 : i32
    %dma_start3A_1358 = arith.constant 0 : i32
    %dma_start3A_1359 = tpu.memref_slice %arg2[%dma_start3A_1353, %dma_start3A_1357, %dma_start3A_1358] : memref<2x32x32000xf32, #tpu.memory_space<vmem>> -> memref<1x32x32000xf32, #tpu.memory_space<vmem>>
    %dma_start3A_1360 = tpu.memref_squeeze %dma_start3A_1359 : memref<1x32x32000xf32, #tpu.memory_space<vmem>> -> memref<32x32000xf32, #tpu.memory_space<vmem>>
    %dma_start3A_1361 = arith.constant 0 : i32
    %dma_start3A_1362 = arith.constant 608000 : i32
    %dma_start3A_1363 = tpu.memref_slice %arg0[%dma_start3A_1361, %dma_start3A_1362] : memref<32x1000000xf32, #tpu.memory_space<hbm>> -> memref<32x32000xf32, #tpu.memory_space<hbm>>
    tpu.enqueue_dma source(%dma_start3A_1363 : memref<32x32000xf32, #tpu.memory_space<hbm>>) target(%dma_start3A_1360 : memref<32x32000xf32, #tpu.memory_space<vmem>>) target_semaphore(%dma_start3A_1356 : memref<!tpu.dma_semaphore, #tpu.memory_space<semaphore_mem>>)
    %dma_wait3A_1364 = arith.constant 0 : i32
    %dma_wait3A_1365 = arith.constant 0 : i32
    %dma_wait3A_1366 = tpu.memref_slice %arg6[%dma_wait3A_1365] : memref<2x!tpu.dma_semaphore, #tpu.memory_space<semaphore_mem>> -> memref<1x!tpu.dma_semaphore, #tpu.memory_space<semaphore_mem>>
    %dma_wait3A_1367 = tpu.memref_squeeze %dma_wait3A_1366 : memref<1x!tpu.dma_semaphore, #tpu.memory_space<semaphore_mem>> -> memref<!tpu.dma_semaphore, #tpu.memory_space<semaphore_mem>>
    %dma_wait3A_1368 = arith.constant 0 : i32
    %dma_wait3A_1369 = arith.constant 0 : i32
    %dma_wait3A_1370 = tpu.memref_slice %arg2[%dma_wait3A_1364, %dma_wait3A_1368, %dma_wait3A_1369] : memref<2x32x32000xf32, #tpu.memory_space<vmem>> -> memref<1x32x32000xf32, #tpu.memory_space<vmem>>
    %dma_wait3A_1371 = tpu.memref_squeeze %dma_wait3A_1370 : memref<1x32x32000xf32, #tpu.memory_space<vmem>> -> memref<32x32000xf32, #tpu.memory_space<vmem>>
    %dma_wait3A_1372 = arith.constant 0 : i32
    %dma_wait3A_1373 = arith.constant 576000 : i32
    %dma_wait3A_1374 = tpu.memref_slice %arg0[%dma_wait3A_1372, %dma_wait3A_1373] : memref<32x1000000xf32, #tpu.memory_space<hbm>> -> memref<32x32000xf32, #tpu.memory_space<hbm>>
    tpu.wait_dma2 semaphore(%dma_wait3A_1367 : memref<!tpu.dma_semaphore, #tpu.memory_space<semaphore_mem>>) src(%dma_wait3A_1374 : memref<32x32000xf32, #tpu.memory_space<hbm>>) dst(%dma_wait3A_1371 : memref<32x32000xf32, #tpu.memory_space<vmem>>)
    %get3A_1375 = arith.constant 0 : index
    %get3A_1376 = arith.constant 0 : index
    %get3A_1377 = arith.constant 0 : index
    %get3A_1378 = vector.load %arg2[%get3A_1375, %get3A_1376, %get3A_1377] : memref<2x32x32000xf32, #tpu.memory_space<vmem>>, vector<1x32x32000xf32>
    %get3A_1379 = vector.shape_cast %get3A_1378 : vector<1x32x32000xf32> to vector<32x32000xf32>
    %slice3A_1380 = vector.extract_strided_slice %get3A_1379 {offsets = [0, 0], sizes = [32, 8000], strides = [1, 1]} : vector<32x32000xf32> to vector<32x8000xf32>
    %get3A_1381 = arith.constant 0 : index
    %get3A_1382 = arith.constant 0 : index
    %get3A_1383 = arith.constant 0 : index
    %get3A_1384 = vector.load %arg2[%get3A_1381, %get3A_1382, %get3A_1383] : memref<2x32x32000xf32, #tpu.memory_space<vmem>>, vector<1x32x32000xf32>
    %get3A_1385 = vector.shape_cast %get3A_1384 : vector<1x32x32000xf32> to vector<32x32000xf32>
    %slice3A_1386 = vector.extract_strided_slice %get3A_1385 {offsets = [0, 8000], sizes = [32, 8000], strides = [1, 1]} : vector<32x32000xf32> to vector<32x8000xf32>
    %get3A_1387 = arith.constant 0 : index
    %get3A_1388 = arith.constant 0 : index
    %get3A_1389 = arith.constant 0 : index
    %get3A_1390 = vector.load %arg2[%get3A_1387, %get3A_1388, %get3A_1389] : memref<2x32x32000xf32, #tpu.memory_space<vmem>>, vector<1x32x32000xf32>
    %get3A_1391 = vector.shape_cast %get3A_1390 : vector<1x32x32000xf32> to vector<32x32000xf32>
    %slice3A_1392 = vector.extract_strided_slice %get3A_1391 {offsets = [0, 16000], sizes = [32, 8000], strides = [1, 1]} : vector<32x32000xf32> to vector<32x8000xf32>
    %get3A_1393 = arith.constant 0 : index
    %get3A_1394 = arith.constant 0 : index
    %get3A_1395 = arith.constant 0 : index
    %get3A_1396 = vector.load %arg2[%get3A_1393, %get3A_1394, %get3A_1395] : memref<2x32x32000xf32, #tpu.memory_space<vmem>>, vector<1x32x32000xf32>
    %get3A_1397 = vector.shape_cast %get3A_1396 : vector<1x32x32000xf32> to vector<32x32000xf32>
    %slice3A_1398 = vector.extract_strided_slice %get3A_1397 {offsets = [0, 24000], sizes = [32, 8000], strides = [1, 1]} : vector<32x32000xf32> to vector<32x8000xf32>
    %concatenate3A_1399 = tpu.concatenate %slice3A_1380, %slice3A_1386, %slice3A_1392, %slice3A_1398 in 0 : vector<32x8000xf32>, vector<32x8000xf32>, vector<32x8000xf32>, vector<32x8000xf32> -> vector<128x8000xf32>
    %transpose3A_1400 = tpu.transpose %concatenate3A_1399, [1, 0] : vector<128x8000xf32> -> vector<8000x128xf32>
    %dma_wait3A_1401 = arith.constant 0 : i32
    %dma_wait3A_1402 = arith.constant 0 : i32
    %dma_wait3A_1403 = tpu.memref_slice %arg7[%dma_wait3A_1402] : memref<2x!tpu.dma_semaphore, #tpu.memory_space<semaphore_mem>> -> memref<1x!tpu.dma_semaphore, #tpu.memory_space<semaphore_mem>>
    %dma_wait3A_1404 = tpu.memref_squeeze %dma_wait3A_1403 : memref<1x!tpu.dma_semaphore, #tpu.memory_space<semaphore_mem>> -> memref<!tpu.dma_semaphore, #tpu.memory_space<semaphore_mem>>
    %dma_wait3A_1405 = arith.constant 128000 : i32
    %dma_wait3A_1406 = arith.constant 0 : i32
    %dma_wait3A_1407 = tpu.memref_slice %arg1[%dma_wait3A_1405, %dma_wait3A_1406] : memref<250000x128xf32, #tpu.memory_space<hbm>> -> memref<8000x128xf32, #tpu.memory_space<hbm>>
    %dma_wait3A_1408 = arith.constant 0 : i32
    %dma_wait3A_1409 = arith.constant 0 : i32
    %dma_wait3A_1410 = tpu.memref_slice %arg3[%dma_wait3A_1401, %dma_wait3A_1408, %dma_wait3A_1409] : memref<2x8000x128xf32, #tpu.memory_space<vmem>> -> memref<1x8000x128xf32, #tpu.memory_space<vmem>>
    %dma_wait3A_1411 = tpu.memref_squeeze %dma_wait3A_1410 : memref<1x8000x128xf32, #tpu.memory_space<vmem>> -> memref<8000x128xf32, #tpu.memory_space<vmem>>
    tpu.wait_dma2 semaphore(%dma_wait3A_1404 : memref<!tpu.dma_semaphore, #tpu.memory_space<semaphore_mem>>) src(%dma_wait3A_1411 : memref<8000x128xf32, #tpu.memory_space<vmem>>) dst(%dma_wait3A_1407 : memref<8000x128xf32, #tpu.memory_space<hbm>>)
    %swap3A_1412 = arith.constant 0 : index
    %swap3A_1413 = arith.constant 0 : index
    %swap3A_1414 = arith.constant 0 : index
    %swap3A_1415 = vector.load %arg3[%swap3A_1412, %swap3A_1413, %swap3A_1414] : memref<2x8000x128xf32, #tpu.memory_space<vmem>>, vector<1x8000x128xf32>
    %swap3A_1416 = vector.shape_cast %swap3A_1415 : vector<1x8000x128xf32> to vector<8000x128xf32>
    %swap3A_1417 = vector.shape_cast %transpose3A_1400 : vector<8000x128xf32> to vector<1x8000x128xf32>
    tpu.vector_store %arg3[%swap3A_1412, %swap3A_1413, %swap3A_1414], %swap3A_1417 {strides = array<i32>} : memref<2x8000x128xf32, #tpu.memory_space<vmem>>, vector<1x8000x128xf32>,
    %dma_start3A_1418 = arith.constant 0 : i32
    %dma_start3A_1419 = arith.constant 0 : i32
    %dma_start3A_1420 = tpu.memref_slice %arg7[%dma_start3A_1419] : memref<2x!tpu.dma_semaphore, #tpu.memory_space<semaphore_mem>> -> memref<1x!tpu.dma_semaphore, #tpu.memory_space<semaphore_mem>>
    %dma_start3A_1421 = tpu.memref_squeeze %dma_start3A_1420 : memref<1x!tpu.dma_semaphore, #tpu.memory_space<semaphore_mem>> -> memref<!tpu.dma_semaphore, #tpu.memory_space<semaphore_mem>>
    %dma_start3A_1422 = arith.constant 144000 : i32
    %dma_start3A_1423 = arith.constant 0 : i32
    %dma_start3A_1424 = tpu.memref_slice %arg1[%dma_start3A_1422, %dma_start3A_1423] : memref<250000x128xf32, #tpu.memory_space<hbm>> -> memref<8000x128xf32, #tpu.memory_space<hbm>>
    %dma_start3A_1425 = arith.constant 0 : i32
    %dma_start3A_1426 = arith.constant 0 : i32
    %dma_start3A_1427 = tpu.memref_slice %arg3[%dma_start3A_1418, %dma_start3A_1425, %dma_start3A_1426] : memref<2x8000x128xf32, #tpu.memory_space<vmem>> -> memref<1x8000x128xf32, #tpu.memory_space<vmem>>
    %dma_start3A_1428 = tpu.memref_squeeze %dma_start3A_1427 : memref<1x8000x128xf32, #tpu.memory_space<vmem>> -> memref<8000x128xf32, #tpu.memory_space<vmem>>
    tpu.enqueue_dma source(%dma_start3A_1428 : memref<8000x128xf32, #tpu.memory_space<vmem>>) target(%dma_start3A_1424 : memref<8000x128xf32, #tpu.memory_space<hbm>>) target_semaphore(%dma_start3A_1421 : memref<!tpu.dma_semaphore, #tpu.memory_space<semaphore_mem>>)
    %dma_start3A_1429 = arith.constant 0 : i32
    %dma_start3A_1430 = arith.constant 0 : i32
    %dma_start3A_1431 = tpu.memref_slice %arg6[%dma_start3A_1430] : memref<2x!tpu.dma_semaphore, #tpu.memory_space<semaphore_mem>> -> memref<1x!tpu.dma_semaphore, #tpu.memory_space<semaphore_mem>>
    %dma_start3A_1432 = tpu.memref_squeeze %dma_start3A_1431 : memref<1x!tpu.dma_semaphore, #tpu.memory_space<semaphore_mem>> -> memref<!tpu.dma_semaphore, #tpu.memory_space<semaphore_mem>>
    %dma_start3A_1433 = arith.constant 0 : i32
    %dma_start3A_1434 = arith.constant 0 : i32
    %dma_start3A_1435 = tpu.memref_slice %arg2[%dma_start3A_1429, %dma_start3A_1433, %dma_start3A_1434] : memref<2x32x32000xf32, #tpu.memory_space<vmem>> -> memref<1x32x32000xf32, #tpu.memory_space<vmem>>
    %dma_start3A_1436 = tpu.memref_squeeze %dma_start3A_1435 : memref<1x32x32000xf32, #tpu.memory_space<vmem>> -> memref<32x32000xf32, #tpu.memory_space<vmem>>
    %dma_start3A_1437 = arith.constant 0 : i32
    %dma_start3A_1438 = arith.constant 640000 : i32
    %dma_start3A_1439 = tpu.memref_slice %arg0[%dma_start3A_1437, %dma_start3A_1438] : memref<32x1000000xf32, #tpu.memory_space<hbm>> -> memref<32x32000xf32, #tpu.memory_space<hbm>>
    tpu.enqueue_dma source(%dma_start3A_1439 : memref<32x32000xf32, #tpu.memory_space<hbm>>) target(%dma_start3A_1436 : memref<32x32000xf32, #tpu.memory_space<vmem>>) target_semaphore(%dma_start3A_1432 : memref<!tpu.dma_semaphore, #tpu.memory_space<semaphore_mem>>)
    %dma_wait3A_1440 = arith.constant 1 : i32
    %dma_wait3A_1441 = arith.constant 1 : i32
    %dma_wait3A_1442 = tpu.memref_slice %arg6[%dma_wait3A_1441] : memref<2x!tpu.dma_semaphore, #tpu.memory_space<semaphore_mem>> -> memref<1x!tpu.dma_semaphore, #tpu.memory_space<semaphore_mem>>
    %dma_wait3A_1443 = tpu.memref_squeeze %dma_wait3A_1442 : memref<1x!tpu.dma_semaphore, #tpu.memory_space<semaphore_mem>> -> memref<!tpu.dma_semaphore, #tpu.memory_space<semaphore_mem>>
    %dma_wait3A_1444 = arith.constant 0 : i32
    %dma_wait3A_1445 = arith.constant 0 : i32
    %dma_wait3A_1446 = tpu.memref_slice %arg2[%dma_wait3A_1440, %dma_wait3A_1444, %dma_wait3A_1445] : memref<2x32x32000xf32, #tpu.memory_space<vmem>> -> memref<1x32x32000xf32, #tpu.memory_space<vmem>>
    %dma_wait3A_1447 = tpu.memref_squeeze %dma_wait3A_1446 : memref<1x32x32000xf32, #tpu.memory_space<vmem>> -> memref<32x32000xf32, #tpu.memory_space<vmem>>
    %dma_wait3A_1448 = arith.constant 0 : i32
    %dma_wait3A_1449 = arith.constant 608000 : i32
    %dma_wait3A_1450 = tpu.memref_slice %arg0[%dma_wait3A_1448, %dma_wait3A_1449] : memref<32x1000000xf32, #tpu.memory_space<hbm>> -> memref<32x32000xf32, #tpu.memory_space<hbm>>
    tpu.wait_dma2 semaphore(%dma_wait3A_1443 : memref<!tpu.dma_semaphore, #tpu.memory_space<semaphore_mem>>) src(%dma_wait3A_1450 : memref<32x32000xf32, #tpu.memory_space<hbm>>) dst(%dma_wait3A_1447 : memref<32x32000xf32, #tpu.memory_space<vmem>>)
    %get3A_1451 = arith.constant 1 : index
    %get3A_1452 = arith.constant 0 : index
    %get3A_1453 = arith.constant 0 : index
    %get3A_1454 = vector.load %arg2[%get3A_1451, %get3A_1452, %get3A_1453] : memref<2x32x32000xf32, #tpu.memory_space<vmem>>, vector<1x32x32000xf32>
    %get3A_1455 = vector.shape_cast %get3A_1454 : vector<1x32x32000xf32> to vector<32x32000xf32>
    %slice3A_1456 = vector.extract_strided_slice %get3A_1455 {offsets = [0, 0], sizes = [32, 8000], strides = [1, 1]} : vector<32x32000xf32> to vector<32x8000xf32>
    %get3A_1457 = arith.constant 1 : index
    %get3A_1458 = arith.constant 0 : index
    %get3A_1459 = arith.constant 0 : index
    %get3A_1460 = vector.load %arg2[%get3A_1457, %get3A_1458, %get3A_1459] : memref<2x32x32000xf32, #tpu.memory_space<vmem>>, vector<1x32x32000xf32>
    %get3A_1461 = vector.shape_cast %get3A_1460 : vector<1x32x32000xf32> to vector<32x32000xf32>
    %slice3A_1462 = vector.extract_strided_slice %get3A_1461 {offsets = [0, 8000], sizes = [32, 8000], strides = [1, 1]} : vector<32x32000xf32> to vector<32x8000xf32>
    %get3A_1463 = arith.constant 1 : index
    %get3A_1464 = arith.constant 0 : index
    %get3A_1465 = arith.constant 0 : index
    %get3A_1466 = vector.load %arg2[%get3A_1463, %get3A_1464, %get3A_1465] : memref<2x32x32000xf32, #tpu.memory_space<vmem>>, vector<1x32x32000xf32>
    %get3A_1467 = vector.shape_cast %get3A_1466 : vector<1x32x32000xf32> to vector<32x32000xf32>
    %slice3A_1468 = vector.extract_strided_slice %get3A_1467 {offsets = [0, 16000], sizes = [32, 8000], strides = [1, 1]} : vector<32x32000xf32> to vector<32x8000xf32>
    %get3A_1469 = arith.constant 1 : index
    %get3A_1470 = arith.constant 0 : index
    %get3A_1471 = arith.constant 0 : index
    %get3A_1472 = vector.load %arg2[%get3A_1469, %get3A_1470, %get3A_1471] : memref<2x32x32000xf32, #tpu.memory_space<vmem>>, vector<1x32x32000xf32>
    %get3A_1473 = vector.shape_cast %get3A_1472 : vector<1x32x32000xf32> to vector<32x32000xf32>
    %slice3A_1474 = vector.extract_strided_slice %get3A_1473 {offsets = [0, 24000], sizes = [32, 8000], strides = [1, 1]} : vector<32x32000xf32> to vector<32x8000xf32>
    %concatenate3A_1475 = tpu.concatenate %slice3A_1456, %slice3A_1462, %slice3A_1468, %slice3A_1474 in 0 : vector<32x8000xf32>, vector<32x8000xf32>, vector<32x8000xf32>, vector<32x8000xf32> -> vector<128x8000xf32>
    %transpose3A_1476 = tpu.transpose %concatenate3A_1475, [1, 0] : vector<128x8000xf32> -> vector<8000x128xf32>
    %dma_wait3A_1477 = arith.constant 1 : i32
    %dma_wait3A_1478 = arith.constant 1 : i32
    %dma_wait3A_1479 = tpu.memref_slice %arg7[%dma_wait3A_1478] : memref<2x!tpu.dma_semaphore, #tpu.memory_space<semaphore_mem>> -> memref<1x!tpu.dma_semaphore, #tpu.memory_space<semaphore_mem>>
    %dma_wait3A_1480 = tpu.memref_squeeze %dma_wait3A_1479 : memref<1x!tpu.dma_semaphore, #tpu.memory_space<semaphore_mem>> -> memref<!tpu.dma_semaphore, #tpu.memory_space<semaphore_mem>>
    %dma_wait3A_1481 = arith.constant 136000 : i32
    %dma_wait3A_1482 = arith.constant 0 : i32
    %dma_wait3A_1483 = tpu.memref_slice %arg1[%dma_wait3A_1481, %dma_wait3A_1482] : memref<250000x128xf32, #tpu.memory_space<hbm>> -> memref<8000x128xf32, #tpu.memory_space<hbm>>
    %dma_wait3A_1484 = arith.constant 0 : i32
    %dma_wait3A_1485 = arith.constant 0 : i32
    %dma_wait3A_1486 = tpu.memref_slice %arg3[%dma_wait3A_1477, %dma_wait3A_1484, %dma_wait3A_1485] : memref<2x8000x128xf32, #tpu.memory_space<vmem>> -> memref<1x8000x128xf32, #tpu.memory_space<vmem>>
    %dma_wait3A_1487 = tpu.memref_squeeze %dma_wait3A_1486 : memref<1x8000x128xf32, #tpu.memory_space<vmem>> -> memref<8000x128xf32, #tpu.memory_space<vmem>>
    tpu.wait_dma2 semaphore(%dma_wait3A_1480 : memref<!tpu.dma_semaphore, #tpu.memory_space<semaphore_mem>>) src(%dma_wait3A_1487 : memref<8000x128xf32, #tpu.memory_space<vmem>>) dst(%dma_wait3A_1483 : memref<8000x128xf32, #tpu.memory_space<hbm>>)
    %swap3A_1488 = arith.constant 1 : index
    %swap3A_1489 = arith.constant 0 : index
    %swap3A_1490 = arith.constant 0 : index
    %swap3A_1491 = vector.load %arg3[%swap3A_1488, %swap3A_1489, %swap3A_1490] : memref<2x8000x128xf32, #tpu.memory_space<vmem>>, vector<1x8000x128xf32>
    %swap3A_1492 = vector.shape_cast %swap3A_1491 : vector<1x8000x128xf32> to vector<8000x128xf32>
    %swap3A_1493 = vector.shape_cast %transpose3A_1476 : vector<8000x128xf32> to vector<1x8000x128xf32>
    tpu.vector_store %arg3[%swap3A_1488, %swap3A_1489, %swap3A_1490], %swap3A_1493 {strides = array<i32>} : memref<2x8000x128xf32, #tpu.memory_space<vmem>>, vector<1x8000x128xf32>,
    %dma_start3A_1494 = arith.constant 1 : i32
    %dma_start3A_1495 = arith.constant 1 : i32
    %dma_start3A_1496 = tpu.memref_slice %arg7[%dma_start3A_1495] : memref<2x!tpu.dma_semaphore, #tpu.memory_space<semaphore_mem>> -> memref<1x!tpu.dma_semaphore, #tpu.memory_space<semaphore_mem>>
    %dma_start3A_1497 = tpu.memref_squeeze %dma_start3A_1496 : memref<1x!tpu.dma_semaphore, #tpu.memory_space<semaphore_mem>> -> memref<!tpu.dma_semaphore, #tpu.memory_space<semaphore_mem>>
    %dma_start3A_1498 = arith.constant 152000 : i32
    %dma_start3A_1499 = arith.constant 0 : i32
    %dma_start3A_1500 = tpu.memref_slice %arg1[%dma_start3A_1498, %dma_start3A_1499] : memref<250000x128xf32, #tpu.memory_space<hbm>> -> memref<8000x128xf32, #tpu.memory_space<hbm>>
    %dma_start3A_1501 = arith.constant 0 : i32
    %dma_start3A_1502 = arith.constant 0 : i32
    %dma_start3A_1503 = tpu.memref_slice %arg3[%dma_start3A_1494, %dma_start3A_1501, %dma_start3A_1502] : memref<2x8000x128xf32, #tpu.memory_space<vmem>> -> memref<1x8000x128xf32, #tpu.memory_space<vmem>>
    %dma_start3A_1504 = tpu.memref_squeeze %dma_start3A_1503 : memref<1x8000x128xf32, #tpu.memory_space<vmem>> -> memref<8000x128xf32, #tpu.memory_space<vmem>>
    tpu.enqueue_dma source(%dma_start3A_1504 : memref<8000x128xf32, #tpu.memory_space<vmem>>) target(%dma_start3A_1500 : memref<8000x128xf32, #tpu.memory_space<hbm>>) target_semaphore(%dma_start3A_1497 : memref<!tpu.dma_semaphore, #tpu.memory_space<semaphore_mem>>)
    %dma_start3A_1505 = arith.constant 1 : i32
    %dma_start3A_1506 = arith.constant 1 : i32
    %dma_start3A_1507 = tpu.memref_slice %arg6[%dma_start3A_1506] : memref<2x!tpu.dma_semaphore, #tpu.memory_space<semaphore_mem>> -> memref<1x!tpu.dma_semaphore, #tpu.memory_space<semaphore_mem>>
    %dma_start3A_1508 = tpu.memref_squeeze %dma_start3A_1507 : memref<1x!tpu.dma_semaphore, #tpu.memory_space<semaphore_mem>> -> memref<!tpu.dma_semaphore, #tpu.memory_space<semaphore_mem>>
    %dma_start3A_1509 = arith.constant 0 : i32
    %dma_start3A_1510 = arith.constant 0 : i32
    %dma_start3A_1511 = tpu.memref_slice %arg2[%dma_start3A_1505, %dma_start3A_1509, %dma_start3A_1510] : memref<2x32x32000xf32, #tpu.memory_space<vmem>> -> memref<1x32x32000xf32, #tpu.memory_space<vmem>>
    %dma_start3A_1512 = tpu.memref_squeeze %dma_start3A_1511 : memref<1x32x32000xf32, #tpu.memory_space<vmem>> -> memref<32x32000xf32, #tpu.memory_space<vmem>>
    %dma_start3A_1513 = arith.constant 0 : i32
    %dma_start3A_1514 = arith.constant 672000 : i32
    %dma_start3A_1515 = tpu.memref_slice %arg0[%dma_start3A_1513, %dma_start3A_1514] : memref<32x1000000xf32, #tpu.memory_space<hbm>> -> memref<32x32000xf32, #tpu.memory_space<hbm>>
    tpu.enqueue_dma source(%dma_start3A_1515 : memref<32x32000xf32, #tpu.memory_space<hbm>>) target(%dma_start3A_1512 : memref<32x32000xf32, #tpu.memory_space<vmem>>) target_semaphore(%dma_start3A_1508 : memref<!tpu.dma_semaphore, #tpu.memory_space<semaphore_mem>>)
    %dma_wait3A_1516 = arith.constant 0 : i32
    %dma_wait3A_1517 = arith.constant 0 : i32
    %dma_wait3A_1518 = tpu.memref_slice %arg6[%dma_wait3A_1517] : memref<2x!tpu.dma_semaphore, #tpu.memory_space<semaphore_mem>> -> memref<1x!tpu.dma_semaphore, #tpu.memory_space<semaphore_mem>>
    %dma_wait3A_1519 = tpu.memref_squeeze %dma_wait3A_1518 : memref<1x!tpu.dma_semaphore, #tpu.memory_space<semaphore_mem>> -> memref<!tpu.dma_semaphore, #tpu.memory_space<semaphore_mem>>
    %dma_wait3A_1520 = arith.constant 0 : i32
    %dma_wait3A_1521 = arith.constant 0 : i32
    %dma_wait3A_1522 = tpu.memref_slice %arg2[%dma_wait3A_1516, %dma_wait3A_1520, %dma_wait3A_1521] : memref<2x32x32000xf32, #tpu.memory_space<vmem>> -> memref<1x32x32000xf32, #tpu.memory_space<vmem>>
    %dma_wait3A_1523 = tpu.memref_squeeze %dma_wait3A_1522 : memref<1x32x32000xf32, #tpu.memory_space<vmem>> -> memref<32x32000xf32, #tpu.memory_space<vmem>>
    %dma_wait3A_1524 = arith.constant 0 : i32
    %dma_wait3A_1525 = arith.constant 640000 : i32
    %dma_wait3A_1526 = tpu.memref_slice %arg0[%dma_wait3A_1524, %dma_wait3A_1525] : memref<32x1000000xf32, #tpu.memory_space<hbm>> -> memref<32x32000xf32, #tpu.memory_space<hbm>>
    tpu.wait_dma2 semaphore(%dma_wait3A_1519 : memref<!tpu.dma_semaphore, #tpu.memory_space<semaphore_mem>>) src(%dma_wait3A_1526 : memref<32x32000xf32, #tpu.memory_space<hbm>>) dst(%dma_wait3A_1523 : memref<32x32000xf32, #tpu.memory_space<vmem>>)
    %get3A_1527 = arith.constant 0 : index
    %get3A_1528 = arith.constant 0 : index
    %get3A_1529 = arith.constant 0 : index
    %get3A_1530 = vector.load %arg2[%get3A_1527, %get3A_1528, %get3A_1529] : memref<2x32x32000xf32, #tpu.memory_space<vmem>>, vector<1x32x32000xf32>
    %get3A_1531 = vector.shape_cast %get3A_1530 : vector<1x32x32000xf32> to vector<32x32000xf32>
    %slice3A_1532 = vector.extract_strided_slice %get3A_1531 {offsets = [0, 0], sizes = [32, 8000], strides = [1, 1]} : vector<32x32000xf32> to vector<32x8000xf32>
    %get3A_1533 = arith.constant 0 : index
    %get3A_1534 = arith.constant 0 : index
    %get3A_1535 = arith.constant 0 : index
    %get3A_1536 = vector.load %arg2[%get3A_1533, %get3A_1534, %get3A_1535] : memref<2x32x32000xf32, #tpu.memory_space<vmem>>, vector<1x32x32000xf32>
    %get3A_1537 = vector.shape_cast %get3A_1536 : vector<1x32x32000xf32> to vector<32x32000xf32>
    %slice3A_1538 = vector.extract_strided_slice %get3A_1537 {offsets = [0, 8000], sizes = [32, 8000], strides = [1, 1]} : vector<32x32000xf32> to vector<32x8000xf32>
    %get3A_1539 = arith.constant 0 : index
    %get3A_1540 = arith.constant 0 : index
    %get3A_1541 = arith.constant 0 : index
    %get3A_1542 = vector.load %arg2[%get3A_1539, %get3A_1540, %get3A_1541] : memref<2x32x32000xf32, #tpu.memory_space<vmem>>, vector<1x32x32000xf32>
    %get3A_1543 = vector.shape_cast %get3A_1542 : vector<1x32x32000xf32> to vector<32x32000xf32>
    %slice3A_1544 = vector.extract_strided_slice %get3A_1543 {offsets = [0, 16000], sizes = [32, 8000], strides = [1, 1]} : vector<32x32000xf32> to vector<32x8000xf32>
    %get3A_1545 = arith.constant 0 : index
    %get3A_1546 = arith.constant 0 : index
    %get3A_1547 = arith.constant 0 : index
    %get3A_1548 = vector.load %arg2[%get3A_1545, %get3A_1546, %get3A_1547] : memref<2x32x32000xf32, #tpu.memory_space<vmem>>, vector<1x32x32000xf32>
    %get3A_1549 = vector.shape_cast %get3A_1548 : vector<1x32x32000xf32> to vector<32x32000xf32>
    %slice3A_1550 = vector.extract_strided_slice %get3A_1549 {offsets = [0, 24000], sizes = [32, 8000], strides = [1, 1]} : vector<32x32000xf32> to vector<32x8000xf32>
    %concatenate3A_1551 = tpu.concatenate %slice3A_1532, %slice3A_1538, %slice3A_1544, %slice3A_1550 in 0 : vector<32x8000xf32>, vector<32x8000xf32>, vector<32x8000xf32>, vector<32x8000xf32> -> vector<128x8000xf32>
    %transpose3A_1552 = tpu.transpose %concatenate3A_1551, [1, 0] : vector<128x8000xf32> -> vector<8000x128xf32>
    %dma_wait3A_1553 = arith.constant 0 : i32
    %dma_wait3A_1554 = arith.constant 0 : i32
    %dma_wait3A_1555 = tpu.memref_slice %arg7[%dma_wait3A_1554] : memref<2x!tpu.dma_semaphore, #tpu.memory_space<semaphore_mem>> -> memref<1x!tpu.dma_semaphore, #tpu.memory_space<semaphore_mem>>
    %dma_wait3A_1556 = tpu.memref_squeeze %dma_wait3A_1555 : memref<1x!tpu.dma_semaphore, #tpu.memory_space<semaphore_mem>> -> memref<!tpu.dma_semaphore, #tpu.memory_space<semaphore_mem>>
    %dma_wait3A_1557 = arith.constant 144000 : i32
    %dma_wait3A_1558 = arith.constant 0 : i32
    %dma_wait3A_1559 = tpu.memref_slice %arg1[%dma_wait3A_1557, %dma_wait3A_1558] : memref<250000x128xf32, #tpu.memory_space<hbm>> -> memref<8000x128xf32, #tpu.memory_space<hbm>>
    %dma_wait3A_1560 = arith.constant 0 : i32
    %dma_wait3A_1561 = arith.constant 0 : i32
    %dma_wait3A_1562 = tpu.memref_slice %arg3[%dma_wait3A_1553, %dma_wait3A_1560, %dma_wait3A_1561] : memref<2x8000x128xf32, #tpu.memory_space<vmem>> -> memref<1x8000x128xf32, #tpu.memory_space<vmem>>
    %dma_wait3A_1563 = tpu.memref_squeeze %dma_wait3A_1562 : memref<1x8000x128xf32, #tpu.memory_space<vmem>> -> memref<8000x128xf32, #tpu.memory_space<vmem>>
    tpu.wait_dma2 semaphore(%dma_wait3A_1556 : memref<!tpu.dma_semaphore, #tpu.memory_space<semaphore_mem>>) src(%dma_wait3A_1563 : memref<8000x128xf32, #tpu.memory_space<vmem>>) dst(%dma_wait3A_1559 : memref<8000x128xf32, #tpu.memory_space<hbm>>)
    %swap3A_1564 = arith.constant 0 : index
    %swap3A_1565 = arith.constant 0 : index
    %swap3A_1566 = arith.constant 0 : index
    %swap3A_1567 = vector.load %arg3[%swap3A_1564, %swap3A_1565, %swap3A_1566] : memref<2x8000x128xf32, #tpu.memory_space<vmem>>, vector<1x8000x128xf32>
    %swap3A_1568 = vector.shape_cast %swap3A_1567 : vector<1x8000x128xf32> to vector<8000x128xf32>
    %swap3A_1569 = vector.shape_cast %transpose3A_1552 : vector<8000x128xf32> to vector<1x8000x128xf32>
    tpu.vector_store %arg3[%swap3A_1564, %swap3A_1565, %swap3A_1566], %swap3A_1569 {strides = array<i32>} : memref<2x8000x128xf32, #tpu.memory_space<vmem>>, vector<1x8000x128xf32>,
    %dma_start3A_1570 = arith.constant 0 : i32
    %dma_start3A_1571 = arith.constant 0 : i32
    %dma_start3A_1572 = tpu.memref_slice %arg7[%dma_start3A_1571] : memref<2x!tpu.dma_semaphore, #tpu.memory_space<semaphore_mem>> -> memref<1x!tpu.dma_semaphore, #tpu.memory_space<semaphore_mem>>
    %dma_start3A_1573 = tpu.memref_squeeze %dma_start3A_1572 : memref<1x!tpu.dma_semaphore, #tpu.memory_space<semaphore_mem>> -> memref<!tpu.dma_semaphore, #tpu.memory_space<semaphore_mem>>
    %dma_start3A_1574 = arith.constant 160000 : i32
    %dma_start3A_1575 = arith.constant 0 : i32
    %dma_start3A_1576 = tpu.memref_slice %arg1[%dma_start3A_1574, %dma_start3A_1575] : memref<250000x128xf32, #tpu.memory_space<hbm>> -> memref<8000x128xf32, #tpu.memory_space<hbm>>
    %dma_start3A_1577 = arith.constant 0 : i32
    %dma_start3A_1578 = arith.constant 0 : i32
    %dma_start3A_1579 = tpu.memref_slice %arg3[%dma_start3A_1570, %dma_start3A_1577, %dma_start3A_1578] : memref<2x8000x128xf32, #tpu.memory_space<vmem>> -> memref<1x8000x128xf32, #tpu.memory_space<vmem>>
    %dma_start3A_1580 = tpu.memref_squeeze %dma_start3A_1579 : memref<1x8000x128xf32, #tpu.memory_space<vmem>> -> memref<8000x128xf32, #tpu.memory_space<vmem>>
    tpu.enqueue_dma source(%dma_start3A_1580 : memref<8000x128xf32, #tpu.memory_space<vmem>>) target(%dma_start3A_1576 : memref<8000x128xf32, #tpu.memory_space<hbm>>) target_semaphore(%dma_start3A_1573 : memref<!tpu.dma_semaphore, #tpu.memory_space<semaphore_mem>>)
    %dma_start3A_1581 = arith.constant 0 : i32
    %dma_start3A_1582 = arith.constant 0 : i32
    %dma_start3A_1583 = tpu.memref_slice %arg6[%dma_start3A_1582] : memref<2x!tpu.dma_semaphore, #tpu.memory_space<semaphore_mem>> -> memref<1x!tpu.dma_semaphore, #tpu.memory_space<semaphore_mem>>
    %dma_start3A_1584 = tpu.memref_squeeze %dma_start3A_1583 : memref<1x!tpu.dma_semaphore, #tpu.memory_space<semaphore_mem>> -> memref<!tpu.dma_semaphore, #tpu.memory_space<semaphore_mem>>
    %dma_start3A_1585 = arith.constant 0 : i32
    %dma_start3A_1586 = arith.constant 0 : i32
    %dma_start3A_1587 = tpu.memref_slice %arg2[%dma_start3A_1581, %dma_start3A_1585, %dma_start3A_1586] : memref<2x32x32000xf32, #tpu.memory_space<vmem>> -> memref<1x32x32000xf32, #tpu.memory_space<vmem>>
    %dma_start3A_1588 = tpu.memref_squeeze %dma_start3A_1587 : memref<1x32x32000xf32, #tpu.memory_space<vmem>> -> memref<32x32000xf32, #tpu.memory_space<vmem>>
    %dma_start3A_1589 = arith.constant 0 : i32
    %dma_start3A_1590 = arith.constant 704000 : i32
    %dma_start3A_1591 = tpu.memref_slice %arg0[%dma_start3A_1589, %dma_start3A_1590] : memref<32x1000000xf32, #tpu.memory_space<hbm>> -> memref<32x32000xf32, #tpu.memory_space<hbm>>
    tpu.enqueue_dma source(%dma_start3A_1591 : memref<32x32000xf32, #tpu.memory_space<hbm>>) target(%dma_start3A_1588 : memref<32x32000xf32, #tpu.memory_space<vmem>>) target_semaphore(%dma_start3A_1584 : memref<!tpu.dma_semaphore, #tpu.memory_space<semaphore_mem>>)
    %dma_wait3A_1592 = arith.constant 1 : i32
    %dma_wait3A_1593 = arith.constant 1 : i32
    %dma_wait3A_1594 = tpu.memref_slice %arg6[%dma_wait3A_1593] : memref<2x!tpu.dma_semaphore, #tpu.memory_space<semaphore_mem>> -> memref<1x!tpu.dma_semaphore, #tpu.memory_space<semaphore_mem>>
    %dma_wait3A_1595 = tpu.memref_squeeze %dma_wait3A_1594 : memref<1x!tpu.dma_semaphore, #tpu.memory_space<semaphore_mem>> -> memref<!tpu.dma_semaphore, #tpu.memory_space<semaphore_mem>>
    %dma_wait3A_1596 = arith.constant 0 : i32
    %dma_wait3A_1597 = arith.constant 0 : i32
    %dma_wait3A_1598 = tpu.memref_slice %arg2[%dma_wait3A_1592, %dma_wait3A_1596, %dma_wait3A_1597] : memref<2x32x32000xf32, #tpu.memory_space<vmem>> -> memref<1x32x32000xf32, #tpu.memory_space<vmem>>
    %dma_wait3A_1599 = tpu.memref_squeeze %dma_wait3A_1598 : memref<1x32x32000xf32, #tpu.memory_space<vmem>> -> memref<32x32000xf32, #tpu.memory_space<vmem>>
    %dma_wait3A_1600 = arith.constant 0 : i32
    %dma_wait3A_1601 = arith.constant 672000 : i32
    %dma_wait3A_1602 = tpu.memref_slice %arg0[%dma_wait3A_1600, %dma_wait3A_1601] : memref<32x1000000xf32, #tpu.memory_space<hbm>> -> memref<32x32000xf32, #tpu.memory_space<hbm>>
    tpu.wait_dma2 semaphore(%dma_wait3A_1595 : memref<!tpu.dma_semaphore, #tpu.memory_space<semaphore_mem>>) src(%dma_wait3A_1602 : memref<32x32000xf32, #tpu.memory_space<hbm>>) dst(%dma_wait3A_1599 : memref<32x32000xf32, #tpu.memory_space<vmem>>)
    %get3A_1603 = arith.constant 1 : index
    %get3A_1604 = arith.constant 0 : index
    %get3A_1605 = arith.constant 0 : index
    %get3A_1606 = vector.load %arg2[%get3A_1603, %get3A_1604, %get3A_1605] : memref<2x32x32000xf32, #tpu.memory_space<vmem>>, vector<1x32x32000xf32>
    %get3A_1607 = vector.shape_cast %get3A_1606 : vector<1x32x32000xf32> to vector<32x32000xf32>
    %slice3A_1608 = vector.extract_strided_slice %get3A_1607 {offsets = [0, 0], sizes = [32, 8000], strides = [1, 1]} : vector<32x32000xf32> to vector<32x8000xf32>
    %get3A_1609 = arith.constant 1 : index
    %get3A_1610 = arith.constant 0 : index
    %get3A_1611 = arith.constant 0 : index
    %get3A_1612 = vector.load %arg2[%get3A_1609, %get3A_1610, %get3A_1611] : memref<2x32x32000xf32, #tpu.memory_space<vmem>>, vector<1x32x32000xf32>
    %get3A_1613 = vector.shape_cast %get3A_1612 : vector<1x32x32000xf32> to vector<32x32000xf32>
    %slice3A_1614 = vector.extract_strided_slice %get3A_1613 {offsets = [0, 8000], sizes = [32, 8000], strides = [1, 1]} : vector<32x32000xf32> to vector<32x8000xf32>
    %get3A_1615 = arith.constant 1 : index
    %get3A_1616 = arith.constant 0 : index
    %get3A_1617 = arith.constant 0 : index
    %get3A_1618 = vector.load %arg2[%get3A_1615, %get3A_1616, %get3A_1617] : memref<2x32x32000xf32, #tpu.memory_space<vmem>>, vector<1x32x32000xf32>
    %get3A_1619 = vector.shape_cast %get3A_1618 : vector<1x32x32000xf32> to vector<32x32000xf32>
    %slice3A_1620 = vector.extract_strided_slice %get3A_1619 {offsets = [0, 16000], sizes = [32, 8000], strides = [1, 1]} : vector<32x32000xf32> to vector<32x8000xf32>
    %get3A_1621 = arith.constant 1 : index
    %get3A_1622 = arith.constant 0 : index
    %get3A_1623 = arith.constant 0 : index
    %get3A_1624 = vector.load %arg2[%get3A_1621, %get3A_1622, %get3A_1623] : memref<2x32x32000xf32, #tpu.memory_space<vmem>>, vector<1x32x32000xf32>
    %get3A_1625 = vector.shape_cast %get3A_1624 : vector<1x32x32000xf32> to vector<32x32000xf32>
    %slice3A_1626 = vector.extract_strided_slice %get3A_1625 {offsets = [0, 24000], sizes = [32, 8000], strides = [1, 1]} : vector<32x32000xf32> to vector<32x8000xf32>
    %concatenate3A_1627 = tpu.concatenate %slice3A_1608, %slice3A_1614, %slice3A_1620, %slice3A_1626 in 0 : vector<32x8000xf32>, vector<32x8000xf32>, vector<32x8000xf32>, vector<32x8000xf32> -> vector<128x8000xf32>
    %transpose3A_1628 = tpu.transpose %concatenate3A_1627, [1, 0] : vector<128x8000xf32> -> vector<8000x128xf32>
    %dma_wait3A_1629 = arith.constant 1 : i32
    %dma_wait3A_1630 = arith.constant 1 : i32
    %dma_wait3A_1631 = tpu.memref_slice %arg7[%dma_wait3A_1630] : memref<2x!tpu.dma_semaphore, #tpu.memory_space<semaphore_mem>> -> memref<1x!tpu.dma_semaphore, #tpu.memory_space<semaphore_mem>>
    %dma_wait3A_1632 = tpu.memref_squeeze %dma_wait3A_1631 : memref<1x!tpu.dma_semaphore, #tpu.memory_space<semaphore_mem>> -> memref<!tpu.dma_semaphore, #tpu.memory_space<semaphore_mem>>
    %dma_wait3A_1633 = arith.constant 152000 : i32
    %dma_wait3A_1634 = arith.constant 0 : i32
    %dma_wait3A_1635 = tpu.memref_slice %arg1[%dma_wait3A_1633, %dma_wait3A_1634] : memref<250000x128xf32, #tpu.memory_space<hbm>> -> memref<8000x128xf32, #tpu.memory_space<hbm>>
    %dma_wait3A_1636 = arith.constant 0 : i32
    %dma_wait3A_1637 = arith.constant 0 : i32
    %dma_wait3A_1638 = tpu.memref_slice %arg3[%dma_wait3A_1629, %dma_wait3A_1636, %dma_wait3A_1637] : memref<2x8000x128xf32, #tpu.memory_space<vmem>> -> memref<1x8000x128xf32, #tpu.memory_space<vmem>>
    %dma_wait3A_1639 = tpu.memref_squeeze %dma_wait3A_1638 : memref<1x8000x128xf32, #tpu.memory_space<vmem>> -> memref<8000x128xf32, #tpu.memory_space<vmem>>
    tpu.wait_dma2 semaphore(%dma_wait3A_1632 : memref<!tpu.dma_semaphore, #tpu.memory_space<semaphore_mem>>) src(%dma_wait3A_1639 : memref<8000x128xf32, #tpu.memory_space<vmem>>) dst(%dma_wait3A_1635 : memref<8000x128xf32, #tpu.memory_space<hbm>>)
    %swap3A_1640 = arith.constant 1 : index
    %swap3A_1641 = arith.constant 0 : index
    %swap3A_1642 = arith.constant 0 : index
    %swap3A_1643 = vector.load %arg3[%swap3A_1640, %swap3A_1641, %swap3A_1642] : memref<2x8000x128xf32, #tpu.memory_space<vmem>>, vector<1x8000x128xf32>
    %swap3A_1644 = vector.shape_cast %swap3A_1643 : vector<1x8000x128xf32> to vector<8000x128xf32>
    %swap3A_1645 = vector.shape_cast %transpose3A_1628 : vector<8000x128xf32> to vector<1x8000x128xf32>
    tpu.vector_store %arg3[%swap3A_1640, %swap3A_1641, %swap3A_1642], %swap3A_1645 {strides = array<i32>} : memref<2x8000x128xf32, #tpu.memory_space<vmem>>, vector<1x8000x128xf32>,
    %dma_start3A_1646 = arith.constant 1 : i32
    %dma_start3A_1647 = arith.constant 1 : i32
    %dma_start3A_1648 = tpu.memref_slice %arg7[%dma_start3A_1647] : memref<2x!tpu.dma_semaphore, #tpu.memory_space<semaphore_mem>> -> memref<1x!tpu.dma_semaphore, #tpu.memory_space<semaphore_mem>>
    %dma_start3A_1649 = tpu.memref_squeeze %dma_start3A_1648 : memref<1x!tpu.dma_semaphore, #tpu.memory_space<semaphore_mem>> -> memref<!tpu.dma_semaphore, #tpu.memory_space<semaphore_mem>>
    %dma_start3A_1650 = arith.constant 168000 : i32
    %dma_start3A_1651 = arith.constant 0 : i32
    %dma_start3A_1652 = tpu.memref_slice %arg1[%dma_start3A_1650, %dma_start3A_1651] : memref<250000x128xf32, #tpu.memory_space<hbm>> -> memref<8000x128xf32, #tpu.memory_space<hbm>>
    %dma_start3A_1653 = arith.constant 0 : i32
    %dma_start3A_1654 = arith.constant 0 : i32
    %dma_start3A_1655 = tpu.memref_slice %arg3[%dma_start3A_1646, %dma_start3A_1653, %dma_start3A_1654] : memref<2x8000x128xf32, #tpu.memory_space<vmem>> -> memref<1x8000x128xf32, #tpu.memory_space<vmem>>
    %dma_start3A_1656 = tpu.memref_squeeze %dma_start3A_1655 : memref<1x8000x128xf32, #tpu.memory_space<vmem>> -> memref<8000x128xf32, #tpu.memory_space<vmem>>
    tpu.enqueue_dma source(%dma_start3A_1656 : memref<8000x128xf32, #tpu.memory_space<vmem>>) target(%dma_start3A_1652 : memref<8000x128xf32, #tpu.memory_space<hbm>>) target_semaphore(%dma_start3A_1649 : memref<!tpu.dma_semaphore, #tpu.memory_space<semaphore_mem>>)
    %dma_start3A_1657 = arith.constant 1 : i32
    %dma_start3A_1658 = arith.constant 1 : i32
    %dma_start3A_1659 = tpu.memref_slice %arg6[%dma_start3A_1658] : memref<2x!tpu.dma_semaphore, #tpu.memory_space<semaphore_mem>> -> memref<1x!tpu.dma_semaphore, #tpu.memory_space<semaphore_mem>>
    %dma_start3A_1660 = tpu.memref_squeeze %dma_start3A_1659 : memref<1x!tpu.dma_semaphore, #tpu.memory_space<semaphore_mem>> -> memref<!tpu.dma_semaphore, #tpu.memory_space<semaphore_mem>>
    %dma_start3A_1661 = arith.constant 0 : i32
    %dma_start3A_1662 = arith.constant 0 : i32
    %dma_start3A_1663 = tpu.memref_slice %arg2[%dma_start3A_1657, %dma_start3A_1661, %dma_start3A_1662] : memref<2x32x32000xf32, #tpu.memory_space<vmem>> -> memref<1x32x32000xf32, #tpu.memory_space<vmem>>
    %dma_start3A_1664 = tpu.memref_squeeze %dma_start3A_1663 : memref<1x32x32000xf32, #tpu.memory_space<vmem>> -> memref<32x32000xf32, #tpu.memory_space<vmem>>
    %dma_start3A_1665 = arith.constant 0 : i32
    %dma_start3A_1666 = arith.constant 736000 : i32
    %dma_start3A_1667 = tpu.memref_slice %arg0[%dma_start3A_1665, %dma_start3A_1666] : memref<32x1000000xf32, #tpu.memory_space<hbm>> -> memref<32x32000xf32, #tpu.memory_space<hbm>>
    tpu.enqueue_dma source(%dma_start3A_1667 : memref<32x32000xf32, #tpu.memory_space<hbm>>) target(%dma_start3A_1664 : memref<32x32000xf32, #tpu.memory_space<vmem>>) target_semaphore(%dma_start3A_1660 : memref<!tpu.dma_semaphore, #tpu.memory_space<semaphore_mem>>)
    %dma_wait3A_1668 = arith.constant 0 : i32
    %dma_wait3A_1669 = arith.constant 0 : i32
    %dma_wait3A_1670 = tpu.memref_slice %arg6[%dma_wait3A_1669] : memref<2x!tpu.dma_semaphore, #tpu.memory_space<semaphore_mem>> -> memref<1x!tpu.dma_semaphore, #tpu.memory_space<semaphore_mem>>
    %dma_wait3A_1671 = tpu.memref_squeeze %dma_wait3A_1670 : memref<1x!tpu.dma_semaphore, #tpu.memory_space<semaphore_mem>> -> memref<!tpu.dma_semaphore, #tpu.memory_space<semaphore_mem>>
    %dma_wait3A_1672 = arith.constant 0 : i32
    %dma_wait3A_1673 = arith.constant 0 : i32
    %dma_wait3A_1674 = tpu.memref_slice %arg2[%dma_wait3A_1668, %dma_wait3A_1672, %dma_wait3A_1673] : memref<2x32x32000xf32, #tpu.memory_space<vmem>> -> memref<1x32x32000xf32, #tpu.memory_space<vmem>>
    %dma_wait3A_1675 = tpu.memref_squeeze %dma_wait3A_1674 : memref<1x32x32000xf32, #tpu.memory_space<vmem>> -> memref<32x32000xf32, #tpu.memory_space<vmem>>
    %dma_wait3A_1676 = arith.constant 0 : i32
    %dma_wait3A_1677 = arith.constant 704000 : i32
    %dma_wait3A_1678 = tpu.memref_slice %arg0[%dma_wait3A_1676, %dma_wait3A_1677] : memref<32x1000000xf32, #tpu.memory_space<hbm>> -> memref<32x32000xf32, #tpu.memory_space<hbm>>
    tpu.wait_dma2 semaphore(%dma_wait3A_1671 : memref<!tpu.dma_semaphore, #tpu.memory_space<semaphore_mem>>) src(%dma_wait3A_1678 : memref<32x32000xf32, #tpu.memory_space<hbm>>) dst(%dma_wait3A_1675 : memref<32x32000xf32, #tpu.memory_space<vmem>>)
    %get3A_1679 = arith.constant 0 : index
    %get3A_1680 = arith.constant 0 : index
    %get3A_1681 = arith.constant 0 : index
    %get3A_1682 = vector.load %arg2[%get3A_1679, %get3A_1680, %get3A_1681] : memref<2x32x32000xf32, #tpu.memory_space<vmem>>, vector<1x32x32000xf32>
    %get3A_1683 = vector.shape_cast %get3A_1682 : vector<1x32x32000xf32> to vector<32x32000xf32>
    %slice3A_1684 = vector.extract_strided_slice %get3A_1683 {offsets = [0, 0], sizes = [32, 8000], strides = [1, 1]} : vector<32x32000xf32> to vector<32x8000xf32>
    %get3A_1685 = arith.constant 0 : index
    %get3A_1686 = arith.constant 0 : index
    %get3A_1687 = arith.constant 0 : index
    %get3A_1688 = vector.load %arg2[%get3A_1685, %get3A_1686, %get3A_1687] : memref<2x32x32000xf32, #tpu.memory_space<vmem>>, vector<1x32x32000xf32>
    %get3A_1689 = vector.shape_cast %get3A_1688 : vector<1x32x32000xf32> to vector<32x32000xf32>
    %slice3A_1690 = vector.extract_strided_slice %get3A_1689 {offsets = [0, 8000], sizes = [32, 8000], strides = [1, 1]} : vector<32x32000xf32> to vector<32x8000xf32>
    %get3A_1691 = arith.constant 0 : index
    %get3A_1692 = arith.constant 0 : index
    %get3A_1693 = arith.constant 0 : index
    %get3A_1694 = vector.load %arg2[%get3A_1691, %get3A_1692, %get3A_1693] : memref<2x32x32000xf32, #tpu.memory_space<vmem>>, vector<1x32x32000xf32>
    %get3A_1695 = vector.shape_cast %get3A_1694 : vector<1x32x32000xf32> to vector<32x32000xf32>
    %slice3A_1696 = vector.extract_strided_slice %get3A_1695 {offsets = [0, 16000], sizes = [32, 8000], strides = [1, 1]} : vector<32x32000xf32> to vector<32x8000xf32>
    %get3A_1697 = arith.constant 0 : index
    %get3A_1698 = arith.constant 0 : index
    %get3A_1699 = arith.constant 0 : index
    %get3A_1700 = vector.load %arg2[%get3A_1697, %get3A_1698, %get3A_1699] : memref<2x32x32000xf32, #tpu.memory_space<vmem>>, vector<1x32x32000xf32>
    %get3A_1701 = vector.shape_cast %get3A_1700 : vector<1x32x32000xf32> to vector<32x32000xf32>
    %slice3A_1702 = vector.extract_strided_slice %get3A_1701 {offsets = [0, 24000], sizes = [32, 8000], strides = [1, 1]} : vector<32x32000xf32> to vector<32x8000xf32>
    %concatenate3A_1703 = tpu.concatenate %slice3A_1684, %slice3A_1690, %slice3A_1696, %slice3A_1702 in 0 : vector<32x8000xf32>, vector<32x8000xf32>, vector<32x8000xf32>, vector<32x8000xf32> -> vector<128x8000xf32>
    %transpose3A_1704 = tpu.transpose %concatenate3A_1703, [1, 0] : vector<128x8000xf32> -> vector<8000x128xf32>
    %dma_wait3A_1705 = arith.constant 0 : i32
    %dma_wait3A_1706 = arith.constant 0 : i32
    %dma_wait3A_1707 = tpu.memref_slice %arg7[%dma_wait3A_1706] : memref<2x!tpu.dma_semaphore, #tpu.memory_space<semaphore_mem>> -> memref<1x!tpu.dma_semaphore, #tpu.memory_space<semaphore_mem>>
    %dma_wait3A_1708 = tpu.memref_squeeze %dma_wait3A_1707 : memref<1x!tpu.dma_semaphore, #tpu.memory_space<semaphore_mem>> -> memref<!tpu.dma_semaphore, #tpu.memory_space<semaphore_mem>>
    %dma_wait3A_1709 = arith.constant 160000 : i32
    %dma_wait3A_1710 = arith.constant 0 : i32
    %dma_wait3A_1711 = tpu.memref_slice %arg1[%dma_wait3A_1709, %dma_wait3A_1710] : memref<250000x128xf32, #tpu.memory_space<hbm>> -> memref<8000x128xf32, #tpu.memory_space<hbm>>
    %dma_wait3A_1712 = arith.constant 0 : i32
    %dma_wait3A_1713 = arith.constant 0 : i32
    %dma_wait3A_1714 = tpu.memref_slice %arg3[%dma_wait3A_1705, %dma_wait3A_1712, %dma_wait3A_1713] : memref<2x8000x128xf32, #tpu.memory_space<vmem>> -> memref<1x8000x128xf32, #tpu.memory_space<vmem>>
    %dma_wait3A_1715 = tpu.memref_squeeze %dma_wait3A_1714 : memref<1x8000x128xf32, #tpu.memory_space<vmem>> -> memref<8000x128xf32, #tpu.memory_space<vmem>>
    tpu.wait_dma2 semaphore(%dma_wait3A_1708 : memref<!tpu.dma_semaphore, #tpu.memory_space<semaphore_mem>>) src(%dma_wait3A_1715 : memref<8000x128xf32, #tpu.memory_space<vmem>>) dst(%dma_wait3A_1711 : memref<8000x128xf32, #tpu.memory_space<hbm>>)
    %swap3A_1716 = arith.constant 0 : index
    %swap3A_1717 = arith.constant 0 : index
    %swap3A_1718 = arith.constant 0 : index
    %swap3A_1719 = vector.load %arg3[%swap3A_1716, %swap3A_1717, %swap3A_1718] : memref<2x8000x128xf32, #tpu.memory_space<vmem>>, vector<1x8000x128xf32>
    %swap3A_1720 = vector.shape_cast %swap3A_1719 : vector<1x8000x128xf32> to vector<8000x128xf32>
    %swap3A_1721 = vector.shape_cast %transpose3A_1704 : vector<8000x128xf32> to vector<1x8000x128xf32>
    tpu.vector_store %arg3[%swap3A_1716, %swap3A_1717, %swap3A_1718], %swap3A_1721 {strides = array<i32>} : memref<2x8000x128xf32, #tpu.memory_space<vmem>>, vector<1x8000x128xf32>,
    %dma_start3A_1722 = arith.constant 0 : i32
    %dma_start3A_1723 = arith.constant 0 : i32
    %dma_start3A_1724 = tpu.memref_slice %arg7[%dma_start3A_1723] : memref<2x!tpu.dma_semaphore, #tpu.memory_space<semaphore_mem>> -> memref<1x!tpu.dma_semaphore, #tpu.memory_space<semaphore_mem>>
    %dma_start3A_1725 = tpu.memref_squeeze %dma_start3A_1724 : memref<1x!tpu.dma_semaphore, #tpu.memory_space<semaphore_mem>> -> memref<!tpu.dma_semaphore, #tpu.memory_space<semaphore_mem>>
    %dma_start3A_1726 = arith.constant 176000 : i32
    %dma_start3A_1727 = arith.constant 0 : i32
    %dma_start3A_1728 = tpu.memref_slice %arg1[%dma_start3A_1726, %dma_start3A_1727] : memref<250000x128xf32, #tpu.memory_space<hbm>> -> memref<8000x128xf32, #tpu.memory_space<hbm>>
    %dma_start3A_1729 = arith.constant 0 : i32
    %dma_start3A_1730 = arith.constant 0 : i32
    %dma_start3A_1731 = tpu.memref_slice %arg3[%dma_start3A_1722, %dma_start3A_1729, %dma_start3A_1730] : memref<2x8000x128xf32, #tpu.memory_space<vmem>> -> memref<1x8000x128xf32, #tpu.memory_space<vmem>>
    %dma_start3A_1732 = tpu.memref_squeeze %dma_start3A_1731 : memref<1x8000x128xf32, #tpu.memory_space<vmem>> -> memref<8000x128xf32, #tpu.memory_space<vmem>>
    tpu.enqueue_dma source(%dma_start3A_1732 : memref<8000x128xf32, #tpu.memory_space<vmem>>) target(%dma_start3A_1728 : memref<8000x128xf32, #tpu.memory_space<hbm>>) target_semaphore(%dma_start3A_1725 : memref<!tpu.dma_semaphore, #tpu.memory_space<semaphore_mem>>)
    %dma_start3A_1733 = arith.constant 0 : i32
    %dma_start3A_1734 = arith.constant 0 : i32
    %dma_start3A_1735 = tpu.memref_slice %arg6[%dma_start3A_1734] : memref<2x!tpu.dma_semaphore, #tpu.memory_space<semaphore_mem>> -> memref<1x!tpu.dma_semaphore, #tpu.memory_space<semaphore_mem>>
    %dma_start3A_1736 = tpu.memref_squeeze %dma_start3A_1735 : memref<1x!tpu.dma_semaphore, #tpu.memory_space<semaphore_mem>> -> memref<!tpu.dma_semaphore, #tpu.memory_space<semaphore_mem>>
    %dma_start3A_1737 = arith.constant 0 : i32
    %dma_start3A_1738 = arith.constant 0 : i32
    %dma_start3A_1739 = tpu.memref_slice %arg2[%dma_start3A_1733, %dma_start3A_1737, %dma_start3A_1738] : memref<2x32x32000xf32, #tpu.memory_space<vmem>> -> memref<1x32x32000xf32, #tpu.memory_space<vmem>>
    %dma_start3A_1740 = tpu.memref_squeeze %dma_start3A_1739 : memref<1x32x32000xf32, #tpu.memory_space<vmem>> -> memref<32x32000xf32, #tpu.memory_space<vmem>>
    %dma_start3A_1741 = arith.constant 0 : i32
    %dma_start3A_1742 = arith.constant 768000 : i32
    %dma_start3A_1743 = tpu.memref_slice %arg0[%dma_start3A_1741, %dma_start3A_1742] : memref<32x1000000xf32, #tpu.memory_space<hbm>> -> memref<32x32000xf32, #tpu.memory_space<hbm>>
    tpu.enqueue_dma source(%dma_start3A_1743 : memref<32x32000xf32, #tpu.memory_space<hbm>>) target(%dma_start3A_1740 : memref<32x32000xf32, #tpu.memory_space<vmem>>) target_semaphore(%dma_start3A_1736 : memref<!tpu.dma_semaphore, #tpu.memory_space<semaphore_mem>>)
    %dma_wait3A_1744 = arith.constant 1 : i32
    %dma_wait3A_1745 = arith.constant 1 : i32
    %dma_wait3A_1746 = tpu.memref_slice %arg6[%dma_wait3A_1745] : memref<2x!tpu.dma_semaphore, #tpu.memory_space<semaphore_mem>> -> memref<1x!tpu.dma_semaphore, #tpu.memory_space<semaphore_mem>>
    %dma_wait3A_1747 = tpu.memref_squeeze %dma_wait3A_1746 : memref<1x!tpu.dma_semaphore, #tpu.memory_space<semaphore_mem>> -> memref<!tpu.dma_semaphore, #tpu.memory_space<semaphore_mem>>
    %dma_wait3A_1748 = arith.constant 0 : i32
    %dma_wait3A_1749 = arith.constant 0 : i32
    %dma_wait3A_1750 = tpu.memref_slice %arg2[%dma_wait3A_1744, %dma_wait3A_1748, %dma_wait3A_1749] : memref<2x32x32000xf32, #tpu.memory_space<vmem>> -> memref<1x32x32000xf32, #tpu.memory_space<vmem>>
    %dma_wait3A_1751 = tpu.memref_squeeze %dma_wait3A_1750 : memref<1x32x32000xf32, #tpu.memory_space<vmem>> -> memref<32x32000xf32, #tpu.memory_space<vmem>>
    %dma_wait3A_1752 = arith.constant 0 : i32
    %dma_wait3A_1753 = arith.constant 736000 : i32
    %dma_wait3A_1754 = tpu.memref_slice %arg0[%dma_wait3A_1752, %dma_wait3A_1753] : memref<32x1000000xf32, #tpu.memory_space<hbm>> -> memref<32x32000xf32, #tpu.memory_space<hbm>>
    tpu.wait_dma2 semaphore(%dma_wait3A_1747 : memref<!tpu.dma_semaphore, #tpu.memory_space<semaphore_mem>>) src(%dma_wait3A_1754 : memref<32x32000xf32, #tpu.memory_space<hbm>>) dst(%dma_wait3A_1751 : memref<32x32000xf32, #tpu.memory_space<vmem>>)
    %get3A_1755 = arith.constant 1 : index
    %get3A_1756 = arith.constant 0 : index
    %get3A_1757 = arith.constant 0 : index
    %get3A_1758 = vector.load %arg2[%get3A_1755, %get3A_1756, %get3A_1757] : memref<2x32x32000xf32, #tpu.memory_space<vmem>>, vector<1x32x32000xf32>
    %get3A_1759 = vector.shape_cast %get3A_1758 : vector<1x32x32000xf32> to vector<32x32000xf32>
    %slice3A_1760 = vector.extract_strided_slice %get3A_1759 {offsets = [0, 0], sizes = [32, 8000], strides = [1, 1]} : vector<32x32000xf32> to vector<32x8000xf32>
    %get3A_1761 = arith.constant 1 : index
    %get3A_1762 = arith.constant 0 : index
    %get3A_1763 = arith.constant 0 : index
    %get3A_1764 = vector.load %arg2[%get3A_1761, %get3A_1762, %get3A_1763] : memref<2x32x32000xf32, #tpu.memory_space<vmem>>, vector<1x32x32000xf32>
    %get3A_1765 = vector.shape_cast %get3A_1764 : vector<1x32x32000xf32> to vector<32x32000xf32>
    %slice3A_1766 = vector.extract_strided_slice %get3A_1765 {offsets = [0, 8000], sizes = [32, 8000], strides = [1, 1]} : vector<32x32000xf32> to vector<32x8000xf32>
    %get3A_1767 = arith.constant 1 : index
    %get3A_1768 = arith.constant 0 : index
    %get3A_1769 = arith.constant 0 : index
    %get3A_1770 = vector.load %arg2[%get3A_1767, %get3A_1768, %get3A_1769] : memref<2x32x32000xf32, #tpu.memory_space<vmem>>, vector<1x32x32000xf32>
    %get3A_1771 = vector.shape_cast %get3A_1770 : vector<1x32x32000xf32> to vector<32x32000xf32>
    %slice3A_1772 = vector.extract_strided_slice %get3A_1771 {offsets = [0, 16000], sizes = [32, 8000], strides = [1, 1]} : vector<32x32000xf32> to vector<32x8000xf32>
    %get3A_1773 = arith.constant 1 : index
    %get3A_1774 = arith.constant 0 : index
    %get3A_1775 = arith.constant 0 : index
    %get3A_1776 = vector.load %arg2[%get3A_1773, %get3A_1774, %get3A_1775] : memref<2x32x32000xf32, #tpu.memory_space<vmem>>, vector<1x32x32000xf32>
    %get3A_1777 = vector.shape_cast %get3A_1776 : vector<1x32x32000xf32> to vector<32x32000xf32>
    %slice3A_1778 = vector.extract_strided_slice %get3A_1777 {offsets = [0, 24000], sizes = [32, 8000], strides = [1, 1]} : vector<32x32000xf32> to vector<32x8000xf32>
    %concatenate3A_1779 = tpu.concatenate %slice3A_1760, %slice3A_1766, %slice3A_1772, %slice3A_1778 in 0 : vector<32x8000xf32>, vector<32x8000xf32>, vector<32x8000xf32>, vector<32x8000xf32> -> vector<128x8000xf32>
    %transpose3A_1780 = tpu.transpose %concatenate3A_1779, [1, 0] : vector<128x8000xf32> -> vector<8000x128xf32>
    %dma_wait3A_1781 = arith.constant 1 : i32
    %dma_wait3A_1782 = arith.constant 1 : i32
    %dma_wait3A_1783 = tpu.memref_slice %arg7[%dma_wait3A_1782] : memref<2x!tpu.dma_semaphore, #tpu.memory_space<semaphore_mem>> -> memref<1x!tpu.dma_semaphore, #tpu.memory_space<semaphore_mem>>
    %dma_wait3A_1784 = tpu.memref_squeeze %dma_wait3A_1783 : memref<1x!tpu.dma_semaphore, #tpu.memory_space<semaphore_mem>> -> memref<!tpu.dma_semaphore, #tpu.memory_space<semaphore_mem>>
    %dma_wait3A_1785 = arith.constant 168000 : i32
    %dma_wait3A_1786 = arith.constant 0 : i32
    %dma_wait3A_1787 = tpu.memref_slice %arg1[%dma_wait3A_1785, %dma_wait3A_1786] : memref<250000x128xf32, #tpu.memory_space<hbm>> -> memref<8000x128xf32, #tpu.memory_space<hbm>>
    %dma_wait3A_1788 = arith.constant 0 : i32
    %dma_wait3A_1789 = arith.constant 0 : i32
    %dma_wait3A_1790 = tpu.memref_slice %arg3[%dma_wait3A_1781, %dma_wait3A_1788, %dma_wait3A_1789] : memref<2x8000x128xf32, #tpu.memory_space<vmem>> -> memref<1x8000x128xf32, #tpu.memory_space<vmem>>
    %dma_wait3A_1791 = tpu.memref_squeeze %dma_wait3A_1790 : memref<1x8000x128xf32, #tpu.memory_space<vmem>> -> memref<8000x128xf32, #tpu.memory_space<vmem>>
    tpu.wait_dma2 semaphore(%dma_wait3A_1784 : memref<!tpu.dma_semaphore, #tpu.memory_space<semaphore_mem>>) src(%dma_wait3A_1791 : memref<8000x128xf32, #tpu.memory_space<vmem>>) dst(%dma_wait3A_1787 : memref<8000x128xf32, #tpu.memory_space<hbm>>)
    %swap3A_1792 = arith.constant 1 : index
    %swap3A_1793 = arith.constant 0 : index
    %swap3A_1794 = arith.constant 0 : index
    %swap3A_1795 = vector.load %arg3[%swap3A_1792, %swap3A_1793, %swap3A_1794] : memref<2x8000x128xf32, #tpu.memory_space<vmem>>, vector<1x8000x128xf32>
    %swap3A_1796 = vector.shape_cast %swap3A_1795 : vector<1x8000x128xf32> to vector<8000x128xf32>
    %swap3A_1797 = vector.shape_cast %transpose3A_1780 : vector<8000x128xf32> to vector<1x8000x128xf32>
    tpu.vector_store %arg3[%swap3A_1792, %swap3A_1793, %swap3A_1794], %swap3A_1797 {strides = array<i32>} : memref<2x8000x128xf32, #tpu.memory_space<vmem>>, vector<1x8000x128xf32>,
    %dma_start3A_1798 = arith.constant 1 : i32
    %dma_start3A_1799 = arith.constant 1 : i32
    %dma_start3A_1800 = tpu.memref_slice %arg7[%dma_start3A_1799] : memref<2x!tpu.dma_semaphore, #tpu.memory_space<semaphore_mem>> -> memref<1x!tpu.dma_semaphore, #tpu.memory_space<semaphore_mem>>
    %dma_start3A_1801 = tpu.memref_squeeze %dma_start3A_1800 : memref<1x!tpu.dma_semaphore, #tpu.memory_space<semaphore_mem>> -> memref<!tpu.dma_semaphore, #tpu.memory_space<semaphore_mem>>
    %dma_start3A_1802 = arith.constant 184000 : i32
    %dma_start3A_1803 = arith.constant 0 : i32
    %dma_start3A_1804 = tpu.memref_slice %arg1[%dma_start3A_1802, %dma_start3A_1803] : memref<250000x128xf32, #tpu.memory_space<hbm>> -> memref<8000x128xf32, #tpu.memory_space<hbm>>
    %dma_start3A_1805 = arith.constant 0 : i32
    %dma_start3A_1806 = arith.constant 0 : i32
    %dma_start3A_1807 = tpu.memref_slice %arg3[%dma_start3A_1798, %dma_start3A_1805, %dma_start3A_1806] : memref<2x8000x128xf32, #tpu.memory_space<vmem>> -> memref<1x8000x128xf32, #tpu.memory_space<vmem>>
    %dma_start3A_1808 = tpu.memref_squeeze %dma_start3A_1807 : memref<1x8000x128xf32, #tpu.memory_space<vmem>> -> memref<8000x128xf32, #tpu.memory_space<vmem>>
    tpu.enqueue_dma source(%dma_start3A_1808 : memref<8000x128xf32, #tpu.memory_space<vmem>>) target(%dma_start3A_1804 : memref<8000x128xf32, #tpu.memory_space<hbm>>) target_semaphore(%dma_start3A_1801 : memref<!tpu.dma_semaphore, #tpu.memory_space<semaphore_mem>>)
    %dma_start3A_1809 = arith.constant 1 : i32
    %dma_start3A_1810 = arith.constant 1 : i32
    %dma_start3A_1811 = tpu.memref_slice %arg6[%dma_start3A_1810] : memref<2x!tpu.dma_semaphore, #tpu.memory_space<semaphore_mem>> -> memref<1x!tpu.dma_semaphore, #tpu.memory_space<semaphore_mem>>
    %dma_start3A_1812 = tpu.memref_squeeze %dma_start3A_1811 : memref<1x!tpu.dma_semaphore, #tpu.memory_space<semaphore_mem>> -> memref<!tpu.dma_semaphore, #tpu.memory_space<semaphore_mem>>
    %dma_start3A_1813 = arith.constant 0 : i32
    %dma_start3A_1814 = arith.constant 0 : i32
    %dma_start3A_1815 = tpu.memref_slice %arg2[%dma_start3A_1809, %dma_start3A_1813, %dma_start3A_1814] : memref<2x32x32000xf32, #tpu.memory_space<vmem>> -> memref<1x32x32000xf32, #tpu.memory_space<vmem>>
    %dma_start3A_1816 = tpu.memref_squeeze %dma_start3A_1815 : memref<1x32x32000xf32, #tpu.memory_space<vmem>> -> memref<32x32000xf32, #tpu.memory_space<vmem>>
    %dma_start3A_1817 = arith.constant 0 : i32
    %dma_start3A_1818 = arith.constant 800000 : i32
    %dma_start3A_1819 = tpu.memref_slice %arg0[%dma_start3A_1817, %dma_start3A_1818] : memref<32x1000000xf32, #tpu.memory_space<hbm>> -> memref<32x32000xf32, #tpu.memory_space<hbm>>
    tpu.enqueue_dma source(%dma_start3A_1819 : memref<32x32000xf32, #tpu.memory_space<hbm>>) target(%dma_start3A_1816 : memref<32x32000xf32, #tpu.memory_space<vmem>>) target_semaphore(%dma_start3A_1812 : memref<!tpu.dma_semaphore, #tpu.memory_space<semaphore_mem>>)
    %dma_wait3A_1820 = arith.constant 0 : i32
    %dma_wait3A_1821 = arith.constant 0 : i32
    %dma_wait3A_1822 = tpu.memref_slice %arg6[%dma_wait3A_1821] : memref<2x!tpu.dma_semaphore, #tpu.memory_space<semaphore_mem>> -> memref<1x!tpu.dma_semaphore, #tpu.memory_space<semaphore_mem>>
    %dma_wait3A_1823 = tpu.memref_squeeze %dma_wait3A_1822 : memref<1x!tpu.dma_semaphore, #tpu.memory_space<semaphore_mem>> -> memref<!tpu.dma_semaphore, #tpu.memory_space<semaphore_mem>>
    %dma_wait3A_1824 = arith.constant 0 : i32
    %dma_wait3A_1825 = arith.constant 0 : i32
    %dma_wait3A_1826 = tpu.memref_slice %arg2[%dma_wait3A_1820, %dma_wait3A_1824, %dma_wait3A_1825] : memref<2x32x32000xf32, #tpu.memory_space<vmem>> -> memref<1x32x32000xf32, #tpu.memory_space<vmem>>
    %dma_wait3A_1827 = tpu.memref_squeeze %dma_wait3A_1826 : memref<1x32x32000xf32, #tpu.memory_space<vmem>> -> memref<32x32000xf32, #tpu.memory_space<vmem>>
    %dma_wait3A_1828 = arith.constant 0 : i32
    %dma_wait3A_1829 = arith.constant 768000 : i32
    %dma_wait3A_1830 = tpu.memref_slice %arg0[%dma_wait3A_1828, %dma_wait3A_1829] : memref<32x1000000xf32, #tpu.memory_space<hbm>> -> memref<32x32000xf32, #tpu.memory_space<hbm>>
    tpu.wait_dma2 semaphore(%dma_wait3A_1823 : memref<!tpu.dma_semaphore, #tpu.memory_space<semaphore_mem>>) src(%dma_wait3A_1830 : memref<32x32000xf32, #tpu.memory_space<hbm>>) dst(%dma_wait3A_1827 : memref<32x32000xf32, #tpu.memory_space<vmem>>)
    %get3A_1831 = arith.constant 0 : index
    %get3A_1832 = arith.constant 0 : index
    %get3A_1833 = arith.constant 0 : index
    %get3A_1834 = vector.load %arg2[%get3A_1831, %get3A_1832, %get3A_1833] : memref<2x32x32000xf32, #tpu.memory_space<vmem>>, vector<1x32x32000xf32>
    %get3A_1835 = vector.shape_cast %get3A_1834 : vector<1x32x32000xf32> to vector<32x32000xf32>
    %slice3A_1836 = vector.extract_strided_slice %get3A_1835 {offsets = [0, 0], sizes = [32, 8000], strides = [1, 1]} : vector<32x32000xf32> to vector<32x8000xf32>
    %get3A_1837 = arith.constant 0 : index
    %get3A_1838 = arith.constant 0 : index
    %get3A_1839 = arith.constant 0 : index
    %get3A_1840 = vector.load %arg2[%get3A_1837, %get3A_1838, %get3A_1839] : memref<2x32x32000xf32, #tpu.memory_space<vmem>>, vector<1x32x32000xf32>
    %get3A_1841 = vector.shape_cast %get3A_1840 : vector<1x32x32000xf32> to vector<32x32000xf32>
    %slice3A_1842 = vector.extract_strided_slice %get3A_1841 {offsets = [0, 8000], sizes = [32, 8000], strides = [1, 1]} : vector<32x32000xf32> to vector<32x8000xf32>
    %get3A_1843 = arith.constant 0 : index
    %get3A_1844 = arith.constant 0 : index
    %get3A_1845 = arith.constant 0 : index
    %get3A_1846 = vector.load %arg2[%get3A_1843, %get3A_1844, %get3A_1845] : memref<2x32x32000xf32, #tpu.memory_space<vmem>>, vector<1x32x32000xf32>
    %get3A_1847 = vector.shape_cast %get3A_1846 : vector<1x32x32000xf32> to vector<32x32000xf32>
    %slice3A_1848 = vector.extract_strided_slice %get3A_1847 {offsets = [0, 16000], sizes = [32, 8000], strides = [1, 1]} : vector<32x32000xf32> to vector<32x8000xf32>
    %get3A_1849 = arith.constant 0 : index
    %get3A_1850 = arith.constant 0 : index
    %get3A_1851 = arith.constant 0 : index
    %get3A_1852 = vector.load %arg2[%get3A_1849, %get3A_1850, %get3A_1851] : memref<2x32x32000xf32, #tpu.memory_space<vmem>>, vector<1x32x32000xf32>
    %get3A_1853 = vector.shape_cast %get3A_1852 : vector<1x32x32000xf32> to vector<32x32000xf32>
    %slice3A_1854 = vector.extract_strided_slice %get3A_1853 {offsets = [0, 24000], sizes = [32, 8000], strides = [1, 1]} : vector<32x32000xf32> to vector<32x8000xf32>
    %concatenate3A_1855 = tpu.concatenate %slice3A_1836, %slice3A_1842, %slice3A_1848, %slice3A_1854 in 0 : vector<32x8000xf32>, vector<32x8000xf32>, vector<32x8000xf32>, vector<32x8000xf32> -> vector<128x8000xf32>
    %transpose3A_1856 = tpu.transpose %concatenate3A_1855, [1, 0] : vector<128x8000xf32> -> vector<8000x128xf32>
    %dma_wait3A_1857 = arith.constant 0 : i32
    %dma_wait3A_1858 = arith.constant 0 : i32
    %dma_wait3A_1859 = tpu.memref_slice %arg7[%dma_wait3A_1858] : memref<2x!tpu.dma_semaphore, #tpu.memory_space<semaphore_mem>> -> memref<1x!tpu.dma_semaphore, #tpu.memory_space<semaphore_mem>>
    %dma_wait3A_1860 = tpu.memref_squeeze %dma_wait3A_1859 : memref<1x!tpu.dma_semaphore, #tpu.memory_space<semaphore_mem>> -> memref<!tpu.dma_semaphore, #tpu.memory_space<semaphore_mem>>
    %dma_wait3A_1861 = arith.constant 176000 : i32
    %dma_wait3A_1862 = arith.constant 0 : i32
    %dma_wait3A_1863 = tpu.memref_slice %arg1[%dma_wait3A_1861, %dma_wait3A_1862] : memref<250000x128xf32, #tpu.memory_space<hbm>> -> memref<8000x128xf32, #tpu.memory_space<hbm>>
    %dma_wait3A_1864 = arith.constant 0 : i32
    %dma_wait3A_1865 = arith.constant 0 : i32
    %dma_wait3A_1866 = tpu.memref_slice %arg3[%dma_wait3A_1857, %dma_wait3A_1864, %dma_wait3A_1865] : memref<2x8000x128xf32, #tpu.memory_space<vmem>> -> memref<1x8000x128xf32, #tpu.memory_space<vmem>>
    %dma_wait3A_1867 = tpu.memref_squeeze %dma_wait3A_1866 : memref<1x8000x128xf32, #tpu.memory_space<vmem>> -> memref<8000x128xf32, #tpu.memory_space<vmem>>
    tpu.wait_dma2 semaphore(%dma_wait3A_1860 : memref<!tpu.dma_semaphore, #tpu.memory_space<semaphore_mem>>) src(%dma_wait3A_1867 : memref<8000x128xf32, #tpu.memory_space<vmem>>) dst(%dma_wait3A_1863 : memref<8000x128xf32, #tpu.memory_space<hbm>>)
    %swap3A_1868 = arith.constant 0 : index
    %swap3A_1869 = arith.constant 0 : index
    %swap3A_1870 = arith.constant 0 : index
    %swap3A_1871 = vector.load %arg3[%swap3A_1868, %swap3A_1869, %swap3A_1870] : memref<2x8000x128xf32, #tpu.memory_space<vmem>>, vector<1x8000x128xf32>
    %swap3A_1872 = vector.shape_cast %swap3A_1871 : vector<1x8000x128xf32> to vector<8000x128xf32>
    %swap3A_1873 = vector.shape_cast %transpose3A_1856 : vector<8000x128xf32> to vector<1x8000x128xf32>
    tpu.vector_store %arg3[%swap3A_1868, %swap3A_1869, %swap3A_1870], %swap3A_1873 {strides = array<i32>} : memref<2x8000x128xf32, #tpu.memory_space<vmem>>, vector<1x8000x128xf32>,
    %dma_start3A_1874 = arith.constant 0 : i32
    %dma_start3A_1875 = arith.constant 0 : i32
    %dma_start3A_1876 = tpu.memref_slice %arg7[%dma_start3A_1875] : memref<2x!tpu.dma_semaphore, #tpu.memory_space<semaphore_mem>> -> memref<1x!tpu.dma_semaphore, #tpu.memory_space<semaphore_mem>>
    %dma_start3A_1877 = tpu.memref_squeeze %dma_start3A_1876 : memref<1x!tpu.dma_semaphore, #tpu.memory_space<semaphore_mem>> -> memref<!tpu.dma_semaphore, #tpu.memory_space<semaphore_mem>>
    %dma_start3A_1878 = arith.constant 192000 : i32
    %dma_start3A_1879 = arith.constant 0 : i32
    %dma_start3A_1880 = tpu.memref_slice %arg1[%dma_start3A_1878, %dma_start3A_1879] : memref<250000x128xf32, #tpu.memory_space<hbm>> -> memref<8000x128xf32, #tpu.memory_space<hbm>>
    %dma_start3A_1881 = arith.constant 0 : i32
    %dma_start3A_1882 = arith.constant 0 : i32
    %dma_start3A_1883 = tpu.memref_slice %arg3[%dma_start3A_1874, %dma_start3A_1881, %dma_start3A_1882] : memref<2x8000x128xf32, #tpu.memory_space<vmem>> -> memref<1x8000x128xf32, #tpu.memory_space<vmem>>
    %dma_start3A_1884 = tpu.memref_squeeze %dma_start3A_1883 : memref<1x8000x128xf32, #tpu.memory_space<vmem>> -> memref<8000x128xf32, #tpu.memory_space<vmem>>
    tpu.enqueue_dma source(%dma_start3A_1884 : memref<8000x128xf32, #tpu.memory_space<vmem>>) target(%dma_start3A_1880 : memref<8000x128xf32, #tpu.memory_space<hbm>>) target_semaphore(%dma_start3A_1877 : memref<!tpu.dma_semaphore, #tpu.memory_space<semaphore_mem>>)
    %dma_start3A_1885 = arith.constant 0 : i32
    %dma_start3A_1886 = arith.constant 0 : i32
    %dma_start3A_1887 = tpu.memref_slice %arg6[%dma_start3A_1886] : memref<2x!tpu.dma_semaphore, #tpu.memory_space<semaphore_mem>> -> memref<1x!tpu.dma_semaphore, #tpu.memory_space<semaphore_mem>>
    %dma_start3A_1888 = tpu.memref_squeeze %dma_start3A_1887 : memref<1x!tpu.dma_semaphore, #tpu.memory_space<semaphore_mem>> -> memref<!tpu.dma_semaphore, #tpu.memory_space<semaphore_mem>>
    %dma_start3A_1889 = arith.constant 0 : i32
    %dma_start3A_1890 = arith.constant 0 : i32
    %dma_start3A_1891 = tpu.memref_slice %arg2[%dma_start3A_1885, %dma_start3A_1889, %dma_start3A_1890] : memref<2x32x32000xf32, #tpu.memory_space<vmem>> -> memref<1x32x32000xf32, #tpu.memory_space<vmem>>
    %dma_start3A_1892 = tpu.memref_squeeze %dma_start3A_1891 : memref<1x32x32000xf32, #tpu.memory_space<vmem>> -> memref<32x32000xf32, #tpu.memory_space<vmem>>
    %dma_start3A_1893 = arith.constant 0 : i32
    %dma_start3A_1894 = arith.constant 832000 : i32
    %dma_start3A_1895 = tpu.memref_slice %arg0[%dma_start3A_1893, %dma_start3A_1894] : memref<32x1000000xf32, #tpu.memory_space<hbm>> -> memref<32x32000xf32, #tpu.memory_space<hbm>>
    tpu.enqueue_dma source(%dma_start3A_1895 : memref<32x32000xf32, #tpu.memory_space<hbm>>) target(%dma_start3A_1892 : memref<32x32000xf32, #tpu.memory_space<vmem>>) target_semaphore(%dma_start3A_1888 : memref<!tpu.dma_semaphore, #tpu.memory_space<semaphore_mem>>)
    %dma_wait3A_1896 = arith.constant 1 : i32
    %dma_wait3A_1897 = arith.constant 1 : i32
    %dma_wait3A_1898 = tpu.memref_slice %arg6[%dma_wait3A_1897] : memref<2x!tpu.dma_semaphore, #tpu.memory_space<semaphore_mem>> -> memref<1x!tpu.dma_semaphore, #tpu.memory_space<semaphore_mem>>
    %dma_wait3A_1899 = tpu.memref_squeeze %dma_wait3A_1898 : memref<1x!tpu.dma_semaphore, #tpu.memory_space<semaphore_mem>> -> memref<!tpu.dma_semaphore, #tpu.memory_space<semaphore_mem>>
    %dma_wait3A_1900 = arith.constant 0 : i32
    %dma_wait3A_1901 = arith.constant 0 : i32
    %dma_wait3A_1902 = tpu.memref_slice %arg2[%dma_wait3A_1896, %dma_wait3A_1900, %dma_wait3A_1901] : memref<2x32x32000xf32, #tpu.memory_space<vmem>> -> memref<1x32x32000xf32, #tpu.memory_space<vmem>>
    %dma_wait3A_1903 = tpu.memref_squeeze %dma_wait3A_1902 : memref<1x32x32000xf32, #tpu.memory_space<vmem>> -> memref<32x32000xf32, #tpu.memory_space<vmem>>
    %dma_wait3A_1904 = arith.constant 0 : i32
    %dma_wait3A_1905 = arith.constant 800000 : i32
    %dma_wait3A_1906 = tpu.memref_slice %arg0[%dma_wait3A_1904, %dma_wait3A_1905] : memref<32x1000000xf32, #tpu.memory_space<hbm>> -> memref<32x32000xf32, #tpu.memory_space<hbm>>
    tpu.wait_dma2 semaphore(%dma_wait3A_1899 : memref<!tpu.dma_semaphore, #tpu.memory_space<semaphore_mem>>) src(%dma_wait3A_1906 : memref<32x32000xf32, #tpu.memory_space<hbm>>) dst(%dma_wait3A_1903 : memref<32x32000xf32, #tpu.memory_space<vmem>>)
    %get3A_1907 = arith.constant 1 : index
    %get3A_1908 = arith.constant 0 : index
    %get3A_1909 = arith.constant 0 : index
    %get3A_1910 = vector.load %arg2[%get3A_1907, %get3A_1908, %get3A_1909] : memref<2x32x32000xf32, #tpu.memory_space<vmem>>, vector<1x32x32000xf32>
    %get3A_1911 = vector.shape_cast %get3A_1910 : vector<1x32x32000xf32> to vector<32x32000xf32>
    %slice3A_1912 = vector.extract_strided_slice %get3A_1911 {offsets = [0, 0], sizes = [32, 8000], strides = [1, 1]} : vector<32x32000xf32> to vector<32x8000xf32>
    %get3A_1913 = arith.constant 1 : index
    %get3A_1914 = arith.constant 0 : index
    %get3A_1915 = arith.constant 0 : index
    %get3A_1916 = vector.load %arg2[%get3A_1913, %get3A_1914, %get3A_1915] : memref<2x32x32000xf32, #tpu.memory_space<vmem>>, vector<1x32x32000xf32>
    %get3A_1917 = vector.shape_cast %get3A_1916 : vector<1x32x32000xf32> to vector<32x32000xf32>
    %slice3A_1918 = vector.extract_strided_slice %get3A_1917 {offsets = [0, 8000], sizes = [32, 8000], strides = [1, 1]} : vector<32x32000xf32> to vector<32x8000xf32>
    %get3A_1919 = arith.constant 1 : index
    %get3A_1920 = arith.constant 0 : index
    %get3A_1921 = arith.constant 0 : index
    %get3A_1922 = vector.load %arg2[%get3A_1919, %get3A_1920, %get3A_1921] : memref<2x32x32000xf32, #tpu.memory_space<vmem>>, vector<1x32x32000xf32>
    %get3A_1923 = vector.shape_cast %get3A_1922 : vector<1x32x32000xf32> to vector<32x32000xf32>
    %slice3A_1924 = vector.extract_strided_slice %get3A_1923 {offsets = [0, 16000], sizes = [32, 8000], strides = [1, 1]} : vector<32x32000xf32> to vector<32x8000xf32>
    %get3A_1925 = arith.constant 1 : index
    %get3A_1926 = arith.constant 0 : index
    %get3A_1927 = arith.constant 0 : index
    %get3A_1928 = vector.load %arg2[%get3A_1925, %get3A_1926, %get3A_1927] : memref<2x32x32000xf32, #tpu.memory_space<vmem>>, vector<1x32x32000xf32>
    %get3A_1929 = vector.shape_cast %get3A_1928 : vector<1x32x32000xf32> to vector<32x32000xf32>
    %slice3A_1930 = vector.extract_strided_slice %get3A_1929 {offsets = [0, 24000], sizes = [32, 8000], strides = [1, 1]} : vector<32x32000xf32> to vector<32x8000xf32>
    %concatenate3A_1931 = tpu.concatenate %slice3A_1912, %slice3A_1918, %slice3A_1924, %slice3A_1930 in 0 : vector<32x8000xf32>, vector<32x8000xf32>, vector<32x8000xf32>, vector<32x8000xf32> -> vector<128x8000xf32>
    %transpose3A_1932 = tpu.transpose %concatenate3A_1931, [1, 0] : vector<128x8000xf32> -> vector<8000x128xf32>
    %dma_wait3A_1933 = arith.constant 1 : i32
    %dma_wait3A_1934 = arith.constant 1 : i32
    %dma_wait3A_1935 = tpu.memref_slice %arg7[%dma_wait3A_1934] : memref<2x!tpu.dma_semaphore, #tpu.memory_space<semaphore_mem>> -> memref<1x!tpu.dma_semaphore, #tpu.memory_space<semaphore_mem>>
    %dma_wait3A_1936 = tpu.memref_squeeze %dma_wait3A_1935 : memref<1x!tpu.dma_semaphore, #tpu.memory_space<semaphore_mem>> -> memref<!tpu.dma_semaphore, #tpu.memory_space<semaphore_mem>>
    %dma_wait3A_1937 = arith.constant 184000 : i32
    %dma_wait3A_1938 = arith.constant 0 : i32
    %dma_wait3A_1939 = tpu.memref_slice %arg1[%dma_wait3A_1937, %dma_wait3A_1938] : memref<250000x128xf32, #tpu.memory_space<hbm>> -> memref<8000x128xf32, #tpu.memory_space<hbm>>
    %dma_wait3A_1940 = arith.constant 0 : i32
    %dma_wait3A_1941 = arith.constant 0 : i32
    %dma_wait3A_1942 = tpu.memref_slice %arg3[%dma_wait3A_1933, %dma_wait3A_1940, %dma_wait3A_1941] : memref<2x8000x128xf32, #tpu.memory_space<vmem>> -> memref<1x8000x128xf32, #tpu.memory_space<vmem>>
    %dma_wait3A_1943 = tpu.memref_squeeze %dma_wait3A_1942 : memref<1x8000x128xf32, #tpu.memory_space<vmem>> -> memref<8000x128xf32, #tpu.memory_space<vmem>>
    tpu.wait_dma2 semaphore(%dma_wait3A_1936 : memref<!tpu.dma_semaphore, #tpu.memory_space<semaphore_mem>>) src(%dma_wait3A_1943 : memref<8000x128xf32, #tpu.memory_space<vmem>>) dst(%dma_wait3A_1939 : memref<8000x128xf32, #tpu.memory_space<hbm>>)
    %swap3A_1944 = arith.constant 1 : index
    %swap3A_1945 = arith.constant 0 : index
    %swap3A_1946 = arith.constant 0 : index
    %swap3A_1947 = vector.load %arg3[%swap3A_1944, %swap3A_1945, %swap3A_1946] : memref<2x8000x128xf32, #tpu.memory_space<vmem>>, vector<1x8000x128xf32>
    %swap3A_1948 = vector.shape_cast %swap3A_1947 : vector<1x8000x128xf32> to vector<8000x128xf32>
    %swap3A_1949 = vector.shape_cast %transpose3A_1932 : vector<8000x128xf32> to vector<1x8000x128xf32>
    tpu.vector_store %arg3[%swap3A_1944, %swap3A_1945, %swap3A_1946], %swap3A_1949 {strides = array<i32>} : memref<2x8000x128xf32, #tpu.memory_space<vmem>>, vector<1x8000x128xf32>,
    %dma_start3A_1950 = arith.constant 1 : i32
    %dma_start3A_1951 = arith.constant 1 : i32
    %dma_start3A_1952 = tpu.memref_slice %arg7[%dma_start3A_1951] : memref<2x!tpu.dma_semaphore, #tpu.memory_space<semaphore_mem>> -> memref<1x!tpu.dma_semaphore, #tpu.memory_space<semaphore_mem>>
    %dma_start3A_1953 = tpu.memref_squeeze %dma_start3A_1952 : memref<1x!tpu.dma_semaphore, #tpu.memory_space<semaphore_mem>> -> memref<!tpu.dma_semaphore, #tpu.memory_space<semaphore_mem>>
    %dma_start3A_1954 = arith.constant 200000 : i32
    %dma_start3A_1955 = arith.constant 0 : i32
    %dma_start3A_1956 = tpu.memref_slice %arg1[%dma_start3A_1954, %dma_start3A_1955] : memref<250000x128xf32, #tpu.memory_space<hbm>> -> memref<8000x128xf32, #tpu.memory_space<hbm>>
    %dma_start3A_1957 = arith.constant 0 : i32
    %dma_start3A_1958 = arith.constant 0 : i32
    %dma_start3A_1959 = tpu.memref_slice %arg3[%dma_start3A_1950, %dma_start3A_1957, %dma_start3A_1958] : memref<2x8000x128xf32, #tpu.memory_space<vmem>> -> memref<1x8000x128xf32, #tpu.memory_space<vmem>>
    %dma_start3A_1960 = tpu.memref_squeeze %dma_start3A_1959 : memref<1x8000x128xf32, #tpu.memory_space<vmem>> -> memref<8000x128xf32, #tpu.memory_space<vmem>>
    tpu.enqueue_dma source(%dma_start3A_1960 : memref<8000x128xf32, #tpu.memory_space<vmem>>) target(%dma_start3A_1956 : memref<8000x128xf32, #tpu.memory_space<hbm>>) target_semaphore(%dma_start3A_1953 : memref<!tpu.dma_semaphore, #tpu.memory_space<semaphore_mem>>)
    %dma_start3A_1961 = arith.constant 1 : i32
    %dma_start3A_1962 = arith.constant 1 : i32
    %dma_start3A_1963 = tpu.memref_slice %arg6[%dma_start3A_1962] : memref<2x!tpu.dma_semaphore, #tpu.memory_space<semaphore_mem>> -> memref<1x!tpu.dma_semaphore, #tpu.memory_space<semaphore_mem>>
    %dma_start3A_1964 = tpu.memref_squeeze %dma_start3A_1963 : memref<1x!tpu.dma_semaphore, #tpu.memory_space<semaphore_mem>> -> memref<!tpu.dma_semaphore, #tpu.memory_space<semaphore_mem>>
    %dma_start3A_1965 = arith.constant 0 : i32
    %dma_start3A_1966 = arith.constant 0 : i32
    %dma_start3A_1967 = tpu.memref_slice %arg2[%dma_start3A_1961, %dma_start3A_1965, %dma_start3A_1966] : memref<2x32x32000xf32, #tpu.memory_space<vmem>> -> memref<1x32x32000xf32, #tpu.memory_space<vmem>>
    %dma_start3A_1968 = tpu.memref_squeeze %dma_start3A_1967 : memref<1x32x32000xf32, #tpu.memory_space<vmem>> -> memref<32x32000xf32, #tpu.memory_space<vmem>>
    %dma_start3A_1969 = arith.constant 0 : i32
    %dma_start3A_1970 = arith.constant 864000 : i32
    %dma_start3A_1971 = tpu.memref_slice %arg0[%dma_start3A_1969, %dma_start3A_1970] : memref<32x1000000xf32, #tpu.memory_space<hbm>> -> memref<32x32000xf32, #tpu.memory_space<hbm>>
    tpu.enqueue_dma source(%dma_start3A_1971 : memref<32x32000xf32, #tpu.memory_space<hbm>>) target(%dma_start3A_1968 : memref<32x32000xf32, #tpu.memory_space<vmem>>) target_semaphore(%dma_start3A_1964 : memref<!tpu.dma_semaphore, #tpu.memory_space<semaphore_mem>>)
    %dma_wait3A_1972 = arith.constant 0 : i32
    %dma_wait3A_1973 = arith.constant 0 : i32
    %dma_wait3A_1974 = tpu.memref_slice %arg6[%dma_wait3A_1973] : memref<2x!tpu.dma_semaphore, #tpu.memory_space<semaphore_mem>> -> memref<1x!tpu.dma_semaphore, #tpu.memory_space<semaphore_mem>>
    %dma_wait3A_1975 = tpu.memref_squeeze %dma_wait3A_1974 : memref<1x!tpu.dma_semaphore, #tpu.memory_space<semaphore_mem>> -> memref<!tpu.dma_semaphore, #tpu.memory_space<semaphore_mem>>
    %dma_wait3A_1976 = arith.constant 0 : i32
    %dma_wait3A_1977 = arith.constant 0 : i32
    %dma_wait3A_1978 = tpu.memref_slice %arg2[%dma_wait3A_1972, %dma_wait3A_1976, %dma_wait3A_1977] : memref<2x32x32000xf32, #tpu.memory_space<vmem>> -> memref<1x32x32000xf32, #tpu.memory_space<vmem>>
    %dma_wait3A_1979 = tpu.memref_squeeze %dma_wait3A_1978 : memref<1x32x32000xf32, #tpu.memory_space<vmem>> -> memref<32x32000xf32, #tpu.memory_space<vmem>>
    %dma_wait3A_1980 = arith.constant 0 : i32
    %dma_wait3A_1981 = arith.constant 832000 : i32
    %dma_wait3A_1982 = tpu.memref_slice %arg0[%dma_wait3A_1980, %dma_wait3A_1981] : memref<32x1000000xf32, #tpu.memory_space<hbm>> -> memref<32x32000xf32, #tpu.memory_space<hbm>>
    tpu.wait_dma2 semaphore(%dma_wait3A_1975 : memref<!tpu.dma_semaphore, #tpu.memory_space<semaphore_mem>>) src(%dma_wait3A_1982 : memref<32x32000xf32, #tpu.memory_space<hbm>>) dst(%dma_wait3A_1979 : memref<32x32000xf32, #tpu.memory_space<vmem>>)
    %get3A_1983 = arith.constant 0 : index
    %get3A_1984 = arith.constant 0 : index
    %get3A_1985 = arith.constant 0 : index
    %get3A_1986 = vector.load %arg2[%get3A_1983, %get3A_1984, %get3A_1985] : memref<2x32x32000xf32, #tpu.memory_space<vmem>>, vector<1x32x32000xf32>
    %get3A_1987 = vector.shape_cast %get3A_1986 : vector<1x32x32000xf32> to vector<32x32000xf32>
    %slice3A_1988 = vector.extract_strided_slice %get3A_1987 {offsets = [0, 0], sizes = [32, 8000], strides = [1, 1]} : vector<32x32000xf32> to vector<32x8000xf32>
    %get3A_1989 = arith.constant 0 : index
    %get3A_1990 = arith.constant 0 : index
    %get3A_1991 = arith.constant 0 : index
    %get3A_1992 = vector.load %arg2[%get3A_1989, %get3A_1990, %get3A_1991] : memref<2x32x32000xf32, #tpu.memory_space<vmem>>, vector<1x32x32000xf32>
    %get3A_1993 = vector.shape_cast %get3A_1992 : vector<1x32x32000xf32> to vector<32x32000xf32>
    %slice3A_1994 = vector.extract_strided_slice %get3A_1993 {offsets = [0, 8000], sizes = [32, 8000], strides = [1, 1]} : vector<32x32000xf32> to vector<32x8000xf32>
    %get3A_1995 = arith.constant 0 : index
    %get3A_1996 = arith.constant 0 : index
    %get3A_1997 = arith.constant 0 : index
    %get3A_1998 = vector.load %arg2[%get3A_1995, %get3A_1996, %get3A_1997] : memref<2x32x32000xf32, #tpu.memory_space<vmem>>, vector<1x32x32000xf32>
    %get3A_1999 = vector.shape_cast %get3A_1998 : vector<1x32x32000xf32> to vector<32x32000xf32>
    %slice3A_2000 = vector.extract_strided_slice %get3A_1999 {offsets = [0, 16000], sizes = [32, 8000], strides = [1, 1]} : vector<32x32000xf32> to vector<32x8000xf32>
    %get3A_2001 = arith.constant 0 : index
    %get3A_2002 = arith.constant 0 : index
    %get3A_2003 = arith.constant 0 : index
    %get3A_2004 = vector.load %arg2[%get3A_2001, %get3A_2002, %get3A_2003] : memref<2x32x32000xf32, #tpu.memory_space<vmem>>, vector<1x32x32000xf32>
    %get3A_2005 = vector.shape_cast %get3A_2004 : vector<1x32x32000xf32> to vector<32x32000xf32>
    %slice3A_2006 = vector.extract_strided_slice %get3A_2005 {offsets = [0, 24000], sizes = [32, 8000], strides = [1, 1]} : vector<32x32000xf32> to vector<32x8000xf32>
    %concatenate3A_2007 = tpu.concatenate %slice3A_1988, %slice3A_1994, %slice3A_2000, %slice3A_2006 in 0 : vector<32x8000xf32>, vector<32x8000xf32>, vector<32x8000xf32>, vector<32x8000xf32> -> vector<128x8000xf32>
    %transpose3A_2008 = tpu.transpose %concatenate3A_2007, [1, 0] : vector<128x8000xf32> -> vector<8000x128xf32>
    %dma_wait3A_2009 = arith.constant 0 : i32
    %dma_wait3A_2010 = arith.constant 0 : i32
    %dma_wait3A_2011 = tpu.memref_slice %arg7[%dma_wait3A_2010] : memref<2x!tpu.dma_semaphore, #tpu.memory_space<semaphore_mem>> -> memref<1x!tpu.dma_semaphore, #tpu.memory_space<semaphore_mem>>
    %dma_wait3A_2012 = tpu.memref_squeeze %dma_wait3A_2011 : memref<1x!tpu.dma_semaphore, #tpu.memory_space<semaphore_mem>> -> memref<!tpu.dma_semaphore, #tpu.memory_space<semaphore_mem>>
    %dma_wait3A_2013 = arith.constant 192000 : i32
    %dma_wait3A_2014 = arith.constant 0 : i32
    %dma_wait3A_2015 = tpu.memref_slice %arg1[%dma_wait3A_2013, %dma_wait3A_2014] : memref<250000x128xf32, #tpu.memory_space<hbm>> -> memref<8000x128xf32, #tpu.memory_space<hbm>>
    %dma_wait3A_2016 = arith.constant 0 : i32
    %dma_wait3A_2017 = arith.constant 0 : i32
    %dma_wait3A_2018 = tpu.memref_slice %arg3[%dma_wait3A_2009, %dma_wait3A_2016, %dma_wait3A_2017] : memref<2x8000x128xf32, #tpu.memory_space<vmem>> -> memref<1x8000x128xf32, #tpu.memory_space<vmem>>
    %dma_wait3A_2019 = tpu.memref_squeeze %dma_wait3A_2018 : memref<1x8000x128xf32, #tpu.memory_space<vmem>> -> memref<8000x128xf32, #tpu.memory_space<vmem>>
    tpu.wait_dma2 semaphore(%dma_wait3A_2012 : memref<!tpu.dma_semaphore, #tpu.memory_space<semaphore_mem>>) src(%dma_wait3A_2019 : memref<8000x128xf32, #tpu.memory_space<vmem>>) dst(%dma_wait3A_2015 : memref<8000x128xf32, #tpu.memory_space<hbm>>)
    %swap3A_2020 = arith.constant 0 : index
    %swap3A_2021 = arith.constant 0 : index
    %swap3A_2022 = arith.constant 0 : index
    %swap3A_2023 = vector.load %arg3[%swap3A_2020, %swap3A_2021, %swap3A_2022] : memref<2x8000x128xf32, #tpu.memory_space<vmem>>, vector<1x8000x128xf32>
    %swap3A_2024 = vector.shape_cast %swap3A_2023 : vector<1x8000x128xf32> to vector<8000x128xf32>
    %swap3A_2025 = vector.shape_cast %transpose3A_2008 : vector<8000x128xf32> to vector<1x8000x128xf32>
    tpu.vector_store %arg3[%swap3A_2020, %swap3A_2021, %swap3A_2022], %swap3A_2025 {strides = array<i32>} : memref<2x8000x128xf32, #tpu.memory_space<vmem>>, vector<1x8000x128xf32>,
    %dma_start3A_2026 = arith.constant 0 : i32
    %dma_start3A_2027 = arith.constant 0 : i32
    %dma_start3A_2028 = tpu.memref_slice %arg7[%dma_start3A_2027] : memref<2x!tpu.dma_semaphore, #tpu.memory_space<semaphore_mem>> -> memref<1x!tpu.dma_semaphore, #tpu.memory_space<semaphore_mem>>
    %dma_start3A_2029 = tpu.memref_squeeze %dma_start3A_2028 : memref<1x!tpu.dma_semaphore, #tpu.memory_space<semaphore_mem>> -> memref<!tpu.dma_semaphore, #tpu.memory_space<semaphore_mem>>
    %dma_start3A_2030 = arith.constant 208000 : i32
    %dma_start3A_2031 = arith.constant 0 : i32
    %dma_start3A_2032 = tpu.memref_slice %arg1[%dma_start3A_2030, %dma_start3A_2031] : memref<250000x128xf32, #tpu.memory_space<hbm>> -> memref<8000x128xf32, #tpu.memory_space<hbm>>
    %dma_start3A_2033 = arith.constant 0 : i32
    %dma_start3A_2034 = arith.constant 0 : i32
    %dma_start3A_2035 = tpu.memref_slice %arg3[%dma_start3A_2026, %dma_start3A_2033, %dma_start3A_2034] : memref<2x8000x128xf32, #tpu.memory_space<vmem>> -> memref<1x8000x128xf32, #tpu.memory_space<vmem>>
    %dma_start3A_2036 = tpu.memref_squeeze %dma_start3A_2035 : memref<1x8000x128xf32, #tpu.memory_space<vmem>> -> memref<8000x128xf32, #tpu.memory_space<vmem>>
    tpu.enqueue_dma source(%dma_start3A_2036 : memref<8000x128xf32, #tpu.memory_space<vmem>>) target(%dma_start3A_2032 : memref<8000x128xf32, #tpu.memory_space<hbm>>) target_semaphore(%dma_start3A_2029 : memref<!tpu.dma_semaphore, #tpu.memory_space<semaphore_mem>>)
    %dma_start3A_2037 = arith.constant 0 : i32
    %dma_start3A_2038 = arith.constant 0 : i32
    %dma_start3A_2039 = tpu.memref_slice %arg6[%dma_start3A_2038] : memref<2x!tpu.dma_semaphore, #tpu.memory_space<semaphore_mem>> -> memref<1x!tpu.dma_semaphore, #tpu.memory_space<semaphore_mem>>
    %dma_start3A_2040 = tpu.memref_squeeze %dma_start3A_2039 : memref<1x!tpu.dma_semaphore, #tpu.memory_space<semaphore_mem>> -> memref<!tpu.dma_semaphore, #tpu.memory_space<semaphore_mem>>
    %dma_start3A_2041 = arith.constant 0 : i32
    %dma_start3A_2042 = arith.constant 0 : i32
    %dma_start3A_2043 = tpu.memref_slice %arg2[%dma_start3A_2037, %dma_start3A_2041, %dma_start3A_2042] : memref<2x32x32000xf32, #tpu.memory_space<vmem>> -> memref<1x32x32000xf32, #tpu.memory_space<vmem>>
    %dma_start3A_2044 = tpu.memref_squeeze %dma_start3A_2043 : memref<1x32x32000xf32, #tpu.memory_space<vmem>> -> memref<32x32000xf32, #tpu.memory_space<vmem>>
    %dma_start3A_2045 = arith.constant 0 : i32
    %dma_start3A_2046 = arith.constant 896000 : i32
    %dma_start3A_2047 = tpu.memref_slice %arg0[%dma_start3A_2045, %dma_start3A_2046] : memref<32x1000000xf32, #tpu.memory_space<hbm>> -> memref<32x32000xf32, #tpu.memory_space<hbm>>
    tpu.enqueue_dma source(%dma_start3A_2047 : memref<32x32000xf32, #tpu.memory_space<hbm>>) target(%dma_start3A_2044 : memref<32x32000xf32, #tpu.memory_space<vmem>>) target_semaphore(%dma_start3A_2040 : memref<!tpu.dma_semaphore, #tpu.memory_space<semaphore_mem>>)
    %dma_wait3A_2048 = arith.constant 1 : i32
    %dma_wait3A_2049 = arith.constant 1 : i32
    %dma_wait3A_2050 = tpu.memref_slice %arg6[%dma_wait3A_2049] : memref<2x!tpu.dma_semaphore, #tpu.memory_space<semaphore_mem>> -> memref<1x!tpu.dma_semaphore, #tpu.memory_space<semaphore_mem>>
    %dma_wait3A_2051 = tpu.memref_squeeze %dma_wait3A_2050 : memref<1x!tpu.dma_semaphore, #tpu.memory_space<semaphore_mem>> -> memref<!tpu.dma_semaphore, #tpu.memory_space<semaphore_mem>>
    %dma_wait3A_2052 = arith.constant 0 : i32
    %dma_wait3A_2053 = arith.constant 0 : i32
    %dma_wait3A_2054 = tpu.memref_slice %arg2[%dma_wait3A_2048, %dma_wait3A_2052, %dma_wait3A_2053] : memref<2x32x32000xf32, #tpu.memory_space<vmem>> -> memref<1x32x32000xf32, #tpu.memory_space<vmem>>
    %dma_wait3A_2055 = tpu.memref_squeeze %dma_wait3A_2054 : memref<1x32x32000xf32, #tpu.memory_space<vmem>> -> memref<32x32000xf32, #tpu.memory_space<vmem>>
    %dma_wait3A_2056 = arith.constant 0 : i32
    %dma_wait3A_2057 = arith.constant 864000 : i32
    %dma_wait3A_2058 = tpu.memref_slice %arg0[%dma_wait3A_2056, %dma_wait3A_2057] : memref<32x1000000xf32, #tpu.memory_space<hbm>> -> memref<32x32000xf32, #tpu.memory_space<hbm>>
    tpu.wait_dma2 semaphore(%dma_wait3A_2051 : memref<!tpu.dma_semaphore, #tpu.memory_space<semaphore_mem>>) src(%dma_wait3A_2058 : memref<32x32000xf32, #tpu.memory_space<hbm>>) dst(%dma_wait3A_2055 : memref<32x32000xf32, #tpu.memory_space<vmem>>)
    %get3A_2059 = arith.constant 1 : index
    %get3A_2060 = arith.constant 0 : index
    %get3A_2061 = arith.constant 0 : index
    %get3A_2062 = vector.load %arg2[%get3A_2059, %get3A_2060, %get3A_2061] : memref<2x32x32000xf32, #tpu.memory_space<vmem>>, vector<1x32x32000xf32>
    %get3A_2063 = vector.shape_cast %get3A_2062 : vector<1x32x32000xf32> to vector<32x32000xf32>
    %slice3A_2064 = vector.extract_strided_slice %get3A_2063 {offsets = [0, 0], sizes = [32, 8000], strides = [1, 1]} : vector<32x32000xf32> to vector<32x8000xf32>
    %get3A_2065 = arith.constant 1 : index
    %get3A_2066 = arith.constant 0 : index
    %get3A_2067 = arith.constant 0 : index
    %get3A_2068 = vector.load %arg2[%get3A_2065, %get3A_2066, %get3A_2067] : memref<2x32x32000xf32, #tpu.memory_space<vmem>>, vector<1x32x32000xf32>
    %get3A_2069 = vector.shape_cast %get3A_2068 : vector<1x32x32000xf32> to vector<32x32000xf32>
    %slice3A_2070 = vector.extract_strided_slice %get3A_2069 {offsets = [0, 8000], sizes = [32, 8000], strides = [1, 1]} : vector<32x32000xf32> to vector<32x8000xf32>
    %get3A_2071 = arith.constant 1 : index
    %get3A_2072 = arith.constant 0 : index
    %get3A_2073 = arith.constant 0 : index
    %get3A_2074 = vector.load %arg2[%get3A_2071, %get3A_2072, %get3A_2073] : memref<2x32x32000xf32, #tpu.memory_space<vmem>>, vector<1x32x32000xf32>
    %get3A_2075 = vector.shape_cast %get3A_2074 : vector<1x32x32000xf32> to vector<32x32000xf32>
    %slice3A_2076 = vector.extract_strided_slice %get3A_2075 {offsets = [0, 16000], sizes = [32, 8000], strides = [1, 1]} : vector<32x32000xf32> to vector<32x8000xf32>
    %get3A_2077 = arith.constant 1 : index
    %get3A_2078 = arith.constant 0 : index
    %get3A_2079 = arith.constant 0 : index
    %get3A_2080 = vector.load %arg2[%get3A_2077, %get3A_2078, %get3A_2079] : memref<2x32x32000xf32, #tpu.memory_space<vmem>>, vector<1x32x32000xf32>
    %get3A_2081 = vector.shape_cast %get3A_2080 : vector<1x32x32000xf32> to vector<32x32000xf32>
    %slice3A_2082 = vector.extract_strided_slice %get3A_2081 {offsets = [0, 24000], sizes = [32, 8000], strides = [1, 1]} : vector<32x32000xf32> to vector<32x8000xf32>
    %concatenate3A_2083 = tpu.concatenate %slice3A_2064, %slice3A_2070, %slice3A_2076, %slice3A_2082 in 0 : vector<32x8000xf32>, vector<32x8000xf32>, vector<32x8000xf32>, vector<32x8000xf32> -> vector<128x8000xf32>
    %transpose3A_2084 = tpu.transpose %concatenate3A_2083, [1, 0] : vector<128x8000xf32> -> vector<8000x128xf32>
    %dma_wait3A_2085 = arith.constant 1 : i32
    %dma_wait3A_2086 = arith.constant 1 : i32
    %dma_wait3A_2087 = tpu.memref_slice %arg7[%dma_wait3A_2086] : memref<2x!tpu.dma_semaphore, #tpu.memory_space<semaphore_mem>> -> memref<1x!tpu.dma_semaphore, #tpu.memory_space<semaphore_mem>>
    %dma_wait3A_2088 = tpu.memref_squeeze %dma_wait3A_2087 : memref<1x!tpu.dma_semaphore, #tpu.memory_space<semaphore_mem>> -> memref<!tpu.dma_semaphore, #tpu.memory_space<semaphore_mem>>
    %dma_wait3A_2089 = arith.constant 200000 : i32
    %dma_wait3A_2090 = arith.constant 0 : i32
    %dma_wait3A_2091 = tpu.memref_slice %arg1[%dma_wait3A_2089, %dma_wait3A_2090] : memref<250000x128xf32, #tpu.memory_space<hbm>> -> memref<8000x128xf32, #tpu.memory_space<hbm>>
    %dma_wait3A_2092 = arith.constant 0 : i32
    %dma_wait3A_2093 = arith.constant 0 : i32
    %dma_wait3A_2094 = tpu.memref_slice %arg3[%dma_wait3A_2085, %dma_wait3A_2092, %dma_wait3A_2093] : memref<2x8000x128xf32, #tpu.memory_space<vmem>> -> memref<1x8000x128xf32, #tpu.memory_space<vmem>>
    %dma_wait3A_2095 = tpu.memref_squeeze %dma_wait3A_2094 : memref<1x8000x128xf32, #tpu.memory_space<vmem>> -> memref<8000x128xf32, #tpu.memory_space<vmem>>
    tpu.wait_dma2 semaphore(%dma_wait3A_2088 : memref<!tpu.dma_semaphore, #tpu.memory_space<semaphore_mem>>) src(%dma_wait3A_2095 : memref<8000x128xf32, #tpu.memory_space<vmem>>) dst(%dma_wait3A_2091 : memref<8000x128xf32, #tpu.memory_space<hbm>>)
    %swap3A_2096 = arith.constant 1 : index
    %swap3A_2097 = arith.constant 0 : index
    %swap3A_2098 = arith.constant 0 : index
    %swap3A_2099 = vector.load %arg3[%swap3A_2096, %swap3A_2097, %swap3A_2098] : memref<2x8000x128xf32, #tpu.memory_space<vmem>>, vector<1x8000x128xf32>
    %swap3A_2100 = vector.shape_cast %swap3A_2099 : vector<1x8000x128xf32> to vector<8000x128xf32>
    %swap3A_2101 = vector.shape_cast %transpose3A_2084 : vector<8000x128xf32> to vector<1x8000x128xf32>
    tpu.vector_store %arg3[%swap3A_2096, %swap3A_2097, %swap3A_2098], %swap3A_2101 {strides = array<i32>} : memref<2x8000x128xf32, #tpu.memory_space<vmem>>, vector<1x8000x128xf32>,
    %dma_start3A_2102 = arith.constant 1 : i32
    %dma_start3A_2103 = arith.constant 1 : i32
    %dma_start3A_2104 = tpu.memref_slice %arg7[%dma_start3A_2103] : memref<2x!tpu.dma_semaphore, #tpu.memory_space<semaphore_mem>> -> memref<1x!tpu.dma_semaphore, #tpu.memory_space<semaphore_mem>>
    %dma_start3A_2105 = tpu.memref_squeeze %dma_start3A_2104 : memref<1x!tpu.dma_semaphore, #tpu.memory_space<semaphore_mem>> -> memref<!tpu.dma_semaphore, #tpu.memory_space<semaphore_mem>>
    %dma_start3A_2106 = arith.constant 216000 : i32
    %dma_start3A_2107 = arith.constant 0 : i32
    %dma_start3A_2108 = tpu.memref_slice %arg1[%dma_start3A_2106, %dma_start3A_2107] : memref<250000x128xf32, #tpu.memory_space<hbm>> -> memref<8000x128xf32, #tpu.memory_space<hbm>>
    %dma_start3A_2109 = arith.constant 0 : i32
    %dma_start3A_2110 = arith.constant 0 : i32
    %dma_start3A_2111 = tpu.memref_slice %arg3[%dma_start3A_2102, %dma_start3A_2109, %dma_start3A_2110] : memref<2x8000x128xf32, #tpu.memory_space<vmem>> -> memref<1x8000x128xf32, #tpu.memory_space<vmem>>
    %dma_start3A_2112 = tpu.memref_squeeze %dma_start3A_2111 : memref<1x8000x128xf32, #tpu.memory_space<vmem>> -> memref<8000x128xf32, #tpu.memory_space<vmem>>
    tpu.enqueue_dma source(%dma_start3A_2112 : memref<8000x128xf32, #tpu.memory_space<vmem>>) target(%dma_start3A_2108 : memref<8000x128xf32, #tpu.memory_space<hbm>>) target_semaphore(%dma_start3A_2105 : memref<!tpu.dma_semaphore, #tpu.memory_space<semaphore_mem>>)
    %dma_start3A_2113 = arith.constant 1 : i32
    %dma_start3A_2114 = arith.constant 1 : i32
    %dma_start3A_2115 = tpu.memref_slice %arg6[%dma_start3A_2114] : memref<2x!tpu.dma_semaphore, #tpu.memory_space<semaphore_mem>> -> memref<1x!tpu.dma_semaphore, #tpu.memory_space<semaphore_mem>>
    %dma_start3A_2116 = tpu.memref_squeeze %dma_start3A_2115 : memref<1x!tpu.dma_semaphore, #tpu.memory_space<semaphore_mem>> -> memref<!tpu.dma_semaphore, #tpu.memory_space<semaphore_mem>>
    %dma_start3A_2117 = arith.constant 0 : i32
    %dma_start3A_2118 = arith.constant 0 : i32
    %dma_start3A_2119 = tpu.memref_slice %arg2[%dma_start3A_2113, %dma_start3A_2117, %dma_start3A_2118] : memref<2x32x32000xf32, #tpu.memory_space<vmem>> -> memref<1x32x32000xf32, #tpu.memory_space<vmem>>
    %dma_start3A_2120 = tpu.memref_squeeze %dma_start3A_2119 : memref<1x32x32000xf32, #tpu.memory_space<vmem>> -> memref<32x32000xf32, #tpu.memory_space<vmem>>
    %dma_start3A_2121 = arith.constant 0 : i32
    %dma_start3A_2122 = arith.constant 928000 : i32
    %dma_start3A_2123 = tpu.memref_slice %arg0[%dma_start3A_2121, %dma_start3A_2122] : memref<32x1000000xf32, #tpu.memory_space<hbm>> -> memref<32x32000xf32, #tpu.memory_space<hbm>>
    tpu.enqueue_dma source(%dma_start3A_2123 : memref<32x32000xf32, #tpu.memory_space<hbm>>) target(%dma_start3A_2120 : memref<32x32000xf32, #tpu.memory_space<vmem>>) target_semaphore(%dma_start3A_2116 : memref<!tpu.dma_semaphore, #tpu.memory_space<semaphore_mem>>)
    %dma_wait3A_2124 = arith.constant 0 : i32
    %dma_wait3A_2125 = arith.constant 0 : i32
    %dma_wait3A_2126 = tpu.memref_slice %arg6[%dma_wait3A_2125] : memref<2x!tpu.dma_semaphore, #tpu.memory_space<semaphore_mem>> -> memref<1x!tpu.dma_semaphore, #tpu.memory_space<semaphore_mem>>
    %dma_wait3A_2127 = tpu.memref_squeeze %dma_wait3A_2126 : memref<1x!tpu.dma_semaphore, #tpu.memory_space<semaphore_mem>> -> memref<!tpu.dma_semaphore, #tpu.memory_space<semaphore_mem>>
    %dma_wait3A_2128 = arith.constant 0 : i32
    %dma_wait3A_2129 = arith.constant 0 : i32
    %dma_wait3A_2130 = tpu.memref_slice %arg2[%dma_wait3A_2124, %dma_wait3A_2128, %dma_wait3A_2129] : memref<2x32x32000xf32, #tpu.memory_space<vmem>> -> memref<1x32x32000xf32, #tpu.memory_space<vmem>>
    %dma_wait3A_2131 = tpu.memref_squeeze %dma_wait3A_2130 : memref<1x32x32000xf32, #tpu.memory_space<vmem>> -> memref<32x32000xf32, #tpu.memory_space<vmem>>
    %dma_wait3A_2132 = arith.constant 0 : i32
    %dma_wait3A_2133 = arith.constant 896000 : i32
    %dma_wait3A_2134 = tpu.memref_slice %arg0[%dma_wait3A_2132, %dma_wait3A_2133] : memref<32x1000000xf32, #tpu.memory_space<hbm>> -> memref<32x32000xf32, #tpu.memory_space<hbm>>
    tpu.wait_dma2 semaphore(%dma_wait3A_2127 : memref<!tpu.dma_semaphore, #tpu.memory_space<semaphore_mem>>) src(%dma_wait3A_2134 : memref<32x32000xf32, #tpu.memory_space<hbm>>) dst(%dma_wait3A_2131 : memref<32x32000xf32, #tpu.memory_space<vmem>>)
    %get3A_2135 = arith.constant 0 : index
    %get3A_2136 = arith.constant 0 : index
    %get3A_2137 = arith.constant 0 : index
    %get3A_2138 = vector.load %arg2[%get3A_2135, %get3A_2136, %get3A_2137] : memref<2x32x32000xf32, #tpu.memory_space<vmem>>, vector<1x32x32000xf32>
    %get3A_2139 = vector.shape_cast %get3A_2138 : vector<1x32x32000xf32> to vector<32x32000xf32>
    %slice3A_2140 = vector.extract_strided_slice %get3A_2139 {offsets = [0, 0], sizes = [32, 8000], strides = [1, 1]} : vector<32x32000xf32> to vector<32x8000xf32>
    %get3A_2141 = arith.constant 0 : index
    %get3A_2142 = arith.constant 0 : index
    %get3A_2143 = arith.constant 0 : index
    %get3A_2144 = vector.load %arg2[%get3A_2141, %get3A_2142, %get3A_2143] : memref<2x32x32000xf32, #tpu.memory_space<vmem>>, vector<1x32x32000xf32>
    %get3A_2145 = vector.shape_cast %get3A_2144 : vector<1x32x32000xf32> to vector<32x32000xf32>
    %slice3A_2146 = vector.extract_strided_slice %get3A_2145 {offsets = [0, 8000], sizes = [32, 8000], strides = [1, 1]} : vector<32x32000xf32> to vector<32x8000xf32>
    %get3A_2147 = arith.constant 0 : index
    %get3A_2148 = arith.constant 0 : index
    %get3A_2149 = arith.constant 0 : index
    %get3A_2150 = vector.load %arg2[%get3A_2147, %get3A_2148, %get3A_2149] : memref<2x32x32000xf32, #tpu.memory_space<vmem>>, vector<1x32x32000xf32>
    %get3A_2151 = vector.shape_cast %get3A_2150 : vector<1x32x32000xf32> to vector<32x32000xf32>
    %slice3A_2152 = vector.extract_strided_slice %get3A_2151 {offsets = [0, 16000], sizes = [32, 8000], strides = [1, 1]} : vector<32x32000xf32> to vector<32x8000xf32>
    %get3A_2153 = arith.constant 0 : index
    %get3A_2154 = arith.constant 0 : index
    %get3A_2155 = arith.constant 0 : index
    %get3A_2156 = vector.load %arg2[%get3A_2153, %get3A_2154, %get3A_2155] : memref<2x32x32000xf32, #tpu.memory_space<vmem>>, vector<1x32x32000xf32>
    %get3A_2157 = vector.shape_cast %get3A_2156 : vector<1x32x32000xf32> to vector<32x32000xf32>
    %slice3A_2158 = vector.extract_strided_slice %get3A_2157 {offsets = [0, 24000], sizes = [32, 8000], strides = [1, 1]} : vector<32x32000xf32> to vector<32x8000xf32>
    %concatenate3A_2159 = tpu.concatenate %slice3A_2140, %slice3A_2146, %slice3A_2152, %slice3A_2158 in 0 : vector<32x8000xf32>, vector<32x8000xf32>, vector<32x8000xf32>, vector<32x8000xf32> -> vector<128x8000xf32>
    %transpose3A_2160 = tpu.transpose %concatenate3A_2159, [1, 0] : vector<128x8000xf32> -> vector<8000x128xf32>
    %dma_wait3A_2161 = arith.constant 0 : i32
    %dma_wait3A_2162 = arith.constant 0 : i32
    %dma_wait3A_2163 = tpu.memref_slice %arg7[%dma_wait3A_2162] : memref<2x!tpu.dma_semaphore, #tpu.memory_space<semaphore_mem>> -> memref<1x!tpu.dma_semaphore, #tpu.memory_space<semaphore_mem>>
    %dma_wait3A_2164 = tpu.memref_squeeze %dma_wait3A_2163 : memref<1x!tpu.dma_semaphore, #tpu.memory_space<semaphore_mem>> -> memref<!tpu.dma_semaphore, #tpu.memory_space<semaphore_mem>>
    %dma_wait3A_2165 = arith.constant 208000 : i32
    %dma_wait3A_2166 = arith.constant 0 : i32
    %dma_wait3A_2167 = tpu.memref_slice %arg1[%dma_wait3A_2165, %dma_wait3A_2166] : memref<250000x128xf32, #tpu.memory_space<hbm>> -> memref<8000x128xf32, #tpu.memory_space<hbm>>
    %dma_wait3A_2168 = arith.constant 0 : i32
    %dma_wait3A_2169 = arith.constant 0 : i32
    %dma_wait3A_2170 = tpu.memref_slice %arg3[%dma_wait3A_2161, %dma_wait3A_2168, %dma_wait3A_2169] : memref<2x8000x128xf32, #tpu.memory_space<vmem>> -> memref<1x8000x128xf32, #tpu.memory_space<vmem>>
    %dma_wait3A_2171 = tpu.memref_squeeze %dma_wait3A_2170 : memref<1x8000x128xf32, #tpu.memory_space<vmem>> -> memref<8000x128xf32, #tpu.memory_space<vmem>>
    tpu.wait_dma2 semaphore(%dma_wait3A_2164 : memref<!tpu.dma_semaphore, #tpu.memory_space<semaphore_mem>>) src(%dma_wait3A_2171 : memref<8000x128xf32, #tpu.memory_space<vmem>>) dst(%dma_wait3A_2167 : memref<8000x128xf32, #tpu.memory_space<hbm>>)
    %swap3A_2172 = arith.constant 0 : index
    %swap3A_2173 = arith.constant 0 : index
    %swap3A_2174 = arith.constant 0 : index
    %swap3A_2175 = vector.load %arg3[%swap3A_2172, %swap3A_2173, %swap3A_2174] : memref<2x8000x128xf32, #tpu.memory_space<vmem>>, vector<1x8000x128xf32>
    %swap3A_2176 = vector.shape_cast %swap3A_2175 : vector<1x8000x128xf32> to vector<8000x128xf32>
    %swap3A_2177 = vector.shape_cast %transpose3A_2160 : vector<8000x128xf32> to vector<1x8000x128xf32>
    tpu.vector_store %arg3[%swap3A_2172, %swap3A_2173, %swap3A_2174], %swap3A_2177 {strides = array<i32>} : memref<2x8000x128xf32, #tpu.memory_space<vmem>>, vector<1x8000x128xf32>,
    %dma_start3A_2178 = arith.constant 0 : i32
    %dma_start3A_2179 = arith.constant 0 : i32
    %dma_start3A_2180 = tpu.memref_slice %arg7[%dma_start3A_2179] : memref<2x!tpu.dma_semaphore, #tpu.memory_space<semaphore_mem>> -> memref<1x!tpu.dma_semaphore, #tpu.memory_space<semaphore_mem>>
    %dma_start3A_2181 = tpu.memref_squeeze %dma_start3A_2180 : memref<1x!tpu.dma_semaphore, #tpu.memory_space<semaphore_mem>> -> memref<!tpu.dma_semaphore, #tpu.memory_space<semaphore_mem>>
    %dma_start3A_2182 = arith.constant 224000 : i32
    %dma_start3A_2183 = arith.constant 0 : i32
    %dma_start3A_2184 = tpu.memref_slice %arg1[%dma_start3A_2182, %dma_start3A_2183] : memref<250000x128xf32, #tpu.memory_space<hbm>> -> memref<8000x128xf32, #tpu.memory_space<hbm>>
    %dma_start3A_2185 = arith.constant 0 : i32
    %dma_start3A_2186 = arith.constant 0 : i32
    %dma_start3A_2187 = tpu.memref_slice %arg3[%dma_start3A_2178, %dma_start3A_2185, %dma_start3A_2186] : memref<2x8000x128xf32, #tpu.memory_space<vmem>> -> memref<1x8000x128xf32, #tpu.memory_space<vmem>>
    %dma_start3A_2188 = tpu.memref_squeeze %dma_start3A_2187 : memref<1x8000x128xf32, #tpu.memory_space<vmem>> -> memref<8000x128xf32, #tpu.memory_space<vmem>>
    tpu.enqueue_dma source(%dma_start3A_2188 : memref<8000x128xf32, #tpu.memory_space<vmem>>) target(%dma_start3A_2184 : memref<8000x128xf32, #tpu.memory_space<hbm>>) target_semaphore(%dma_start3A_2181 : memref<!tpu.dma_semaphore, #tpu.memory_space<semaphore_mem>>)
    %dma_start3A_2189 = arith.constant 0 : i32
    %dma_start3A_2190 = arith.constant 0 : i32
    %dma_start3A_2191 = tpu.memref_slice %arg6[%dma_start3A_2190] : memref<2x!tpu.dma_semaphore, #tpu.memory_space<semaphore_mem>> -> memref<1x!tpu.dma_semaphore, #tpu.memory_space<semaphore_mem>>
    %dma_start3A_2192 = tpu.memref_squeeze %dma_start3A_2191 : memref<1x!tpu.dma_semaphore, #tpu.memory_space<semaphore_mem>> -> memref<!tpu.dma_semaphore, #tpu.memory_space<semaphore_mem>>
    %dma_start3A_2193 = arith.constant 0 : i32
    %dma_start3A_2194 = arith.constant 0 : i32
    %dma_start3A_2195 = tpu.memref_slice %arg2[%dma_start3A_2189, %dma_start3A_2193, %dma_start3A_2194] : memref<2x32x32000xf32, #tpu.memory_space<vmem>> -> memref<1x32x32000xf32, #tpu.memory_space<vmem>>
    %dma_start3A_2196 = tpu.memref_squeeze %dma_start3A_2195 : memref<1x32x32000xf32, #tpu.memory_space<vmem>> -> memref<32x32000xf32, #tpu.memory_space<vmem>>
    %dma_start3A_2197 = arith.constant 0 : i32
    %dma_start3A_2198 = arith.constant 960000 : i32
    %dma_start3A_2199 = tpu.memref_slice %arg0[%dma_start3A_2197, %dma_start3A_2198] : memref<32x1000000xf32, #tpu.memory_space<hbm>> -> memref<32x32000xf32, #tpu.memory_space<hbm>>
    tpu.enqueue_dma source(%dma_start3A_2199 : memref<32x32000xf32, #tpu.memory_space<hbm>>) target(%dma_start3A_2196 : memref<32x32000xf32, #tpu.memory_space<vmem>>) target_semaphore(%dma_start3A_2192 : memref<!tpu.dma_semaphore, #tpu.memory_space<semaphore_mem>>)
    %dma_wait3A_2200 = arith.constant 1 : i32
    %dma_wait3A_2201 = arith.constant 1 : i32
    %dma_wait3A_2202 = tpu.memref_slice %arg6[%dma_wait3A_2201] : memref<2x!tpu.dma_semaphore, #tpu.memory_space<semaphore_mem>> -> memref<1x!tpu.dma_semaphore, #tpu.memory_space<semaphore_mem>>
    %dma_wait3A_2203 = tpu.memref_squeeze %dma_wait3A_2202 : memref<1x!tpu.dma_semaphore, #tpu.memory_space<semaphore_mem>> -> memref<!tpu.dma_semaphore, #tpu.memory_space<semaphore_mem>>
    %dma_wait3A_2204 = arith.constant 0 : i32
    %dma_wait3A_2205 = arith.constant 0 : i32
    %dma_wait3A_2206 = tpu.memref_slice %arg2[%dma_wait3A_2200, %dma_wait3A_2204, %dma_wait3A_2205] : memref<2x32x32000xf32, #tpu.memory_space<vmem>> -> memref<1x32x32000xf32, #tpu.memory_space<vmem>>
    %dma_wait3A_2207 = tpu.memref_squeeze %dma_wait3A_2206 : memref<1x32x32000xf32, #tpu.memory_space<vmem>> -> memref<32x32000xf32, #tpu.memory_space<vmem>>
    %dma_wait3A_2208 = arith.constant 0 : i32
    %dma_wait3A_2209 = arith.constant 928000 : i32
    %dma_wait3A_2210 = tpu.memref_slice %arg0[%dma_wait3A_2208, %dma_wait3A_2209] : memref<32x1000000xf32, #tpu.memory_space<hbm>> -> memref<32x32000xf32, #tpu.memory_space<hbm>>
    tpu.wait_dma2 semaphore(%dma_wait3A_2203 : memref<!tpu.dma_semaphore, #tpu.memory_space<semaphore_mem>>) src(%dma_wait3A_2210 : memref<32x32000xf32, #tpu.memory_space<hbm>>) dst(%dma_wait3A_2207 : memref<32x32000xf32, #tpu.memory_space<vmem>>)
    %get3A_2211 = arith.constant 1 : index
    %get3A_2212 = arith.constant 0 : index
    %get3A_2213 = arith.constant 0 : index
    %get3A_2214 = vector.load %arg2[%get3A_2211, %get3A_2212, %get3A_2213] : memref<2x32x32000xf32, #tpu.memory_space<vmem>>, vector<1x32x32000xf32>
    %get3A_2215 = vector.shape_cast %get3A_2214 : vector<1x32x32000xf32> to vector<32x32000xf32>
    %slice3A_2216 = vector.extract_strided_slice %get3A_2215 {offsets = [0, 0], sizes = [32, 8000], strides = [1, 1]} : vector<32x32000xf32> to vector<32x8000xf32>
    %get3A_2217 = arith.constant 1 : index
    %get3A_2218 = arith.constant 0 : index
    %get3A_2219 = arith.constant 0 : index
    %get3A_2220 = vector.load %arg2[%get3A_2217, %get3A_2218, %get3A_2219] : memref<2x32x32000xf32, #tpu.memory_space<vmem>>, vector<1x32x32000xf32>
    %get3A_2221 = vector.shape_cast %get3A_2220 : vector<1x32x32000xf32> to vector<32x32000xf32>
    %slice3A_2222 = vector.extract_strided_slice %get3A_2221 {offsets = [0, 8000], sizes = [32, 8000], strides = [1, 1]} : vector<32x32000xf32> to vector<32x8000xf32>
    %get3A_2223 = arith.constant 1 : index
    %get3A_2224 = arith.constant 0 : index
    %get3A_2225 = arith.constant 0 : index
    %get3A_2226 = vector.load %arg2[%get3A_2223, %get3A_2224, %get3A_2225] : memref<2x32x32000xf32, #tpu.memory_space<vmem>>, vector<1x32x32000xf32>
    %get3A_2227 = vector.shape_cast %get3A_2226 : vector<1x32x32000xf32> to vector<32x32000xf32>
    %slice3A_2228 = vector.extract_strided_slice %get3A_2227 {offsets = [0, 16000], sizes = [32, 8000], strides = [1, 1]} : vector<32x32000xf32> to vector<32x8000xf32>
    %get3A_2229 = arith.constant 1 : index
    %get3A_2230 = arith.constant 0 : index
    %get3A_2231 = arith.constant 0 : index
    %get3A_2232 = vector.load %arg2[%get3A_2229, %get3A_2230, %get3A_2231] : memref<2x32x32000xf32, #tpu.memory_space<vmem>>, vector<1x32x32000xf32>
    %get3A_2233 = vector.shape_cast %get3A_2232 : vector<1x32x32000xf32> to vector<32x32000xf32>
    %slice3A_2234 = vector.extract_strided_slice %get3A_2233 {offsets = [0, 24000], sizes = [32, 8000], strides = [1, 1]} : vector<32x32000xf32> to vector<32x8000xf32>
    %concatenate3A_2235 = tpu.concatenate %slice3A_2216, %slice3A_2222, %slice3A_2228, %slice3A_2234 in 0 : vector<32x8000xf32>, vector<32x8000xf32>, vector<32x8000xf32>, vector<32x8000xf32> -> vector<128x8000xf32>
    %transpose3A_2236 = tpu.transpose %concatenate3A_2235, [1, 0] : vector<128x8000xf32> -> vector<8000x128xf32>
    %dma_wait3A_2237 = arith.constant 1 : i32
    %dma_wait3A_2238 = arith.constant 1 : i32
    %dma_wait3A_2239 = tpu.memref_slice %arg7[%dma_wait3A_2238] : memref<2x!tpu.dma_semaphore, #tpu.memory_space<semaphore_mem>> -> memref<1x!tpu.dma_semaphore, #tpu.memory_space<semaphore_mem>>
    %dma_wait3A_2240 = tpu.memref_squeeze %dma_wait3A_2239 : memref<1x!tpu.dma_semaphore, #tpu.memory_space<semaphore_mem>> -> memref<!tpu.dma_semaphore, #tpu.memory_space<semaphore_mem>>
    %dma_wait3A_2241 = arith.constant 216000 : i32
    %dma_wait3A_2242 = arith.constant 0 : i32
    %dma_wait3A_2243 = tpu.memref_slice %arg1[%dma_wait3A_2241, %dma_wait3A_2242] : memref<250000x128xf32, #tpu.memory_space<hbm>> -> memref<8000x128xf32, #tpu.memory_space<hbm>>
    %dma_wait3A_2244 = arith.constant 0 : i32
    %dma_wait3A_2245 = arith.constant 0 : i32
    %dma_wait3A_2246 = tpu.memref_slice %arg3[%dma_wait3A_2237, %dma_wait3A_2244, %dma_wait3A_2245] : memref<2x8000x128xf32, #tpu.memory_space<vmem>> -> memref<1x8000x128xf32, #tpu.memory_space<vmem>>
    %dma_wait3A_2247 = tpu.memref_squeeze %dma_wait3A_2246 : memref<1x8000x128xf32, #tpu.memory_space<vmem>> -> memref<8000x128xf32, #tpu.memory_space<vmem>>
    tpu.wait_dma2 semaphore(%dma_wait3A_2240 : memref<!tpu.dma_semaphore, #tpu.memory_space<semaphore_mem>>) src(%dma_wait3A_2247 : memref<8000x128xf32, #tpu.memory_space<vmem>>) dst(%dma_wait3A_2243 : memref<8000x128xf32, #tpu.memory_space<hbm>>)
    %swap3A_2248 = arith.constant 1 : index
    %swap3A_2249 = arith.constant 0 : index
    %swap3A_2250 = arith.constant 0 : index
    %swap3A_2251 = vector.load %arg3[%swap3A_2248, %swap3A_2249, %swap3A_2250] : memref<2x8000x128xf32, #tpu.memory_space<vmem>>, vector<1x8000x128xf32>
    %swap3A_2252 = vector.shape_cast %swap3A_2251 : vector<1x8000x128xf32> to vector<8000x128xf32>
    %swap3A_2253 = vector.shape_cast %transpose3A_2236 : vector<8000x128xf32> to vector<1x8000x128xf32>
    tpu.vector_store %arg3[%swap3A_2248, %swap3A_2249, %swap3A_2250], %swap3A_2253 {strides = array<i32>} : memref<2x8000x128xf32, #tpu.memory_space<vmem>>, vector<1x8000x128xf32>,
    %dma_start3A_2254 = arith.constant 1 : i32
    %dma_start3A_2255 = arith.constant 1 : i32
    %dma_start3A_2256 = tpu.memref_slice %arg7[%dma_start3A_2255] : memref<2x!tpu.dma_semaphore, #tpu.memory_space<semaphore_mem>> -> memref<1x!tpu.dma_semaphore, #tpu.memory_space<semaphore_mem>>
    %dma_start3A_2257 = tpu.memref_squeeze %dma_start3A_2256 : memref<1x!tpu.dma_semaphore, #tpu.memory_space<semaphore_mem>> -> memref<!tpu.dma_semaphore, #tpu.memory_space<semaphore_mem>>
    %dma_start3A_2258 = arith.constant 232000 : i32
    %dma_start3A_2259 = arith.constant 0 : i32
    %dma_start3A_2260 = tpu.memref_slice %arg1[%dma_start3A_2258, %dma_start3A_2259] : memref<250000x128xf32, #tpu.memory_space<hbm>> -> memref<8000x128xf32, #tpu.memory_space<hbm>>
    %dma_start3A_2261 = arith.constant 0 : i32
    %dma_start3A_2262 = arith.constant 0 : i32
    %dma_start3A_2263 = tpu.memref_slice %arg3[%dma_start3A_2254, %dma_start3A_2261, %dma_start3A_2262] : memref<2x8000x128xf32, #tpu.memory_space<vmem>> -> memref<1x8000x128xf32, #tpu.memory_space<vmem>>
    %dma_start3A_2264 = tpu.memref_squeeze %dma_start3A_2263 : memref<1x8000x128xf32, #tpu.memory_space<vmem>> -> memref<8000x128xf32, #tpu.memory_space<vmem>>
    tpu.enqueue_dma source(%dma_start3A_2264 : memref<8000x128xf32, #tpu.memory_space<vmem>>) target(%dma_start3A_2260 : memref<8000x128xf32, #tpu.memory_space<hbm>>) target_semaphore(%dma_start3A_2257 : memref<!tpu.dma_semaphore, #tpu.memory_space<semaphore_mem>>)
    %dma_wait3A_2265 = arith.constant 0 : i32
    %dma_wait3A_2266 = arith.constant 0 : i32
    %dma_wait3A_2267 = tpu.memref_slice %arg6[%dma_wait3A_2266] : memref<2x!tpu.dma_semaphore, #tpu.memory_space<semaphore_mem>> -> memref<1x!tpu.dma_semaphore, #tpu.memory_space<semaphore_mem>>
    %dma_wait3A_2268 = tpu.memref_squeeze %dma_wait3A_2267 : memref<1x!tpu.dma_semaphore, #tpu.memory_space<semaphore_mem>> -> memref<!tpu.dma_semaphore, #tpu.memory_space<semaphore_mem>>
    %dma_wait3A_2269 = arith.constant 0 : i32
    %dma_wait3A_2270 = arith.constant 0 : i32
    %dma_wait3A_2271 = tpu.memref_slice %arg2[%dma_wait3A_2265, %dma_wait3A_2269, %dma_wait3A_2270] : memref<2x32x32000xf32, #tpu.memory_space<vmem>> -> memref<1x32x32000xf32, #tpu.memory_space<vmem>>
    %dma_wait3A_2272 = tpu.memref_squeeze %dma_wait3A_2271 : memref<1x32x32000xf32, #tpu.memory_space<vmem>> -> memref<32x32000xf32, #tpu.memory_space<vmem>>
    %dma_wait3A_2273 = arith.constant 0 : i32
    %dma_wait3A_2274 = arith.constant 960000 : i32
    %dma_wait3A_2275 = tpu.memref_slice %arg0[%dma_wait3A_2273, %dma_wait3A_2274] : memref<32x1000000xf32, #tpu.memory_space<hbm>> -> memref<32x32000xf32, #tpu.memory_space<hbm>>
    tpu.wait_dma2 semaphore(%dma_wait3A_2268 : memref<!tpu.dma_semaphore, #tpu.memory_space<semaphore_mem>>) src(%dma_wait3A_2275 : memref<32x32000xf32, #tpu.memory_space<hbm>>) dst(%dma_wait3A_2272 : memref<32x32000xf32, #tpu.memory_space<vmem>>)
    %get3A_2276 = arith.constant 0 : index
    %get3A_2277 = arith.constant 0 : index
    %get3A_2278 = arith.constant 0 : index
    %get3A_2279 = vector.load %arg2[%get3A_2276, %get3A_2277, %get3A_2278] : memref<2x32x32000xf32, #tpu.memory_space<vmem>>, vector<1x32x32000xf32>
    %get3A_2280 = vector.shape_cast %get3A_2279 : vector<1x32x32000xf32> to vector<32x32000xf32>
    %slice3A_2281 = vector.extract_strided_slice %get3A_2280 {offsets = [0, 0], sizes = [32, 8000], strides = [1, 1]} : vector<32x32000xf32> to vector<32x8000xf32>
    %get3A_2282 = arith.constant 0 : index
    %get3A_2283 = arith.constant 0 : index
    %get3A_2284 = arith.constant 0 : index
    %get3A_2285 = vector.load %arg2[%get3A_2282, %get3A_2283, %get3A_2284] : memref<2x32x32000xf32, #tpu.memory_space<vmem>>, vector<1x32x32000xf32>
    %get3A_2286 = vector.shape_cast %get3A_2285 : vector<1x32x32000xf32> to vector<32x32000xf32>
    %slice3A_2287 = vector.extract_strided_slice %get3A_2286 {offsets = [0, 8000], sizes = [32, 8000], strides = [1, 1]} : vector<32x32000xf32> to vector<32x8000xf32>
    %get3A_2288 = arith.constant 0 : index
    %get3A_2289 = arith.constant 0 : index
    %get3A_2290 = arith.constant 0 : index
    %get3A_2291 = vector.load %arg2[%get3A_2288, %get3A_2289, %get3A_2290] : memref<2x32x32000xf32, #tpu.memory_space<vmem>>, vector<1x32x32000xf32>
    %get3A_2292 = vector.shape_cast %get3A_2291 : vector<1x32x32000xf32> to vector<32x32000xf32>
    %slice3A_2293 = vector.extract_strided_slice %get3A_2292 {offsets = [0, 16000], sizes = [32, 8000], strides = [1, 1]} : vector<32x32000xf32> to vector<32x8000xf32>
    %get3A_2294 = arith.constant 0 : index
    %get3A_2295 = arith.constant 0 : index
    %get3A_2296 = arith.constant 0 : index
    %get3A_2297 = vector.load %arg2[%get3A_2294, %get3A_2295, %get3A_2296] : memref<2x32x32000xf32, #tpu.memory_space<vmem>>, vector<1x32x32000xf32>
    %get3A_2298 = vector.shape_cast %get3A_2297 : vector<1x32x32000xf32> to vector<32x32000xf32>
    %slice3A_2299 = vector.extract_strided_slice %get3A_2298 {offsets = [0, 24000], sizes = [32, 8000], strides = [1, 1]} : vector<32x32000xf32> to vector<32x8000xf32>
    %concatenate3A_2300 = tpu.concatenate %slice3A_2281, %slice3A_2287, %slice3A_2293, %slice3A_2299 in 0 : vector<32x8000xf32>, vector<32x8000xf32>, vector<32x8000xf32>, vector<32x8000xf32> -> vector<128x8000xf32>
    %transpose3A_2301 = tpu.transpose %concatenate3A_2300, [1, 0] : vector<128x8000xf32> -> vector<8000x128xf32>
    %dma_wait3A_2302 = arith.constant 0 : i32
    %dma_wait3A_2303 = arith.constant 0 : i32
    %dma_wait3A_2304 = tpu.memref_slice %arg7[%dma_wait3A_2303] : memref<2x!tpu.dma_semaphore, #tpu.memory_space<semaphore_mem>> -> memref<1x!tpu.dma_semaphore, #tpu.memory_space<semaphore_mem>>
    %dma_wait3A_2305 = tpu.memref_squeeze %dma_wait3A_2304 : memref<1x!tpu.dma_semaphore, #tpu.memory_space<semaphore_mem>> -> memref<!tpu.dma_semaphore, #tpu.memory_space<semaphore_mem>>
    %dma_wait3A_2306 = arith.constant 224000 : i32
    %dma_wait3A_2307 = arith.constant 0 : i32
    %dma_wait3A_2308 = tpu.memref_slice %arg1[%dma_wait3A_2306, %dma_wait3A_2307] : memref<250000x128xf32, #tpu.memory_space<hbm>> -> memref<8000x128xf32, #tpu.memory_space<hbm>>
    %dma_wait3A_2309 = arith.constant 0 : i32
    %dma_wait3A_2310 = arith.constant 0 : i32
    %dma_wait3A_2311 = tpu.memref_slice %arg3[%dma_wait3A_2302, %dma_wait3A_2309, %dma_wait3A_2310] : memref<2x8000x128xf32, #tpu.memory_space<vmem>> -> memref<1x8000x128xf32, #tpu.memory_space<vmem>>
    %dma_wait3A_2312 = tpu.memref_squeeze %dma_wait3A_2311 : memref<1x8000x128xf32, #tpu.memory_space<vmem>> -> memref<8000x128xf32, #tpu.memory_space<vmem>>
    tpu.wait_dma2 semaphore(%dma_wait3A_2305 : memref<!tpu.dma_semaphore, #tpu.memory_space<semaphore_mem>>) src(%dma_wait3A_2312 : memref<8000x128xf32, #tpu.memory_space<vmem>>) dst(%dma_wait3A_2308 : memref<8000x128xf32, #tpu.memory_space<hbm>>)
    %swap3A_2313 = arith.constant 0 : index
    %swap3A_2314 = arith.constant 0 : index
    %swap3A_2315 = arith.constant 0 : index
    %swap3A_2316 = vector.load %arg3[%swap3A_2313, %swap3A_2314, %swap3A_2315] : memref<2x8000x128xf32, #tpu.memory_space<vmem>>, vector<1x8000x128xf32>
    %swap3A_2317 = vector.shape_cast %swap3A_2316 : vector<1x8000x128xf32> to vector<8000x128xf32>
    %swap3A_2318 = vector.shape_cast %transpose3A_2301 : vector<8000x128xf32> to vector<1x8000x128xf32>
    tpu.vector_store %arg3[%swap3A_2313, %swap3A_2314, %swap3A_2315], %swap3A_2318 {strides = array<i32>} : memref<2x8000x128xf32, #tpu.memory_space<vmem>>, vector<1x8000x128xf32>,
    %dma_start3A_2319 = arith.constant 0 : i32
    %dma_start3A_2320 = arith.constant 0 : i32
    %dma_start3A_2321 = tpu.memref_slice %arg7[%dma_start3A_2320] : memref<2x!tpu.dma_semaphore, #tpu.memory_space<semaphore_mem>> -> memref<1x!tpu.dma_semaphore, #tpu.memory_space<semaphore_mem>>
    %dma_start3A_2322 = tpu.memref_squeeze %dma_start3A_2321 : memref<1x!tpu.dma_semaphore, #tpu.memory_space<semaphore_mem>> -> memref<!tpu.dma_semaphore, #tpu.memory_space<semaphore_mem>>
    %dma_start3A_2323 = arith.constant 240000 : i32
    %dma_start3A_2324 = arith.constant 0 : i32
    %dma_start3A_2325 = tpu.memref_slice %arg1[%dma_start3A_2323, %dma_start3A_2324] : memref<250000x128xf32, #tpu.memory_space<hbm>> -> memref<8000x128xf32, #tpu.memory_space<hbm>>
    %dma_start3A_2326 = arith.constant 0 : i32
    %dma_start3A_2327 = arith.constant 0 : i32
    %dma_start3A_2328 = tpu.memref_slice %arg3[%dma_start3A_2319, %dma_start3A_2326, %dma_start3A_2327] : memref<2x8000x128xf32, #tpu.memory_space<vmem>> -> memref<1x8000x128xf32, #tpu.memory_space<vmem>>
    %dma_start3A_2329 = tpu.memref_squeeze %dma_start3A_2328 : memref<1x8000x128xf32, #tpu.memory_space<vmem>> -> memref<8000x128xf32, #tpu.memory_space<vmem>>
    tpu.enqueue_dma source(%dma_start3A_2329 : memref<8000x128xf32, #tpu.memory_space<vmem>>) target(%dma_start3A_2325 : memref<8000x128xf32, #tpu.memory_space<hbm>>) target_semaphore(%dma_start3A_2322 : memref<!tpu.dma_semaphore, #tpu.memory_space<semaphore_mem>>)
    %dma_wait3A_2330 = arith.constant 0 : i32
    %dma_wait3A_2331 = arith.constant 992000 : i32
    %dma_wait3A_2332 = tpu.memref_slice %arg0[%dma_wait3A_2330, %dma_wait3A_2331] : memref<32x1000000xf32, #tpu.memory_space<hbm>> -> memref<32x8000xf32, #tpu.memory_space<hbm>>
    tpu.wait_dma2 semaphore(%arg8 : memref<!tpu.dma_semaphore, #tpu.memory_space<semaphore_mem>>) src(%dma_wait3A_2332 : memref<32x8000xf32, #tpu.memory_space<hbm>>) dst(%arg4 : memref<32x8000xf32, #tpu.memory_space<vmem>>)
    %get3A_2333 = arith.constant 0 : index
    %get3A_2334 = arith.constant 0 : index
    %get3A_2335 = vector.load %arg4[%get3A_2333, %get3A_2334] : memref<32x8000xf32, #tpu.memory_space<vmem>>, vector<32x2000xf32>
    %get3A_2336 = arith.constant 0 : index
    %get3A_2337 = arith.constant 2000 : index
    %get3A_2338 = vector.load %arg4[%get3A_2336, %get3A_2337] : memref<32x8000xf32, #tpu.memory_space<vmem>>, vector<32x2000xf32>
    %get3A_2339 = arith.constant 0 : index
    %get3A_2340 = arith.constant 4000 : index
    %get3A_2341 = vector.load %arg4[%get3A_2339, %get3A_2340] : memref<32x8000xf32, #tpu.memory_space<vmem>>, vector<32x2000xf32>
    %get3A_2342 = arith.constant 0 : index
    %get3A_2343 = arith.constant 6000 : index
    %get3A_2344 = vector.load %arg4[%get3A_2342, %get3A_2343] : memref<32x8000xf32, #tpu.memory_space<vmem>>, vector<32x2000xf32>
    %concatenate3A_2345 = tpu.concatenate %get3A_2335, %get3A_2338, %get3A_2341, %get3A_2344 in 0 : vector<32x2000xf32>, vector<32x2000xf32>, vector<32x2000xf32>, vector<32x2000xf32> -> vector<128x2000xf32>
    %transpose3A_2346 = tpu.transpose %concatenate3A_2345, [1, 0] : vector<128x2000xf32> -> vector<2000x128xf32>
    %swap3A_2347 = arith.constant 0 : index
    %swap3A_2348 = arith.constant 0 : index
    %swap3A_2349 = vector.load %arg5[%swap3A_2347, %swap3A_2348] : memref<2000x128xf32, #tpu.memory_space<vmem>>, vector<2000x128xf32>
    tpu.vector_store %arg5[%swap3A_2347, %swap3A_2348], %transpose3A_2346 {strides = array<i32>} : memref<2000x128xf32, #tpu.memory_space<vmem>>, vector<2000x128xf32>,
    %dma_start3A_2350 = arith.constant 248000 : i32
    %dma_start3A_2351 = arith.constant 0 : i32
    %dma_start3A_2352 = tpu.memref_slice %arg1[%dma_start3A_2350, %dma_start3A_2351] : memref<250000x128xf32, #tpu.memory_space<hbm>> -> memref<2000x128xf32, #tpu.memory_space<hbm>>
    tpu.enqueue_dma source(%arg5 : memref<2000x128xf32, #tpu.memory_space<vmem>>) target(%dma_start3A_2352 : memref<2000x128xf32, #tpu.memory_space<hbm>>) target_semaphore(%arg8 : memref<!tpu.dma_semaphore, #tpu.memory_space<semaphore_mem>>)
    %dma_wait3A_2353 = arith.constant 1 : i32
    %dma_wait3A_2354 = arith.constant 1 : i32
    %dma_wait3A_2355 = tpu.memref_slice %arg7[%dma_wait3A_2354] : memref<2x!tpu.dma_semaphore, #tpu.memory_space<semaphore_mem>> -> memref<1x!tpu.dma_semaphore, #tpu.memory_space<semaphore_mem>>
    %dma_wait3A_2356 = tpu.memref_squeeze %dma_wait3A_2355 : memref<1x!tpu.dma_semaphore, #tpu.memory_space<semaphore_mem>> -> memref<!tpu.dma_semaphore, #tpu.memory_space<semaphore_mem>>
    %dma_wait3A_2357 = arith.constant 232000 : i32
    %dma_wait3A_2358 = arith.constant 0 : i32
    %dma_wait3A_2359 = tpu.memref_slice %arg1[%dma_wait3A_2357, %dma_wait3A_2358] : memref<250000x128xf32, #tpu.memory_space<hbm>> -> memref<8000x128xf32, #tpu.memory_space<hbm>>
    %dma_wait3A_2360 = arith.constant 0 : i32
    %dma_wait3A_2361 = arith.constant 0 : i32
    %dma_wait3A_2362 = tpu.memref_slice %arg3[%dma_wait3A_2353, %dma_wait3A_2360, %dma_wait3A_2361] : memref<2x8000x128xf32, #tpu.memory_space<vmem>> -> memref<1x8000x128xf32, #tpu.memory_space<vmem>>
    %dma_wait3A_2363 = tpu.memref_squeeze %dma_wait3A_2362 : memref<1x8000x128xf32, #tpu.memory_space<vmem>> -> memref<8000x128xf32, #tpu.memory_space<vmem>>
    tpu.wait_dma2 semaphore(%dma_wait3A_2356 : memref<!tpu.dma_semaphore, #tpu.memory_space<semaphore_mem>>) src(%dma_wait3A_2363 : memref<8000x128xf32, #tpu.memory_space<vmem>>) dst(%dma_wait3A_2359 : memref<8000x128xf32, #tpu.memory_space<hbm>>)
    %dma_wait3A_2364 = arith.constant 0 : i32
    %dma_wait3A_2365 = arith.constant 0 : i32
    %dma_wait3A_2366 = tpu.memref_slice %arg7[%dma_wait3A_2365] : memref<2x!tpu.dma_semaphore, #tpu.memory_space<semaphore_mem>> -> memref<1x!tpu.dma_semaphore, #tpu.memory_space<semaphore_mem>>
    %dma_wait3A_2367 = tpu.memref_squeeze %dma_wait3A_2366 : memref<1x!tpu.dma_semaphore, #tpu.memory_space<semaphore_mem>> -> memref<!tpu.dma_semaphore, #tpu.memory_space<semaphore_mem>>
    %dma_wait3A_2368 = arith.constant 240000 : i32
    %dma_wait3A_2369 = arith.constant 0 : i32
    %dma_wait3A_2370 = tpu.memref_slice %arg1[%dma_wait3A_2368, %dma_wait3A_2369] : memref<250000x128xf32, #tpu.memory_space<hbm>> -> memref<8000x128xf32, #tpu.memory_space<hbm>>
    %dma_wait3A_2371 = arith.constant 0 : i32
    %dma_wait3A_2372 = arith.constant 0 : i32
    %dma_wait3A_2373 = tpu.memref_slice %arg3[%dma_wait3A_2364, %dma_wait3A_2371, %dma_wait3A_2372] : memref<2x8000x128xf32, #tpu.memory_space<vmem>> -> memref<1x8000x128xf32, #tpu.memory_space<vmem>>
    %dma_wait3A_2374 = tpu.memref_squeeze %dma_wait3A_2373 : memref<1x8000x128xf32, #tpu.memory_space<vmem>> -> memref<8000x128xf32, #tpu.memory_space<vmem>>
    tpu.wait_dma2 semaphore(%dma_wait3A_2367 : memref<!tpu.dma_semaphore, #tpu.memory_space<semaphore_mem>>) src(%dma_wait3A_2374 : memref<8000x128xf32, #tpu.memory_space<vmem>>) dst(%dma_wait3A_2370 : memref<8000x128xf32, #tpu.memory_space<hbm>>)
    %dma_wait3A_2375 = arith.constant 248000 : i32
    %dma_wait3A_2376 = arith.constant 0 : i32
    %dma_wait3A_2377 = tpu.memref_slice %arg1[%dma_wait3A_2375, %dma_wait3A_2376] : memref<250000x128xf32, #tpu.memory_space<hbm>> -> memref<2000x128xf32, #tpu.memory_space<hbm>>
    tpu.wait_dma2 semaphore(%arg8 : memref<!tpu.dma_semaphore, #tpu.memory_space<semaphore_mem>>) src(%arg5 : memref<2000x128xf32, #tpu.memory_space<vmem>>) dst(%dma_wait3A_2377 : memref<2000x128xf32, #tpu.memory_space<hbm>>)
    return
  }
}

</mosaic_0001>

<sc_bundles>
// kernel: kernel.5.cloned.1.call-start
scs
__scs_entry_jumppad:
0x0: {  	(pc) =	sbr.rel $0x88, $3  }
0x1: {  	(tag) =	ssettag $0x0;
	lr =	simm.s32 $0x1  }
0x2: {  	[smem:$0x3F9C] =	sst lr;
	_ =	strace $0xD0000000  }
0x3: {  	_ = 	snop  }
0x4: {  	_ = 	snop  }
0x5: {  	_ = 	snop  }
0x6: {  	_ = 	snop  }
0x7: {  	_ = 	snop  }
__scs_overlays_trampoline_lowered:
0x8: {  	[smem:$0x3FAB] =	sst s0  }
0x9: {  	[smem:$0x3FAC] =	sst s1  }
0xa: {  	[smem:$0x3FAD] =	sst s2  }
0xb: {  	[smem:$0x3FAE] =	sst s3  }
0xc: {  	[smem:$0x3FAF] =	sst s4  }
0xd: {  	[smem:$0x3FB0] =	sst s5  }
0xe: {  	[smem:$0x3FB1] =	sst s6  }
0xf: {  	[smem:$0x3FB2] =	sst s7  }
0x10: {  	[smem:$0x3FB3] =	sst s8  }
0x11: {  	[smem:$0x3FB4] =	sst s9;
	s0 =	simm.s32 @!p0 $0x0  }
0x12: {  	s1 =	sld [smem:$0x3F9A];
	s0 =	simm.s32 @p0 $0x1  }
0x13: {  	[smem:$0x3FB5] =	sst s0;
	s0 =	simm.s32 @!p1 $0x0  }
0x14: {  	s2 =	sld [smem:$0x3F99];
	s0 =	simm.s32 @p1 $0x1  }
0x15: {  	[smem:$0x3FB6] =	sst s0;
	s0 =	simm.s32 @!p2 $0x0  }
0x16: {  	s3 =	sld [smem:$0x3FDB];
	s0 =	simm.s32 @p2 $0x1  }
0x17: {  	s4 =	simm.s32 $0x1BF5;
	[smem:$0x3FB8] =	sst s0  }
0x18: {  	s0 =	sld [smem:$0x3F9B];
	_ =	swait.ge [sflag:s4], $0x0  }
0x19: {  	s7 =	sld [smem:$0x3F9C]  }
0x1a: {  	s8 =	sadd.s32 $0xFFFFE003, lr  }
0x1b: {  	s9 =	sadd.s32 $0xFFFFFEF7, lr;
	s5 =	simm.s32 $0xFFFFFFFF;
	p2 =	slt.u32 s8, $0xFFFFF086  }
0x1c: {  	p1 =	slt.u32 s9, $0xF7A;
	s5 =	simm.s32 @!p2 $0x0  }
0x1d: {  	s5 =	simm.s32 @p1 $0x1;
	p0 =	seq.s32 s7, s2  }
0x1e: {  	s7 =	smul.u32 @!p0 $0xF7A, s2;
	p2 =	seq.s32 @!p0 s5, $0x0  }
0x1f: {  	s9 =	smul.u32 $0xF7A, s1;
	s8 =	simm.s32 @!p0 $0x1BF5;
	p2 =	por !p2, p0  }
0x20: {  	[sflag:s8] =	ssyncset.s32 @!p0 $0xFFFFF086;
	s6 =	sadd.s32 @!p0 s3, s7;
	s7 =	simm.s32 @!p0 $0x108  }
0x21: {  	s3 =	sadd.s32 s3, s9;
	s6 =	sadd.s32 @!p0 $0x88, s6;
	s7 =	simm.s32 @p2 $0x1082  }
0x22: {  	[simem:s7], [sflag:s8] =	dma.local @!p0 [hbm:s6], $0xF7A  }
0x23: {  	s9 =	sor.u32 $0xD0000000, s2;
	s6 =	simm.s32 $0x108;
	_ =	swait.ge @!p0 [sflag:s8], $0x0  }
0x24: {  	s3 =	sadd.s32 $0x88, s3;
	s6 =	simm.s32 @!p1 $0x1082;
	[sflag:s4] =	ssyncset.s32 $0xFFFFF086  }
0x25: {  	[simem:s6], [sflag:s4] =	dma.local [hbm:s3], $0xF7A  }
0x26: {  	[smem:$0x3F9C] =	sst s1;
	(tag) =	ssettag s2;
	_ =	strace s9  }
0x27: {  	s1 =	sld [smem:$0x3FAC]  }
0x28: {  	s2 =	sld [smem:$0x3FAD]  }
0x29: {  	s4 =	sld [smem:$0x3FAF]  }
0x2a: {  	p0 =	seq.s32 s5, $0x0;
	s5 =	sld [smem:$0x3FB0]  }
0x2b: {  	s6 =	sld [smem:$0x3FB1]  }
0x2c: {  	s7 =	sld [smem:$0x3FB2]  }
0x2d: {  	s3 =	simm.s32 $0x108;
	s8 =	sld [smem:$0x3FB3]  }
0x2e: {  	s3 =	simm.s32 @!p0 $0x1082;
	s9 =	sld [smem:$0x3FB4]  }
0x2f: {  	lr =	sadd.s32 s0, s3;
	s0 =	sld [smem:$0x3FAB]  }
0x30: {  	s3 =	sld [smem:$0x3FAE]  }
0x31: {  	[smem:$0x3FB7] =	sst s10  }
0x32: {  	s10 =	sld [smem:$0x3FB5];
	_ =	sdelay $0x3  }
0x33: {  	p0 =	seq.s32 s10, $0x1;
	s10 =	sld [smem:$0x3FB7];
	_ =	sdelay $0x3  }
0x34: {  	[smem:$0x3FB7] =	sst s10  }
0x35: {  	s10 =	sld [smem:$0x3FB6];
	_ =	sdelay $0x3  }
0x36: {  	p1 =	seq.s32 s10, $0x1;
	s10 =	sld [smem:$0x3FB7];
	_ =	sdelay $0x3  }
0x37: {  	[smem:$0x3FB7] =	sst s10  }
0x38: {  	s10 =	sld [smem:$0x3FB8]  }
0x39: {  	_ = 	snop;
	(pc) =	sbr.ind lr, $3  }
0x3a: {  	_ = 	snop  }
0x3b: {  	_ = 	snop  }
0x3c: {  	p2 =	seq.s32 s10, $0x1;
	s10 =	sld [smem:$0x3FB7]  }
0x3d: {  	_ =	shalt  }
0x3e: {  	_ =	shalt  }
0x3f: {  	_ =	shalt  }
0x40: {  	_ =	shalt  }
0x41: {  	_ =	shalt  }
0x42: {  	_ =	shalt  }
0x43: {  	_ =	shalt  }
0x44: {  	_ =	shalt  }
0x45: {  	_ =	shalt  }
0x46: {  	_ =	shalt  }
0x47: {  	_ =	shalt  }
0x48: {  	_ =	shalt  }
0x49: {  	_ =	shalt  }
0x4a: {  	_ =	shalt  }
0x4b: {  	_ =	shalt  }
0x4c: {  	_ =	shalt  }
0x4d: {  	_ =	shalt  }
0x4e: {  	_ =	shalt  }
0x4f: {  	_ =	shalt  }
0x50: {  	_ =	shalt  }
0x51: {  	_ =	shalt  }
0x52: {  	_ =	shalt  }
0x53: {  	_ =	shalt  }
0x54: {  	_ =	shalt  }
0x55: {  	_ =	shalt  }
0x56: {  	_ =	shalt  }
0x57: {  	_ =	shalt  }
0x58: {  	_ =	shalt  }
0x59: {  	_ =	shalt  }
0x5a: {  	_ =	shalt  }
0x5b: {  	_ =	shalt  }
0x5c: {  	_ =	shalt  }
0x5d: {  	_ =	shalt  }
0x5e: {  	_ =	shalt  }
0x5f: {  	_ =	shalt  }
0x60: {  	_ =	shalt  }
0x61: {  	_ =	shalt  }
0x62: {  	_ =	shalt  }
0x63: {  	_ =	shalt  }
0x64: {  	_ =	shalt  }
0x65: {  	_ =	shalt  }
0x66: {  	_ =	shalt  }
0x67: {  	_ =	shalt  }
0x68: {  	_ =	shalt  }
0x69: {  	_ =	shalt  }
0x6a: {  	_ =	shalt  }
0x6b: {  	_ =	shalt  }
0x6c: {  	_ =	shalt  }
0x6d: {  	_ =	shalt  }
0x6e: {  	_ =	shalt  }
0x6f: {  	_ =	shalt  }
0x70: {  	_ =	shalt  }
0x71: {  	_ =	shalt  }
0x72: {  	_ =	shalt  }
0x73: {  	_ =	shalt  }
0x74: {  	_ =	shalt  }
0x75: {  	_ =	shalt  }
0x76: {  	_ =	shalt  }
0x77: {  	_ =	shalt  }
0x78: {  	_ =	shalt  }
0x79: {  	_ =	shalt  }
0x7a: {  	_ =	shalt  }
0x7b: {  	_ =	shalt  }
0x7c: {  	_ =	shalt  }
0x7d: {  	_ =	shalt  }
0x7e: {  	_ =	shalt  }
0x7f: {  	_ =	shalt  }
0x80: {  	_ =	shalt  }
0x81: {  	_ =	shalt  }
0x82: {  	_ =	shalt  }
0x83: {  	_ =	shalt  }
0x84: {  	_ =	shalt  }
0x85: {  	_ =	shalt  }
0x86: {  	_ =	shalt  }
0x87: {  	_ =	shalt  }
.Lfunc_end0:
.L_simem_size_0:
called_computation_lowered:
.L_overlay_start_0:
0x88: {  	s2 =	sld [smem:$0x3FD9]  }
0x89: {  	s3 =	sld [smem:$0x3FFE];
	_ =	sdelay $0x1  }
0x8a: {  	s1 =	srdreg.scid  }
0x8b: {  	s0 =	sand.u32 $0x1, s1  }
0x8c: {  	s17 =	sshll.u32 s0, $0xA;
	s2 =	sadd.s32 s3, s2  }
0x8d: {  	s2 =	sadd.s32 s2, s17  }
0x8e: {  	[smem:$0x3FC3] =	sst s2  }
0x8f: {  	_ = 	snop  }
0x90: {  	s2 =	sld [smem:$0x3FD0];
	(tm) =	ssettm $0x1  }
0x91: {  	s18 =	sld [smem:$0x3FFB];
	_ =	sdelay $0x3  }
0x92: {  	_ =	strace s18  }
0x93: {  	s3 =	sld [smem:$0x3FFC];
	_ =	sdelay $0x3  }
0x94: {  	_ =	strace s3  }
0x95: {  	s3 =	sld [smem:$0x3FFD];
	_ =	sdelay $0x3  }
0x96: {  	_ =	strace s3  }
0x97: {  	_ =	strace $0x8FFFFFFF  }
0x98: {  	s19 =	sld [smem:$0x3FDB];
	_ =	sdelay $0x1  }
0x99: {  	s4 =	simm.s32 $_scs_section_size  }
0x9a: {  	s5 =	simm.s32 $_size__tile_overlayer_lowered;
	s6 =	simm.s32 $_tile_overlayer_lowered  }
0x9b: {  	s22 =	simm.s32 $0x1BFF;
	s21 =	sshll.u32 s6, $0x1;
	s3 =	sadd.s32 s4, s19  }
0x9c: {  	s7 =	simm.s32 $0x0;
	s20 =	sshll.u32 s5, $0x1;
	s5 =	sadd.s32 s21, s3  }
0x9d: {  	[timem:s7], [sflag:s22] =	dma.local [hbm:s5], s20  }
0x9e: {  	_ =	swait.ge [sflag:s22], s20  }
0x9f: {  	s4 =	ssub.s32 $0x0, s20;
	[sflag:s22] =	ssyncset.done $0x0  }
0xa0: {  	[sflag:s22] =	ssyncadd.s32 s4;
	_ =	sdelay $0x1  }
0xa1: {  	s23 =	simm.s32 $0x1B8B  }
0xa2: {  	_ =	swait.ge [sflag:s23], $0x1  }
0xa3: {  	[sflag:s23] =	ssyncset.done $0x0  }
0xa4: {  	s25 =	simm.s32 $0x1B8E;
	s24 =	sld [smem:$0x3FFE];
	[sflag:s23] =	ssyncadd.s32 $0xFFFFFFFF  }
0xa5: {  	s26 =	simm.s32 $execute0_lowered;
	[smem:$0x3FD2] =	sst s25  }
0xa6: {  	s5 =	sshll.u32 s26, $0x1;
	_ =	strace $0x80000046;
	[dreg:$0x1] =	wrdreg $0xFFFFFFFF  }
0xa7: {  	s28 =	simm.s32 $_size_execute0_lowered;
	s3 =	sadd.s32 s3, s5;
	[dreg:$0x0] =	wrdreg $0x0  }
0xa8: {  	s5 =	sshll.u32 s28, $0x1;
	[dreg:$0x2] =	wrdreg s3  }
0xa9: {  	[dreg:$0x3] =	wrdreg s5  }
0xaa: {  	[dreg:$0x4] =	wrdreg $0xC0  }
0xab: {  	_ =	task [dreg:s7], $0x5FFFF  }
0xac: {  	[dreg:$0x1] =	wrdreg $0xFFFFFFFF  }
0xad: {  	[dreg:$0x0] =	wrdreg $0x60  }
0xae: {  	[dreg:$0x2] =	wrdreg s24  }
0xaf: {  	[dreg:$0x3] =	wrdreg s2  }
0xb0: {  	[dreg:$0x4] =	wrdreg $0x9  }
0xb1: {  	_ =	task.clear_ibuf [dreg:s7], $0x5FFFF;
	_ =	strace $0x90000046  }
0xb2: {  	s29 =	simm.s32 $0x9;
	_ =	strace $0x80000048  }
0xb3: {  	_ =	swait.ge [sflag:s29], $0x1  }
0xb4: {  	[sflag:s29] =	ssyncadd.s32 $0xFFFFFFFF  }
0xb5: {  	_ =	strace $0x90000048  }
0xb6: {  	_ =	sfence  }
0xb7: {  	s30 =	sld [smem:$0x0];
	_ =	sdelay $0x2  }
0xb8: {  	s31 =	sshll.u32 s1, $0xD;
	s1 =	sshrl.u32 s1, $0x2  }
0xb9: {  	s3 =	sand.u32 $0x4000, s31;
	s1 =	sadd.s32 s1, s30  }
0xba: {  	s0 =	sor.u32 s3, s0;
	s1 =	sshll.u32 s1, $0x11  }
0xbb: {  	s0 =	sor.u32 s1, s0  }
0xbc: {  	s0 =	sadd.s32 $0x8F2B, s0  }
0xbd: {  	[sflag:s0] =	ssyncadd.remote.s32 $0x1  }
0xbe: {  	_ =	sfence.sel $0xFFFF  }
0xbf: {  	[dreg:$0x0] =	wrdreg $0xFFFFFFFF;
	(pc) =	sbr.abs _section_cstart, $3  }
0xc0: {  	[dreg:$0x1] =	wrdreg $0xFFFFFFFF  }
0xc1: {  	_ =	task.clear_ibuf [dreg:s7], $0x2FFFF;
	_ =	strace $0x9FFFFFFF  }
0xc2: {  	(tm) =	ssettm $0x7FFFFFFF  }
0xc3: {  	_ =	shalt  }
tec
execute0_lowered:
.L_overlay_start_1:
0x0: {  	(tag) =	ssettag $0x1  }
0x1: {  	s0 =	srdreg.scid;
	s1 =	stileid.u32  }
0x2: {  	s3 =	simm.s32 $0x0;
	s2 =	sshll.u32 s1, $0x1;
	s1 =	rddreg [dreg:$0x0]  }
0x3: {  	s0 =	sand.u32 $0x1, s0;
	[smem:$0x7FF] =	sst s3  }
0x4: {  	s14 =	simm.s32 $0x100;
	s4 =	sor.u32 s0, s2;
	s2 =	rddreg [dreg:$0x1]  }
0x5: {  	s15 =	simm.s32 $0x180;
	_ =	strace $0x80000047;
	[dreg:$0x7] =	wrdreg s14  }
0x6: {  	s16 =	simm.s32 $0x200;
	[dreg:$0x8] =	wrdreg s15  }
0x7: {  	s17 =	simm.s32 $0x280;
	[dreg:$0x9] =	wrdreg s16  }
0x8: {  	s18 =	simm.s32 $0x300;
	[dreg:$0xa] =	wrdreg s17  }
0x9: {  	s19 =	simm.s32 $0x380;
	[dreg:$0xb] =	wrdreg s18  }
0xa: {  	s20 =	simm.s32 $0x400;
	[dreg:$0xc] =	wrdreg s19  }
0xb: {  	s21 =	simm.s32 $0x480;
	[dreg:$0xd] =	wrdreg s20  }
0xc: {  	s22 =	simm.s32 $0x500;
	[dreg:$0xe] =	wrdreg s21  }
0xd: {  	s23 =	simm.s32 $0x580;
	[dreg:$0xf] =	wrdreg s22  }
0xe: {  	s24 =	simm.s32 $0x600;
	[dreg:$0x10] =	wrdreg s23  }
0xf: {  	s25 =	simm.s32 $0x680;
	[dreg:$0x11] =	wrdreg s24  }
0x10: {  	s26 =	simm.s32 $0x700;
	[dreg:$0x12] =	wrdreg s25  }
0x11: {  	s8 =	simm.s32 $0x900;
	[dreg:$0x13] =	wrdreg s26  }
0x12: {  	s9 =	simm.s32 $0x980;
	[dreg:$0x17] =	wrdreg s8  }
0x13: {  	s10 =	simm.s32 $0xA00;
	[dreg:$0x18] =	wrdreg s9  }
0x14: {  	s11 =	simm.s32 $0xA80;
	[dreg:$0x19] =	wrdreg s10  }
0x15: {  	s12 =	simm.s32 $0xB00;
	[dreg:$0x1a] =	wrdreg s11  }
0x16: {  	[dreg:$0x1b] =	wrdreg s12;
	s14 =	simm.s32 $0xC00  }
0x17: {  	s15 =	simm.s32 $0xC80;
	[dreg:$0x1d] =	wrdreg s14  }
0x18: {  	s16 =	simm.s32 $0xD80;
	[dreg:$0x1e] =	wrdreg s15  }
0x19: {  	s17 =	simm.s32 $0xE00;
	[dreg:$0x1f] =	wrdreg s16  }
0x1a: {  	s18 =	simm.s32 $0xE80;
	[smem:$0x7DA] =	sst s17  }
0x1b: {  	s19 =	simm.s32 $0xF00;
	[smem:$0x7DB] =	sst s18  }
0x1c: {  	s20 =	simm.s32 $0xF80;
	[smem:$0x7DC] =	sst s19  }
0x1d: {  	s21 =	simm.s32 $0x1000;
	[smem:$0x7DD] =	sst s20  }
0x1e: {  	s22 =	simm.s32 $0x1080;
	[smem:$0x7DE] =	sst s21  }
0x1f: {  	s23 =	simm.s32 $0x1100;
	[smem:$0x7DF] =	sst s22  }
0x20: {  	s24 =	simm.s32 $0x1180;
	[smem:$0x7E0] =	sst s23  }
0x21: {  	s28 =	simm.s32 $0xD00;
	s25 =	simm.s32 $0x1200;
	[smem:$0x7E1] =	sst s24  }
0x22: {  	s31 =	simm.s32 $0xE080;
	s26 =	simm.s32 $0x1280;
	[smem:$0x7E2] =	sst s25  }
0x23: {  	s29 =	simm.s32 $0x10080;
	s8 =	simm.s32 $0x1480;
	[smem:$0x7E3] =	sst s26  }
0x24: {  	p0 =	por $0x0, $0x0;
	s10 =	simm.s32 $0x1500;
	[smem:$0x7E7] =	sst s8  }
0x25: {  	s30 =	simm.s32 $0x16080;
	s11 =	simm.s32 $0x1580;
	[smem:$0x7E8] =	sst s10  }
0x26: {  	s0 =	ssub.s32 $0x2, s0;
	s12 =	simm.s32 $0x1600;
	[smem:$0x7E9] =	sst s11  }
0x27: {  	s5 =	smul.u32 $0x1A0, s4;
	[smem:$0x7EA] =	sst s12;
	s14 =	simm.s32 $0x1700  }
0x28: {  	s6 =	smul.u32 $0xD0, s4;
	s15 =	simm.s32 $0x1780;
	[smem:$0x7EC] =	sst s14  }
0x29: {  	s4 =	smul.u32 $0x1A00, s4;
	s16 =	simm.s32 $0x1800;
	[smem:$0x7ED] =	sst s15  }
0x2a: {  	s22 =	sadd.s32 $0x3C800, s1;
	s17 =	simm.s32 $0x1880;
	[smem:$0x7EE] =	sst s16  }
0x2b: {  	s9 =	sshrl.u32 s0, $0x1;
	s18 =	simm.s32 $0x1900;
	[smem:$0x7EF] =	sst s17  }
0x2c: {  	s24 =	simm.s32 $0x1A00;
	s19 =	simm.s32 $0x1980;
	[smem:$0x7F0] =	sst s18  }
0x2d: {  	s8 =	simm.s32 $0x2080;
	s20 =	simm.s32 $0x1A80;
	[smem:$0x7F1] =	sst s19  }
0x2e: {  	s10 =	simm.s32 $0x4080;
	s21 =	simm.s32 $0x1B00;
	[smem:$0x7F2] =	sst s20  }
0x2f: {  	s11 =	simm.s32 $0x5080;
	s23 =	simm.s32 $0x1B80;
	[smem:$0x7F3] =	sst s21  }
0x30: {  	s12 =	simm.s32 $0x6080;
	s25 =	simm.s32 $0x1C00;
	[smem:$0x7F4] =	sst s23  }
0x31: {  	s26 =	simm.s32 $0x1C80;
	s0 =	ssub.s32 s0, s9;
	[smem:$0x7F5] =	sst s25  }
0x32: {  	s9 =	simm.s32 $0x3080;
	[smem:$0x7F6] =	sst s26;
	s19 =	simm.s32 $0x1E00  }
0x33: {  	s14 =	simm.s32 $0x8080;
	s21 =	simm.s32 $0x1E80;
	[smem:$0x7F9] =	sst s19  }
0x34: {  	s15 =	simm.s32 $0x9080;
	s23 =	simm.s32 $0x1F00;
	[smem:$0x7FA] =	sst s21  }
0x35: {  	s16 =	simm.s32 $0xA080;
	s25 =	simm.s32 $0x1F80;
	[smem:$0x7FB] =	sst s23  }
0x36: {  	s26 =	simm.s32 $0x2000;
	s5 =	sadd.s32 s5, s1;
	[smem:$0x7FC] =	sst s25  }
0x37: {  	s17 =	simm.s32 $0xB080;
	[smem:$0x7FD] =	sst s26;
	s7 =	sadd.s32 $0x5400, s5  }
0x38: {  	s6 =	sadd.s32 s6, s1;
	s5 =	sadd.s32 $0x2000, s5;
	[dreg:$0x3] =	wrdreg s7  }
0x39: {  	s4 =	sadd.s32 s4, s1;
	s13 =	sadd.s32 $0x600, s6;
	[dreg:$0x4] =	wrdreg s5  }
0x3a: {  	s18 =	simm.s32 $0xC080;
	s4 =	sadd.s32 $0x8800, s4;
	[dreg:$0x5] =	wrdreg s13  }
0x3b: {  	s20 =	simm.s32 $0xD080;
	s6 =	simm.s32 $0x800;
	[dreg:$0x6] =	wrdreg s4  }
0x3c: {  	s0 =	smax.u32 s0, $0x1;
	s5 =	simm.s32 $0x780;
	[dreg:$0x15] =	wrdreg s6  }
0x3d: {  	s26 =	simm.s32 $0x12080;
	s7 =	simm.s32 $0x880;
	[dreg:$0x14] =	wrdreg s5  }
0x3e: {  	s1 =	simm.s32 $0x13080;
	s13 =	simm.s32 $0xB80;
	[dreg:$0x16] =	wrdreg s7  }
0x3f: {  	s21 =	simm.s32 $0x17080;
	s6 =	simm.s32 $0x1380;
	[dreg:$0x1c] =	wrdreg s13  }
0x40: {  	s23 =	simm.s32 $0x1;
	p1 =	sne.s32 s0, $0x1;
	[smem:$0x7E5] =	sst s6  }
0x41: {  	s19 =	sadd.s32 $0xFFFFFFFF, s0;
	s5 =	simm.s32 $0x1300;
	s25 =	rddreg [dreg:$0x3]  }
.Ltmp0:
0x42: {  	s7 =	simm.s32 $0x1400;
	[smem:$0x7E4] =	sst s5;
	(pc) =	sbr.rel @!p1 .LBB2_5-.Ltmp0, $4  }
0x43: {  	s4 =	simm.s32 $0x80;
	s13 =	simm.s32 $0x1680;
	[smem:$0x7E6] =	sst s7  }
0x44: {  	s6 =	simm.s32 $0x1D00;
	s5 =	simm.s32 $0x3;
	[smem:$0x7EB] =	sst s13  }
0x45: {  	s13 =	simm.s32 $0x7080;
	[smem:$0x7F7] =	sst s6;
	s7 =	simm.s32 $0x1D80  }
0x46: {  	s6 =	simm.s32 $0xF080;
	[smem:$0x7F8] =	sst s7;
	s7 =	simm.s32 $0x2  }
0x47: {  	[tilespmem:s3], [sflag:$0x3] =	stream.linear.gather [hbm4b:s25+s3], $0xD00, $0x38;
	[tilespmem:$0x1C080] =	vst v63  }
0x48: {  	_ =	swait.ge [sflag:s5], $0xD00  }
0x49: {  	[sflag:s5] =	ssyncset.done $0x0  }
0x4a: {  	s18 =	rddreg [dreg:$0x4];
	[sflag:s5] =	ssyncadd.s32 $0xFFFFF300  }
0x4b: {  	[tilespmem:s28], [sflag:$0x3] =	stream.linear.gather [hbm4b:s18+s3], $0xD00, $0x38;
	[tilespmem:$0x1C080] =	vst v63  }
0x4c: {  	_ =	swait.ge [sflag:s5], $0xD00  }
0x4d: {  	[sflag:s5] =	ssyncset.done $0x0  }
0x4e: {  	s21 =	rddreg [dreg:$0x5];
	[sflag:s5] =	ssyncadd.s32 $0xFFFFF300  }
0x4f: {  	[tilespmem:s24], [sflag:$0x3] =	stream.linear.gather [hbm4b:s21+s3], $0x680, $0x38;
	[tilespmem:$0x1C080] =	vst v63  }
0x50: {  	_ =	swait.ge [sflag:s5], $0x680  }
0x51: {  	[sflag:s5] =	ssyncset.done $0x0  }
0x52: {  	[sflag:s5] =	ssyncadd.s32 $0xFFFFF980  }
0x53: {  	[tilespmem:s8], [sflag:$0x1] =	stream.indirect.gather [hbm4b:s22+s4], $0x20, s3, s4, $0xb8;
	[tilespmem:$0x1C080] =	vst v63  }
0x54: {  	_ = 	snop  }
0x55: {  	[tilespmem:s9], [sflag:$0x1] =	stream.indirect.gather [hbm4b:s22+s4], $0x20, s4, s4, $0xb8;
	[tilespmem:$0x1C080] =	vst v63  }
0x56: {  	s24 =	rddreg [dreg:$0x7]  }
0x57: {  	[tilespmem:s10], [sflag:$0x1] =	stream.indirect.gather [hbm4b:s22+s4], $0x20, s24, s4, $0xb8;
	[tilespmem:$0x1C080] =	vst v63  }
0x58: {  	s12 =	simm.s32 $0x5080;
	s28 =	rddreg [dreg:$0x8]  }
0x59: {  	[tilespmem:s12], [sflag:$0x1] =	stream.indirect.gather [hbm4b:s22+s4], $0x20, s28, s4, $0xb8;
	[tilespmem:$0x1C080] =	vst v63  }
0x5a: {  	s0 =	simm.s32 $0x6080;
	s29 =	rddreg [dreg:$0x9]  }
0x5b: {  	[tilespmem:s0], [sflag:$0x1] =	stream.indirect.gather [hbm4b:s22+s4], $0x20, s29, s4, $0xb8;
	[tilespmem:$0x1C080] =	vst v63  }
0x5c: {  	s14 =	simm.s32 $0x7080;
	s30 =	rddreg [dreg:$0xa]  }
0x5d: {  	[tilespmem:s14], [sflag:$0x1] =	stream.indirect.gather [hbm4b:s22+s4], $0x20, s30, s4, $0xb8;
	[tilespmem:$0x1C080] =	vst v63  }
0x5e: {  	s6 =	simm.s32 $0x8080;
	s0 =	rddreg [dreg:$0xb]  }
0x5f: {  	[tilespmem:s6], [sflag:$0x1] =	stream.indirect.gather [hbm4b:s22+s4], $0x20, s0, s4, $0xb8;
	[tilespmem:$0x1C080] =	vst v63  }
0x60: {  	s16 =	simm.s32 $0x9080;
	s10 =	rddreg [dreg:$0xc]  }
0x61: {  	[tilespmem:s16], [sflag:$0x1] =	stream.indirect.gather [hbm4b:s22+s4], $0x20, s10, s4, $0xb8;
	[tilespmem:$0x1C080] =	vst v63  }
0x62: {  	s9 =	simm.s32 $0xA080;
	s28 =	rddreg [dreg:$0xd]  }
0x63: {  	[tilespmem:s9], [sflag:$0x1] =	stream.indirect.gather [hbm4b:s22+s4], $0x20, s28, s4, $0xb8;
	[tilespmem:$0x1C080] =	vst v63  }
0x64: {  	s18 =	simm.s32 $0xB080;
	s29 =	rddreg [dreg:$0xe]  }
0x65: {  	[tilespmem:s18], [sflag:$0x1] =	stream.indirect.gather [hbm4b:s22+s4], $0x20, s29, s4, $0xb8;
	[tilespmem:$0x1C080] =	vst v63  }
0x66: {  	s21 =	simm.s32 $0xC080;
	s30 =	rddreg [dreg:$0xf]  }
0x67: {  	[tilespmem:s21], [sflag:$0x1] =	stream.indirect.gather [hbm4b:s22+s4], $0x20, s30, s4, $0xb8;
	[tilespmem:$0x1C080] =	vst v63  }
0x68: {  	s0 =	rddreg [dreg:$0x10]  }
0x69: {  	[tilespmem:s20], [sflag:$0x1] =	stream.indirect.gather [hbm4b:s22+s4], $0x20, s0, s4, $0xb8;
	[tilespmem:$0x1C080] =	vst v63  }
0x6a: {  	s6 =	rddreg [dreg:$0x11]  }
0x6b: {  	[tilespmem:s31], [sflag:$0x1] =	stream.indirect.gather [hbm4b:s22+s4], $0x20, s6, s4, $0xb8;
	[tilespmem:$0x1C080] =	vst v63  }
0x6c: {  	s11 =	simm.s32 $0xF080;
	s9 =	rddreg [dreg:$0x12]  }
0x6d: {  	[tilespmem:s11], [sflag:$0x1] =	stream.indirect.gather [hbm4b:s22+s4], $0x20, s9, s4, $0xb8;
	[tilespmem:$0x1C080] =	vst v63  }
0x6e: {  	s17 =	simm.s32 $0x10080;
	s10 =	rddreg [dreg:$0x13]  }
0x6f: {  	[tilespmem:s17], [sflag:$0x1] =	stream.indirect.gather [hbm4b:s22+s4], $0x20, s10, s4, $0xb8;
	[tilespmem:$0x1C080] =	vst v63  }
0x70: {  	s29 =	simm.s32 $0x11080;
	s21 =	rddreg [dreg:$0x14]  }
0x71: {  	[tilespmem:s29], [sflag:$0x1] =	stream.indirect.gather [hbm4b:s22+s4], $0x20, s21, s4, $0xb8;
	[tilespmem:$0x1C080] =	vst v63  }
0x72: {  	s28 =	rddreg [dreg:$0x15]  }
0x73: {  	[tilespmem:s26], [sflag:$0x1] =	stream.indirect.gather [hbm4b:s22+s4], $0x20, s28, s4, $0xb8;
	[tilespmem:$0x1C080] =	vst v63  }
0x74: {  	s30 =	rddreg [dreg:$0x16]  }
0x75: {  	[tilespmem:s1], [sflag:$0x1] =	stream.indirect.gather [hbm4b:s22+s4], $0x20, s30, s4, $0xb8;
	[tilespmem:$0x1C080] =	vst v63  }
0x76: {  	s0 =	rddreg [dreg:$0x17];
	s6 =	simm.s32 $0x14080  }
0x77: {  	[tilespmem:s6], [sflag:$0x1] =	stream.indirect.gather [hbm4b:s22+s4], $0x20, s0, s4, $0xb8;
	[tilespmem:$0x1C080] =	vst v63  }
0x78: {  	s9 =	rddreg [dreg:$0x18];
	s28 =	simm.s32 $0x15080  }
0x79: {  	[tilespmem:s28], [sflag:$0x1] =	stream.indirect.gather [hbm4b:s22+s4], $0x20, s9, s4, $0xb8;
	[tilespmem:$0x1C080] =	vst v63  }
0x7a: {  	s15 =	simm.s32 $0x16080;
	s10 =	rddreg [dreg:$0x19]  }
0x7b: {  	[tilespmem:s15], [sflag:$0x1] =	stream.indirect.gather [hbm4b:s22+s4], $0x20, s10, s4, $0xb8;
	[tilespmem:$0x1C080] =	vst v63  }
0x7c: {  	s13 =	simm.s32 $0x17080;
	s21 =	rddreg [dreg:$0x1a]  }
0x7d: {  	[tilespmem:s13], [sflag:$0x1] =	stream.indirect.gather [hbm4b:s22+s4], $0x20, s21, s4, $0xb8;
	[tilespmem:$0x1C080] =	vst v63  }
0x7e: {  	s30 =	rddreg [dreg:$0x1b];
	s0 =	simm.s32 $0x18080  }
0x7f: {  	[tilespmem:s0], [sflag:$0x1] =	stream.indirect.gather [hbm4b:s22+s4], $0x20, s30, s4, $0xb8;
	[tilespmem:$0x1C080] =	vst v63  }
0x80: {  	s9 =	rddreg [dreg:$0x1c];
	s21 =	simm.s32 $0x19080  }
0x81: {  	[tilespmem:s21], [sflag:$0x1] =	stream.indirect.gather [hbm4b:s22+s4], $0x20, s9, s4, $0xb8;
	[tilespmem:$0x1C080] =	vst v63  }
0x82: {  	s10 =	rddreg [dreg:$0x1d];
	s30 =	simm.s32 $0x1A080  }
0x83: {  	[tilespmem:s30], [sflag:$0x1] =	stream.indirect.gather [hbm4b:s22+s4], $0x20, s10, s4, $0xb8;
	[tilespmem:$0x1C080] =	vst v63  }
0x84: {  	s24 =	rddreg [dreg:$0x1e];
	s9 =	simm.s32 $0x1B080  }
0x85: {  	[tilespmem:s9], [sflag:$0x1] =	stream.indirect.gather [hbm4b:s22+s4], $0x20, s24, s4, $0xb8;
	[tilespmem:$0x1C080] =	vst v63  }
0x86: {  	_ =	swait.ge [sflag:s23], $0x1000  }
0x87: {  	[sflag:s23] =	ssyncset.done $0x0  }
0x88: {  	[sflag:s23] =	ssyncadd.s32 $0xFFFFF000  }
0x89: {  	_ =	swait.ge [sflag:s23], $0x1000  }
0x8a: {  	[sflag:s23] =	ssyncset.done $0x0  }
0x8b: {  	[sflag:s23] =	ssyncadd.s32 $0xFFFFF000  }
0x8c: {  	_ =	swait.ge [sflag:s23], $0x1000  }
0x8d: {  	[sflag:s23] =	ssyncset.done $0x0  }
0x8e: {  	[sflag:s23] =	ssyncadd.s32 $0xFFFFF000  }
0x8f: {  	_ =	swait.ge [sflag:s23], $0x1000  }
0x90: {  	[sflag:s23] =	ssyncset.done $0x0  }
0x91: {  	[sflag:s23] =	ssyncadd.s32 $0xFFFFF000  }
0x92: {  	_ =	swait.ge [sflag:s23], $0x1000  }
0x93: {  	[sflag:s23] =	ssyncset.done $0x0  }
0x94: {  	[sflag:s23] =	ssyncadd.s32 $0xFFFFF000  }
0x95: {  	_ =	swait.ge [sflag:s23], $0x1000  }
0x96: {  	[sflag:s23] =	ssyncset.done $0x0  }
0x97: {  	[sflag:s23] =	ssyncadd.s32 $0xFFFFF000  }
0x98: {  	_ =	swait.ge [sflag:s23], $0x1000  }
0x99: {  	[sflag:s23] =	ssyncset.done $0x0  }
0x9a: {  	[sflag:s23] =	ssyncadd.s32 $0xFFFFF000  }
0x9b: {  	_ =	swait.ge [sflag:s23], $0x1000  }
0x9c: {  	[sflag:s23] =	ssyncset.done $0x0  }
0x9d: {  	[sflag:s23] =	ssyncadd.s32 $0xFFFFF000  }
0x9e: {  	_ =	swait.ge [sflag:s23], $0x1000  }
0x9f: {  	[sflag:s23] =	ssyncset.done $0x0  }
0xa0: {  	[sflag:s23] =	ssyncadd.s32 $0xFFFFF000  }
0xa1: {  	_ =	swait.ge [sflag:s23], $0x1000  }
0xa2: {  	[sflag:s23] =	ssyncset.done $0x0  }
0xa3: {  	[sflag:s23] =	ssyncadd.s32 $0xFFFFF000  }
0xa4: {  	_ =	swait.ge [sflag:s23], $0x1000  }
0xa5: {  	[sflag:s23] =	ssyncset.done $0x0  }
0xa6: {  	[sflag:s23] =	ssyncadd.s32 $0xFFFFF000  }
0xa7: {  	_ =	swait.ge [sflag:s23], $0x1000  }
0xa8: {  	[sflag:s23] =	ssyncset.done $0x0  }
0xa9: {  	[sflag:s23] =	ssyncadd.s32 $0xFFFFF000  }
0xaa: {  	_ =	swait.ge [sflag:s23], $0x1000  }
0xab: {  	[sflag:s23] =	ssyncset.done $0x0  }
0xac: {  	[sflag:s23] =	ssyncadd.s32 $0xFFFFF000  }
0xad: {  	_ =	swait.ge [sflag:s23], $0x1000  }
0xae: {  	[sflag:s23] =	ssyncset.done $0x0  }
0xaf: {  	[sflag:s23] =	ssyncadd.s32 $0xFFFFF000  }
0xb0: {  	_ =	swait.ge [sflag:s23], $0x1000  }
0xb1: {  	[sflag:s23] =	ssyncset.done $0x0  }
0xb2: {  	[sflag:s23] =	ssyncadd.s32 $0xFFFFF000  }
0xb3: {  	_ =	swait.ge [sflag:s23], $0x1000  }
0xb4: {  	[sflag:s23] =	ssyncset.done $0x0  }
0xb5: {  	[sflag:s23] =	ssyncadd.s32 $0xFFFFF000  }
0xb6: {  	_ =	swait.ge [sflag:s23], $0x1000  }
0xb7: {  	[sflag:s23] =	ssyncset.done $0x0  }
0xb8: {  	[sflag:s23] =	ssyncadd.s32 $0xFFFFF000  }
0xb9: {  	_ =	swait.ge [sflag:s23], $0x1000  }
0xba: {  	[sflag:s23] =	ssyncset.done $0x0  }
0xbb: {  	[sflag:s23] =	ssyncadd.s32 $0xFFFFF000  }
0xbc: {  	_ =	swait.ge [sflag:s23], $0x1000  }
0xbd: {  	[sflag:s23] =	ssyncset.done $0x0  }
0xbe: {  	[sflag:s23] =	ssyncadd.s32 $0xFFFFF000  }
0xbf: {  	_ =	swait.ge [sflag:s23], $0x1000  }
0xc0: {  	[sflag:s23] =	ssyncset.done $0x0  }
0xc1: {  	[sflag:s23] =	ssyncadd.s32 $0xFFFFF000  }
0xc2: {  	_ =	swait.ge [sflag:s23], $0x1000  }
0xc3: {  	[sflag:s23] =	ssyncset.done $0x0  }
0xc4: {  	[sflag:s23] =	ssyncadd.s32 $0xFFFFF000  }
0xc5: {  	_ =	swait.ge [sflag:s23], $0x1000  }
0xc6: {  	[sflag:s23] =	ssyncset.done $0x0  }
0xc7: {  	[sflag:s23] =	ssyncadd.s32 $0xFFFFF000  }
0xc8: {  	_ =	swait.ge [sflag:s23], $0x1000  }
0xc9: {  	[sflag:s23] =	ssyncset.done $0x0  }
0xca: {  	[sflag:s23] =	ssyncadd.s32 $0xFFFFF000  }
0xcb: {  	_ =	swait.ge [sflag:s23], $0x1000  }
0xcc: {  	[sflag:s23] =	ssyncset.done $0x0  }
0xcd: {  	[sflag:s23] =	ssyncadd.s32 $0xFFFFF000  }
0xce: {  	_ =	swait.ge [sflag:s23], $0x1000  }
0xcf: {  	[sflag:s23] =	ssyncset.done $0x0  }
0xd0: {  	[sflag:s23] =	ssyncadd.s32 $0xFFFFF000  }
0xd1: {  	_ =	swait.ge [sflag:s23], $0x1000  }
0xd2: {  	[sflag:s23] =	ssyncset.done $0x0  }
0xd3: {  	s25 =	simm.s32 $0xD00;
	s24 =	rddreg [dreg:$0x1f];
	[sflag:s23] =	ssyncadd.s32 $0xFFFFF000  }
0xd4: {  	[hbm4b:s2+s4] =	stream.indirect.scatter [tilespmem:s8], [sflag:$0x2], $0x20, s25, s4, $0xb8;
	[tilespmem:$0x1C080] =	vst v63  }
0xd5: {  	s10 =	simm.s32 $0x3080;
	s25 =	sld [smem:$0x7DA]  }
0xd6: {  	[hbm4b:s2+s4] =	stream.indirect.scatter [tilespmem:s10], [sflag:$0x2], $0x20, s24, s4, $0xb8;
	[tilespmem:$0x1C080] =	vst v63  }
0xd7: {  	s10 =	simm.s32 $0x4080;
	s24 =	sld [smem:$0x7DB]  }
0xd8: {  	[hbm4b:s2+s4] =	stream.indirect.scatter [tilespmem:s10], [sflag:$0x2], $0x20, s25, s4, $0xb8;
	[tilespmem:$0x1C080] =	vst v63  }
0xd9: {  	s25 =	sld [smem:$0x7DC]  }
0xda: {  	[hbm4b:s2+s4] =	stream.indirect.scatter [tilespmem:s12], [sflag:$0x2], $0x20, s24, s4, $0xb8;
	[tilespmem:$0x1C080] =	vst v63  }
0xdb: {  	s12 =	simm.s32 $0x6080;
	s24 =	sld [smem:$0x7DD]  }
0xdc: {  	[hbm4b:s2+s4] =	stream.indirect.scatter [tilespmem:s12], [sflag:$0x2], $0x20, s25, s4, $0xb8;
	[tilespmem:$0x1C080] =	vst v63  }
0xdd: {  	s25 =	sld [smem:$0x7DE]  }
0xde: {  	[hbm4b:s2+s4] =	stream.indirect.scatter [tilespmem:s14], [sflag:$0x2], $0x20, s24, s4, $0xb8;
	[tilespmem:$0x1C080] =	vst v63  }
0xdf: {  	s14 =	simm.s32 $0x8080;
	s24 =	sld [smem:$0x7DF]  }
0xe0: {  	[hbm4b:s2+s4] =	stream.indirect.scatter [tilespmem:s14], [sflag:$0x2], $0x20, s25, s4, $0xb8;
	[tilespmem:$0x1C080] =	vst v63  }
0xe1: {  	s25 =	sld [smem:$0x7E0]  }
0xe2: {  	[hbm4b:s2+s4] =	stream.indirect.scatter [tilespmem:s16], [sflag:$0x2], $0x20, s24, s4, $0xb8;
	[tilespmem:$0x1C080] =	vst v63  }
0xe3: {  	s16 =	simm.s32 $0xA080;
	s24 =	sld [smem:$0x7E1]  }
0xe4: {  	[hbm4b:s2+s4] =	stream.indirect.scatter [tilespmem:s16], [sflag:$0x2], $0x20, s25, s4, $0xb8;
	[tilespmem:$0x1C080] =	vst v63  }
0xe5: {  	s25 =	sld [smem:$0x7E2]  }
0xe6: {  	[hbm4b:s2+s4] =	stream.indirect.scatter [tilespmem:s18], [sflag:$0x2], $0x20, s24, s4, $0xb8;
	[tilespmem:$0x1C080] =	vst v63  }
0xe7: {  	s18 =	simm.s32 $0xC080;
	s24 =	sld [smem:$0x7E3]  }
0xe8: {  	[hbm4b:s2+s4] =	stream.indirect.scatter [tilespmem:s18], [sflag:$0x2], $0x20, s25, s4, $0xb8;
	[tilespmem:$0x1C080] =	vst v63  }
0xe9: {  	s25 =	sld [smem:$0x7E4]  }
0xea: {  	[hbm4b:s2+s4] =	stream.indirect.scatter [tilespmem:s20], [sflag:$0x2], $0x20, s24, s4, $0xb8;
	[tilespmem:$0x1C080] =	vst v63  }
0xeb: {  	s24 =	sld [smem:$0x7E5]  }
0xec: {  	[hbm4b:s2+s4] =	stream.indirect.scatter [tilespmem:s31], [sflag:$0x2], $0x20, s25, s4, $0xb8;
	[tilespmem:$0x1C080] =	vst v63  }
0xed: {  	s25 =	sld [smem:$0x7E6]  }
0xee: {  	[hbm4b:s2+s4] =	stream.indirect.scatter [tilespmem:s11], [sflag:$0x2], $0x20, s24, s4, $0xb8;
	[tilespmem:$0x1C080] =	vst v63  }
0xef: {  	s24 =	sld [smem:$0x7E7]  }
0xf0: {  	[hbm4b:s2+s4] =	stream.indirect.scatter [tilespmem:s17], [sflag:$0x2], $0x20, s25, s4, $0xb8;
	[tilespmem:$0x1C080] =	vst v63  }
0xf1: {  	s25 =	sld [smem:$0x7E8]  }
0xf2: {  	[hbm4b:s2+s4] =	stream.indirect.scatter [tilespmem:s29], [sflag:$0x2], $0x20, s24, s4, $0xb8;
	[tilespmem:$0x1C080] =	vst v63  }
0xf3: {  	s24 =	sld [smem:$0x7E9]  }
0xf4: {  	[hbm4b:s2+s4] =	stream.indirect.scatter [tilespmem:s26], [sflag:$0x2], $0x20, s25, s4, $0xb8;
	[tilespmem:$0x1C080] =	vst v63  }
0xf5: {  	s29 =	sld [smem:$0x7EA]  }
0xf6: {  	[hbm4b:s2+s4] =	stream.indirect.scatter [tilespmem:s1], [sflag:$0x2], $0x20, s24, s4, $0xb8;
	[tilespmem:$0x1C080] =	vst v63  }
0xf7: {  	s1 =	sld [smem:$0x7EB]  }
0xf8: {  	[hbm4b:s2+s4] =	stream.indirect.scatter [tilespmem:s6], [sflag:$0x2], $0x20, s29, s4, $0xb8;
	[tilespmem:$0x1C080] =	vst v63  }
0xf9: {  	s6 =	sld [smem:$0x7EC]  }
0xfa: {  	[hbm4b:s2+s4] =	stream.indirect.scatter [tilespmem:s28], [sflag:$0x2], $0x20, s1, s4, $0xb8;
	[tilespmem:$0x1C080] =	vst v63  }
0xfb: {  	s26 =	sld [smem:$0x7ED]  }
0xfc: {  	[hbm4b:s2+s4] =	stream.indirect.scatter [tilespmem:s15], [sflag:$0x2], $0x20, s6, s4, $0xb8;
	[tilespmem:$0x1C080] =	vst v63  }
0xfd: {  	s28 =	sld [smem:$0x7EE]  }
0xfe: {  	[hbm4b:s2+s4] =	stream.indirect.scatter [tilespmem:s13], [sflag:$0x2], $0x20, s26, s4, $0xb8;
	[tilespmem:$0x1C080] =	vst v63  }
0xff: {  	s29 =	sld [smem:$0x7EF]  }
0x100: {  	[hbm4b:s2+s4] =	stream.indirect.scatter [tilespmem:s0], [sflag:$0x2], $0x20, s28, s4, $0xb8;
	[tilespmem:$0x1C080] =	vst v63  }
0x101: {  	s1 =	sld [smem:$0x7F0]  }
0x102: {  	[hbm4b:s2+s4] =	stream.indirect.scatter [tilespmem:s21], [sflag:$0x2], $0x20, s29, s4, $0xb8;
	[tilespmem:$0x1C080] =	vst v63  }
0x103: {  	s6 =	sld [smem:$0x7F1]  }
0x104: {  	[hbm4b:s2+s4] =	stream.indirect.scatter [tilespmem:s30], [sflag:$0x2], $0x20, s1, s4, $0xb8;
	[tilespmem:$0x1C080] =	vst v63  }
0x105: {  	_ = 	snop  }
0x106: {  	[hbm4b:s2+s4] =	stream.indirect.scatter [tilespmem:s9], [sflag:$0x2], $0x20, s6, s4, $0xb8;
	[tilespmem:$0x1C080] =	vst v63  }
0x107: {  	_ =	swait.ge [sflag:s7], $0x1000  }
0x108: {  	[sflag:s7] =	ssyncset.done $0x0  }
0x109: {  	[sflag:s7] =	ssyncadd.s32 $0xFFFFF000  }
0x10a: {  	_ =	swait.ge [sflag:s7], $0x1000  }
0x10b: {  	[sflag:s7] =	ssyncset.done $0x0  }
0x10c: {  	[sflag:s7] =	ssyncadd.s32 $0xFFFFF000  }
0x10d: {  	_ =	swait.ge [sflag:s7], $0x1000  }
0x10e: {  	[sflag:s7] =	ssyncset.done $0x0  }
0x10f: {  	[sflag:s7] =	ssyncadd.s32 $0xFFFFF000  }
0x110: {  	_ =	swait.ge [sflag:s7], $0x1000  }
0x111: {  	[sflag:s7] =	ssyncset.done $0x0  }
0x112: {  	[sflag:s7] =	ssyncadd.s32 $0xFFFFF000  }
0x113: {  	_ =	swait.ge [sflag:s7], $0x1000  }
0x114: {  	[sflag:s7] =	ssyncset.done $0x0  }
0x115: {  	[sflag:s7] =	ssyncadd.s32 $0xFFFFF000  }
0x116: {  	_ =	swait.ge [sflag:s7], $0x1000  }
0x117: {  	[sflag:s7] =	ssyncset.done $0x0  }
0x118: {  	[sflag:s7] =	ssyncadd.s32 $0xFFFFF000  }
0x119: {  	_ =	swait.ge [sflag:s7], $0x1000  }
0x11a: {  	[sflag:s7] =	ssyncset.done $0x0  }
0x11b: {  	[sflag:s7] =	ssyncadd.s32 $0xFFFFF000  }
0x11c: {  	_ =	swait.ge [sflag:s7], $0x1000  }
0x11d: {  	[sflag:s7] =	ssyncset.done $0x0  }
0x11e: {  	[sflag:s7] =	ssyncadd.s32 $0xFFFFF000  }
0x11f: {  	_ =	swait.ge [sflag:s7], $0x1000  }
0x120: {  	[sflag:s7] =	ssyncset.done $0x0  }
0x121: {  	[sflag:s7] =	ssyncadd.s32 $0xFFFFF000  }
0x122: {  	_ =	swait.ge [sflag:s7], $0x1000  }
0x123: {  	[sflag:s7] =	ssyncset.done $0x0  }
0x124: {  	[sflag:s7] =	ssyncadd.s32 $0xFFFFF000  }
0x125: {  	_ =	swait.ge [sflag:s7], $0x1000  }
0x126: {  	[sflag:s7] =	ssyncset.done $0x0  }
0x127: {  	[sflag:s7] =	ssyncadd.s32 $0xFFFFF000  }
0x128: {  	_ =	swait.ge [sflag:s7], $0x1000  }
0x129: {  	[sflag:s7] =	ssyncset.done $0x0  }
0x12a: {  	[sflag:s7] =	ssyncadd.s32 $0xFFFFF000  }
0x12b: {  	_ =	swait.ge [sflag:s7], $0x1000  }
0x12c: {  	[sflag:s7] =	ssyncset.done $0x0  }
0x12d: {  	[sflag:s7] =	ssyncadd.s32 $0xFFFFF000  }
0x12e: {  	_ =	swait.ge [sflag:s7], $0x1000  }
0x12f: {  	[sflag:s7] =	ssyncset.done $0x0  }
0x130: {  	[sflag:s7] =	ssyncadd.s32 $0xFFFFF000  }
0x131: {  	_ =	swait.ge [sflag:s7], $0x1000  }
0x132: {  	[sflag:s7] =	ssyncset.done $0x0  }
0x133: {  	[sflag:s7] =	ssyncadd.s32 $0xFFFFF000  }
0x134: {  	_ =	swait.ge [sflag:s7], $0x1000  }
0x135: {  	[sflag:s7] =	ssyncset.done $0x0  }
0x136: {  	[sflag:s7] =	ssyncadd.s32 $0xFFFFF000  }
0x137: {  	_ =	swait.ge [sflag:s7], $0x1000  }
0x138: {  	[sflag:s7] =	ssyncset.done $0x0  }
0x139: {  	[sflag:s7] =	ssyncadd.s32 $0xFFFFF000  }
0x13a: {  	_ =	swait.ge [sflag:s7], $0x1000  }
0x13b: {  	[sflag:s7] =	ssyncset.done $0x0  }
0x13c: {  	[sflag:s7] =	ssyncadd.s32 $0xFFFFF000  }
0x13d: {  	_ =	swait.ge [sflag:s7], $0x1000  }
0x13e: {  	[sflag:s7] =	ssyncset.done $0x0  }
0x13f: {  	[sflag:s7] =	ssyncadd.s32 $0xFFFFF000  }
0x140: {  	_ =	swait.ge [sflag:s7], $0x1000  }
0x141: {  	[sflag:s7] =	ssyncset.done $0x0  }
0x142: {  	[sflag:s7] =	ssyncadd.s32 $0xFFFFF000  }
0x143: {  	_ =	swait.ge [sflag:s7], $0x1000  }
0x144: {  	[sflag:s7] =	ssyncset.done $0x0  }
0x145: {  	[sflag:s7] =	ssyncadd.s32 $0xFFFFF000  }
0x146: {  	_ =	swait.ge [sflag:s7], $0x1000  }
0x147: {  	[sflag:s7] =	ssyncset.done $0x0  }
0x148: {  	[sflag:s7] =	ssyncadd.s32 $0xFFFFF000  }
0x149: {  	_ =	swait.ge [sflag:s7], $0x1000  }
0x14a: {  	[sflag:s7] =	ssyncset.done $0x0  }
0x14b: {  	[sflag:s7] =	ssyncadd.s32 $0xFFFFF000  }
0x14c: {  	_ =	swait.ge [sflag:s7], $0x1000  }
0x14d: {  	[sflag:s7] =	ssyncset.done $0x0  }
0x14e: {  	[sflag:s7] =	ssyncadd.s32 $0xFFFFF000  }
0x14f: {  	_ =	swait.ge [sflag:s7], $0x1000  }
0x150: {  	[sflag:s7] =	ssyncset.done $0x0  }
0x151: {  	[sflag:s7] =	ssyncadd.s32 $0xFFFFF000  }
0x152: {  	_ =	swait.ge [sflag:s7], $0x1000  }
0x153: {  	[sflag:s7] =	ssyncset.done $0x0  }
0x154: {  	s21 =	rddreg [dreg:$0x6];
	[sflag:s7] =	ssyncadd.s32 $0xFFFFF000  }
0x155: {  	[tilespmem:s8], [sflag:$0x3] =	stream.linear.gather [hbm4b:s21+s3], $0xD000, $0x38;
	[tilespmem:$0x1C080] =	vst v63  }
0x156: {  	_ =	swait.ge [sflag:s5], $0xD000  }
0x157: {  	[sflag:s5] =	ssyncset.done $0x0  }
0x158: {  	s26 =	simm.s32 $0x1A00;
	s25 =	sld [smem:$0x7F2];
	[sflag:s5] =	ssyncadd.s32 $0xFFFF3000  }
0x159: {  	[hbm4b:s2+s4] =	stream.indirect.scatter [tilespmem:s8], [sflag:$0x2], $0x20, s26, s4, $0xb8;
	[tilespmem:$0x1C080] =	vst v63  }
0x15a: {  	s9 =	simm.s32 $0x3080;
	s28 =	sld [smem:$0x7F3]  }
0x15b: {  	[hbm4b:s2+s4] =	stream.indirect.scatter [tilespmem:s9], [sflag:$0x2], $0x20, s25, s4, $0xb8;
	[tilespmem:$0x1C080] =	vst v63  }
0x15c: {  	s29 =	sld [smem:$0x7F4]  }
0x15d: {  	[hbm4b:s2+s4] =	stream.indirect.scatter [tilespmem:s10], [sflag:$0x2], $0x20, s28, s4, $0xb8;
	[tilespmem:$0x1C080] =	vst v63  }
0x15e: {  	s11 =	simm.s32 $0x5080;
	s30 =	sld [smem:$0x7F5]  }
0x15f: {  	[hbm4b:s2+s4] =	stream.indirect.scatter [tilespmem:s11], [sflag:$0x2], $0x20, s29, s4, $0xb8;
	[tilespmem:$0x1C080] =	vst v63  }
0x160: {  	s0 =	sld [smem:$0x7F6]  }
0x161: {  	[hbm4b:s2+s4] =	stream.indirect.scatter [tilespmem:s12], [sflag:$0x2], $0x20, s30, s4, $0xb8;
	[tilespmem:$0x1C080] =	vst v63  }
0x162: {  	s13 =	simm.s32 $0x7080;
	s1 =	sld [smem:$0x7F7]  }
0x163: {  	[hbm4b:s2+s4] =	stream.indirect.scatter [tilespmem:s13], [sflag:$0x2], $0x20, s0, s4, $0xb8;
	[tilespmem:$0x1C080] =	vst v63  }
0x164: {  	s6 =	sld [smem:$0x7F8]  }
0x165: {  	[hbm4b:s2+s4] =	stream.indirect.scatter [tilespmem:s14], [sflag:$0x2], $0x20, s1, s4, $0xb8;
	[tilespmem:$0x1C080] =	vst v63  }
0x166: {  	s15 =	simm.s32 $0x9080;
	s21 =	sld [smem:$0x7F9]  }
0x167: {  	[hbm4b:s2+s4] =	stream.indirect.scatter [tilespmem:s15], [sflag:$0x2], $0x20, s6, s4, $0xb8;
	[tilespmem:$0x1C080] =	vst v63  }
0x168: {  	s26 =	sld [smem:$0x7FA]  }
0x169: {  	[hbm4b:s2+s4] =	stream.indirect.scatter [tilespmem:s16], [sflag:$0x2], $0x20, s21, s4, $0xb8;
	[tilespmem:$0x1C080] =	vst v63  }
0x16a: {  	s17 =	simm.s32 $0xB080;
	s28 =	sld [smem:$0x7FB]  }
0x16b: {  	[hbm4b:s2+s4] =	stream.indirect.scatter [tilespmem:s17], [sflag:$0x2], $0x20, s26, s4, $0xb8;
	[tilespmem:$0x1C080] =	vst v63  }
0x16c: {  	s29 =	sld [smem:$0x7FC]  }
0x16d: {  	[hbm4b:s2+s4] =	stream.indirect.scatter [tilespmem:s18], [sflag:$0x2], $0x20, s28, s4, $0xb8;
	[tilespmem:$0x1C080] =	vst v63  }
0x16e: {  	s30 =	sld [smem:$0x7FD]  }
0x16f: {  	[hbm4b:s2+s4] =	stream.indirect.scatter [tilespmem:s20], [sflag:$0x2], $0x20, s29, s4, $0xb8;
	[tilespmem:$0x1C080] =	vst v63  }
0x170: {  	_ = 	snop  }
0x171: {  	[hbm4b:s2+s4] =	stream.indirect.scatter [tilespmem:s31], [sflag:$0x2], $0x20, s30, s4, $0xb8;
	[tilespmem:$0x1C080] =	vst v63  }
0x172: {  	_ =	swait.ge [sflag:s7], $0x1000  }
0x173: {  	[sflag:s7] =	ssyncset.done $0x0  }
0x174: {  	[sflag:s7] =	ssyncadd.s32 $0xFFFFF000  }
0x175: {  	_ =	swait.ge [sflag:s7], $0x1000  }
0x176: {  	[sflag:s7] =	ssyncset.done $0x0  }
0x177: {  	[sflag:s7] =	ssyncadd.s32 $0xFFFFF000  }
0x178: {  	_ =	swait.ge [sflag:s7], $0x1000  }
0x179: {  	[sflag:s7] =	ssyncset.done $0x0  }
0x17a: {  	[sflag:s7] =	ssyncadd.s32 $0xFFFFF000  }
0x17b: {  	_ =	swait.ge [sflag:s7], $0x1000  }
0x17c: {  	[sflag:s7] =	ssyncset.done $0x0  }
0x17d: {  	[sflag:s7] =	ssyncadd.s32 $0xFFFFF000  }
0x17e: {  	_ =	swait.ge [sflag:s7], $0x1000  }
0x17f: {  	[sflag:s7] =	ssyncset.done $0x0  }
0x180: {  	[sflag:s7] =	ssyncadd.s32 $0xFFFFF000  }
0x181: {  	_ =	swait.ge [sflag:s7], $0x1000  }
0x182: {  	[sflag:s7] =	ssyncset.done $0x0  }
0x183: {  	[sflag:s7] =	ssyncadd.s32 $0xFFFFF000  }
0x184: {  	_ =	swait.ge [sflag:s7], $0x1000  }
0x185: {  	[sflag:s7] =	ssyncset.done $0x0  }
0x186: {  	[sflag:s7] =	ssyncadd.s32 $0xFFFFF000  }
0x187: {  	_ =	swait.ge [sflag:s7], $0x1000  }
0x188: {  	[sflag:s7] =	ssyncset.done $0x0  }
0x189: {  	[sflag:s7] =	ssyncadd.s32 $0xFFFFF000  }
0x18a: {  	_ =	swait.ge [sflag:s7], $0x1000  }
0x18b: {  	[sflag:s7] =	ssyncset.done $0x0  }
0x18c: {  	[sflag:s7] =	ssyncadd.s32 $0xFFFFF000  }
0x18d: {  	_ =	swait.ge [sflag:s7], $0x1000  }
0x18e: {  	[sflag:s7] =	ssyncset.done $0x0  }
0x18f: {  	[sflag:s7] =	ssyncadd.s32 $0xFFFFF000  }
0x190: {  	_ =	swait.ge [sflag:s7], $0x1000  }
0x191: {  	[sflag:s7] =	ssyncset.done $0x0  }
0x192: {  	p1 =	sne.s32 s19, $0x1;
	[sflag:s7] =	ssyncadd.s32 $0xFFFFF000  }
.Ltmp1:
0x193: {  	_ =	swait.ge [sflag:s7], $0x1000;
	(pc) =	sbr.rel @!p1 .LBB2_6-.Ltmp1, $4  }
0x194: {  	[sflag:s7] =	ssyncset.done $0x0  }
0x195: {  	[sflag:s7] =	ssyncadd.s32 $0xFFFFF000  }
0x196: {  	p0 =	por $0x1, $0x1;
	_ =	swait.ge [sflag:s7], $0x1000  }
0x197: {  	s24 =	sadd.s32 $0xFFFFFFFF, s19;
	s25 =	rddreg [dreg:$0x3];
	[sflag:s7] =	ssyncset.done $0x0  }
0x198: {  	s19 =	simm.s32 $0xD00;
	s31 =	simm.s32 $0xD080;
	s1 =	simm.s32 $0xE080  }
0x199: {  	s29 =	simm.s32 $0x11080;
	s20 =	simm.s32 $0x12080;
	s6 =	simm.s32 $0x14080  }
0x19a: {  	s28 =	simm.s32 $0x15080;
	s21 =	simm.s32 $0x19080;
	s30 =	simm.s32 $0x1A080  }
.LBB2_3:
0x19b: {  	[sflag:s7] =	ssyncadd.s32 $0xFFFFF000  }
0x19c: {  	[tilespmem:s3], [sflag:$0x3] =	stream.linear.gather [hbm4b:s25+s3], $0xD00, $0x38;
	[tilespmem:$0x1C080] =	vst v63  }
0x19d: {  	_ =	swait.ge [sflag:s5], $0xD00  }
0x19e: {  	[sflag:s5] =	ssyncset.done $0x0  }
0x19f: {  	s0 =	rddreg [dreg:$0x4];
	[sflag:s5] =	ssyncadd.s32 $0xFFFFF300  }
0x1a0: {  	[tilespmem:s19], [sflag:$0x3] =	stream.linear.gather [hbm4b:s0+s3], $0xD00, $0x38;
	[tilespmem:$0x1C080] =	vst v63  }
0x1a1: {  	_ =	swait.ge [sflag:s5], $0xD00  }
0x1a2: {  	[sflag:s5] =	ssyncset.done $0x0  }
0x1a3: {  	s0 =	simm.s32 $0x1A00;
	s26 =	rddreg [dreg:$0x5];
	[sflag:s5] =	ssyncadd.s32 $0xFFFFF300  }
0x1a4: {  	[tilespmem:s0], [sflag:$0x3] =	stream.linear.gather [hbm4b:s26+s3], $0x680, $0x38;
	[tilespmem:$0x1C080] =	vst v63  }
0x1a5: {  	_ =	swait.ge [sflag:s5], $0x680  }
0x1a6: {  	[sflag:s5] =	ssyncset.done $0x0  }
0x1a7: {  	[sflag:s5] =	ssyncadd.s32 $0xFFFFF980  }
0x1a8: {  	[tilespmem:s8], [sflag:$0x1] =	stream.indirect.gather [hbm4b:s22+s4], $0x20, s3, s4, $0xb8;
	[tilespmem:$0x1C080] =	vst v63  }
0x1a9: {  	_ = 	snop  }
0x1aa: {  	[tilespmem:s9], [sflag:$0x1] =	stream.indirect.gather [hbm4b:s22+s4], $0x20, s4, s4, $0xb8;
	[tilespmem:$0x1C080] =	vst v63  }
0x1ab: {  	s8 =	rddreg [dreg:$0x7]  }
0x1ac: {  	[tilespmem:s10], [sflag:$0x1] =	stream.indirect.gather [hbm4b:s22+s4], $0x20, s8, s4, $0xb8;
	[tilespmem:$0x1C080] =	vst v63  }
0x1ad: {  	s26 =	rddreg [dreg:$0x8]  }
0x1ae: {  	[tilespmem:s11], [sflag:$0x1] =	stream.indirect.gather [hbm4b:s22+s4], $0x20, s26, s4, $0xb8;
	[tilespmem:$0x1C080] =	vst v63  }
0x1af: {  	s10 =	rddreg [dreg:$0x9]  }
0x1b0: {  	[tilespmem:s12], [sflag:$0x1] =	stream.indirect.gather [hbm4b:s22+s4], $0x20, s10, s4, $0xb8;
	[tilespmem:$0x1C080] =	vst v63  }
0x1b1: {  	s11 =	rddreg [dreg:$0xa]  }
0x1b2: {  	[tilespmem:s13], [sflag:$0x1] =	stream.indirect.gather [hbm4b:s22+s4], $0x20, s11, s4, $0xb8;
	[tilespmem:$0x1C080] =	vst v63  }
0x1b3: {  	s12 =	rddreg [dreg:$0xb]  }
0x1b4: {  	[tilespmem:s14], [sflag:$0x1] =	stream.indirect.gather [hbm4b:s22+s4], $0x20, s12, s4, $0xb8;
	[tilespmem:$0x1C080] =	vst v63  }
0x1b5: {  	s13 =	rddreg [dreg:$0xc]  }
0x1b6: {  	[tilespmem:s15], [sflag:$0x1] =	stream.indirect.gather [hbm4b:s22+s4], $0x20, s13, s4, $0xb8;
	[tilespmem:$0x1C080] =	vst v63  }
0x1b7: {  	s14 =	rddreg [dreg:$0xd]  }
0x1b8: {  	[tilespmem:s16], [sflag:$0x1] =	stream.indirect.gather [hbm4b:s22+s4], $0x20, s14, s4, $0xb8;
	[tilespmem:$0x1C080] =	vst v63  }
0x1b9: {  	s15 =	rddreg [dreg:$0xe]  }
0x1ba: {  	[tilespmem:s17], [sflag:$0x1] =	stream.indirect.gather [hbm4b:s22+s4], $0x20, s15, s4, $0xb8;
	[tilespmem:$0x1C080] =	vst v63  }
0x1bb: {  	s16 =	rddreg [dreg:$0xf]  }
0x1bc: {  	[tilespmem:s18], [sflag:$0x1] =	stream.indirect.gather [hbm4b:s22+s4], $0x20, s16, s4, $0xb8;
	[tilespmem:$0x1C080] =	vst v63  }
0x1bd: {  	s0 =	rddreg [dreg:$0x10]  }
0x1be: {  	[tilespmem:s31], [sflag:$0x1] =	stream.indirect.gather [hbm4b:s22+s4], $0x20, s0, s4, $0xb8;
	[tilespmem:$0x1C080] =	vst v63  }
0x1bf: {  	s3 =	rddreg [dreg:$0x11]  }
0x1c0: {  	[tilespmem:s1], [sflag:$0x1] =	stream.indirect.gather [hbm4b:s22+s4], $0x20, s3, s4, $0xb8;
	[tilespmem:$0x1C080] =	vst v63  }
0x1c1: {  	s8 =	rddreg [dreg:$0x12];
	s11 =	simm.s32 $0xF080  }
0x1c2: {  	[tilespmem:s11], [sflag:$0x1] =	stream.indirect.gather [hbm4b:s22+s4], $0x20, s8, s4, $0xb8;
	[tilespmem:$0x1C080] =	vst v63  }
0x1c3: {  	s9 =	rddreg [dreg:$0x13];
	s17 =	simm.s32 $0x10080  }
0x1c4: {  	[tilespmem:s17], [sflag:$0x1] =	stream.indirect.gather [hbm4b:s22+s4], $0x20, s9, s4, $0xb8;
	[tilespmem:$0x1C080] =	vst v63  }
0x1c5: {  	s10 =	rddreg [dreg:$0x14]  }
0x1c6: {  	[tilespmem:s29], [sflag:$0x1] =	stream.indirect.gather [hbm4b:s22+s4], $0x20, s10, s4, $0xb8;
	[tilespmem:$0x1C080] =	vst v63  }
0x1c7: {  	s13 =	rddreg [dreg:$0x15]  }
0x1c8: {  	[tilespmem:s20], [sflag:$0x1] =	stream.indirect.gather [hbm4b:s22+s4], $0x20, s13, s4, $0xb8;
	[tilespmem:$0x1C080] =	vst v63  }
0x1c9: {  	s14 =	rddreg [dreg:$0x16];
	s8 =	simm.s32 $0x13080  }
0x1ca: {  	[tilespmem:s8], [sflag:$0x1] =	stream.indirect.gather [hbm4b:s22+s4], $0x20, s14, s4, $0xb8;
	[tilespmem:$0x1C080] =	vst v63  }
0x1cb: {  	s15 =	rddreg [dreg:$0x17]  }
0x1cc: {  	[tilespmem:s6], [sflag:$0x1] =	stream.indirect.gather [hbm4b:s22+s4], $0x20, s15, s4, $0xb8;
	[tilespmem:$0x1C080] =	vst v63  }
0x1cd: {  	s16 =	rddreg [dreg:$0x18]  }
0x1ce: {  	[tilespmem:s28], [sflag:$0x1] =	stream.indirect.gather [hbm4b:s22+s4], $0x20, s16, s4, $0xb8;
	[tilespmem:$0x1C080] =	vst v63  }
0x1cf: {  	s0 =	rddreg [dreg:$0x19];
	s15 =	simm.s32 $0x16080  }
0x1d0: {  	[tilespmem:s15], [sflag:$0x1] =	stream.indirect.gather [hbm4b:s22+s4], $0x20, s0, s4, $0xb8;
	[tilespmem:$0x1C080] =	vst v63  }
0x1d1: {  	s9 =	rddreg [dreg:$0x1a];
	s13 =	simm.s32 $0x17080  }
0x1d2: {  	[tilespmem:s13], [sflag:$0x1] =	stream.indirect.gather [hbm4b:s22+s4], $0x20, s9, s4, $0xb8;
	[tilespmem:$0x1C080] =	vst v63  }
0x1d3: {  	s10 =	rddreg [dreg:$0x1b];
	s0 =	simm.s32 $0x18080  }
0x1d4: {  	[tilespmem:s0], [sflag:$0x1] =	stream.indirect.gather [hbm4b:s22+s4], $0x20, s10, s4, $0xb8;
	[tilespmem:$0x1C080] =	vst v63  }
0x1d5: {  	s9 =	rddreg [dreg:$0x1c]  }
0x1d6: {  	[tilespmem:s21], [sflag:$0x1] =	stream.indirect.gather [hbm4b:s22+s4], $0x20, s9, s4, $0xb8;
	[tilespmem:$0x1C080] =	vst v63  }
0x1d7: {  	s10 =	rddreg [dreg:$0x1d]  }
0x1d8: {  	[tilespmem:s30], [sflag:$0x1] =	stream.indirect.gather [hbm4b:s22+s4], $0x20, s10, s4, $0xb8;
	[tilespmem:$0x1C080] =	vst v63  }
0x1d9: {  	s26 =	rddreg [dreg:$0x1e];
	s9 =	simm.s32 $0x1B080  }
0x1da: {  	[tilespmem:s9], [sflag:$0x1] =	stream.indirect.gather [hbm4b:s22+s4], $0x20, s26, s4, $0xb8;
	[tilespmem:$0x1C080] =	vst v63  }
0x1db: {  	_ =	swait.ge [sflag:s23], $0x1000  }
0x1dc: {  	[sflag:s23] =	ssyncset.done $0x0  }
0x1dd: {  	[sflag:s23] =	ssyncadd.s32 $0xFFFFF000  }
0x1de: {  	_ =	swait.ge [sflag:s23], $0x1000  }
0x1df: {  	[sflag:s23] =	ssyncset.done $0x0  }
0x1e0: {  	[sflag:s23] =	ssyncadd.s32 $0xFFFFF000  }
0x1e1: {  	_ =	swait.ge [sflag:s23], $0x1000  }
0x1e2: {  	[sflag:s23] =	ssyncset.done $0x0  }
0x1e3: {  	[sflag:s23] =	ssyncadd.s32 $0xFFFFF000  }
0x1e4: {  	_ =	swait.ge [sflag:s23], $0x1000  }
0x1e5: {  	[sflag:s23] =	ssyncset.done $0x0  }
0x1e6: {  	[sflag:s23] =	ssyncadd.s32 $0xFFFFF000  }
0x1e7: {  	_ =	swait.ge [sflag:s23], $0x1000  }
0x1e8: {  	[sflag:s23] =	ssyncset.done $0x0  }
0x1e9: {  	[sflag:s23] =	ssyncadd.s32 $0xFFFFF000  }
0x1ea: {  	_ =	swait.ge [sflag:s23], $0x1000  }
0x1eb: {  	[sflag:s23] =	ssyncset.done $0x0  }
0x1ec: {  	[sflag:s23] =	ssyncadd.s32 $0xFFFFF000  }
0x1ed: {  	_ =	swait.ge [sflag:s23], $0x1000  }
0x1ee: {  	[sflag:s23] =	ssyncset.done $0x0  }
0x1ef: {  	[sflag:s23] =	ssyncadd.s32 $0xFFFFF000  }
0x1f0: {  	_ =	swait.ge [sflag:s23], $0x1000  }
0x1f1: {  	[sflag:s23] =	ssyncset.done $0x0  }
0x1f2: {  	[sflag:s23] =	ssyncadd.s32 $0xFFFFF000  }
0x1f3: {  	_ =	swait.ge [sflag:s23], $0x1000  }
0x1f4: {  	[sflag:s23] =	ssyncset.done $0x0  }
0x1f5: {  	[sflag:s23] =	ssyncadd.s32 $0xFFFFF000  }
0x1f6: {  	_ =	swait.ge [sflag:s23], $0x1000  }
0x1f7: {  	[sflag:s23] =	ssyncset.done $0x0  }
0x1f8: {  	[sflag:s23] =	ssyncadd.s32 $0xFFFFF000  }
0x1f9: {  	_ =	swait.ge [sflag:s23], $0x1000  }
0x1fa: {  	[sflag:s23] =	ssyncset.done $0x0  }
0x1fb: {  	[sflag:s23] =	ssyncadd.s32 $0xFFFFF000  }
0x1fc: {  	_ =	swait.ge [sflag:s23], $0x1000  }
0x1fd: {  	[sflag:s23] =	ssyncset.done $0x0  }
0x1fe: {  	[sflag:s23] =	ssyncadd.s32 $0xFFFFF000  }
0x1ff: {  	_ =	swait.ge [sflag:s23], $0x1000  }
0x200: {  	[sflag:s23] =	ssyncset.done $0x0  }
0x201: {  	[sflag:s23] =	ssyncadd.s32 $0xFFFFF000  }
0x202: {  	_ =	swait.ge [sflag:s23], $0x1000  }
0x203: {  	[sflag:s23] =	ssyncset.done $0x0  }
0x204: {  	[sflag:s23] =	ssyncadd.s32 $0xFFFFF000  }
0x205: {  	_ =	swait.ge [sflag:s23], $0x1000  }
0x206: {  	[sflag:s23] =	ssyncset.done $0x0  }
0x207: {  	[sflag:s23] =	ssyncadd.s32 $0xFFFFF000  }
0x208: {  	_ =	swait.ge [sflag:s23], $0x1000  }
0x209: {  	[sflag:s23] =	ssyncset.done $0x0  }
0x20a: {  	[sflag:s23] =	ssyncadd.s32 $0xFFFFF000  }
0x20b: {  	_ =	swait.ge [sflag:s23], $0x1000  }
0x20c: {  	[sflag:s23] =	ssyncset.done $0x0  }
0x20d: {  	[sflag:s23] =	ssyncadd.s32 $0xFFFFF000  }
0x20e: {  	_ =	swait.ge [sflag:s23], $0x1000  }
0x20f: {  	[sflag:s23] =	ssyncset.done $0x0  }
0x210: {  	[sflag:s23] =	ssyncadd.s32 $0xFFFFF000  }
0x211: {  	_ =	swait.ge [sflag:s23], $0x1000  }
0x212: {  	[sflag:s23] =	ssyncset.done $0x0  }
0x213: {  	[sflag:s23] =	ssyncadd.s32 $0xFFFFF000  }
0x214: {  	_ =	swait.ge [sflag:s23], $0x1000  }
0x215: {  	[sflag:s23] =	ssyncset.done $0x0  }
0x216: {  	[sflag:s23] =	ssyncadd.s32 $0xFFFFF000  }
0x217: {  	_ =	swait.ge [sflag:s23], $0x1000  }
0x218: {  	[sflag:s23] =	ssyncset.done $0x0  }
0x219: {  	[sflag:s23] =	ssyncadd.s32 $0xFFFFF000  }
0x21a: {  	_ =	swait.ge [sflag:s23], $0x1000  }
0x21b: {  	[sflag:s23] =	ssyncset.done $0x0  }
0x21c: {  	[sflag:s23] =	ssyncadd.s32 $0xFFFFF000  }
0x21d: {  	_ =	swait.ge [sflag:s23], $0x1000  }
0x21e: {  	[sflag:s23] =	ssyncset.done $0x0  }
0x21f: {  	[sflag:s23] =	ssyncadd.s32 $0xFFFFF000  }
0x220: {  	_ =	swait.ge [sflag:s23], $0x1000  }
0x221: {  	[sflag:s23] =	ssyncset.done $0x0  }
0x222: {  	[sflag:s23] =	ssyncadd.s32 $0xFFFFF000  }
0x223: {  	_ =	swait.ge [sflag:s23], $0x1000  }
0x224: {  	[sflag:s23] =	ssyncset.done $0x0  }
0x225: {  	[sflag:s23] =	ssyncadd.s32 $0xFFFFF000  }
0x226: {  	_ =	swait.ge [sflag:s23], $0x1000  }
0x227: {  	[sflag:s23] =	ssyncset.done $0x0  }
0x228: {  	s3 =	simm.s32 $0x2080;
	s25 =	rddreg [dreg:$0x1f];
	[sflag:s23] =	ssyncadd.s32 $0xFFFFF000  }
0x229: {  	[hbm4b:s2+s4] =	stream.indirect.scatter [tilespmem:s3], [sflag:$0x2], $0x20, s19, s4, $0xb8;
	[tilespmem:$0x1C080] =	vst v63  }
0x22a: {  	s10 =	simm.s32 $0x3080;
	s26 =	sld [smem:$0x7DA]  }
0x22b: {  	[hbm4b:s2+s4] =	stream.indirect.scatter [tilespmem:s10], [sflag:$0x2], $0x20, s25, s4, $0xb8;
	[tilespmem:$0x1C080] =	vst v63  }
0x22c: {  	s10 =	simm.s32 $0x4080;
	s25 =	sld [smem:$0x7DB]  }
0x22d: {  	[hbm4b:s2+s4] =	stream.indirect.scatter [tilespmem:s10], [sflag:$0x2], $0x20, s26, s4, $0xb8;
	[tilespmem:$0x1C080] =	vst v63  }
0x22e: {  	s12 =	simm.s32 $0x5080;
	s26 =	sld [smem:$0x7DC]  }
0x22f: {  	[hbm4b:s2+s4] =	stream.indirect.scatter [tilespmem:s12], [sflag:$0x2], $0x20, s25, s4, $0xb8;
	[tilespmem:$0x1C080] =	vst v63  }
0x230: {  	s12 =	simm.s32 $0x6080;
	s25 =	sld [smem:$0x7DD]  }
0x231: {  	[hbm4b:s2+s4] =	stream.indirect.scatter [tilespmem:s12], [sflag:$0x2], $0x20, s26, s4, $0xb8;
	[tilespmem:$0x1C080] =	vst v63  }
0x232: {  	s14 =	simm.s32 $0x7080;
	s26 =	sld [smem:$0x7DE]  }
0x233: {  	[hbm4b:s2+s4] =	stream.indirect.scatter [tilespmem:s14], [sflag:$0x2], $0x20, s25, s4, $0xb8;
	[tilespmem:$0x1C080] =	vst v63  }
0x234: {  	s14 =	simm.s32 $0x8080;
	s25 =	sld [smem:$0x7DF]  }
0x235: {  	[hbm4b:s2+s4] =	stream.indirect.scatter [tilespmem:s14], [sflag:$0x2], $0x20, s26, s4, $0xb8;
	[tilespmem:$0x1C080] =	vst v63  }
0x236: {  	s16 =	simm.s32 $0x9080;
	s26 =	sld [smem:$0x7E0]  }
0x237: {  	[hbm4b:s2+s4] =	stream.indirect.scatter [tilespmem:s16], [sflag:$0x2], $0x20, s25, s4, $0xb8;
	[tilespmem:$0x1C080] =	vst v63  }
0x238: {  	s16 =	simm.s32 $0xA080;
	s25 =	sld [smem:$0x7E1]  }
0x239: {  	[hbm4b:s2+s4] =	stream.indirect.scatter [tilespmem:s16], [sflag:$0x2], $0x20, s26, s4, $0xb8;
	[tilespmem:$0x1C080] =	vst v63  }
0x23a: {  	s18 =	simm.s32 $0xB080;
	s26 =	sld [smem:$0x7E2]  }
0x23b: {  	[hbm4b:s2+s4] =	stream.indirect.scatter [tilespmem:s18], [sflag:$0x2], $0x20, s25, s4, $0xb8;
	[tilespmem:$0x1C080] =	vst v63  }
0x23c: {  	s18 =	simm.s32 $0xC080;
	s25 =	sld [smem:$0x7E3]  }
0x23d: {  	[hbm4b:s2+s4] =	stream.indirect.scatter [tilespmem:s18], [sflag:$0x2], $0x20, s26, s4, $0xb8;
	[tilespmem:$0x1C080] =	vst v63  }
0x23e: {  	s26 =	sld [smem:$0x7E4]  }
0x23f: {  	[hbm4b:s2+s4] =	stream.indirect.scatter [tilespmem:s31], [sflag:$0x2], $0x20, s25, s4, $0xb8;
	[tilespmem:$0x1C080] =	vst v63  }
0x240: {  	s25 =	sld [smem:$0x7E5]  }
0x241: {  	[hbm4b:s2+s4] =	stream.indirect.scatter [tilespmem:s1], [sflag:$0x2], $0x20, s26, s4, $0xb8;
	[tilespmem:$0x1C080] =	vst v63  }
0x242: {  	s26 =	sld [smem:$0x7E6]  }
0x243: {  	[hbm4b:s2+s4] =	stream.indirect.scatter [tilespmem:s11], [sflag:$0x2], $0x20, s25, s4, $0xb8;
	[tilespmem:$0x1C080] =	vst v63  }
0x244: {  	s25 =	sld [smem:$0x7E7]  }
0x245: {  	[hbm4b:s2+s4] =	stream.indirect.scatter [tilespmem:s17], [sflag:$0x2], $0x20, s26, s4, $0xb8;
	[tilespmem:$0x1C080] =	vst v63  }
0x246: {  	s26 =	sld [smem:$0x7E8]  }
0x247: {  	[hbm4b:s2+s4] =	stream.indirect.scatter [tilespmem:s29], [sflag:$0x2], $0x20, s25, s4, $0xb8;
	[tilespmem:$0x1C080] =	vst v63  }
0x248: {  	s25 =	sld [smem:$0x7E9]  }
0x249: {  	[hbm4b:s2+s4] =	stream.indirect.scatter [tilespmem:s20], [sflag:$0x2], $0x20, s26, s4, $0xb8;
	[tilespmem:$0x1C080] =	vst v63  }
0x24a: {  	s26 =	sld [smem:$0x7EA]  }
0x24b: {  	[hbm4b:s2+s4] =	stream.indirect.scatter [tilespmem:s8], [sflag:$0x2], $0x20, s25, s4, $0xb8;
	[tilespmem:$0x1C080] =	vst v63  }
0x24c: {  	s25 =	sld [smem:$0x7EB]  }
0x24d: {  	[hbm4b:s2+s4] =	stream.indirect.scatter [tilespmem:s6], [sflag:$0x2], $0x20, s26, s4, $0xb8;
	[tilespmem:$0x1C080] =	vst v63  }
0x24e: {  	s26 =	sld [smem:$0x7EC]  }
0x24f: {  	[hbm4b:s2+s4] =	stream.indirect.scatter [tilespmem:s28], [sflag:$0x2], $0x20, s25, s4, $0xb8;
	[tilespmem:$0x1C080] =	vst v63  }
0x250: {  	s25 =	sld [smem:$0x7ED]  }
0x251: {  	[hbm4b:s2+s4] =	stream.indirect.scatter [tilespmem:s15], [sflag:$0x2], $0x20, s26, s4, $0xb8;
	[tilespmem:$0x1C080] =	vst v63  }
0x252: {  	s26 =	sld [smem:$0x7EE]  }
0x253: {  	[hbm4b:s2+s4] =	stream.indirect.scatter [tilespmem:s13], [sflag:$0x2], $0x20, s25, s4, $0xb8;
	[tilespmem:$0x1C080] =	vst v63  }
0x254: {  	s25 =	sld [smem:$0x7EF]  }
0x255: {  	[hbm4b:s2+s4] =	stream.indirect.scatter [tilespmem:s0], [sflag:$0x2], $0x20, s26, s4, $0xb8;
	[tilespmem:$0x1C080] =	vst v63  }
0x256: {  	s26 =	sld [smem:$0x7F0]  }
0x257: {  	[hbm4b:s2+s4] =	stream.indirect.scatter [tilespmem:s21], [sflag:$0x2], $0x20, s25, s4, $0xb8;
	[tilespmem:$0x1C080] =	vst v63  }
0x258: {  	s0 =	sld [smem:$0x7F1]  }
0x259: {  	[hbm4b:s2+s4] =	stream.indirect.scatter [tilespmem:s30], [sflag:$0x2], $0x20, s26, s4, $0xb8;
	[tilespmem:$0x1C080] =	vst v63  }
0x25a: {  	_ = 	snop  }
0x25b: {  	[hbm4b:s2+s4] =	stream.indirect.scatter [tilespmem:s9], [sflag:$0x2], $0x20, s0, s4, $0xb8;
	[tilespmem:$0x1C080] =	vst v63  }
0x25c: {  	_ =	swait.ge [sflag:s7], $0x1000  }
0x25d: {  	[sflag:s7] =	ssyncset.done $0x0  }
0x25e: {  	[sflag:s7] =	ssyncadd.s32 $0xFFFFF000  }
0x25f: {  	_ =	swait.ge [sflag:s7], $0x1000  }
0x260: {  	[sflag:s7] =	ssyncset.done $0x0  }
0x261: {  	[sflag:s7] =	ssyncadd.s32 $0xFFFFF000  }
0x262: {  	_ =	swait.ge [sflag:s7], $0x1000  }
0x263: {  	[sflag:s7] =	ssyncset.done $0x0  }
0x264: {  	[sflag:s7] =	ssyncadd.s32 $0xFFFFF000  }
0x265: {  	_ =	swait.ge [sflag:s7], $0x1000  }
0x266: {  	[sflag:s7] =	ssyncset.done $0x0  }
0x267: {  	[sflag:s7] =	ssyncadd.s32 $0xFFFFF000  }
0x268: {  	_ =	swait.ge [sflag:s7], $0x1000  }
0x269: {  	[sflag:s7] =	ssyncset.done $0x0  }
0x26a: {  	[sflag:s7] =	ssyncadd.s32 $0xFFFFF000  }
0x26b: {  	_ =	swait.ge [sflag:s7], $0x1000  }
0x26c: {  	[sflag:s7] =	ssyncset.done $0x0  }
0x26d: {  	[sflag:s7] =	ssyncadd.s32 $0xFFFFF000  }
0x26e: {  	_ =	swait.ge [sflag:s7], $0x1000  }
0x26f: {  	[sflag:s7] =	ssyncset.done $0x0  }
0x270: {  	[sflag:s7] =	ssyncadd.s32 $0xFFFFF000  }
0x271: {  	_ =	swait.ge [sflag:s7], $0x1000  }
0x272: {  	[sflag:s7] =	ssyncset.done $0x0  }
0x273: {  	[sflag:s7] =	ssyncadd.s32 $0xFFFFF000  }
0x274: {  	_ =	swait.ge [sflag:s7], $0x1000  }
0x275: {  	[sflag:s7] =	ssyncset.done $0x0  }
0x276: {  	[sflag:s7] =	ssyncadd.s32 $0xFFFFF000  }
0x277: {  	_ =	swait.ge [sflag:s7], $0x1000  }
0x278: {  	[sflag:s7] =	ssyncset.done $0x0  }
0x279: {  	[sflag:s7] =	ssyncadd.s32 $0xFFFFF000  }
0x27a: {  	_ =	swait.ge [sflag:s7], $0x1000  }
0x27b: {  	[sflag:s7] =	ssyncset.done $0x0  }
0x27c: {  	[sflag:s7] =	ssyncadd.s32 $0xFFFFF000  }
0x27d: {  	_ =	swait.ge [sflag:s7], $0x1000  }
0x27e: {  	[sflag:s7] =	ssyncset.done $0x0  }
0x27f: {  	[sflag:s7] =	ssyncadd.s32 $0xFFFFF000  }
0x280: {  	_ =	swait.ge [sflag:s7], $0x1000  }
0x281: {  	[sflag:s7] =	ssyncset.done $0x0  }
0x282: {  	[sflag:s7] =	ssyncadd.s32 $0xFFFFF000  }
0x283: {  	_ =	swait.ge [sflag:s7], $0x1000  }
0x284: {  	[sflag:s7] =	ssyncset.done $0x0  }
0x285: {  	[sflag:s7] =	ssyncadd.s32 $0xFFFFF000  }
0x286: {  	_ =	swait.ge [sflag:s7], $0x1000  }
0x287: {  	[sflag:s7] =	ssyncset.done $0x0  }
0x288: {  	[sflag:s7] =	ssyncadd.s32 $0xFFFFF000  }
0x289: {  	_ =	swait.ge [sflag:s7], $0x1000  }
0x28a: {  	[sflag:s7] =	ssyncset.done $0x0  }
0x28b: {  	[sflag:s7] =	ssyncadd.s32 $0xFFFFF000  }
0x28c: {  	_ =	swait.ge [sflag:s7], $0x1000  }
0x28d: {  	[sflag:s7] =	ssyncset.done $0x0  }
0x28e: {  	[sflag:s7] =	ssyncadd.s32 $0xFFFFF000  }
0x28f: {  	_ =	swait.ge [sflag:s7], $0x1000  }
0x290: {  	[sflag:s7] =	ssyncset.done $0x0  }
0x291: {  	[sflag:s7] =	ssyncadd.s32 $0xFFFFF000  }
0x292: {  	_ =	swait.ge [sflag:s7], $0x1000  }
0x293: {  	[sflag:s7] =	ssyncset.done $0x0  }
0x294: {  	[sflag:s7] =	ssyncadd.s32 $0xFFFFF000  }
0x295: {  	_ =	swait.ge [sflag:s7], $0x1000  }
0x296: {  	[sflag:s7] =	ssyncset.done $0x0  }
0x297: {  	[sflag:s7] =	ssyncadd.s32 $0xFFFFF000  }
0x298: {  	_ =	swait.ge [sflag:s7], $0x1000  }
0x299: {  	[sflag:s7] =	ssyncset.done $0x0  }
0x29a: {  	[sflag:s7] =	ssyncadd.s32 $0xFFFFF000  }
0x29b: {  	_ =	swait.ge [sflag:s7], $0x1000  }
0x29c: {  	[sflag:s7] =	ssyncset.done $0x0  }
0x29d: {  	[sflag:s7] =	ssyncadd.s32 $0xFFFFF000  }
0x29e: {  	_ =	swait.ge [sflag:s7], $0x1000  }
0x29f: {  	[sflag:s7] =	ssyncset.done $0x0  }
0x2a0: {  	[sflag:s7] =	ssyncadd.s32 $0xFFFFF000  }
0x2a1: {  	_ =	swait.ge [sflag:s7], $0x1000  }
0x2a2: {  	[sflag:s7] =	ssyncset.done $0x0  }
0x2a3: {  	[sflag:s7] =	ssyncadd.s32 $0xFFFFF000  }
0x2a4: {  	_ =	swait.ge [sflag:s7], $0x1000  }
0x2a5: {  	[sflag:s7] =	ssyncset.done $0x0  }
0x2a6: {  	[sflag:s7] =	ssyncadd.s32 $0xFFFFF000  }
0x2a7: {  	_ =	swait.ge [sflag:s7], $0x1000  }
0x2a8: {  	s3 =	simm.s32 $0x0;
	[sflag:s7] =	ssyncset.done $0x0  }
0x2a9: {  	s8 =	simm.s32 $0x2080;
	s0 =	rddreg [dreg:$0x6];
	[sflag:s7] =	ssyncadd.s32 $0xFFFFF000  }
0x2aa: {  	[tilespmem:s8], [sflag:$0x3] =	stream.linear.gather [hbm4b:s0+s3], $0xD000, $0x38;
	[tilespmem:$0x1C080] =	vst v63  }
0x2ab: {  	_ =	swait.ge [sflag:s5], $0xD000  }
0x2ac: {  	[sflag:s5] =	ssyncset.done $0x0  }
0x2ad: {  	s26 =	simm.s32 $0x1A00;
	s25 =	sld [smem:$0x7F2];
	[sflag:s5] =	ssyncadd.s32 $0xFFFF3000  }
0x2ae: {  	[hbm4b:s2+s4] =	stream.indirect.scatter [tilespmem:s8], [sflag:$0x2], $0x20, s26, s4, $0xb8;
	[tilespmem:$0x1C080] =	vst v63  }
0x2af: {  	s9 =	simm.s32 $0x3080;
	s0 =	sld [smem:$0x7F3]  }
0x2b0: {  	[hbm4b:s2+s4] =	stream.indirect.scatter [tilespmem:s9], [sflag:$0x2], $0x20, s25, s4, $0xb8;
	[tilespmem:$0x1C080] =	vst v63  }
0x2b1: {  	s25 =	sld [smem:$0x7F4]  }
0x2b2: {  	[hbm4b:s2+s4] =	stream.indirect.scatter [tilespmem:s10], [sflag:$0x2], $0x20, s0, s4, $0xb8;
	[tilespmem:$0x1C080] =	vst v63  }
0x2b3: {  	s11 =	simm.s32 $0x5080;
	s0 =	sld [smem:$0x7F5]  }
0x2b4: {  	[hbm4b:s2+s4] =	stream.indirect.scatter [tilespmem:s11], [sflag:$0x2], $0x20, s25, s4, $0xb8;
	[tilespmem:$0x1C080] =	vst v63  }
0x2b5: {  	s25 =	sld [smem:$0x7F6]  }
0x2b6: {  	[hbm4b:s2+s4] =	stream.indirect.scatter [tilespmem:s12], [sflag:$0x2], $0x20, s0, s4, $0xb8;
	[tilespmem:$0x1C080] =	vst v63  }
0x2b7: {  	s13 =	simm.s32 $0x7080;
	s0 =	sld [smem:$0x7F7]  }
0x2b8: {  	[hbm4b:s2+s4] =	stream.indirect.scatter [tilespmem:s13], [sflag:$0x2], $0x20, s25, s4, $0xb8;
	[tilespmem:$0x1C080] =	vst v63  }
0x2b9: {  	s25 =	sld [smem:$0x7F8]  }
0x2ba: {  	[hbm4b:s2+s4] =	stream.indirect.scatter [tilespmem:s14], [sflag:$0x2], $0x20, s0, s4, $0xb8;
	[tilespmem:$0x1C080] =	vst v63  }
0x2bb: {  	s15 =	simm.s32 $0x9080;
	s0 =	sld [smem:$0x7F9]  }
0x2bc: {  	[hbm4b:s2+s4] =	stream.indirect.scatter [tilespmem:s15], [sflag:$0x2], $0x20, s25, s4, $0xb8;
	[tilespmem:$0x1C080] =	vst v63  }
0x2bd: {  	s25 =	sld [smem:$0x7FA]  }
0x2be: {  	[hbm4b:s2+s4] =	stream.indirect.scatter [tilespmem:s16], [sflag:$0x2], $0x20, s0, s4, $0xb8;
	[tilespmem:$0x1C080] =	vst v63  }
0x2bf: {  	s17 =	simm.s32 $0xB080;
	s0 =	sld [smem:$0x7FB]  }
0x2c0: {  	[hbm4b:s2+s4] =	stream.indirect.scatter [tilespmem:s17], [sflag:$0x2], $0x20, s25, s4, $0xb8;
	[tilespmem:$0x1C080] =	vst v63  }
0x2c1: {  	s25 =	sld [smem:$0x7FC]  }
0x2c2: {  	[hbm4b:s2+s4] =	stream.indirect.scatter [tilespmem:s18], [sflag:$0x2], $0x20, s0, s4, $0xb8;
	[tilespmem:$0x1C080] =	vst v63  }
0x2c3: {  	s0 =	sld [smem:$0x7FD]  }
0x2c4: {  	[hbm4b:s2+s4] =	stream.indirect.scatter [tilespmem:s31], [sflag:$0x2], $0x20, s25, s4, $0xb8;
	[tilespmem:$0x1C080] =	vst v63  }
0x2c5: {  	_ = 	snop  }
0x2c6: {  	[hbm4b:s2+s4] =	stream.indirect.scatter [tilespmem:s1], [sflag:$0x2], $0x20, s0, s4, $0xb8;
	[tilespmem:$0x1C080] =	vst v63  }
0x2c7: {  	_ =	swait.ge [sflag:s7], $0x1000  }
0x2c8: {  	[sflag:s7] =	ssyncset.done $0x0  }
0x2c9: {  	[sflag:s7] =	ssyncadd.s32 $0xFFFFF000  }
0x2ca: {  	_ =	swait.ge [sflag:s7], $0x1000  }
0x2cb: {  	[sflag:s7] =	ssyncset.done $0x0  }
0x2cc: {  	[sflag:s7] =	ssyncadd.s32 $0xFFFFF000  }
0x2cd: {  	_ =	swait.ge [sflag:s7], $0x1000  }
0x2ce: {  	[sflag:s7] =	ssyncset.done $0x0  }
0x2cf: {  	[sflag:s7] =	ssyncadd.s32 $0xFFFFF000  }
0x2d0: {  	_ =	swait.ge [sflag:s7], $0x1000  }
0x2d1: {  	[sflag:s7] =	ssyncset.done $0x0  }
0x2d2: {  	[sflag:s7] =	ssyncadd.s32 $0xFFFFF000  }
0x2d3: {  	_ =	swait.ge [sflag:s7], $0x1000  }
0x2d4: {  	[sflag:s7] =	ssyncset.done $0x0  }
0x2d5: {  	[sflag:s7] =	ssyncadd.s32 $0xFFFFF000  }
0x2d6: {  	_ =	swait.ge [sflag:s7], $0x1000  }
0x2d7: {  	[sflag:s7] =	ssyncset.done $0x0  }
0x2d8: {  	[sflag:s7] =	ssyncadd.s32 $0xFFFFF000  }
0x2d9: {  	_ =	swait.ge [sflag:s7], $0x1000  }
0x2da: {  	[sflag:s7] =	ssyncset.done $0x0  }
0x2db: {  	[sflag:s7] =	ssyncadd.s32 $0xFFFFF000  }
0x2dc: {  	_ =	swait.ge [sflag:s7], $0x1000  }
0x2dd: {  	[sflag:s7] =	ssyncset.done $0x0  }
0x2de: {  	[sflag:s7] =	ssyncadd.s32 $0xFFFFF000  }
0x2df: {  	_ =	swait.ge [sflag:s7], $0x1000  }
0x2e0: {  	[sflag:s7] =	ssyncset.done $0x0  }
0x2e1: {  	[sflag:s7] =	ssyncadd.s32 $0xFFFFF000  }
0x2e2: {  	_ =	swait.ge [sflag:s7], $0x1000  }
0x2e3: {  	[sflag:s7] =	ssyncset.done $0x0  }
0x2e4: {  	[sflag:s7] =	ssyncadd.s32 $0xFFFFF000  }
0x2e5: {  	_ =	swait.ge [sflag:s7], $0x1000  }
0x2e6: {  	[sflag:s7] =	ssyncset.done $0x0  }
0x2e7: {  	p1 =	sne.s32 s24, $0x1;
	[sflag:s7] =	ssyncadd.s32 $0xFFFFF000  }
.Ltmp2:
0x2e8: {  	_ =	swait.ge [sflag:s7], $0x1000;
	(pc) =	sbr.rel @p1 .LBB2_3-.Ltmp2, $4  }
0x2e9: {  	[sflag:s7] =	ssyncset.done $0x0  }
0x2ea: {  	[sflag:s7] =	ssyncadd.s32 $0xFFFFF000  }
0x2eb: {  	_ =	swait.ge [sflag:s7], $0x1000  }
0x2ec: {  	s24 =	sadd.s32 $0xFFFFFFFF, s24;
	s25 =	rddreg [dreg:$0x3];
	[sflag:s7] =	ssyncset.done $0x0  }
0x2ed: {  	s28 =	simm.s32 $0xD00;
	s6 =	simm.s32 $0xF080;
	s21 =	simm.s32 $0x17080  }
0x2ee: {  	s29 =	simm.s32 $0x10080;
	s30 =	simm.s32 $0x16080;
	s1 =	simm.s32 $0x13080  }
0x2ef: {  	s26 =	simm.s32 $0x12080;
	s20 =	simm.s32 $0xD080;
	s31 =	simm.s32 $0xE080  }
.LBB2_5:
0x2f0: {  	[sflag:s7] =	ssyncadd.s32 @p0 $0xFFFFF000  }
0x2f1: {  	[tilespmem:s3], [sflag:$0x3] =	stream.linear.gather [hbm4b:s25+s3], $0xD00, $0x38;
	[tilespmem:$0x1C080] =	vst v63  }
0x2f2: {  	_ =	swait.ge [sflag:s5], $0xD00  }
0x2f3: {  	[sflag:s5] =	ssyncset.done $0x0  }
0x2f4: {  	s24 =	rddreg [dreg:$0x4];
	[sflag:s5] =	ssyncadd.s32 $0xFFFFF300  }
0x2f5: {  	[tilespmem:s28], [sflag:$0x3] =	stream.linear.gather [hbm4b:s24+s3], $0xD00, $0x38;
	[tilespmem:$0x1C080] =	vst v63  }
0x2f6: {  	_ =	swait.ge [sflag:s5], $0xD00  }
0x2f7: {  	[sflag:s5] =	ssyncset.done $0x0  }
0x2f8: {  	s0 =	simm.s32 $0x1A00;
	s19 =	rddreg [dreg:$0x5];
	[sflag:s5] =	ssyncadd.s32 $0xFFFFF300  }
0x2f9: {  	[tilespmem:s0], [sflag:$0x3] =	stream.linear.gather [hbm4b:s19+s3], $0x680, $0x38;
	[tilespmem:$0x1C080] =	vst v63  }
0x2fa: {  	_ =	swait.ge [sflag:s5], $0x680  }
0x2fb: {  	[sflag:s5] =	ssyncset.done $0x0  }
0x2fc: {  	[sflag:s5] =	ssyncadd.s32 $0xFFFFF980  }
0x2fd: {  	[tilespmem:s8], [sflag:$0x1] =	stream.indirect.gather [hbm4b:s22+s4], $0x20, s3, s4, $0xb8;
	[tilespmem:$0x1C080] =	vst v63  }
0x2fe: {  	_ = 	snop  }
0x2ff: {  	[tilespmem:s9], [sflag:$0x1] =	stream.indirect.gather [hbm4b:s22+s4], $0x20, s4, s4, $0xb8;
	[tilespmem:$0x1C080] =	vst v63  }
0x300: {  	s25 =	rddreg [dreg:$0x7]  }
0x301: {  	[tilespmem:s10], [sflag:$0x1] =	stream.indirect.gather [hbm4b:s22+s4], $0x20, s25, s4, $0xb8;
	[tilespmem:$0x1C080] =	vst v63  }
0x302: {  	s28 =	rddreg [dreg:$0x8]  }
0x303: {  	[tilespmem:s11], [sflag:$0x1] =	stream.indirect.gather [hbm4b:s22+s4], $0x20, s28, s4, $0xb8;
	[tilespmem:$0x1C080] =	vst v63  }
0x304: {  	s0 =	rddreg [dreg:$0x9]  }
0x305: {  	[tilespmem:s12], [sflag:$0x1] =	stream.indirect.gather [hbm4b:s22+s4], $0x20, s0, s4, $0xb8;
	[tilespmem:$0x1C080] =	vst v63  }
0x306: {  	s19 =	rddreg [dreg:$0xa]  }
0x307: {  	[tilespmem:s13], [sflag:$0x1] =	stream.indirect.gather [hbm4b:s22+s4], $0x20, s19, s4, $0xb8;
	[tilespmem:$0x1C080] =	vst v63  }
0x308: {  	s28 =	rddreg [dreg:$0xb]  }
0x309: {  	[tilespmem:s14], [sflag:$0x1] =	stream.indirect.gather [hbm4b:s22+s4], $0x20, s28, s4, $0xb8;
	[tilespmem:$0x1C080] =	vst v63  }
0x30a: {  	s0 =	rddreg [dreg:$0xc]  }
0x30b: {  	[tilespmem:s15], [sflag:$0x1] =	stream.indirect.gather [hbm4b:s22+s4], $0x20, s0, s4, $0xb8;
	[tilespmem:$0x1C080] =	vst v63  }
0x30c: {  	s19 =	rddreg [dreg:$0xd]  }
0x30d: {  	[tilespmem:s16], [sflag:$0x1] =	stream.indirect.gather [hbm4b:s22+s4], $0x20, s19, s4, $0xb8;
	[tilespmem:$0x1C080] =	vst v63  }
0x30e: {  	s28 =	rddreg [dreg:$0xe]  }
0x30f: {  	[tilespmem:s17], [sflag:$0x1] =	stream.indirect.gather [hbm4b:s22+s4], $0x20, s28, s4, $0xb8;
	[tilespmem:$0x1C080] =	vst v63  }
0x310: {  	s0 =	rddreg [dreg:$0xf]  }
0x311: {  	[tilespmem:s18], [sflag:$0x1] =	stream.indirect.gather [hbm4b:s22+s4], $0x20, s0, s4, $0xb8;
	[tilespmem:$0x1C080] =	vst v63  }
0x312: {  	s19 =	rddreg [dreg:$0x10]  }
0x313: {  	[tilespmem:s20], [sflag:$0x1] =	stream.indirect.gather [hbm4b:s22+s4], $0x20, s19, s4, $0xb8;
	[tilespmem:$0x1C080] =	vst v63  }
0x314: {  	s28 =	rddreg [dreg:$0x11]  }
0x315: {  	[tilespmem:s31], [sflag:$0x1] =	stream.indirect.gather [hbm4b:s22+s4], $0x20, s28, s4, $0xb8;
	[tilespmem:$0x1C080] =	vst v63  }
0x316: {  	s0 =	rddreg [dreg:$0x12]  }
0x317: {  	[tilespmem:s6], [sflag:$0x1] =	stream.indirect.gather [hbm4b:s22+s4], $0x20, s0, s4, $0xb8;
	[tilespmem:$0x1C080] =	vst v63  }
0x318: {  	s19 =	rddreg [dreg:$0x13]  }
0x319: {  	[tilespmem:s29], [sflag:$0x1] =	stream.indirect.gather [hbm4b:s22+s4], $0x20, s19, s4, $0xb8;
	[tilespmem:$0x1C080] =	vst v63  }
0x31a: {  	s20 =	rddreg [dreg:$0x14];
	s0 =	simm.s32 $0x11080  }
0x31b: {  	[tilespmem:s0], [sflag:$0x1] =	stream.indirect.gather [hbm4b:s22+s4], $0x20, s20, s4, $0xb8;
	[tilespmem:$0x1C080] =	vst v63  }
0x31c: {  	s28 =	rddreg [dreg:$0x15]  }
0x31d: {  	[tilespmem:s26], [sflag:$0x1] =	stream.indirect.gather [hbm4b:s22+s4], $0x20, s28, s4, $0xb8;
	[tilespmem:$0x1C080] =	vst v63  }
0x31e: {  	s29 =	rddreg [dreg:$0x16]  }
0x31f: {  	[tilespmem:s1], [sflag:$0x1] =	stream.indirect.gather [hbm4b:s22+s4], $0x20, s29, s4, $0xb8;
	[tilespmem:$0x1C080] =	vst v63  }
0x320: {  	s31 =	rddreg [dreg:$0x17];
	s26 =	simm.s32 $0x14080  }
0x321: {  	[tilespmem:s26], [sflag:$0x1] =	stream.indirect.gather [hbm4b:s22+s4], $0x20, s31, s4, $0xb8;
	[tilespmem:$0x1C080] =	vst v63  }
0x322: {  	s6 =	simm.s32 $0x15080;
	s1 =	rddreg [dreg:$0x18]  }
0x323: {  	[tilespmem:s6], [sflag:$0x1] =	stream.indirect.gather [hbm4b:s22+s4], $0x20, s1, s4, $0xb8;
	[tilespmem:$0x1C080] =	vst v63  }
0x324: {  	s19 =	rddreg [dreg:$0x19]  }
0x325: {  	[tilespmem:s30], [sflag:$0x1] =	stream.indirect.gather [hbm4b:s22+s4], $0x20, s19, s4, $0xb8;
	[tilespmem:$0x1C080] =	vst v63  }
0x326: {  	s20 =	rddreg [dreg:$0x1a]  }
0x327: {  	[tilespmem:s21], [sflag:$0x1] =	stream.indirect.gather [hbm4b:s22+s4], $0x20, s20, s4, $0xb8;
	[tilespmem:$0x1C080] =	vst v63  }
0x328: {  	s28 =	rddreg [dreg:$0x1b];
	s29 =	simm.s32 $0x18080  }
0x329: {  	[tilespmem:s29], [sflag:$0x1] =	stream.indirect.gather [hbm4b:s22+s4], $0x20, s28, s4, $0xb8;
	[tilespmem:$0x1C080] =	vst v63  }
0x32a: {  	s31 =	simm.s32 $0x19080;
	s30 =	rddreg [dreg:$0x1c]  }
0x32b: {  	[tilespmem:s31], [sflag:$0x1] =	stream.indirect.gather [hbm4b:s22+s4], $0x20, s30, s4, $0xb8;
	[tilespmem:$0x1C080] =	vst v63  }
0x32c: {  	s24 =	rddreg [dreg:$0x1d];
	s30 =	simm.s32 $0x1A080  }
0x32d: {  	[tilespmem:s30], [sflag:$0x1] =	stream.indirect.gather [hbm4b:s22+s4], $0x20, s24, s4, $0xb8;
	[tilespmem:$0x1C080] =	vst v63  }
0x32e: {  	s25 =	rddreg [dreg:$0x1e];
	s24 =	simm.s32 $0x1B080  }
0x32f: {  	[tilespmem:s24], [sflag:$0x1] =	stream.indirect.gather [hbm4b:s22+s4], $0x20, s25, s4, $0xb8;
	[tilespmem:$0x1C080] =	vst v63  }
0x330: {  	_ =	swait.ge [sflag:s23], $0x1000  }
0x331: {  	[sflag:s23] =	ssyncset.done $0x0  }
0x332: {  	[sflag:s23] =	ssyncadd.s32 $0xFFFFF000  }
0x333: {  	_ =	swait.ge [sflag:s23], $0x1000  }
0x334: {  	[sflag:s23] =	ssyncset.done $0x0  }
0x335: {  	[sflag:s23] =	ssyncadd.s32 $0xFFFFF000  }
0x336: {  	_ =	swait.ge [sflag:s23], $0x1000  }
0x337: {  	[sflag:s23] =	ssyncset.done $0x0  }
0x338: {  	[sflag:s23] =	ssyncadd.s32 $0xFFFFF000  }
0x339: {  	_ =	swait.ge [sflag:s23], $0x1000  }
0x33a: {  	[sflag:s23] =	ssyncset.done $0x0  }
0x33b: {  	[sflag:s23] =	ssyncadd.s32 $0xFFFFF000  }
0x33c: {  	_ =	swait.ge [sflag:s23], $0x1000  }
0x33d: {  	[sflag:s23] =	ssyncset.done $0x0  }
0x33e: {  	[sflag:s23] =	ssyncadd.s32 $0xFFFFF000  }
0x33f: {  	_ =	swait.ge [sflag:s23], $0x1000  }
0x340: {  	[sflag:s23] =	ssyncset.done $0x0  }
0x341: {  	[sflag:s23] =	ssyncadd.s32 $0xFFFFF000  }
0x342: {  	_ =	swait.ge [sflag:s23], $0x1000  }
0x343: {  	[sflag:s23] =	ssyncset.done $0x0  }
0x344: {  	[sflag:s23] =	ssyncadd.s32 $0xFFFFF000  }
0x345: {  	_ =	swait.ge [sflag:s23], $0x1000  }
0x346: {  	[sflag:s23] =	ssyncset.done $0x0  }
0x347: {  	[sflag:s23] =	ssyncadd.s32 $0xFFFFF000  }
0x348: {  	_ =	swait.ge [sflag:s23], $0x1000  }
0x349: {  	[sflag:s23] =	ssyncset.done $0x0  }
0x34a: {  	[sflag:s23] =	ssyncadd.s32 $0xFFFFF000  }
0x34b: {  	_ =	swait.ge [sflag:s23], $0x1000  }
0x34c: {  	[sflag:s23] =	ssyncset.done $0x0  }
0x34d: {  	[sflag:s23] =	ssyncadd.s32 $0xFFFFF000  }
0x34e: {  	_ =	swait.ge [sflag:s23], $0x1000  }
0x34f: {  	[sflag:s23] =	ssyncset.done $0x0  }
0x350: {  	[sflag:s23] =	ssyncadd.s32 $0xFFFFF000  }
0x351: {  	_ =	swait.ge [sflag:s23], $0x1000  }
0x352: {  	[sflag:s23] =	ssyncset.done $0x0  }
0x353: {  	[sflag:s23] =	ssyncadd.s32 $0xFFFFF000  }
0x354: {  	_ =	swait.ge [sflag:s23], $0x1000  }
0x355: {  	[sflag:s23] =	ssyncset.done $0x0  }
0x356: {  	[sflag:s23] =	ssyncadd.s32 $0xFFFFF000  }
0x357: {  	_ =	swait.ge [sflag:s23], $0x1000  }
0x358: {  	[sflag:s23] =	ssyncset.done $0x0  }
0x359: {  	[sflag:s23] =	ssyncadd.s32 $0xFFFFF000  }
0x35a: {  	_ =	swait.ge [sflag:s23], $0x1000  }
0x35b: {  	[sflag:s23] =	ssyncset.done $0x0  }
0x35c: {  	[sflag:s23] =	ssyncadd.s32 $0xFFFFF000  }
0x35d: {  	_ =	swait.ge [sflag:s23], $0x1000  }
0x35e: {  	[sflag:s23] =	ssyncset.done $0x0  }
0x35f: {  	[sflag:s23] =	ssyncadd.s32 $0xFFFFF000  }
0x360: {  	_ =	swait.ge [sflag:s23], $0x1000  }
0x361: {  	[sflag:s23] =	ssyncset.done $0x0  }
0x362: {  	[sflag:s23] =	ssyncadd.s32 $0xFFFFF000  }
0x363: {  	_ =	swait.ge [sflag:s23], $0x1000  }
0x364: {  	[sflag:s23] =	ssyncset.done $0x0  }
0x365: {  	[sflag:s23] =	ssyncadd.s32 $0xFFFFF000  }
0x366: {  	_ =	swait.ge [sflag:s23], $0x1000  }
0x367: {  	[sflag:s23] =	ssyncset.done $0x0  }
0x368: {  	[sflag:s23] =	ssyncadd.s32 $0xFFFFF000  }
0x369: {  	_ =	swait.ge [sflag:s23], $0x1000  }
0x36a: {  	[sflag:s23] =	ssyncset.done $0x0  }
0x36b: {  	[sflag:s23] =	ssyncadd.s32 $0xFFFFF000  }
0x36c: {  	_ =	swait.ge [sflag:s23], $0x1000  }
0x36d: {  	[sflag:s23] =	ssyncset.done $0x0  }
0x36e: {  	[sflag:s23] =	ssyncadd.s32 $0xFFFFF000  }
0x36f: {  	_ =	swait.ge [sflag:s23], $0x1000  }
0x370: {  	[sflag:s23] =	ssyncset.done $0x0  }
0x371: {  	[sflag:s23] =	ssyncadd.s32 $0xFFFFF000  }
0x372: {  	_ =	swait.ge [sflag:s23], $0x1000  }
0x373: {  	[sflag:s23] =	ssyncset.done $0x0  }
0x374: {  	[sflag:s23] =	ssyncadd.s32 $0xFFFFF000  }
0x375: {  	_ =	swait.ge [sflag:s23], $0x1000  }
0x376: {  	[sflag:s23] =	ssyncset.done $0x0  }
0x377: {  	[sflag:s23] =	ssyncadd.s32 $0xFFFFF000  }
0x378: {  	_ =	swait.ge [sflag:s23], $0x1000  }
0x379: {  	[sflag:s23] =	ssyncset.done $0x0  }
0x37a: {  	[sflag:s23] =	ssyncadd.s32 $0xFFFFF000  }
0x37b: {  	_ =	swait.ge [sflag:s23], $0x1000  }
0x37c: {  	[sflag:s23] =	ssyncset.done $0x0  }
0x37d: {  	s25 =	simm.s32 $0xD00;
	s22 =	rddreg [dreg:$0x1f];
	[sflag:s23] =	ssyncadd.s32 $0xFFFFF000  }
0x37e: {  	[hbm4b:s2+s4] =	stream.indirect.scatter [tilespmem:s8], [sflag:$0x2], $0x20, s25, s4, $0xb8;
	[tilespmem:$0x1C080] =	vst v63  }
0x37f: {  	s23 =	sld [smem:$0x7DA]  }
0x380: {  	[hbm4b:s2+s4] =	stream.indirect.scatter [tilespmem:s9], [sflag:$0x2], $0x20, s22, s4, $0xb8;
	[tilespmem:$0x1C080] =	vst v63  }
0x381: {  	s25 =	sld [smem:$0x7DB]  }
0x382: {  	[hbm4b:s2+s4] =	stream.indirect.scatter [tilespmem:s10], [sflag:$0x2], $0x20, s23, s4, $0xb8;
	[tilespmem:$0x1C080] =	vst v63  }
0x383: {  	s23 =	sld [smem:$0x7DC]  }
0x384: {  	[hbm4b:s2+s4] =	stream.indirect.scatter [tilespmem:s11], [sflag:$0x2], $0x20, s25, s4, $0xb8;
	[tilespmem:$0x1C080] =	vst v63  }
0x385: {  	s25 =	sld [smem:$0x7DD]  }
0x386: {  	[hbm4b:s2+s4] =	stream.indirect.scatter [tilespmem:s12], [sflag:$0x2], $0x20, s23, s4, $0xb8;
	[tilespmem:$0x1C080] =	vst v63  }
0x387: {  	s23 =	sld [smem:$0x7DE]  }
0x388: {  	[hbm4b:s2+s4] =	stream.indirect.scatter [tilespmem:s13], [sflag:$0x2], $0x20, s25, s4, $0xb8;
	[tilespmem:$0x1C080] =	vst v63  }
0x389: {  	s25 =	sld [smem:$0x7DF]  }
0x38a: {  	[hbm4b:s2+s4] =	stream.indirect.scatter [tilespmem:s14], [sflag:$0x2], $0x20, s23, s4, $0xb8;
	[tilespmem:$0x1C080] =	vst v63  }
0x38b: {  	s23 =	sld [smem:$0x7E0]  }
0x38c: {  	[hbm4b:s2+s4] =	stream.indirect.scatter [tilespmem:s15], [sflag:$0x2], $0x20, s25, s4, $0xb8;
	[tilespmem:$0x1C080] =	vst v63  }
0x38d: {  	s25 =	sld [smem:$0x7E1]  }
0x38e: {  	[hbm4b:s2+s4] =	stream.indirect.scatter [tilespmem:s16], [sflag:$0x2], $0x20, s23, s4, $0xb8;
	[tilespmem:$0x1C080] =	vst v63  }
0x38f: {  	s23 =	sld [smem:$0x7E2]  }
0x390: {  	[hbm4b:s2+s4] =	stream.indirect.scatter [tilespmem:s17], [sflag:$0x2], $0x20, s25, s4, $0xb8;
	[tilespmem:$0x1C080] =	vst v63  }
0x391: {  	s25 =	sld [smem:$0x7E3]  }
0x392: {  	[hbm4b:s2+s4] =	stream.indirect.scatter [tilespmem:s18], [sflag:$0x2], $0x20, s23, s4, $0xb8;
	[tilespmem:$0x1C080] =	vst v63  }
0x393: {  	s19 =	simm.s32 $0xD080;
	s23 =	sld [smem:$0x7E4]  }
0x394: {  	[hbm4b:s2+s4] =	stream.indirect.scatter [tilespmem:s19], [sflag:$0x2], $0x20, s25, s4, $0xb8;
	[tilespmem:$0x1C080] =	vst v63  }
0x395: {  	s20 =	simm.s32 $0xE080;
	s25 =	sld [smem:$0x7E5]  }
0x396: {  	[hbm4b:s2+s4] =	stream.indirect.scatter [tilespmem:s20], [sflag:$0x2], $0x20, s23, s4, $0xb8;
	[tilespmem:$0x1C080] =	vst v63  }
0x397: {  	s1 =	simm.s32 $0xF080;
	s23 =	sld [smem:$0x7E6]  }
0x398: {  	[hbm4b:s2+s4] =	stream.indirect.scatter [tilespmem:s1], [sflag:$0x2], $0x20, s25, s4, $0xb8;
	[tilespmem:$0x1C080] =	vst v63  }
0x399: {  	s21 =	simm.s32 $0x10080;
	s25 =	sld [smem:$0x7E7]  }
0x39a: {  	[hbm4b:s2+s4] =	stream.indirect.scatter [tilespmem:s21], [sflag:$0x2], $0x20, s23, s4, $0xb8;
	[tilespmem:$0x1C080] =	vst v63  }
0x39b: {  	s1 =	sld [smem:$0x7E8]  }
0x39c: {  	[hbm4b:s2+s4] =	stream.indirect.scatter [tilespmem:s0], [sflag:$0x2], $0x20, s25, s4, $0xb8;
	[tilespmem:$0x1C080] =	vst v63  }
0x39d: {  	s22 =	simm.s32 $0x12080;
	s21 =	sld [smem:$0x7E9]  }
0x39e: {  	[hbm4b:s2+s4] =	stream.indirect.scatter [tilespmem:s22], [sflag:$0x2], $0x20, s1, s4, $0xb8;
	[tilespmem:$0x1C080] =	vst v63  }
0x39f: {  	s23 =	sld [smem:$0x7EA];
	s25 =	simm.s32 $0x13080  }
0x3a0: {  	[hbm4b:s2+s4] =	stream.indirect.scatter [tilespmem:s25], [sflag:$0x2], $0x20, s21, s4, $0xb8;
	[tilespmem:$0x1C080] =	vst v63  }
0x3a1: {  	s0 =	sld [smem:$0x7EB]  }
0x3a2: {  	[hbm4b:s2+s4] =	stream.indirect.scatter [tilespmem:s26], [sflag:$0x2], $0x20, s23, s4, $0xb8;
	[tilespmem:$0x1C080] =	vst v63  }
0x3a3: {  	s22 =	sld [smem:$0x7EC]  }
0x3a4: {  	[hbm4b:s2+s4] =	stream.indirect.scatter [tilespmem:s6], [sflag:$0x2], $0x20, s0, s4, $0xb8;
	[tilespmem:$0x1C080] =	vst v63  }
0x3a5: {  	s28 =	simm.s32 $0x16080;
	s23 =	sld [smem:$0x7ED]  }
0x3a6: {  	[hbm4b:s2+s4] =	stream.indirect.scatter [tilespmem:s28], [sflag:$0x2], $0x20, s22, s4, $0xb8;
	[tilespmem:$0x1C080] =	vst v63  }
0x3a7: {  	s25 =	sld [smem:$0x7EE];
	s26 =	simm.s32 $0x17080  }
0x3a8: {  	[hbm4b:s2+s4] =	stream.indirect.scatter [tilespmem:s26], [sflag:$0x2], $0x20, s23, s4, $0xb8;
	[tilespmem:$0x1C080] =	vst v63  }
0x3a9: {  	s28 =	sld [smem:$0x7EF]  }
0x3aa: {  	[hbm4b:s2+s4] =	stream.indirect.scatter [tilespmem:s29], [sflag:$0x2], $0x20, s25, s4, $0xb8;
	[tilespmem:$0x1C080] =	vst v63  }
0x3ab: {  	s29 =	sld [smem:$0x7F0]  }
0x3ac: {  	[hbm4b:s2+s4] =	stream.indirect.scatter [tilespmem:s31], [sflag:$0x2], $0x20, s28, s4, $0xb8;
	[tilespmem:$0x1C080] =	vst v63  }
0x3ad: {  	s31 =	sld [smem:$0x7F1]  }
0x3ae: {  	[hbm4b:s2+s4] =	stream.indirect.scatter [tilespmem:s30], [sflag:$0x2], $0x20, s29, s4, $0xb8;
	[tilespmem:$0x1C080] =	vst v63  }
0x3af: {  	_ = 	snop  }
0x3b0: {  	[hbm4b:s2+s4] =	stream.indirect.scatter [tilespmem:s24], [sflag:$0x2], $0x20, s31, s4, $0xb8;
	[tilespmem:$0x1C080] =	vst v63  }
0x3b1: {  	_ =	swait.ge [sflag:s7], $0x1000  }
0x3b2: {  	[sflag:s7] =	ssyncset.done $0x0  }
0x3b3: {  	[sflag:s7] =	ssyncadd.s32 $0xFFFFF000  }
0x3b4: {  	_ =	swait.ge [sflag:s7], $0x1000  }
0x3b5: {  	[sflag:s7] =	ssyncset.done $0x0  }
0x3b6: {  	[sflag:s7] =	ssyncadd.s32 $0xFFFFF000  }
0x3b7: {  	_ =	swait.ge [sflag:s7], $0x1000  }
0x3b8: {  	[sflag:s7] =	ssyncset.done $0x0  }
0x3b9: {  	[sflag:s7] =	ssyncadd.s32 $0xFFFFF000  }
0x3ba: {  	_ =	swait.ge [sflag:s7], $0x1000  }
0x3bb: {  	[sflag:s7] =	ssyncset.done $0x0  }
0x3bc: {  	[sflag:s7] =	ssyncadd.s32 $0xFFFFF000  }
0x3bd: {  	_ =	swait.ge [sflag:s7], $0x1000  }
0x3be: {  	[sflag:s7] =	ssyncset.done $0x0  }
0x3bf: {  	[sflag:s7] =	ssyncadd.s32 $0xFFFFF000  }
0x3c0: {  	_ =	swait.ge [sflag:s7], $0x1000  }
0x3c1: {  	[sflag:s7] =	ssyncset.done $0x0  }
0x3c2: {  	[sflag:s7] =	ssyncadd.s32 $0xFFFFF000  }
0x3c3: {  	_ =	swait.ge [sflag:s7], $0x1000  }
0x3c4: {  	[sflag:s7] =	ssyncset.done $0x0  }
0x3c5: {  	[sflag:s7] =	ssyncadd.s32 $0xFFFFF000  }
0x3c6: {  	_ =	swait.ge [sflag:s7], $0x1000  }
0x3c7: {  	[sflag:s7] =	ssyncset.done $0x0  }
0x3c8: {  	[sflag:s7] =	ssyncadd.s32 $0xFFFFF000  }
0x3c9: {  	_ =	swait.ge [sflag:s7], $0x1000  }
0x3ca: {  	[sflag:s7] =	ssyncset.done $0x0  }
0x3cb: {  	[sflag:s7] =	ssyncadd.s32 $0xFFFFF000  }
0x3cc: {  	_ =	swait.ge [sflag:s7], $0x1000  }
0x3cd: {  	[sflag:s7] =	ssyncset.done $0x0  }
0x3ce: {  	[sflag:s7] =	ssyncadd.s32 $0xFFFFF000  }
0x3cf: {  	_ =	swait.ge [sflag:s7], $0x1000  }
0x3d0: {  	[sflag:s7] =	ssyncset.done $0x0  }
0x3d1: {  	[sflag:s7] =	ssyncadd.s32 $0xFFFFF000  }
0x3d2: {  	_ =	swait.ge [sflag:s7], $0x1000  }
0x3d3: {  	[sflag:s7] =	ssyncset.done $0x0  }
0x3d4: {  	[sflag:s7] =	ssyncadd.s32 $0xFFFFF000  }
0x3d5: {  	_ =	swait.ge [sflag:s7], $0x1000  }
0x3d6: {  	[sflag:s7] =	ssyncset.done $0x0  }
0x3d7: {  	[sflag:s7] =	ssyncadd.s32 $0xFFFFF000  }
0x3d8: {  	_ =	swait.ge [sflag:s7], $0x1000  }
0x3d9: {  	[sflag:s7] =	ssyncset.done $0x0  }
0x3da: {  	[sflag:s7] =	ssyncadd.s32 $0xFFFFF000  }
0x3db: {  	_ =	swait.ge [sflag:s7], $0x1000  }
0x3dc: {  	[sflag:s7] =	ssyncset.done $0x0  }
0x3dd: {  	[sflag:s7] =	ssyncadd.s32 $0xFFFFF000  }
0x3de: {  	_ =	swait.ge [sflag:s7], $0x1000  }
0x3df: {  	[sflag:s7] =	ssyncset.done $0x0  }
0x3e0: {  	[sflag:s7] =	ssyncadd.s32 $0xFFFFF000  }
0x3e1: {  	_ =	swait.ge [sflag:s7], $0x1000  }
0x3e2: {  	[sflag:s7] =	ssyncset.done $0x0  }
0x3e3: {  	[sflag:s7] =	ssyncadd.s32 $0xFFFFF000  }
0x3e4: {  	_ =	swait.ge [sflag:s7], $0x1000  }
0x3e5: {  	[sflag:s7] =	ssyncset.done $0x0  }
0x3e6: {  	[sflag:s7] =	ssyncadd.s32 $0xFFFFF000  }
0x3e7: {  	_ =	swait.ge [sflag:s7], $0x1000  }
0x3e8: {  	[sflag:s7] =	ssyncset.done $0x0  }
0x3e9: {  	[sflag:s7] =	ssyncadd.s32 $0xFFFFF000  }
0x3ea: {  	_ =	swait.ge [sflag:s7], $0x1000  }
0x3eb: {  	[sflag:s7] =	ssyncset.done $0x0  }
0x3ec: {  	[sflag:s7] =	ssyncadd.s32 $0xFFFFF000  }
0x3ed: {  	_ =	swait.ge [sflag:s7], $0x1000  }
0x3ee: {  	[sflag:s7] =	ssyncset.done $0x0  }
0x3ef: {  	[sflag:s7] =	ssyncadd.s32 $0xFFFFF000  }
0x3f0: {  	_ =	swait.ge [sflag:s7], $0x1000  }
0x3f1: {  	[sflag:s7] =	ssyncset.done $0x0  }
0x3f2: {  	[sflag:s7] =	ssyncadd.s32 $0xFFFFF000  }
0x3f3: {  	_ =	swait.ge [sflag:s7], $0x1000  }
0x3f4: {  	[sflag:s7] =	ssyncset.done $0x0  }
0x3f5: {  	[sflag:s7] =	ssyncadd.s32 $0xFFFFF000  }
0x3f6: {  	_ =	swait.ge [sflag:s7], $0x1000  }
0x3f7: {  	[sflag:s7] =	ssyncset.done $0x0  }
0x3f8: {  	[sflag:s7] =	ssyncadd.s32 $0xFFFFF000  }
0x3f9: {  	_ =	swait.ge [sflag:s7], $0x1000  }
0x3fa: {  	[sflag:s7] =	ssyncset.done $0x0  }
0x3fb: {  	[sflag:s7] =	ssyncadd.s32 $0xFFFFF000  }
0x3fc: {  	_ =	swait.ge [sflag:s7], $0x1000  }
0x3fd: {  	[sflag:s7] =	ssyncset.done $0x0  }
0x3fe: {  	s1 =	rddreg [dreg:$0x6];
	[sflag:s7] =	ssyncadd.s32 $0xFFFFF000  }
0x3ff: {  	[tilespmem:s8], [sflag:$0x3] =	stream.linear.gather [hbm4b:s1+s3], $0xD000, $0x38;
	[tilespmem:$0x1C080] =	vst v63  }
0x400: {  	_ =	swait.ge [sflag:s5], $0xD000  }
0x401: {  	[sflag:s5] =	ssyncset.done $0x0  }
0x402: {  	s6 =	simm.s32 $0x1A00;
	[sflag:s5] =	ssyncadd.s32 $0xFFFF3000;
	s5 =	sld [smem:$0x7F2]  }
0x403: {  	[hbm4b:s2+s4] =	stream.indirect.scatter [tilespmem:s8], [sflag:$0x2], $0x20, s6, s4, $0xb8;
	[tilespmem:$0x1C080] =	vst v63  }
0x404: {  	s8 =	sld [smem:$0x7F3]  }
0x405: {  	[hbm4b:s2+s4] =	stream.indirect.scatter [tilespmem:s9], [sflag:$0x2], $0x20, s5, s4, $0xb8;
	[tilespmem:$0x1C080] =	vst v63  }
0x406: {  	s9 =	sld [smem:$0x7F4]  }
0x407: {  	[hbm4b:s2+s4] =	stream.indirect.scatter [tilespmem:s10], [sflag:$0x2], $0x20, s8, s4, $0xb8;
	[tilespmem:$0x1C080] =	vst v63  }
0x408: {  	s21 =	sld [smem:$0x7F5]  }
0x409: {  	[hbm4b:s2+s4] =	stream.indirect.scatter [tilespmem:s11], [sflag:$0x2], $0x20, s9, s4, $0xb8;
	[tilespmem:$0x1C080] =	vst v63  }
0x40a: {  	s22 =	sld [smem:$0x7F6]  }
0x40b: {  	[hbm4b:s2+s4] =	stream.indirect.scatter [tilespmem:s12], [sflag:$0x2], $0x20, s21, s4, $0xb8;
	[tilespmem:$0x1C080] =	vst v63  }
0x40c: {  	s23 =	sld [smem:$0x7F7]  }
0x40d: {  	[hbm4b:s2+s4] =	stream.indirect.scatter [tilespmem:s13], [sflag:$0x2], $0x20, s22, s4, $0xb8;
	[tilespmem:$0x1C080] =	vst v63  }
0x40e: {  	s24 =	sld [smem:$0x7F8]  }
0x40f: {  	[hbm4b:s2+s4] =	stream.indirect.scatter [tilespmem:s14], [sflag:$0x2], $0x20, s23, s4, $0xb8;
	[tilespmem:$0x1C080] =	vst v63  }
0x410: {  	s25 =	sld [smem:$0x7F9]  }
0x411: {  	[hbm4b:s2+s4] =	stream.indirect.scatter [tilespmem:s15], [sflag:$0x2], $0x20, s24, s4, $0xb8;
	[tilespmem:$0x1C080] =	vst v63  }
0x412: {  	s26 =	sld [smem:$0x7FA]  }
0x413: {  	[hbm4b:s2+s4] =	stream.indirect.scatter [tilespmem:s16], [sflag:$0x2], $0x20, s25, s4, $0xb8;
	[tilespmem:$0x1C080] =	vst v63  }
0x414: {  	s28 =	sld [smem:$0x7FB]  }
0x415: {  	[hbm4b:s2+s4] =	stream.indirect.scatter [tilespmem:s17], [sflag:$0x2], $0x20, s26, s4, $0xb8;
	[tilespmem:$0x1C080] =	vst v63  }
0x416: {  	s29 =	sld [smem:$0x7FC]  }
0x417: {  	[hbm4b:s2+s4] =	stream.indirect.scatter [tilespmem:s18], [sflag:$0x2], $0x20, s28, s4, $0xb8;
	[tilespmem:$0x1C080] =	vst v63  }
0x418: {  	s30 =	sld [smem:$0x7FD]  }
0x419: {  	[hbm4b:s2+s4] =	stream.indirect.scatter [tilespmem:s19], [sflag:$0x2], $0x20, s29, s4, $0xb8;
	[tilespmem:$0x1C080] =	vst v63  }
0x41a: {  	_ = 	snop  }
0x41b: {  	[hbm4b:s2+s4] =	stream.indirect.scatter [tilespmem:s20], [sflag:$0x2], $0x20, s30, s4, $0xb8;
	[tilespmem:$0x1C080] =	vst v63  }
0x41c: {  	_ =	swait.ge [sflag:s7], $0x1000  }
0x41d: {  	[sflag:s7] =	ssyncset.done $0x0  }
0x41e: {  	[sflag:s7] =	ssyncadd.s32 $0xFFFFF000  }
0x41f: {  	_ =	swait.ge [sflag:s7], $0x1000  }
0x420: {  	[sflag:s7] =	ssyncset.done $0x0  }
0x421: {  	[sflag:s7] =	ssyncadd.s32 $0xFFFFF000  }
0x422: {  	_ =	swait.ge [sflag:s7], $0x1000  }
0x423: {  	[sflag:s7] =	ssyncset.done $0x0  }
0x424: {  	[sflag:s7] =	ssyncadd.s32 $0xFFFFF000  }
0x425: {  	_ =	swait.ge [sflag:s7], $0x1000  }
0x426: {  	[sflag:s7] =	ssyncset.done $0x0  }
0x427: {  	[sflag:s7] =	ssyncadd.s32 $0xFFFFF000  }
0x428: {  	_ =	swait.ge [sflag:s7], $0x1000  }
0x429: {  	[sflag:s7] =	ssyncset.done $0x0  }
0x42a: {  	[sflag:s7] =	ssyncadd.s32 $0xFFFFF000  }
0x42b: {  	_ =	swait.ge [sflag:s7], $0x1000  }
0x42c: {  	[sflag:s7] =	ssyncset.done $0x0  }
0x42d: {  	[sflag:s7] =	ssyncadd.s32 $0xFFFFF000  }
0x42e: {  	_ =	swait.ge [sflag:s7], $0x1000  }
0x42f: {  	[sflag:s7] =	ssyncset.done $0x0  }
0x430: {  	[sflag:s7] =	ssyncadd.s32 $0xFFFFF000  }
0x431: {  	_ =	swait.ge [sflag:s7], $0x1000  }
0x432: {  	[sflag:s7] =	ssyncset.done $0x0  }
0x433: {  	[sflag:s7] =	ssyncadd.s32 $0xFFFFF000  }
0x434: {  	_ =	swait.ge [sflag:s7], $0x1000  }
0x435: {  	[sflag:s7] =	ssyncset.done $0x0  }
0x436: {  	[sflag:s7] =	ssyncadd.s32 $0xFFFFF000  }
0x437: {  	_ =	swait.ge [sflag:s7], $0x1000  }
0x438: {  	[sflag:s7] =	ssyncset.done $0x0  }
0x439: {  	[sflag:s7] =	ssyncadd.s32 $0xFFFFF000  }
0x43a: {  	_ =	swait.ge [sflag:s7], $0x1000  }
0x43b: {  	[sflag:s7] =	ssyncset.done $0x0  }
0x43c: {  	[sflag:s7] =	ssyncadd.s32 $0xFFFFF000  }
0x43d: {  	_ =	swait.ge [sflag:s7], $0x1000  }
0x43e: {  	[sflag:s7] =	ssyncset.done $0x0  }
0x43f: {  	[sflag:s7] =	ssyncadd.s32 $0xFFFFF000  }
0x440: {  	_ =	swait.ge [sflag:s7], $0x1000  }
0x441: {  	[sflag:s7] =	ssyncset.done $0x0  }
0x442: {  	[sflag:s7] =	ssyncadd.s32 $0xFFFFF000  }
0x443: {  	_ =	sfence.sel $0x180000  }
0x444: {  	[bflag:$0x0] =	sbarrier.arrive $0xFFFF  }
0x445: {  	_ =	strace $0x90000047  }
0x446: {  	s31 =	stileid.u32;
	[bflag:$0x2] =	sbarrier.arrive $0xFFFF  }
0x447: {  	p0 =	sne.s32 s31, $0x0;
	s0 =	rddreg [dreg:$0x2]  }
0x448: {  	s0 =	sadd.s32 @!p0 $0x100000, s0  }
0x449: {  	[sflag:s0] =	ssyncadd.tile.s32 @!p0 $0x1;
	_ =	shalt  }
.LBB2_6:
.Ltmp3:
0x44a: {  	(pc) =	sbr.rel .LBB2_5-.Ltmp3, $4  }
0x44b: {  	_ = 	snop  }
0x44c: {  	s28 =	simm.s32 $0xD00;
	s6 =	simm.s32 $0xF080;
	s21 =	simm.s32 $0x17080  }
0x44d: {  	s29 =	simm.s32 $0x10080;
	s30 =	simm.s32 $0x16080;
	s1 =	simm.s32 $0x13080  }
0x44e: {  	s26 =	simm.s32 $0x12080;
	s20 =	simm.s32 $0xD080;
	s31 =	simm.s32 $0xE080  }
.Lfunc_end2:
_tile_overlayer_lowered:
.L_overlay_start_2:
0x44f: {  	(tag) =	ssettag $0x2  }
0x450: {  	s0 =	rddreg [dreg:$0x0];
	s2 =	stileid.u32  }
0x451: {  	s1 =	rddreg [dreg:$0x1];
	p0 =	sne.s32 s2, $0x0  }
0x452: {  	s3 =	rddreg [dreg:$0x2];
	[bflag:$0x3] =	sbarrier.arrive $0xFFFF;
	s2 =	simm.s32 @!p0 $0x1C03  }
0x453: {  	[timem:s3], [sflag:s2] =	dma.local @!p0 [hbm:s0], s1  }
0x454: {  	s0 =	simm.s32 @!p0 $0x3  }
0x455: {  	_ =	swait.ge @!p0 [sflag:s0], s1  }
0x456: {  	s1 =	ssub.s32 @!p0 $0x0, s1;
	[sflag:s0] =	ssyncset.done @!p0 $0x0  }
0x457: {  	[sflag:s0] =	ssyncadd.s32 @!p0 s1  }
0x458: {  	[bflag:$0x3] =	sbarrier.arrive $0xFFFF  }
0x459: {  	_ =	shalt  }

</sc_bundles>
